<compile_context>
chip_gen: v7x
topology: tpu7x:2x2x1
jax: 0.10.2.dev20260603
libtpu: 0.0.44.dev20260713+nightly
codegen_flags: <defaults>
</compile_context>

<pallas_src>
import jax
import jax.numpy as jnp
from jax.experimental import pallas as pl


def _add_body(x_ref, t_ref, o_ref):
    o_ref[...] = x_ref[...] + t_ref[...][None, :, :]


def kernel(x, table):
    return _sc_deep(x, table)


def _tc_kernel_unused(x, table):
    B, S, D = x.shape
    bs = 512
    return pl.pallas_call(
        _add_body,
        grid=(S // bs,),
        in_specs=[
            pl.BlockSpec((B, bs, D), lambda i: (0, i, 0)),
            pl.BlockSpec((bs, D), lambda i: (i, 0)),
        ],
        out_specs=pl.BlockSpec((B, bs, D), lambda i: (0, i, 0)),
        out_shape=jax.ShapeDtypeStruct(x.shape, x.dtype),
    )(x, table)


import functools
from jax import lax
from jax.experimental.pallas import tpu as pltpu
from jax.experimental.pallas import tpu_sc as plsc


def _sc_deep_make(B, T, NC, NS, CH):
    NW = NC * NS
    TW = T // NW
    n_tc = TW // CH
    n_it = n_tc * B
    mesh = plsc.VectorSubcoreMesh(core_axis_name="c", subcore_axis_name="s")

    @functools.partial(
        pl.kernel,
        out_type=jax.ShapeDtypeStruct((B * T,), jnp.float32),
        mesh=mesh,
        scratch_types=(
            [pltpu.VMEM((CH,), jnp.float32)] * 7
            + [pltpu.SemaphoreType.DMA] * 7
        ),
    )
    def k(x_hbm, t_hbm, o_hbm,
          xb0, xb1, xb2, ob0, ob1, tb0, tb1,
          rx0, rx1, rx2, w0, w1, rt0, rt1):
        xbuf = (xb0, xb1, xb2)
        obuf = (ob0, ob1)
        tbuf = (tb0, tb1)
        rx = (rx0, rx1, rx2)
        wsem = (w0, w1)
        rt = (rt0, rt1)
        wid = lax.axis_index("s") * NC + lax.axis_index("c")
        tbase = wid * TW

        def xoff(i):
            return (i % B) * T + tbase + (i // B) * CH

        def rd_x(i):
            return pltpu.make_async_copy(
                x_hbm.at[pl.ds(xoff(i), CH)], xbuf[i % 3], rx[i % 3])

        def rd_t(tc):
            return pltpu.make_async_copy(
                t_hbm.at[pl.ds(tbase + tc * CH, CH)], tbuf[tc % 2], rt[tc % 2])

        def wr(i):
            return pltpu.make_async_copy(
                obuf[i % 2], o_hbm.at[pl.ds(xoff(i), CH)], wsem[i % 2])

        for j in range(min(3, n_it)):
            rd_x(j).start()
        rd_t(0).start()
        if n_tc > 1:
            rd_t(1).start()
        started_t = min(2, n_tc)

        for i in range(n_it):
            tc, b = i // B, i % B
            rd_x(i).wait()
            if b == 0:
                rd_t(tc).wait()
            if i >= 2:
                wr(i - 2).wait()

            xb = xbuf[i % 3]
            ob = obuf[i % 2]
            tb = tbuf[tc % 2]

            @plsc.parallel_loop(0, CH // 16, 1, unroll=8)
            def inner(j):
                sl = pl.ds(j * 16, 16)
                ob[sl] = xb[sl] + tb[sl]

            wr(i).start()
            if i + 3 < n_it:
                rd_x(i + 3).start()
                need_t = (i + 3) // B
                if need_t >= started_t:
                    rd_t(need_t).start()
                    started_t = need_t + 1

        if n_it >= 2:
            wr(n_it - 2).wait()
        wr(n_it - 1).wait()

    return k


def _sc_deep(x, table, CH=16384):
    B, S, D = x.shape
    T = S * D
    info = plsc.get_sparse_core_info()
    NC, NS = info.num_cores, info.num_subcores
    out = _sc_deep_make(B, T, NC, NS, CH)(x.reshape(B * T), table.reshape(T))
    return out.reshape(B, S, D)

# --- scband reference (transcript-rebuilt; emitter-appended) ---
"""Pipeline reference for scband-pos-embedding-15075335209723 (READ-ONLY COPY).

The authoritative reference and input builder live on the scoring server;
editing this copy changes nothing except your own understanding.
"""

import jax, jax.numpy as jnp
import numpy as np

SEQ_LEN = 4096
EMBED_DIM = 1024
BATCH = 4

def setup_inputs(seed: int = 0) -> dict:
    key = jax.random.key(seed)
    k1, k2 = jax.random.split(key)
    x = jax.random.normal(k1, (BATCH, SEQ_LEN, EMBED_DIM), dtype=jnp.float32)
    # learned positional embedding table, sized per init_kwargs (seq_len, embed_dim)
    table = jax.random.normal(k2, (SEQ_LEN, EMBED_DIM), dtype=jnp.float32)
    return {"x": x, "table": table}

def reference(x, table):
    # timestep is None branch: gather positions 0..S-1 from the table,
    # repeat over batch, and add to x.
    S = x.shape[1]
    pos_ids = jnp.arange(S)
    pos_emb = jnp.take(table, pos_ids, axis=0)            # [S, d]
    pos_emb = jnp.broadcast_to(pos_emb[None, :, :], x.shape)  # repeat(B, 1, 1)
    return x + pos_emb

if __name__ == "__main__":
    import jax
    _d = setup_inputs()
    print(jax.jit(kernel)(*tuple(_d.values())))

</pallas_src>

<mosaic_0001>
#map = affine_map<(d0, d1) -> (0)>
module attributes {stable_mosaic.version = 14 : i64} {
  func.func @k(%arg0: i32, %arg1: i32, %arg2: memref<16777216xf32, #tpu.memory_space<hbm>>, %arg3: memref<4194304xf32, #tpu.memory_space<hbm>>, %arg4: memref<16777216xf32, #tpu.memory_space<hbm>>, %arg5: memref<16384xf32, #tpu.memory_space<vmem>>, %arg6: memref<16384xf32, #tpu.memory_space<vmem>>, %arg7: memref<16384xf32, #tpu.memory_space<vmem>>, %arg8: memref<16384xf32, #tpu.memory_space<vmem>>, %arg9: memref<16384xf32, #tpu.memory_space<vmem>>, %arg10: memref<16384xf32, #tpu.memory_space<vmem>>, %arg11: memref<16384xf32, #tpu.memory_space<vmem>>, %arg12: memref<!tpu.dma_semaphore, #tpu.memory_space<semaphore_mem>>, %arg13: memref<!tpu.dma_semaphore, #tpu.memory_space<semaphore_mem>>, %arg14: memref<!tpu.dma_semaphore, #tpu.memory_space<semaphore_mem>>, %arg15: memref<!tpu.dma_semaphore, #tpu.memory_space<semaphore_mem>>, %arg16: memref<!tpu.dma_semaphore, #tpu.memory_space<semaphore_mem>>, %arg17: memref<!tpu.dma_semaphore, #tpu.memory_space<semaphore_mem>>, %arg18: memref<!tpu.dma_semaphore, #tpu.memory_space<semaphore_mem>>) attributes {dimension_semantics = [#tpu.dimension_semantics<core_parallel>, #tpu.dimension_semantics<subcore_parallel>], iteration_bounds = array<i64: 2, 16>, scalar_prefetch = 0 : i64, scratch_operands = 14 : i64, tpu.core_type = #tpu.core_type<sc_vector_subcore>, window_params = [{transform_indices = #map}, {transform_indices = #map}, {transform_indices = #map}]} {
    %mul3A = arith.constant 2 : i32
    %mul3A_0 = arith.muli %arg1, %mul3A : i32
    %add3A = arith.addi %mul3A_0, %arg0 : i32
    %mul3A_1 = arith.constant 131072 : i32
    %mul3A_2 = arith.muli %add3A, %mul3A_1 : i32
    %add3A_3 = arith.constant 0 : i32
    %add3A_4 = arith.addi %add3A_3, %mul3A_2 : i32
    %add3A_5 = arith.constant 0 : i32
    %add3A_6 = arith.addi %add3A_4, %add3A_5 : i32
    %dma_start3A = tpu.memref_slice %arg2[%add3A_6] : memref<16777216xf32, #tpu.memory_space<hbm>> -> memref<16384xf32, #tpu.memory_space<hbm>>
    %dma_start3A_7 = tpu.memref_slice %arg2[%add3A_6] : memref<16777216xf32, #tpu.memory_space<hbm>> -> memref<16384xf32, #tpu.memory_space<hbm>>
    tpu.enqueue_dma source(%dma_start3A_7 : memref<16384xf32, #tpu.memory_space<hbm>>) target(%arg5 : memref<16384xf32, #tpu.memory_space<vmem>>) target_semaphore(%arg12 : memref<!tpu.dma_semaphore, #tpu.memory_space<semaphore_mem>>)
    %add3A_8 = arith.constant 4194304 : i32
    %add3A_9 = arith.addi %add3A_8, %mul3A_2 : i32
    %add3A_10 = arith.constant 0 : i32
    %add3A_11 = arith.addi %add3A_9, %add3A_10 : i32
    %dma_start3A_12 = tpu.memref_slice %arg2[%add3A_11] : memref<16777216xf32, #tpu.memory_space<hbm>> -> memref<16384xf32, #tpu.memory_space<hbm>>
    %dma_start3A_13 = tpu.memref_slice %arg2[%add3A_11] : memref<16777216xf32, #tpu.memory_space<hbm>> -> memref<16384xf32, #tpu.memory_space<hbm>>
    tpu.enqueue_dma source(%dma_start3A_13 : memref<16384xf32, #tpu.memory_space<hbm>>) target(%arg6 : memref<16384xf32, #tpu.memory_space<vmem>>) target_semaphore(%arg13 : memref<!tpu.dma_semaphore, #tpu.memory_space<semaphore_mem>>)
    %add3A_14 = arith.constant 8388608 : i32
    %add3A_15 = arith.addi %add3A_14, %mul3A_2 : i32
    %add3A_16 = arith.constant 0 : i32
    %add3A_17 = arith.addi %add3A_15, %add3A_16 : i32
    %dma_start3A_18 = tpu.memref_slice %arg2[%add3A_17] : memref<16777216xf32, #tpu.memory_space<hbm>> -> memref<16384xf32, #tpu.memory_space<hbm>>
    %dma_start3A_19 = tpu.memref_slice %arg2[%add3A_17] : memref<16777216xf32, #tpu.memory_space<hbm>> -> memref<16384xf32, #tpu.memory_space<hbm>>
    tpu.enqueue_dma source(%dma_start3A_19 : memref<16384xf32, #tpu.memory_space<hbm>>) target(%arg7 : memref<16384xf32, #tpu.memory_space<vmem>>) target_semaphore(%arg14 : memref<!tpu.dma_semaphore, #tpu.memory_space<semaphore_mem>>)
    %add3A_20 = arith.constant 0 : i32
    %add3A_21 = arith.addi %mul3A_2, %add3A_20 : i32
    %dma_start3A_22 = tpu.memref_slice %arg3[%add3A_21] : memref<4194304xf32, #tpu.memory_space<hbm>> -> memref<16384xf32, #tpu.memory_space<hbm>>
    %dma_start3A_23 = tpu.memref_slice %arg3[%add3A_21] : memref<4194304xf32, #tpu.memory_space<hbm>> -> memref<16384xf32, #tpu.memory_space<hbm>>
    tpu.enqueue_dma source(%dma_start3A_23 : memref<16384xf32, #tpu.memory_space<hbm>>) target(%arg10 : memref<16384xf32, #tpu.memory_space<vmem>>) target_semaphore(%arg17 : memref<!tpu.dma_semaphore, #tpu.memory_space<semaphore_mem>>)
    %add3A_24 = arith.constant 16384 : i32
    %add3A_25 = arith.addi %mul3A_2, %add3A_24 : i32
    %dma_start3A_26 = tpu.memref_slice %arg3[%add3A_25] : memref<4194304xf32, #tpu.memory_space<hbm>> -> memref<16384xf32, #tpu.memory_space<hbm>>
    %dma_start3A_27 = tpu.memref_slice %arg3[%add3A_25] : memref<4194304xf32, #tpu.memory_space<hbm>> -> memref<16384xf32, #tpu.memory_space<hbm>>
    tpu.enqueue_dma source(%dma_start3A_27 : memref<16384xf32, #tpu.memory_space<hbm>>) target(%arg11 : memref<16384xf32, #tpu.memory_space<vmem>>) target_semaphore(%arg18 : memref<!tpu.dma_semaphore, #tpu.memory_space<semaphore_mem>>)
    %add3A_28 = arith.constant 0 : i32
    %add3A_29 = arith.addi %add3A_28, %mul3A_2 : i32
    %add3A_30 = arith.constant 0 : i32
    %add3A_31 = arith.addi %add3A_29, %add3A_30 : i32
    %dma_wait3A = tpu.memref_slice %arg2[%add3A_31] : memref<16777216xf32, #tpu.memory_space<hbm>> -> memref<16384xf32, #tpu.memory_space<hbm>>
    %dma_wait3A_32 = tpu.memref_slice %arg2[%add3A_31] : memref<16777216xf32, #tpu.memory_space<hbm>> -> memref<16384xf32, #tpu.memory_space<hbm>>
    tpu.wait_dma2 semaphore(%arg12 : memref<!tpu.dma_semaphore, #tpu.memory_space<semaphore_mem>>) src(%dma_wait3A_32 : memref<16384xf32, #tpu.memory_space<hbm>>) dst(%arg5 : memref<16384xf32, #tpu.memory_space<vmem>>)
    %add3A_33 = arith.constant 0 : i32
    %add3A_34 = arith.addi %mul3A_2, %add3A_33 : i32
    %dma_wait3A_35 = tpu.memref_slice %arg3[%add3A_34] : memref<4194304xf32, #tpu.memory_space<hbm>> -> memref<16384xf32, #tpu.memory_space<hbm>>
    %dma_wait3A_36 = tpu.memref_slice %arg3[%add3A_34] : memref<4194304xf32, #tpu.memory_space<hbm>> -> memref<16384xf32, #tpu.memory_space<hbm>>
    tpu.wait_dma2 semaphore(%arg17 : memref<!tpu.dma_semaphore, #tpu.memory_space<semaphore_mem>>) src(%dma_wait3A_36 : memref<16384xf32, #tpu.memory_space<hbm>>) dst(%arg10 : memref<16384xf32, #tpu.memory_space<vmem>>)
    %parallel_loop3A = arith.constant 0 : i32
    %parallel_loop3A_37 = arith.constant 1024 : i32
    %parallel_loop3A_38 = arith.constant 1 : i32
    scf.for %parallel_loop3A_928 = %parallel_loop3A to %parallel_loop3A_37 step %parallel_loop3A_38  : i32 {
      %parallel_loop3A_929 = arith.constant 16 : i32
      %parallel_loop3A_930 = arith.muli %parallel_loop3A_928, %parallel_loop3A_929 : i32
      %parallel_loop3A_931 = arith.index_cast %parallel_loop3A_930 : i32 to index
      %parallel_loop3A_932 = tpu.vector_load %arg5[%parallel_loop3A_931] {strides = array<i32>} : memref<16384xf32, #tpu.memory_space<vmem>>, vector<16xf32>,
      %parallel_loop3A_933 = vector.shape_cast %parallel_loop3A_932 : vector<16xf32> to vector<16xf32>
      %parallel_loop3A_934 = arith.index_cast %parallel_loop3A_930 : i32 to index
      %parallel_loop3A_935 = tpu.vector_load %arg10[%parallel_loop3A_934] {strides = array<i32>} : memref<16384xf32, #tpu.memory_space<vmem>>, vector<16xf32>,
      %parallel_loop3A_936 = vector.shape_cast %parallel_loop3A_935 : vector<16xf32> to vector<16xf32>
      %parallel_loop3A_937 = arith.addf %parallel_loop3A_933, %parallel_loop3A_936 : vector<16xf32>
      %parallel_loop3A_938 = arith.index_cast %parallel_loop3A_930 : i32 to index
      %parallel_loop3A_939 = tpu.vector_load %arg8[%parallel_loop3A_938] {strides = array<i32>} : memref<16384xf32, #tpu.memory_space<vmem>>, vector<16xf32>,
      %parallel_loop3A_940 = vector.shape_cast %parallel_loop3A_939 : vector<16xf32> to vector<16xf32>
      %parallel_loop3A_941 = vector.shape_cast %parallel_loop3A_937 : vector<16xf32> to vector<16xf32>
      tpu.vector_store %arg8[%parallel_loop3A_938], %parallel_loop3A_941 {strides = array<i32>} : memref<16384xf32, #tpu.memory_space<vmem>>, vector<16xf32>,
    } {sc.loop_unroll_factor = 8 : i64, sc.parallel_access}
    %add3A_39 = arith.constant 0 : i32
    %add3A_40 = arith.addi %add3A_39, %mul3A_2 : i32
    %add3A_41 = arith.constant 0 : i32
    %add3A_42 = arith.addi %add3A_40, %add3A_41 : i32
    %dma_start3A_43 = tpu.memref_slice %arg4[%add3A_42] : memref<16777216xf32, #tpu.memory_space<hbm>> -> memref<16384xf32, #tpu.memory_space<hbm>>
    %dma_start3A_44 = tpu.memref_slice %arg4[%add3A_42] : memref<16777216xf32, #tpu.memory_space<hbm>> -> memref<16384xf32, #tpu.memory_space<hbm>>
    tpu.enqueue_dma source(%arg8 : memref<16384xf32, #tpu.memory_space<vmem>>) target(%dma_start3A_44 : memref<16384xf32, #tpu.memory_space<hbm>>) target_semaphore(%arg15 : memref<!tpu.dma_semaphore, #tpu.memory_space<semaphore_mem>>)
    %add3A_45 = arith.constant 12582912 : i32
    %add3A_46 = arith.addi %add3A_45, %mul3A_2 : i32
    %add3A_47 = arith.constant 0 : i32
    %add3A_48 = arith.addi %add3A_46, %add3A_47 : i32
    %dma_start3A_49 = tpu.memref_slice %arg2[%add3A_48] : memref<16777216xf32, #tpu.memory_space<hbm>> -> memref<16384xf32, #tpu.memory_space<hbm>>
    %dma_start3A_50 = tpu.memref_slice %arg2[%add3A_48] : memref<16777216xf32, #tpu.memory_space<hbm>> -> memref<16384xf32, #tpu.memory_space<hbm>>
    tpu.enqueue_dma source(%dma_start3A_50 : memref<16384xf32, #tpu.memory_space<hbm>>) target(%arg5 : memref<16384xf32, #tpu.memory_space<vmem>>) target_semaphore(%arg12 : memref<!tpu.dma_semaphore, #tpu.memory_space<semaphore_mem>>)
    %add3A_51 = arith.constant 4194304 : i32
    %add3A_52 = arith.addi %add3A_51, %mul3A_2 : i32
    %add3A_53 = arith.constant 0 : i32
    %add3A_54 = arith.addi %add3A_52, %add3A_53 : i32
    %dma_wait3A_55 = tpu.memref_slice %arg2[%add3A_54] : memref<16777216xf32, #tpu.memory_space<hbm>> -> memref<16384xf32, #tpu.memory_space<hbm>>
    %dma_wait3A_56 = tpu.memref_slice %arg2[%add3A_54] : memref<16777216xf32, #tpu.memory_space<hbm>> -> memref<16384xf32, #tpu.memory_space<hbm>>
    tpu.wait_dma2 semaphore(%arg13 : memref<!tpu.dma_semaphore, #tpu.memory_space<semaphore_mem>>) src(%dma_wait3A_56 : memref<16384xf32, #tpu.memory_space<hbm>>) dst(%arg6 : memref<16384xf32, #tpu.memory_space<vmem>>)
    %parallel_loop3A_57 = arith.constant 0 : i32
    %parallel_loop3A_58 = arith.constant 1024 : i32
    %parallel_loop3A_59 = arith.constant 1 : i32
    scf.for %parallel_loop3A_928 = %parallel_loop3A_57 to %parallel_loop3A_58 step %parallel_loop3A_59  : i32 {
      %parallel_loop3A_929 = arith.constant 16 : i32
      %parallel_loop3A_930 = arith.muli %parallel_loop3A_928, %parallel_loop3A_929 : i32
      %parallel_loop3A_931 = arith.index_cast %parallel_loop3A_930 : i32 to index
      %parallel_loop3A_932 = tpu.vector_load %arg6[%parallel_loop3A_931] {strides = array<i32>} : memref<16384xf32, #tpu.memory_space<vmem>>, vector<16xf32>,
      %parallel_loop3A_933 = vector.shape_cast %parallel_loop3A_932 : vector<16xf32> to vector<16xf32>
      %parallel_loop3A_934 = arith.index_cast %parallel_loop3A_930 : i32 to index
      %parallel_loop3A_935 = tpu.vector_load %arg10[%parallel_loop3A_934] {strides = array<i32>} : memref<16384xf32, #tpu.memory_space<vmem>>, vector<16xf32>,
      %parallel_loop3A_936 = vector.shape_cast %parallel_loop3A_935 : vector<16xf32> to vector<16xf32>
      %parallel_loop3A_937 = arith.addf %parallel_loop3A_933, %parallel_loop3A_936 : vector<16xf32>
      %parallel_loop3A_938 = arith.index_cast %parallel_loop3A_930 : i32 to index
      %parallel_loop3A_939 = tpu.vector_load %arg9[%parallel_loop3A_938] {strides = array<i32>} : memref<16384xf32, #tpu.memory_space<vmem>>, vector<16xf32>,
      %parallel_loop3A_940 = vector.shape_cast %parallel_loop3A_939 : vector<16xf32> to vector<16xf32>
      %parallel_loop3A_941 = vector.shape_cast %parallel_loop3A_937 : vector<16xf32> to vector<16xf32>
      tpu.vector_store %arg9[%parallel_loop3A_938], %parallel_loop3A_941 {strides = array<i32>} : memref<16384xf32, #tpu.memory_space<vmem>>, vector<16xf32>,
    } {sc.loop_unroll_factor = 8 : i64, sc.parallel_access}
    %add3A_60 = arith.constant 4194304 : i32
    %add3A_61 = arith.addi %add3A_60, %mul3A_2 : i32
    %add3A_62 = arith.constant 0 : i32
    %add3A_63 = arith.addi %add3A_61, %add3A_62 : i32
    %dma_start3A_64 = tpu.memref_slice %arg4[%add3A_63] : memref<16777216xf32, #tpu.memory_space<hbm>> -> memref<16384xf32, #tpu.memory_space<hbm>>
    %dma_start3A_65 = tpu.memref_slice %arg4[%add3A_63] : memref<16777216xf32, #tpu.memory_space<hbm>> -> memref<16384xf32, #tpu.memory_space<hbm>>
    tpu.enqueue_dma source(%arg9 : memref<16384xf32, #tpu.memory_space<vmem>>) target(%dma_start3A_65 : memref<16384xf32, #tpu.memory_space<hbm>>) target_semaphore(%arg16 : memref<!tpu.dma_semaphore, #tpu.memory_space<semaphore_mem>>)
    %add3A_66 = arith.constant 0 : i32
    %add3A_67 = arith.addi %add3A_66, %mul3A_2 : i32
    %add3A_68 = arith.constant 16384 : i32
    %add3A_69 = arith.addi %add3A_67, %add3A_68 : i32
    %dma_start3A_70 = tpu.memref_slice %arg2[%add3A_69] : memref<16777216xf32, #tpu.memory_space<hbm>> -> memref<16384xf32, #tpu.memory_space<hbm>>
    %dma_start3A_71 = tpu.memref_slice %arg2[%add3A_69] : memref<16777216xf32, #tpu.memory_space<hbm>> -> memref<16384xf32, #tpu.memory_space<hbm>>
    tpu.enqueue_dma source(%dma_start3A_71 : memref<16384xf32, #tpu.memory_space<hbm>>) target(%arg6 : memref<16384xf32, #tpu.memory_space<vmem>>) target_semaphore(%arg13 : memref<!tpu.dma_semaphore, #tpu.memory_space<semaphore_mem>>)
    %add3A_72 = arith.constant 8388608 : i32
    %add3A_73 = arith.addi %add3A_72, %mul3A_2 : i32
    %add3A_74 = arith.constant 0 : i32
    %add3A_75 = arith.addi %add3A_73, %add3A_74 : i32
    %dma_wait3A_76 = tpu.memref_slice %arg2[%add3A_75] : memref<16777216xf32, #tpu.memory_space<hbm>> -> memref<16384xf32, #tpu.memory_space<hbm>>
    %dma_wait3A_77 = tpu.memref_slice %arg2[%add3A_75] : memref<16777216xf32, #tpu.memory_space<hbm>> -> memref<16384xf32, #tpu.memory_space<hbm>>
    tpu.wait_dma2 semaphore(%arg14 : memref<!tpu.dma_semaphore, #tpu.memory_space<semaphore_mem>>) src(%dma_wait3A_77 : memref<16384xf32, #tpu.memory_space<hbm>>) dst(%arg7 : memref<16384xf32, #tpu.memory_space<vmem>>)
    %add3A_78 = arith.constant 0 : i32
    %add3A_79 = arith.addi %add3A_78, %mul3A_2 : i32
    %add3A_80 = arith.constant 0 : i32
    %add3A_81 = arith.addi %add3A_79, %add3A_80 : i32
    %dma_wait3A_82 = tpu.memref_slice %arg4[%add3A_81] : memref<16777216xf32, #tpu.memory_space<hbm>> -> memref<16384xf32, #tpu.memory_space<hbm>>
    %dma_wait3A_83 = tpu.memref_slice %arg4[%add3A_81] : memref<16777216xf32, #tpu.memory_space<hbm>> -> memref<16384xf32, #tpu.memory_space<hbm>>
    tpu.wait_dma2 semaphore(%arg15 : memref<!tpu.dma_semaphore, #tpu.memory_space<semaphore_mem>>) src(%arg8 : memref<16384xf32, #tpu.memory_space<vmem>>) dst(%dma_wait3A_83 : memref<16384xf32, #tpu.memory_space<hbm>>)
    %parallel_loop3A_84 = arith.constant 0 : i32
    %parallel_loop3A_85 = arith.constant 1024 : i32
    %parallel_loop3A_86 = arith.constant 1 : i32
    scf.for %parallel_loop3A_928 = %parallel_loop3A_84 to %parallel_loop3A_85 step %parallel_loop3A_86  : i32 {
      %parallel_loop3A_929 = arith.constant 16 : i32
      %parallel_loop3A_930 = arith.muli %parallel_loop3A_928, %parallel_loop3A_929 : i32
      %parallel_loop3A_931 = arith.index_cast %parallel_loop3A_930 : i32 to index
      %parallel_loop3A_932 = tpu.vector_load %arg7[%parallel_loop3A_931] {strides = array<i32>} : memref<16384xf32, #tpu.memory_space<vmem>>, vector<16xf32>,
      %parallel_loop3A_933 = vector.shape_cast %parallel_loop3A_932 : vector<16xf32> to vector<16xf32>
      %parallel_loop3A_934 = arith.index_cast %parallel_loop3A_930 : i32 to index
      %parallel_loop3A_935 = tpu.vector_load %arg10[%parallel_loop3A_934] {strides = array<i32>} : memref<16384xf32, #tpu.memory_space<vmem>>, vector<16xf32>,
      %parallel_loop3A_936 = vector.shape_cast %parallel_loop3A_935 : vector<16xf32> to vector<16xf32>
      %parallel_loop3A_937 = arith.addf %parallel_loop3A_933, %parallel_loop3A_936 : vector<16xf32>
      %parallel_loop3A_938 = arith.index_cast %parallel_loop3A_930 : i32 to index
      %parallel_loop3A_939 = tpu.vector_load %arg8[%parallel_loop3A_938] {strides = array<i32>} : memref<16384xf32, #tpu.memory_space<vmem>>, vector<16xf32>,
      %parallel_loop3A_940 = vector.shape_cast %parallel_loop3A_939 : vector<16xf32> to vector<16xf32>
      %parallel_loop3A_941 = vector.shape_cast %parallel_loop3A_937 : vector<16xf32> to vector<16xf32>
      tpu.vector_store %arg8[%parallel_loop3A_938], %parallel_loop3A_941 {strides = array<i32>} : memref<16384xf32, #tpu.memory_space<vmem>>, vector<16xf32>,
    } {sc.loop_unroll_factor = 8 : i64, sc.parallel_access}
    %add3A_87 = arith.constant 8388608 : i32
    %add3A_88 = arith.addi %add3A_87, %mul3A_2 : i32
    %add3A_89 = arith.constant 0 : i32
    %add3A_90 = arith.addi %add3A_88, %add3A_89 : i32
    %dma_start3A_91 = tpu.memref_slice %arg4[%add3A_90] : memref<16777216xf32, #tpu.memory_space<hbm>> -> memref<16384xf32, #tpu.memory_space<hbm>>
    %dma_start3A_92 = tpu.memref_slice %arg4[%add3A_90] : memref<16777216xf32, #tpu.memory_space<hbm>> -> memref<16384xf32, #tpu.memory_space<hbm>>
    tpu.enqueue_dma source(%arg8 : memref<16384xf32, #tpu.memory_space<vmem>>) target(%dma_start3A_92 : memref<16384xf32, #tpu.memory_space<hbm>>) target_semaphore(%arg15 : memref<!tpu.dma_semaphore, #tpu.memory_space<semaphore_mem>>)
    %add3A_93 = arith.constant 4194304 : i32
    %add3A_94 = arith.addi %add3A_93, %mul3A_2 : i32
    %add3A_95 = arith.constant 16384 : i32
    %add3A_96 = arith.addi %add3A_94, %add3A_95 : i32
    %dma_start3A_97 = tpu.memref_slice %arg2[%add3A_96] : memref<16777216xf32, #tpu.memory_space<hbm>> -> memref<16384xf32, #tpu.memory_space<hbm>>
    %dma_start3A_98 = tpu.memref_slice %arg2[%add3A_96] : memref<16777216xf32, #tpu.memory_space<hbm>> -> memref<16384xf32, #tpu.memory_space<hbm>>
    tpu.enqueue_dma source(%dma_start3A_98 : memref<16384xf32, #tpu.memory_space<hbm>>) target(%arg7 : memref<16384xf32, #tpu.memory_space<vmem>>) target_semaphore(%arg14 : memref<!tpu.dma_semaphore, #tpu.memory_space<semaphore_mem>>)
    %add3A_99 = arith.constant 12582912 : i32
    %add3A_100 = arith.addi %add3A_99, %mul3A_2 : i32
    %add3A_101 = arith.constant 0 : i32
    %add3A_102 = arith.addi %add3A_100, %add3A_101 : i32
    %dma_wait3A_103 = tpu.memref_slice %arg2[%add3A_102] : memref<16777216xf32, #tpu.memory_space<hbm>> -> memref<16384xf32, #tpu.memory_space<hbm>>
    %dma_wait3A_104 = tpu.memref_slice %arg2[%add3A_102] : memref<16777216xf32, #tpu.memory_space<hbm>> -> memref<16384xf32, #tpu.memory_space<hbm>>
    tpu.wait_dma2 semaphore(%arg12 : memref<!tpu.dma_semaphore, #tpu.memory_space<semaphore_mem>>) src(%dma_wait3A_104 : memref<16384xf32, #tpu.memory_space<hbm>>) dst(%arg5 : memref<16384xf32, #tpu.memory_space<vmem>>)
    %add3A_105 = arith.constant 4194304 : i32
    %add3A_106 = arith.addi %add3A_105, %mul3A_2 : i32
    %add3A_107 = arith.constant 0 : i32
    %add3A_108 = arith.addi %add3A_106, %add3A_107 : i32
    %dma_wait3A_109 = tpu.memref_slice %arg4[%add3A_108] : memref<16777216xf32, #tpu.memory_space<hbm>> -> memref<16384xf32, #tpu.memory_space<hbm>>
    %dma_wait3A_110 = tpu.memref_slice %arg4[%add3A_108] : memref<16777216xf32, #tpu.memory_space<hbm>> -> memref<16384xf32, #tpu.memory_space<hbm>>
    tpu.wait_dma2 semaphore(%arg16 : memref<!tpu.dma_semaphore, #tpu.memory_space<semaphore_mem>>) src(%arg9 : memref<16384xf32, #tpu.memory_space<vmem>>) dst(%dma_wait3A_110 : memref<16384xf32, #tpu.memory_space<hbm>>)
    %parallel_loop3A_111 = arith.constant 0 : i32
    %parallel_loop3A_112 = arith.constant 1024 : i32
    %parallel_loop3A_113 = arith.constant 1 : i32
    scf.for %parallel_loop3A_928 = %parallel_loop3A_111 to %parallel_loop3A_112 step %parallel_loop3A_113  : i32 {
      %parallel_loop3A_929 = arith.constant 16 : i32
      %parallel_loop3A_930 = arith.muli %parallel_loop3A_928, %parallel_loop3A_929 : i32
      %parallel_loop3A_931 = arith.index_cast %parallel_loop3A_930 : i32 to index
      %parallel_loop3A_932 = tpu.vector_load %arg5[%parallel_loop3A_931] {strides = array<i32>} : memref<16384xf32, #tpu.memory_space<vmem>>, vector<16xf32>,
      %parallel_loop3A_933 = vector.shape_cast %parallel_loop3A_932 : vector<16xf32> to vector<16xf32>
      %parallel_loop3A_934 = arith.index_cast %parallel_loop3A_930 : i32 to index
      %parallel_loop3A_935 = tpu.vector_load %arg10[%parallel_loop3A_934] {strides = array<i32>} : memref<16384xf32, #tpu.memory_space<vmem>>, vector<16xf32>,
      %parallel_loop3A_936 = vector.shape_cast %parallel_loop3A_935 : vector<16xf32> to vector<16xf32>
      %parallel_loop3A_937 = arith.addf %parallel_loop3A_933, %parallel_loop3A_936 : vector<16xf32>
      %parallel_loop3A_938 = arith.index_cast %parallel_loop3A_930 : i32 to index
      %parallel_loop3A_939 = tpu.vector_load %arg9[%parallel_loop3A_938] {strides = array<i32>} : memref<16384xf32, #tpu.memory_space<vmem>>, vector<16xf32>,
      %parallel_loop3A_940 = vector.shape_cast %parallel_loop3A_939 : vector<16xf32> to vector<16xf32>
      %parallel_loop3A_941 = vector.shape_cast %parallel_loop3A_937 : vector<16xf32> to vector<16xf32>
      tpu.vector_store %arg9[%parallel_loop3A_938], %parallel_loop3A_941 {strides = array<i32>} : memref<16384xf32, #tpu.memory_space<vmem>>, vector<16xf32>,
    } {sc.loop_unroll_factor = 8 : i64, sc.parallel_access}
    %add3A_114 = arith.constant 12582912 : i32
    %add3A_115 = arith.addi %add3A_114, %mul3A_2 : i32
    %add3A_116 = arith.constant 0 : i32
    %add3A_117 = arith.addi %add3A_115, %add3A_116 : i32
    %dma_start3A_118 = tpu.memref_slice %arg4[%add3A_117] : memref<16777216xf32, #tpu.memory_space<hbm>> -> memref<16384xf32, #tpu.memory_space<hbm>>
    %dma_start3A_119 = tpu.memref_slice %arg4[%add3A_117] : memref<16777216xf32, #tpu.memory_space<hbm>> -> memref<16384xf32, #tpu.memory_space<hbm>>
    tpu.enqueue_dma source(%arg9 : memref<16384xf32, #tpu.memory_space<vmem>>) target(%dma_start3A_119 : memref<16384xf32, #tpu.memory_space<hbm>>) target_semaphore(%arg16 : memref<!tpu.dma_semaphore, #tpu.memory_space<semaphore_mem>>)
    %add3A_120 = arith.constant 8388608 : i32
    %add3A_121 = arith.addi %add3A_120, %mul3A_2 : i32
    %add3A_122 = arith.constant 16384 : i32
    %add3A_123 = arith.addi %add3A_121, %add3A_122 : i32
    %dma_start3A_124 = tpu.memref_slice %arg2[%add3A_123] : memref<16777216xf32, #tpu.memory_space<hbm>> -> memref<16384xf32, #tpu.memory_space<hbm>>
    %dma_start3A_125 = tpu.memref_slice %arg2[%add3A_123] : memref<16777216xf32, #tpu.memory_space<hbm>> -> memref<16384xf32, #tpu.memory_space<hbm>>
    tpu.enqueue_dma source(%dma_start3A_125 : memref<16384xf32, #tpu.memory_space<hbm>>) target(%arg5 : memref<16384xf32, #tpu.memory_space<vmem>>) target_semaphore(%arg12 : memref<!tpu.dma_semaphore, #tpu.memory_space<semaphore_mem>>)
    %add3A_126 = arith.constant 0 : i32
    %add3A_127 = arith.addi %add3A_126, %mul3A_2 : i32
    %add3A_128 = arith.constant 16384 : i32
    %add3A_129 = arith.addi %add3A_127, %add3A_128 : i32
    %dma_wait3A_130 = tpu.memref_slice %arg2[%add3A_129] : memref<16777216xf32, #tpu.memory_space<hbm>> -> memref<16384xf32, #tpu.memory_space<hbm>>
    %dma_wait3A_131 = tpu.memref_slice %arg2[%add3A_129] : memref<16777216xf32, #tpu.memory_space<hbm>> -> memref<16384xf32, #tpu.memory_space<hbm>>
    tpu.wait_dma2 semaphore(%arg13 : memref<!tpu.dma_semaphore, #tpu.memory_space<semaphore_mem>>) src(%dma_wait3A_131 : memref<16384xf32, #tpu.memory_space<hbm>>) dst(%arg6 : memref<16384xf32, #tpu.memory_space<vmem>>)
    %add3A_132 = arith.constant 16384 : i32
    %add3A_133 = arith.addi %mul3A_2, %add3A_132 : i32
    %dma_wait3A_134 = tpu.memref_slice %arg3[%add3A_133] : memref<4194304xf32, #tpu.memory_space<hbm>> -> memref<16384xf32, #tpu.memory_space<hbm>>
    %dma_wait3A_135 = tpu.memref_slice %arg3[%add3A_133] : memref<4194304xf32, #tpu.memory_space<hbm>> -> memref<16384xf32, #tpu.memory_space<hbm>>
    tpu.wait_dma2 semaphore(%arg18 : memref<!tpu.dma_semaphore, #tpu.memory_space<semaphore_mem>>) src(%dma_wait3A_135 : memref<16384xf32, #tpu.memory_space<hbm>>) dst(%arg11 : memref<16384xf32, #tpu.memory_space<vmem>>)
    %add3A_136 = arith.constant 8388608 : i32
    %add3A_137 = arith.addi %add3A_136, %mul3A_2 : i32
    %add3A_138 = arith.constant 0 : i32
    %add3A_139 = arith.addi %add3A_137, %add3A_138 : i32
    %dma_wait3A_140 = tpu.memref_slice %arg4[%add3A_139] : memref<16777216xf32, #tpu.memory_space<hbm>> -> memref<16384xf32, #tpu.memory_space<hbm>>
    %dma_wait3A_141 = tpu.memref_slice %arg4[%add3A_139] : memref<16777216xf32, #tpu.memory_space<hbm>> -> memref<16384xf32, #tpu.memory_space<hbm>>
    tpu.wait_dma2 semaphore(%arg15 : memref<!tpu.dma_semaphore, #tpu.memory_space<semaphore_mem>>) src(%arg8 : memref<16384xf32, #tpu.memory_space<vmem>>) dst(%dma_wait3A_141 : memref<16384xf32, #tpu.memory_space<hbm>>)
    %parallel_loop3A_142 = arith.constant 0 : i32
    %parallel_loop3A_143 = arith.constant 1024 : i32
    %parallel_loop3A_144 = arith.constant 1 : i32
    scf.for %parallel_loop3A_928 = %parallel_loop3A_142 to %parallel_loop3A_143 step %parallel_loop3A_144  : i32 {
      %parallel_loop3A_929 = arith.constant 16 : i32
      %parallel_loop3A_930 = arith.muli %parallel_loop3A_928, %parallel_loop3A_929 : i32
      %parallel_loop3A_931 = arith.index_cast %parallel_loop3A_930 : i32 to index
      %parallel_loop3A_932 = tpu.vector_load %arg6[%parallel_loop3A_931] {strides = array<i32>} : memref<16384xf32, #tpu.memory_space<vmem>>, vector<16xf32>,
      %parallel_loop3A_933 = vector.shape_cast %parallel_loop3A_932 : vector<16xf32> to vector<16xf32>
      %parallel_loop3A_934 = arith.index_cast %parallel_loop3A_930 : i32 to index
      %parallel_loop3A_935 = tpu.vector_load %arg11[%parallel_loop3A_934] {strides = array<i32>} : memref<16384xf32, #tpu.memory_space<vmem>>, vector<16xf32>,
      %parallel_loop3A_936 = vector.shape_cast %parallel_loop3A_935 : vector<16xf32> to vector<16xf32>
      %parallel_loop3A_937 = arith.addf %parallel_loop3A_933, %parallel_loop3A_936 : vector<16xf32>
      %parallel_loop3A_938 = arith.index_cast %parallel_loop3A_930 : i32 to index
      %parallel_loop3A_939 = tpu.vector_load %arg8[%parallel_loop3A_938] {strides = array<i32>} : memref<16384xf32, #tpu.memory_space<vmem>>, vector<16xf32>,
      %parallel_loop3A_940 = vector.shape_cast %parallel_loop3A_939 : vector<16xf32> to vector<16xf32>
      %parallel_loop3A_941 = vector.shape_cast %parallel_loop3A_937 : vector<16xf32> to vector<16xf32>
      tpu.vector_store %arg8[%parallel_loop3A_938], %parallel_loop3A_941 {strides = array<i32>} : memref<16384xf32, #tpu.memory_space<vmem>>, vector<16xf32>,
    } {sc.loop_unroll_factor = 8 : i64, sc.parallel_access}
    %add3A_145 = arith.constant 0 : i32
    %add3A_146 = arith.addi %add3A_145, %mul3A_2 : i32
    %add3A_147 = arith.constant 16384 : i32
    %add3A_148 = arith.addi %add3A_146, %add3A_147 : i32
    %dma_start3A_149 = tpu.memref_slice %arg4[%add3A_148] : memref<16777216xf32, #tpu.memory_space<hbm>> -> memref<16384xf32, #tpu.memory_space<hbm>>
    %dma_start3A_150 = tpu.memref_slice %arg4[%add3A_148] : memref<16777216xf32, #tpu.memory_space<hbm>> -> memref<16384xf32, #tpu.memory_space<hbm>>
    tpu.enqueue_dma source(%arg8 : memref<16384xf32, #tpu.memory_space<vmem>>) target(%dma_start3A_150 : memref<16384xf32, #tpu.memory_space<hbm>>) target_semaphore(%arg15 : memref<!tpu.dma_semaphore, #tpu.memory_space<semaphore_mem>>)
    %add3A_151 = arith.constant 12582912 : i32
    %add3A_152 = arith.addi %add3A_151, %mul3A_2 : i32
    %add3A_153 = arith.constant 16384 : i32
    %add3A_154 = arith.addi %add3A_152, %add3A_153 : i32
    %dma_start3A_155 = tpu.memref_slice %arg2[%add3A_154] : memref<16777216xf32, #tpu.memory_space<hbm>> -> memref<16384xf32, #tpu.memory_space<hbm>>
    %dma_start3A_156 = tpu.memref_slice %arg2[%add3A_154] : memref<16777216xf32, #tpu.memory_space<hbm>> -> memref<16384xf32, #tpu.memory_space<hbm>>
    tpu.enqueue_dma source(%dma_start3A_156 : memref<16384xf32, #tpu.memory_space<hbm>>) target(%arg6 : memref<16384xf32, #tpu.memory_space<vmem>>) target_semaphore(%arg13 : memref<!tpu.dma_semaphore, #tpu.memory_space<semaphore_mem>>)
    %add3A_157 = arith.constant 4194304 : i32
    %add3A_158 = arith.addi %add3A_157, %mul3A_2 : i32
    %add3A_159 = arith.constant 16384 : i32
    %add3A_160 = arith.addi %add3A_158, %add3A_159 : i32
    %dma_wait3A_161 = tpu.memref_slice %arg2[%add3A_160] : memref<16777216xf32, #tpu.memory_space<hbm>> -> memref<16384xf32, #tpu.memory_space<hbm>>
    %dma_wait3A_162 = tpu.memref_slice %arg2[%add3A_160] : memref<16777216xf32, #tpu.memory_space<hbm>> -> memref<16384xf32, #tpu.memory_space<hbm>>
    tpu.wait_dma2 semaphore(%arg14 : memref<!tpu.dma_semaphore, #tpu.memory_space<semaphore_mem>>) src(%dma_wait3A_162 : memref<16384xf32, #tpu.memory_space<hbm>>) dst(%arg7 : memref<16384xf32, #tpu.memory_space<vmem>>)
    %add3A_163 = arith.constant 12582912 : i32
    %add3A_164 = arith.addi %add3A_163, %mul3A_2 : i32
    %add3A_165 = arith.constant 0 : i32
    %add3A_166 = arith.addi %add3A_164, %add3A_165 : i32
    %dma_wait3A_167 = tpu.memref_slice %arg4[%add3A_166] : memref<16777216xf32, #tpu.memory_space<hbm>> -> memref<16384xf32, #tpu.memory_space<hbm>>
    %dma_wait3A_168 = tpu.memref_slice %arg4[%add3A_166] : memref<16777216xf32, #tpu.memory_space<hbm>> -> memref<16384xf32, #tpu.memory_space<hbm>>
    tpu.wait_dma2 semaphore(%arg16 : memref<!tpu.dma_semaphore, #tpu.memory_space<semaphore_mem>>) src(%arg9 : memref<16384xf32, #tpu.memory_space<vmem>>) dst(%dma_wait3A_168 : memref<16384xf32, #tpu.memory_space<hbm>>)
    %parallel_loop3A_169 = arith.constant 0 : i32
    %parallel_loop3A_170 = arith.constant 1024 : i32
    %parallel_loop3A_171 = arith.constant 1 : i32
    scf.for %parallel_loop3A_928 = %parallel_loop3A_169 to %parallel_loop3A_170 step %parallel_loop3A_171  : i32 {
      %parallel_loop3A_929 = arith.constant 16 : i32
      %parallel_loop3A_930 = arith.muli %parallel_loop3A_928, %parallel_loop3A_929 : i32
      %parallel_loop3A_931 = arith.index_cast %parallel_loop3A_930 : i32 to index
      %parallel_loop3A_932 = tpu.vector_load %arg7[%parallel_loop3A_931] {strides = array<i32>} : memref<16384xf32, #tpu.memory_space<vmem>>, vector<16xf32>,
      %parallel_loop3A_933 = vector.shape_cast %parallel_loop3A_932 : vector<16xf32> to vector<16xf32>
      %parallel_loop3A_934 = arith.index_cast %parallel_loop3A_930 : i32 to index
      %parallel_loop3A_935 = tpu.vector_load %arg11[%parallel_loop3A_934] {strides = array<i32>} : memref<16384xf32, #tpu.memory_space<vmem>>, vector<16xf32>,
      %parallel_loop3A_936 = vector.shape_cast %parallel_loop3A_935 : vector<16xf32> to vector<16xf32>
      %parallel_loop3A_937 = arith.addf %parallel_loop3A_933, %parallel_loop3A_936 : vector<16xf32>
      %parallel_loop3A_938 = arith.index_cast %parallel_loop3A_930 : i32 to index
      %parallel_loop3A_939 = tpu.vector_load %arg9[%parallel_loop3A_938] {strides = array<i32>} : memref<16384xf32, #tpu.memory_space<vmem>>, vector<16xf32>,
      %parallel_loop3A_940 = vector.shape_cast %parallel_loop3A_939 : vector<16xf32> to vector<16xf32>
      %parallel_loop3A_941 = vector.shape_cast %parallel_loop3A_937 : vector<16xf32> to vector<16xf32>
      tpu.vector_store %arg9[%parallel_loop3A_938], %parallel_loop3A_941 {strides = array<i32>} : memref<16384xf32, #tpu.memory_space<vmem>>, vector<16xf32>,
    } {sc.loop_unroll_factor = 8 : i64, sc.parallel_access}
    %add3A_172 = arith.constant 4194304 : i32
    %add3A_173 = arith.addi %add3A_172, %mul3A_2 : i32
    %add3A_174 = arith.constant 16384 : i32
    %add3A_175 = arith.addi %add3A_173, %add3A_174 : i32
    %dma_start3A_176 = tpu.memref_slice %arg4[%add3A_175] : memref<16777216xf32, #tpu.memory_space<hbm>> -> memref<16384xf32, #tpu.memory_space<hbm>>
    %dma_start3A_177 = tpu.memref_slice %arg4[%add3A_175] : memref<16777216xf32, #tpu.memory_space<hbm>> -> memref<16384xf32, #tpu.memory_space<hbm>>
    tpu.enqueue_dma source(%arg9 : memref<16384xf32, #tpu.memory_space<vmem>>) target(%dma_start3A_177 : memref<16384xf32, #tpu.memory_space<hbm>>) target_semaphore(%arg16 : memref<!tpu.dma_semaphore, #tpu.memory_space<semaphore_mem>>)
    %add3A_178 = arith.constant 0 : i32
    %add3A_179 = arith.addi %add3A_178, %mul3A_2 : i32
    %add3A_180 = arith.constant 32768 : i32
    %add3A_181 = arith.addi %add3A_179, %add3A_180 : i32
    %dma_start3A_182 = tpu.memref_slice %arg2[%add3A_181] : memref<16777216xf32, #tpu.memory_space<hbm>> -> memref<16384xf32, #tpu.memory_space<hbm>>
    %dma_start3A_183 = tpu.memref_slice %arg2[%add3A_181] : memref<16777216xf32, #tpu.memory_space<hbm>> -> memref<16384xf32, #tpu.memory_space<hbm>>
    tpu.enqueue_dma source(%dma_start3A_183 : memref<16384xf32, #tpu.memory_space<hbm>>) target(%arg7 : memref<16384xf32, #tpu.memory_space<vmem>>) target_semaphore(%arg14 : memref<!tpu.dma_semaphore, #tpu.memory_space<semaphore_mem>>)
    %add3A_184 = arith.constant 32768 : i32
    %add3A_185 = arith.addi %mul3A_2, %add3A_184 : i32
    %dma_start3A_186 = tpu.memref_slice %arg3[%add3A_185] : memref<4194304xf32, #tpu.memory_space<hbm>> -> memref<16384xf32, #tpu.memory_space<hbm>>
    %dma_start3A_187 = tpu.memref_slice %arg3[%add3A_185] : memref<4194304xf32, #tpu.memory_space<hbm>> -> memref<16384xf32, #tpu.memory_space<hbm>>
    tpu.enqueue_dma source(%dma_start3A_187 : memref<16384xf32, #tpu.memory_space<hbm>>) target(%arg10 : memref<16384xf32, #tpu.memory_space<vmem>>) target_semaphore(%arg17 : memref<!tpu.dma_semaphore, #tpu.memory_space<semaphore_mem>>)
    %add3A_188 = arith.constant 8388608 : i32
    %add3A_189 = arith.addi %add3A_188, %mul3A_2 : i32
    %add3A_190 = arith.constant 16384 : i32
    %add3A_191 = arith.addi %add3A_189, %add3A_190 : i32
    %dma_wait3A_192 = tpu.memref_slice %arg2[%add3A_191] : memref<16777216xf32, #tpu.memory_space<hbm>> -> memref<16384xf32, #tpu.memory_space<hbm>>
    %dma_wait3A_193 = tpu.memref_slice %arg2[%add3A_191] : memref<16777216xf32, #tpu.memory_space<hbm>> -> memref<16384xf32, #tpu.memory_space<hbm>>
    tpu.wait_dma2 semaphore(%arg12 : memref<!tpu.dma_semaphore, #tpu.memory_space<semaphore_mem>>) src(%dma_wait3A_193 : memref<16384xf32, #tpu.memory_space<hbm>>) dst(%arg5 : memref<16384xf32, #tpu.memory_space<vmem>>)
    %add3A_194 = arith.constant 0 : i32
    %add3A_195 = arith.addi %add3A_194, %mul3A_2 : i32
    %add3A_196 = arith.constant 16384 : i32
    %add3A_197 = arith.addi %add3A_195, %add3A_196 : i32
    %dma_wait3A_198 = tpu.memref_slice %arg4[%add3A_197] : memref<16777216xf32, #tpu.memory_space<hbm>> -> memref<16384xf32, #tpu.memory_space<hbm>>
    %dma_wait3A_199 = tpu.memref_slice %arg4[%add3A_197] : memref<16777216xf32, #tpu.memory_space<hbm>> -> memref<16384xf32, #tpu.memory_space<hbm>>
    tpu.wait_dma2 semaphore(%arg15 : memref<!tpu.dma_semaphore, #tpu.memory_space<semaphore_mem>>) src(%arg8 : memref<16384xf32, #tpu.memory_space<vmem>>) dst(%dma_wait3A_199 : memref<16384xf32, #tpu.memory_space<hbm>>)
    %parallel_loop3A_200 = arith.constant 0 : i32
    %parallel_loop3A_201 = arith.constant 1024 : i32
    %parallel_loop3A_202 = arith.constant 1 : i32
    scf.for %parallel_loop3A_928 = %parallel_loop3A_200 to %parallel_loop3A_201 step %parallel_loop3A_202  : i32 {
      %parallel_loop3A_929 = arith.constant 16 : i32
      %parallel_loop3A_930 = arith.muli %parallel_loop3A_928, %parallel_loop3A_929 : i32
      %parallel_loop3A_931 = arith.index_cast %parallel_loop3A_930 : i32 to index
      %parallel_loop3A_932 = tpu.vector_load %arg5[%parallel_loop3A_931] {strides = array<i32>} : memref<16384xf32, #tpu.memory_space<vmem>>, vector<16xf32>,
      %parallel_loop3A_933 = vector.shape_cast %parallel_loop3A_932 : vector<16xf32> to vector<16xf32>
      %parallel_loop3A_934 = arith.index_cast %parallel_loop3A_930 : i32 to index
      %parallel_loop3A_935 = tpu.vector_load %arg11[%parallel_loop3A_934] {strides = array<i32>} : memref<16384xf32, #tpu.memory_space<vmem>>, vector<16xf32>,
      %parallel_loop3A_936 = vector.shape_cast %parallel_loop3A_935 : vector<16xf32> to vector<16xf32>
      %parallel_loop3A_937 = arith.addf %parallel_loop3A_933, %parallel_loop3A_936 : vector<16xf32>
      %parallel_loop3A_938 = arith.index_cast %parallel_loop3A_930 : i32 to index
      %parallel_loop3A_939 = tpu.vector_load %arg8[%parallel_loop3A_938] {strides = array<i32>} : memref<16384xf32, #tpu.memory_space<vmem>>, vector<16xf32>,
      %parallel_loop3A_940 = vector.shape_cast %parallel_loop3A_939 : vector<16xf32> to vector<16xf32>
      %parallel_loop3A_941 = vector.shape_cast %parallel_loop3A_937 : vector<16xf32> to vector<16xf32>
      tpu.vector_store %arg8[%parallel_loop3A_938], %parallel_loop3A_941 {strides = array<i32>} : memref<16384xf32, #tpu.memory_space<vmem>>, vector<16xf32>,
    } {sc.loop_unroll_factor = 8 : i64, sc.parallel_access}
    %add3A_203 = arith.constant 8388608 : i32
    %add3A_204 = arith.addi %add3A_203, %mul3A_2 : i32
    %add3A_205 = arith.constant 16384 : i32
    %add3A_206 = arith.addi %add3A_204, %add3A_205 : i32
    %dma_start3A_207 = tpu.memref_slice %arg4[%add3A_206] : memref<16777216xf32, #tpu.memory_space<hbm>> -> memref<16384xf32, #tpu.memory_space<hbm>>
    %dma_start3A_208 = tpu.memref_slice %arg4[%add3A_206] : memref<16777216xf32, #tpu.memory_space<hbm>> -> memref<16384xf32, #tpu.memory_space<hbm>>
    tpu.enqueue_dma source(%arg8 : memref<16384xf32, #tpu.memory_space<vmem>>) target(%dma_start3A_208 : memref<16384xf32, #tpu.memory_space<hbm>>) target_semaphore(%arg15 : memref<!tpu.dma_semaphore, #tpu.memory_space<semaphore_mem>>)
    %add3A_209 = arith.constant 4194304 : i32
    %add3A_210 = arith.addi %add3A_209, %mul3A_2 : i32
    %add3A_211 = arith.constant 32768 : i32
    %add3A_212 = arith.addi %add3A_210, %add3A_211 : i32
    %dma_start3A_213 = tpu.memref_slice %arg2[%add3A_212] : memref<16777216xf32, #tpu.memory_space<hbm>> -> memref<16384xf32, #tpu.memory_space<hbm>>
    %dma_start3A_214 = tpu.memref_slice %arg2[%add3A_212] : memref<16777216xf32, #tpu.memory_space<hbm>> -> memref<16384xf32, #tpu.memory_space<hbm>>
    tpu.enqueue_dma source(%dma_start3A_214 : memref<16384xf32, #tpu.memory_space<hbm>>) target(%arg5 : memref<16384xf32, #tpu.memory_space<vmem>>) target_semaphore(%arg12 : memref<!tpu.dma_semaphore, #tpu.memory_space<semaphore_mem>>)
    %add3A_215 = arith.constant 12582912 : i32
    %add3A_216 = arith.addi %add3A_215, %mul3A_2 : i32
    %add3A_217 = arith.constant 16384 : i32
    %add3A_218 = arith.addi %add3A_216, %add3A_217 : i32
    %dma_wait3A_219 = tpu.memref_slice %arg2[%add3A_218] : memref<16777216xf32, #tpu.memory_space<hbm>> -> memref<16384xf32, #tpu.memory_space<hbm>>
    %dma_wait3A_220 = tpu.memref_slice %arg2[%add3A_218] : memref<16777216xf32, #tpu.memory_space<hbm>> -> memref<16384xf32, #tpu.memory_space<hbm>>
    tpu.wait_dma2 semaphore(%arg13 : memref<!tpu.dma_semaphore, #tpu.memory_space<semaphore_mem>>) src(%dma_wait3A_220 : memref<16384xf32, #tpu.memory_space<hbm>>) dst(%arg6 : memref<16384xf32, #tpu.memory_space<vmem>>)
    %add3A_221 = arith.constant 4194304 : i32
    %add3A_222 = arith.addi %add3A_221, %mul3A_2 : i32
    %add3A_223 = arith.constant 16384 : i32
    %add3A_224 = arith.addi %add3A_222, %add3A_223 : i32
    %dma_wait3A_225 = tpu.memref_slice %arg4[%add3A_224] : memref<16777216xf32, #tpu.memory_space<hbm>> -> memref<16384xf32, #tpu.memory_space<hbm>>
    %dma_wait3A_226 = tpu.memref_slice %arg4[%add3A_224] : memref<16777216xf32, #tpu.memory_space<hbm>> -> memref<16384xf32, #tpu.memory_space<hbm>>
    tpu.wait_dma2 semaphore(%arg16 : memref<!tpu.dma_semaphore, #tpu.memory_space<semaphore_mem>>) src(%arg9 : memref<16384xf32, #tpu.memory_space<vmem>>) dst(%dma_wait3A_226 : memref<16384xf32, #tpu.memory_space<hbm>>)
    %parallel_loop3A_227 = arith.constant 0 : i32
    %parallel_loop3A_228 = arith.constant 1024 : i32
    %parallel_loop3A_229 = arith.constant 1 : i32
    scf.for %parallel_loop3A_928 = %parallel_loop3A_227 to %parallel_loop3A_228 step %parallel_loop3A_229  : i32 {
      %parallel_loop3A_929 = arith.constant 16 : i32
      %parallel_loop3A_930 = arith.muli %parallel_loop3A_928, %parallel_loop3A_929 : i32
      %parallel_loop3A_931 = arith.index_cast %parallel_loop3A_930 : i32 to index
      %parallel_loop3A_932 = tpu.vector_load %arg6[%parallel_loop3A_931] {strides = array<i32>} : memref<16384xf32, #tpu.memory_space<vmem>>, vector<16xf32>,
      %parallel_loop3A_933 = vector.shape_cast %parallel_loop3A_932 : vector<16xf32> to vector<16xf32>
      %parallel_loop3A_934 = arith.index_cast %parallel_loop3A_930 : i32 to index
      %parallel_loop3A_935 = tpu.vector_load %arg11[%parallel_loop3A_934] {strides = array<i32>} : memref<16384xf32, #tpu.memory_space<vmem>>, vector<16xf32>,
      %parallel_loop3A_936 = vector.shape_cast %parallel_loop3A_935 : vector<16xf32> to vector<16xf32>
      %parallel_loop3A_937 = arith.addf %parallel_loop3A_933, %parallel_loop3A_936 : vector<16xf32>
      %parallel_loop3A_938 = arith.index_cast %parallel_loop3A_930 : i32 to index
      %parallel_loop3A_939 = tpu.vector_load %arg9[%parallel_loop3A_938] {strides = array<i32>} : memref<16384xf32, #tpu.memory_space<vmem>>, vector<16xf32>,
      %parallel_loop3A_940 = vector.shape_cast %parallel_loop3A_939 : vector<16xf32> to vector<16xf32>
      %parallel_loop3A_941 = vector.shape_cast %parallel_loop3A_937 : vector<16xf32> to vector<16xf32>
      tpu.vector_store %arg9[%parallel_loop3A_938], %parallel_loop3A_941 {strides = array<i32>} : memref<16384xf32, #tpu.memory_space<vmem>>, vector<16xf32>,
    } {sc.loop_unroll_factor = 8 : i64, sc.parallel_access}
    %add3A_230 = arith.constant 12582912 : i32
    %add3A_231 = arith.addi %add3A_230, %mul3A_2 : i32
    %add3A_232 = arith.constant 16384 : i32
    %add3A_233 = arith.addi %add3A_231, %add3A_232 : i32
    %dma_start3A_234 = tpu.memref_slice %arg4[%add3A_233] : memref<16777216xf32, #tpu.memory_space<hbm>> -> memref<16384xf32, #tpu.memory_space<hbm>>
    %dma_start3A_235 = tpu.memref_slice %arg4[%add3A_233] : memref<16777216xf32, #tpu.memory_space<hbm>> -> memref<16384xf32, #tpu.memory_space<hbm>>
    tpu.enqueue_dma source(%arg9 : memref<16384xf32, #tpu.memory_space<vmem>>) target(%dma_start3A_235 : memref<16384xf32, #tpu.memory_space<hbm>>) target_semaphore(%arg16 : memref<!tpu.dma_semaphore, #tpu.memory_space<semaphore_mem>>)
    %add3A_236 = arith.constant 8388608 : i32
    %add3A_237 = arith.addi %add3A_236, %mul3A_2 : i32
    %add3A_238 = arith.constant 32768 : i32
    %add3A_239 = arith.addi %add3A_237, %add3A_238 : i32
    %dma_start3A_240 = tpu.memref_slice %arg2[%add3A_239] : memref<16777216xf32, #tpu.memory_space<hbm>> -> memref<16384xf32, #tpu.memory_space<hbm>>
    %dma_start3A_241 = tpu.memref_slice %arg2[%add3A_239] : memref<16777216xf32, #tpu.memory_space<hbm>> -> memref<16384xf32, #tpu.memory_space<hbm>>
    tpu.enqueue_dma source(%dma_start3A_241 : memref<16384xf32, #tpu.memory_space<hbm>>) target(%arg6 : memref<16384xf32, #tpu.memory_space<vmem>>) target_semaphore(%arg13 : memref<!tpu.dma_semaphore, #tpu.memory_space<semaphore_mem>>)
    %add3A_242 = arith.constant 0 : i32
    %add3A_243 = arith.addi %add3A_242, %mul3A_2 : i32
    %add3A_244 = arith.constant 32768 : i32
    %add3A_245 = arith.addi %add3A_243, %add3A_244 : i32
    %dma_wait3A_246 = tpu.memref_slice %arg2[%add3A_245] : memref<16777216xf32, #tpu.memory_space<hbm>> -> memref<16384xf32, #tpu.memory_space<hbm>>
    %dma_wait3A_247 = tpu.memref_slice %arg2[%add3A_245] : memref<16777216xf32, #tpu.memory_space<hbm>> -> memref<16384xf32, #tpu.memory_space<hbm>>
    tpu.wait_dma2 semaphore(%arg14 : memref<!tpu.dma_semaphore, #tpu.memory_space<semaphore_mem>>) src(%dma_wait3A_247 : memref<16384xf32, #tpu.memory_space<hbm>>) dst(%arg7 : memref<16384xf32, #tpu.memory_space<vmem>>)
    %add3A_248 = arith.constant 32768 : i32
    %add3A_249 = arith.addi %mul3A_2, %add3A_248 : i32
    %dma_wait3A_250 = tpu.memref_slice %arg3[%add3A_249] : memref<4194304xf32, #tpu.memory_space<hbm>> -> memref<16384xf32, #tpu.memory_space<hbm>>
    %dma_wait3A_251 = tpu.memref_slice %arg3[%add3A_249] : memref<4194304xf32, #tpu.memory_space<hbm>> -> memref<16384xf32, #tpu.memory_space<hbm>>
    tpu.wait_dma2 semaphore(%arg17 : memref<!tpu.dma_semaphore, #tpu.memory_space<semaphore_mem>>) src(%dma_wait3A_251 : memref<16384xf32, #tpu.memory_space<hbm>>) dst(%arg10 : memref<16384xf32, #tpu.memory_space<vmem>>)
    %add3A_252 = arith.constant 8388608 : i32
    %add3A_253 = arith.addi %add3A_252, %mul3A_2 : i32
    %add3A_254 = arith.constant 16384 : i32
    %add3A_255 = arith.addi %add3A_253, %add3A_254 : i32
    %dma_wait3A_256 = tpu.memref_slice %arg4[%add3A_255] : memref<16777216xf32, #tpu.memory_space<hbm>> -> memref<16384xf32, #tpu.memory_space<hbm>>
    %dma_wait3A_257 = tpu.memref_slice %arg4[%add3A_255] : memref<16777216xf32, #tpu.memory_space<hbm>> -> memref<16384xf32, #tpu.memory_space<hbm>>
    tpu.wait_dma2 semaphore(%arg15 : memref<!tpu.dma_semaphore, #tpu.memory_space<semaphore_mem>>) src(%arg8 : memref<16384xf32, #tpu.memory_space<vmem>>) dst(%dma_wait3A_257 : memref<16384xf32, #tpu.memory_space<hbm>>)
    %parallel_loop3A_258 = arith.constant 0 : i32
    %parallel_loop3A_259 = arith.constant 1024 : i32
    %parallel_loop3A_260 = arith.constant 1 : i32
    scf.for %parallel_loop3A_928 = %parallel_loop3A_258 to %parallel_loop3A_259 step %parallel_loop3A_260  : i32 {
      %parallel_loop3A_929 = arith.constant 16 : i32
      %parallel_loop3A_930 = arith.muli %parallel_loop3A_928, %parallel_loop3A_929 : i32
      %parallel_loop3A_931 = arith.index_cast %parallel_loop3A_930 : i32 to index
      %parallel_loop3A_932 = tpu.vector_load %arg7[%parallel_loop3A_931] {strides = array<i32>} : memref<16384xf32, #tpu.memory_space<vmem>>, vector<16xf32>,
      %parallel_loop3A_933 = vector.shape_cast %parallel_loop3A_932 : vector<16xf32> to vector<16xf32>
      %parallel_loop3A_934 = arith.index_cast %parallel_loop3A_930 : i32 to index
      %parallel_loop3A_935 = tpu.vector_load %arg10[%parallel_loop3A_934] {strides = array<i32>} : memref<16384xf32, #tpu.memory_space<vmem>>, vector<16xf32>,
      %parallel_loop3A_936 = vector.shape_cast %parallel_loop3A_935 : vector<16xf32> to vector<16xf32>
      %parallel_loop3A_937 = arith.addf %parallel_loop3A_933, %parallel_loop3A_936 : vector<16xf32>
      %parallel_loop3A_938 = arith.index_cast %parallel_loop3A_930 : i32 to index
      %parallel_loop3A_939 = tpu.vector_load %arg8[%parallel_loop3A_938] {strides = array<i32>} : memref<16384xf32, #tpu.memory_space<vmem>>, vector<16xf32>,
      %parallel_loop3A_940 = vector.shape_cast %parallel_loop3A_939 : vector<16xf32> to vector<16xf32>
      %parallel_loop3A_941 = vector.shape_cast %parallel_loop3A_937 : vector<16xf32> to vector<16xf32>
      tpu.vector_store %arg8[%parallel_loop3A_938], %parallel_loop3A_941 {strides = array<i32>} : memref<16384xf32, #tpu.memory_space<vmem>>, vector<16xf32>,
    } {sc.loop_unroll_factor = 8 : i64, sc.parallel_access}
    %add3A_261 = arith.constant 0 : i32
    %add3A_262 = arith.addi %add3A_261, %mul3A_2 : i32
    %add3A_263 = arith.constant 32768 : i32
    %add3A_264 = arith.addi %add3A_262, %add3A_263 : i32
    %dma_start3A_265 = tpu.memref_slice %arg4[%add3A_264] : memref<16777216xf32, #tpu.memory_space<hbm>> -> memref<16384xf32, #tpu.memory_space<hbm>>
    %dma_start3A_266 = tpu.memref_slice %arg4[%add3A_264] : memref<16777216xf32, #tpu.memory_space<hbm>> -> memref<16384xf32, #tpu.memory_space<hbm>>
    tpu.enqueue_dma source(%arg8 : memref<16384xf32, #tpu.memory_space<vmem>>) target(%dma_start3A_266 : memref<16384xf32, #tpu.memory_space<hbm>>) target_semaphore(%arg15 : memref<!tpu.dma_semaphore, #tpu.memory_space<semaphore_mem>>)
    %add3A_267 = arith.constant 12582912 : i32
    %add3A_268 = arith.addi %add3A_267, %mul3A_2 : i32
    %add3A_269 = arith.constant 32768 : i32
    %add3A_270 = arith.addi %add3A_268, %add3A_269 : i32
    %dma_start3A_271 = tpu.memref_slice %arg2[%add3A_270] : memref<16777216xf32, #tpu.memory_space<hbm>> -> memref<16384xf32, #tpu.memory_space<hbm>>
    %dma_start3A_272 = tpu.memref_slice %arg2[%add3A_270] : memref<16777216xf32, #tpu.memory_space<hbm>> -> memref<16384xf32, #tpu.memory_space<hbm>>
    tpu.enqueue_dma source(%dma_start3A_272 : memref<16384xf32, #tpu.memory_space<hbm>>) target(%arg7 : memref<16384xf32, #tpu.memory_space<vmem>>) target_semaphore(%arg14 : memref<!tpu.dma_semaphore, #tpu.memory_space<semaphore_mem>>)
    %add3A_273 = arith.constant 4194304 : i32
    %add3A_274 = arith.addi %add3A_273, %mul3A_2 : i32
    %add3A_275 = arith.constant 32768 : i32
    %add3A_276 = arith.addi %add3A_274, %add3A_275 : i32
    %dma_wait3A_277 = tpu.memref_slice %arg2[%add3A_276] : memref<16777216xf32, #tpu.memory_space<hbm>> -> memref<16384xf32, #tpu.memory_space<hbm>>
    %dma_wait3A_278 = tpu.memref_slice %arg2[%add3A_276] : memref<16777216xf32, #tpu.memory_space<hbm>> -> memref<16384xf32, #tpu.memory_space<hbm>>
    tpu.wait_dma2 semaphore(%arg12 : memref<!tpu.dma_semaphore, #tpu.memory_space<semaphore_mem>>) src(%dma_wait3A_278 : memref<16384xf32, #tpu.memory_space<hbm>>) dst(%arg5 : memref<16384xf32, #tpu.memory_space<vmem>>)
    %add3A_279 = arith.constant 12582912 : i32
    %add3A_280 = arith.addi %add3A_279, %mul3A_2 : i32
    %add3A_281 = arith.constant 16384 : i32
    %add3A_282 = arith.addi %add3A_280, %add3A_281 : i32
    %dma_wait3A_283 = tpu.memref_slice %arg4[%add3A_282] : memref<16777216xf32, #tpu.memory_space<hbm>> -> memref<16384xf32, #tpu.memory_space<hbm>>
    %dma_wait3A_284 = tpu.memref_slice %arg4[%add3A_282] : memref<16777216xf32, #tpu.memory_space<hbm>> -> memref<16384xf32, #tpu.memory_space<hbm>>
    tpu.wait_dma2 semaphore(%arg16 : memref<!tpu.dma_semaphore, #tpu.memory_space<semaphore_mem>>) src(%arg9 : memref<16384xf32, #tpu.memory_space<vmem>>) dst(%dma_wait3A_284 : memref<16384xf32, #tpu.memory_space<hbm>>)
    %parallel_loop3A_285 = arith.constant 0 : i32
    %parallel_loop3A_286 = arith.constant 1024 : i32
    %parallel_loop3A_287 = arith.constant 1 : i32
    scf.for %parallel_loop3A_928 = %parallel_loop3A_285 to %parallel_loop3A_286 step %parallel_loop3A_287  : i32 {
      %parallel_loop3A_929 = arith.constant 16 : i32
      %parallel_loop3A_930 = arith.muli %parallel_loop3A_928, %parallel_loop3A_929 : i32
      %parallel_loop3A_931 = arith.index_cast %parallel_loop3A_930 : i32 to index
      %parallel_loop3A_932 = tpu.vector_load %arg5[%parallel_loop3A_931] {strides = array<i32>} : memref<16384xf32, #tpu.memory_space<vmem>>, vector<16xf32>,
      %parallel_loop3A_933 = vector.shape_cast %parallel_loop3A_932 : vector<16xf32> to vector<16xf32>
      %parallel_loop3A_934 = arith.index_cast %parallel_loop3A_930 : i32 to index
      %parallel_loop3A_935 = tpu.vector_load %arg10[%parallel_loop3A_934] {strides = array<i32>} : memref<16384xf32, #tpu.memory_space<vmem>>, vector<16xf32>,
      %parallel_loop3A_936 = vector.shape_cast %parallel_loop3A_935 : vector<16xf32> to vector<16xf32>
      %parallel_loop3A_937 = arith.addf %parallel_loop3A_933, %parallel_loop3A_936 : vector<16xf32>
      %parallel_loop3A_938 = arith.index_cast %parallel_loop3A_930 : i32 to index
      %parallel_loop3A_939 = tpu.vector_load %arg9[%parallel_loop3A_938] {strides = array<i32>} : memref<16384xf32, #tpu.memory_space<vmem>>, vector<16xf32>,
      %parallel_loop3A_940 = vector.shape_cast %parallel_loop3A_939 : vector<16xf32> to vector<16xf32>
      %parallel_loop3A_941 = vector.shape_cast %parallel_loop3A_937 : vector<16xf32> to vector<16xf32>
      tpu.vector_store %arg9[%parallel_loop3A_938], %parallel_loop3A_941 {strides = array<i32>} : memref<16384xf32, #tpu.memory_space<vmem>>, vector<16xf32>,
    } {sc.loop_unroll_factor = 8 : i64, sc.parallel_access}
    %add3A_288 = arith.constant 4194304 : i32
    %add3A_289 = arith.addi %add3A_288, %mul3A_2 : i32
    %add3A_290 = arith.constant 32768 : i32
    %add3A_291 = arith.addi %add3A_289, %add3A_290 : i32
    %dma_start3A_292 = tpu.memref_slice %arg4[%add3A_291] : memref<16777216xf32, #tpu.memory_space<hbm>> -> memref<16384xf32, #tpu.memory_space<hbm>>
    %dma_start3A_293 = tpu.memref_slice %arg4[%add3A_291] : memref<16777216xf32, #tpu.memory_space<hbm>> -> memref<16384xf32, #tpu.memory_space<hbm>>
    tpu.enqueue_dma source(%arg9 : memref<16384xf32, #tpu.memory_space<vmem>>) target(%dma_start3A_293 : memref<16384xf32, #tpu.memory_space<hbm>>) target_semaphore(%arg16 : memref<!tpu.dma_semaphore, #tpu.memory_space<semaphore_mem>>)
    %add3A_294 = arith.constant 0 : i32
    %add3A_295 = arith.addi %add3A_294, %mul3A_2 : i32
    %add3A_296 = arith.constant 49152 : i32
    %add3A_297 = arith.addi %add3A_295, %add3A_296 : i32
    %dma_start3A_298 = tpu.memref_slice %arg2[%add3A_297] : memref<16777216xf32, #tpu.memory_space<hbm>> -> memref<16384xf32, #tpu.memory_space<hbm>>
    %dma_start3A_299 = tpu.memref_slice %arg2[%add3A_297] : memref<16777216xf32, #tpu.memory_space<hbm>> -> memref<16384xf32, #tpu.memory_space<hbm>>
    tpu.enqueue_dma source(%dma_start3A_299 : memref<16384xf32, #tpu.memory_space<hbm>>) target(%arg5 : memref<16384xf32, #tpu.memory_space<vmem>>) target_semaphore(%arg12 : memref<!tpu.dma_semaphore, #tpu.memory_space<semaphore_mem>>)
    %add3A_300 = arith.constant 49152 : i32
    %add3A_301 = arith.addi %mul3A_2, %add3A_300 : i32
    %dma_start3A_302 = tpu.memref_slice %arg3[%add3A_301] : memref<4194304xf32, #tpu.memory_space<hbm>> -> memref<16384xf32, #tpu.memory_space<hbm>>
    %dma_start3A_303 = tpu.memref_slice %arg3[%add3A_301] : memref<4194304xf32, #tpu.memory_space<hbm>> -> memref<16384xf32, #tpu.memory_space<hbm>>
    tpu.enqueue_dma source(%dma_start3A_303 : memref<16384xf32, #tpu.memory_space<hbm>>) target(%arg11 : memref<16384xf32, #tpu.memory_space<vmem>>) target_semaphore(%arg18 : memref<!tpu.dma_semaphore, #tpu.memory_space<semaphore_mem>>)
    %add3A_304 = arith.constant 8388608 : i32
    %add3A_305 = arith.addi %add3A_304, %mul3A_2 : i32
    %add3A_306 = arith.constant 32768 : i32
    %add3A_307 = arith.addi %add3A_305, %add3A_306 : i32
    %dma_wait3A_308 = tpu.memref_slice %arg2[%add3A_307] : memref<16777216xf32, #tpu.memory_space<hbm>> -> memref<16384xf32, #tpu.memory_space<hbm>>
    %dma_wait3A_309 = tpu.memref_slice %arg2[%add3A_307] : memref<16777216xf32, #tpu.memory_space<hbm>> -> memref<16384xf32, #tpu.memory_space<hbm>>
    tpu.wait_dma2 semaphore(%arg13 : memref<!tpu.dma_semaphore, #tpu.memory_space<semaphore_mem>>) src(%dma_wait3A_309 : memref<16384xf32, #tpu.memory_space<hbm>>) dst(%arg6 : memref<16384xf32, #tpu.memory_space<vmem>>)
    %add3A_310 = arith.constant 0 : i32
    %add3A_311 = arith.addi %add3A_310, %mul3A_2 : i32
    %add3A_312 = arith.constant 32768 : i32
    %add3A_313 = arith.addi %add3A_311, %add3A_312 : i32
    %dma_wait3A_314 = tpu.memref_slice %arg4[%add3A_313] : memref<16777216xf32, #tpu.memory_space<hbm>> -> memref<16384xf32, #tpu.memory_space<hbm>>
    %dma_wait3A_315 = tpu.memref_slice %arg4[%add3A_313] : memref<16777216xf32, #tpu.memory_space<hbm>> -> memref<16384xf32, #tpu.memory_space<hbm>>
    tpu.wait_dma2 semaphore(%arg15 : memref<!tpu.dma_semaphore, #tpu.memory_space<semaphore_mem>>) src(%arg8 : memref<16384xf32, #tpu.memory_space<vmem>>) dst(%dma_wait3A_315 : memref<16384xf32, #tpu.memory_space<hbm>>)
    %parallel_loop3A_316 = arith.constant 0 : i32
    %parallel_loop3A_317 = arith.constant 1024 : i32
    %parallel_loop3A_318 = arith.constant 1 : i32
    scf.for %parallel_loop3A_928 = %parallel_loop3A_316 to %parallel_loop3A_317 step %parallel_loop3A_318  : i32 {
      %parallel_loop3A_929 = arith.constant 16 : i32
      %parallel_loop3A_930 = arith.muli %parallel_loop3A_928, %parallel_loop3A_929 : i32
      %parallel_loop3A_931 = arith.index_cast %parallel_loop3A_930 : i32 to index
      %parallel_loop3A_932 = tpu.vector_load %arg6[%parallel_loop3A_931] {strides = array<i32>} : memref<16384xf32, #tpu.memory_space<vmem>>, vector<16xf32>,
      %parallel_loop3A_933 = vector.shape_cast %parallel_loop3A_932 : vector<16xf32> to vector<16xf32>
      %parallel_loop3A_934 = arith.index_cast %parallel_loop3A_930 : i32 to index
      %parallel_loop3A_935 = tpu.vector_load %arg10[%parallel_loop3A_934] {strides = array<i32>} : memref<16384xf32, #tpu.memory_space<vmem>>, vector<16xf32>,
      %parallel_loop3A_936 = vector.shape_cast %parallel_loop3A_935 : vector<16xf32> to vector<16xf32>
      %parallel_loop3A_937 = arith.addf %parallel_loop3A_933, %parallel_loop3A_936 : vector<16xf32>
      %parallel_loop3A_938 = arith.index_cast %parallel_loop3A_930 : i32 to index
      %parallel_loop3A_939 = tpu.vector_load %arg8[%parallel_loop3A_938] {strides = array<i32>} : memref<16384xf32, #tpu.memory_space<vmem>>, vector<16xf32>,
      %parallel_loop3A_940 = vector.shape_cast %parallel_loop3A_939 : vector<16xf32> to vector<16xf32>
      %parallel_loop3A_941 = vector.shape_cast %parallel_loop3A_937 : vector<16xf32> to vector<16xf32>
      tpu.vector_store %arg8[%parallel_loop3A_938], %parallel_loop3A_941 {strides = array<i32>} : memref<16384xf32, #tpu.memory_space<vmem>>, vector<16xf32>,
    } {sc.loop_unroll_factor = 8 : i64, sc.parallel_access}
    %add3A_319 = arith.constant 8388608 : i32
    %add3A_320 = arith.addi %add3A_319, %mul3A_2 : i32
    %add3A_321 = arith.constant 32768 : i32
    %add3A_322 = arith.addi %add3A_320, %add3A_321 : i32
    %dma_start3A_323 = tpu.memref_slice %arg4[%add3A_322] : memref<16777216xf32, #tpu.memory_space<hbm>> -> memref<16384xf32, #tpu.memory_space<hbm>>
    %dma_start3A_324 = tpu.memref_slice %arg4[%add3A_322] : memref<16777216xf32, #tpu.memory_space<hbm>> -> memref<16384xf32, #tpu.memory_space<hbm>>
    tpu.enqueue_dma source(%arg8 : memref<16384xf32, #tpu.memory_space<vmem>>) target(%dma_start3A_324 : memref<16384xf32, #tpu.memory_space<hbm>>) target_semaphore(%arg15 : memref<!tpu.dma_semaphore, #tpu.memory_space<semaphore_mem>>)
    %add3A_325 = arith.constant 4194304 : i32
    %add3A_326 = arith.addi %add3A_325, %mul3A_2 : i32
    %add3A_327 = arith.constant 49152 : i32
    %add3A_328 = arith.addi %add3A_326, %add3A_327 : i32
    %dma_start3A_329 = tpu.memref_slice %arg2[%add3A_328] : memref<16777216xf32, #tpu.memory_space<hbm>> -> memref<16384xf32, #tpu.memory_space<hbm>>
    %dma_start3A_330 = tpu.memref_slice %arg2[%add3A_328] : memref<16777216xf32, #tpu.memory_space<hbm>> -> memref<16384xf32, #tpu.memory_space<hbm>>
    tpu.enqueue_dma source(%dma_start3A_330 : memref<16384xf32, #tpu.memory_space<hbm>>) target(%arg6 : memref<16384xf32, #tpu.memory_space<vmem>>) target_semaphore(%arg13 : memref<!tpu.dma_semaphore, #tpu.memory_space<semaphore_mem>>)
    %add3A_331 = arith.constant 12582912 : i32
    %add3A_332 = arith.addi %add3A_331, %mul3A_2 : i32
    %add3A_333 = arith.constant 32768 : i32
    %add3A_334 = arith.addi %add3A_332, %add3A_333 : i32
    %dma_wait3A_335 = tpu.memref_slice %arg2[%add3A_334] : memref<16777216xf32, #tpu.memory_space<hbm>> -> memref<16384xf32, #tpu.memory_space<hbm>>
    %dma_wait3A_336 = tpu.memref_slice %arg2[%add3A_334] : memref<16777216xf32, #tpu.memory_space<hbm>> -> memref<16384xf32, #tpu.memory_space<hbm>>
    tpu.wait_dma2 semaphore(%arg14 : memref<!tpu.dma_semaphore, #tpu.memory_space<semaphore_mem>>) src(%dma_wait3A_336 : memref<16384xf32, #tpu.memory_space<hbm>>) dst(%arg7 : memref<16384xf32, #tpu.memory_space<vmem>>)
    %add3A_337 = arith.constant 4194304 : i32
    %add3A_338 = arith.addi %add3A_337, %mul3A_2 : i32
    %add3A_339 = arith.constant 32768 : i32
    %add3A_340 = arith.addi %add3A_338, %add3A_339 : i32
    %dma_wait3A_341 = tpu.memref_slice %arg4[%add3A_340] : memref<16777216xf32, #tpu.memory_space<hbm>> -> memref<16384xf32, #tpu.memory_space<hbm>>
    %dma_wait3A_342 = tpu.memref_slice %arg4[%add3A_340] : memref<16777216xf32, #tpu.memory_space<hbm>> -> memref<16384xf32, #tpu.memory_space<hbm>>
    tpu.wait_dma2 semaphore(%arg16 : memref<!tpu.dma_semaphore, #tpu.memory_space<semaphore_mem>>) src(%arg9 : memref<16384xf32, #tpu.memory_space<vmem>>) dst(%dma_wait3A_342 : memref<16384xf32, #tpu.memory_space<hbm>>)
    %parallel_loop3A_343 = arith.constant 0 : i32
    %parallel_loop3A_344 = arith.constant 1024 : i32
    %parallel_loop3A_345 = arith.constant 1 : i32
    scf.for %parallel_loop3A_928 = %parallel_loop3A_343 to %parallel_loop3A_344 step %parallel_loop3A_345  : i32 {
      %parallel_loop3A_929 = arith.constant 16 : i32
      %parallel_loop3A_930 = arith.muli %parallel_loop3A_928, %parallel_loop3A_929 : i32
      %parallel_loop3A_931 = arith.index_cast %parallel_loop3A_930 : i32 to index
      %parallel_loop3A_932 = tpu.vector_load %arg7[%parallel_loop3A_931] {strides = array<i32>} : memref<16384xf32, #tpu.memory_space<vmem>>, vector<16xf32>,
      %parallel_loop3A_933 = vector.shape_cast %parallel_loop3A_932 : vector<16xf32> to vector<16xf32>
      %parallel_loop3A_934 = arith.index_cast %parallel_loop3A_930 : i32 to index
      %parallel_loop3A_935 = tpu.vector_load %arg10[%parallel_loop3A_934] {strides = array<i32>} : memref<16384xf32, #tpu.memory_space<vmem>>, vector<16xf32>,
      %parallel_loop3A_936 = vector.shape_cast %parallel_loop3A_935 : vector<16xf32> to vector<16xf32>
      %parallel_loop3A_937 = arith.addf %parallel_loop3A_933, %parallel_loop3A_936 : vector<16xf32>
      %parallel_loop3A_938 = arith.index_cast %parallel_loop3A_930 : i32 to index
      %parallel_loop3A_939 = tpu.vector_load %arg9[%parallel_loop3A_938] {strides = array<i32>} : memref<16384xf32, #tpu.memory_space<vmem>>, vector<16xf32>,
      %parallel_loop3A_940 = vector.shape_cast %parallel_loop3A_939 : vector<16xf32> to vector<16xf32>
      %parallel_loop3A_941 = vector.shape_cast %parallel_loop3A_937 : vector<16xf32> to vector<16xf32>
      tpu.vector_store %arg9[%parallel_loop3A_938], %parallel_loop3A_941 {strides = array<i32>} : memref<16384xf32, #tpu.memory_space<vmem>>, vector<16xf32>,
    } {sc.loop_unroll_factor = 8 : i64, sc.parallel_access}
    %add3A_346 = arith.constant 12582912 : i32
    %add3A_347 = arith.addi %add3A_346, %mul3A_2 : i32
    %add3A_348 = arith.constant 32768 : i32
    %add3A_349 = arith.addi %add3A_347, %add3A_348 : i32
    %dma_start3A_350 = tpu.memref_slice %arg4[%add3A_349] : memref<16777216xf32, #tpu.memory_space<hbm>> -> memref<16384xf32, #tpu.memory_space<hbm>>
    %dma_start3A_351 = tpu.memref_slice %arg4[%add3A_349] : memref<16777216xf32, #tpu.memory_space<hbm>> -> memref<16384xf32, #tpu.memory_space<hbm>>
    tpu.enqueue_dma source(%arg9 : memref<16384xf32, #tpu.memory_space<vmem>>) target(%dma_start3A_351 : memref<16384xf32, #tpu.memory_space<hbm>>) target_semaphore(%arg16 : memref<!tpu.dma_semaphore, #tpu.memory_space<semaphore_mem>>)
    %add3A_352 = arith.constant 8388608 : i32
    %add3A_353 = arith.addi %add3A_352, %mul3A_2 : i32
    %add3A_354 = arith.constant 49152 : i32
    %add3A_355 = arith.addi %add3A_353, %add3A_354 : i32
    %dma_start3A_356 = tpu.memref_slice %arg2[%add3A_355] : memref<16777216xf32, #tpu.memory_space<hbm>> -> memref<16384xf32, #tpu.memory_space<hbm>>
    %dma_start3A_357 = tpu.memref_slice %arg2[%add3A_355] : memref<16777216xf32, #tpu.memory_space<hbm>> -> memref<16384xf32, #tpu.memory_space<hbm>>
    tpu.enqueue_dma source(%dma_start3A_357 : memref<16384xf32, #tpu.memory_space<hbm>>) target(%arg7 : memref<16384xf32, #tpu.memory_space<vmem>>) target_semaphore(%arg14 : memref<!tpu.dma_semaphore, #tpu.memory_space<semaphore_mem>>)
    %add3A_358 = arith.constant 0 : i32
    %add3A_359 = arith.addi %add3A_358, %mul3A_2 : i32
    %add3A_360 = arith.constant 49152 : i32
    %add3A_361 = arith.addi %add3A_359, %add3A_360 : i32
    %dma_wait3A_362 = tpu.memref_slice %arg2[%add3A_361] : memref<16777216xf32, #tpu.memory_space<hbm>> -> memref<16384xf32, #tpu.memory_space<hbm>>
    %dma_wait3A_363 = tpu.memref_slice %arg2[%add3A_361] : memref<16777216xf32, #tpu.memory_space<hbm>> -> memref<16384xf32, #tpu.memory_space<hbm>>
    tpu.wait_dma2 semaphore(%arg12 : memref<!tpu.dma_semaphore, #tpu.memory_space<semaphore_mem>>) src(%dma_wait3A_363 : memref<16384xf32, #tpu.memory_space<hbm>>) dst(%arg5 : memref<16384xf32, #tpu.memory_space<vmem>>)
    %add3A_364 = arith.constant 49152 : i32
    %add3A_365 = arith.addi %mul3A_2, %add3A_364 : i32
    %dma_wait3A_366 = tpu.memref_slice %arg3[%add3A_365] : memref<4194304xf32, #tpu.memory_space<hbm>> -> memref<16384xf32, #tpu.memory_space<hbm>>
    %dma_wait3A_367 = tpu.memref_slice %arg3[%add3A_365] : memref<4194304xf32, #tpu.memory_space<hbm>> -> memref<16384xf32, #tpu.memory_space<hbm>>
    tpu.wait_dma2 semaphore(%arg18 : memref<!tpu.dma_semaphore, #tpu.memory_space<semaphore_mem>>) src(%dma_wait3A_367 : memref<16384xf32, #tpu.memory_space<hbm>>) dst(%arg11 : memref<16384xf32, #tpu.memory_space<vmem>>)
    %add3A_368 = arith.constant 8388608 : i32
    %add3A_369 = arith.addi %add3A_368, %mul3A_2 : i32
    %add3A_370 = arith.constant 32768 : i32
    %add3A_371 = arith.addi %add3A_369, %add3A_370 : i32
    %dma_wait3A_372 = tpu.memref_slice %arg4[%add3A_371] : memref<16777216xf32, #tpu.memory_space<hbm>> -> memref<16384xf32, #tpu.memory_space<hbm>>
    %dma_wait3A_373 = tpu.memref_slice %arg4[%add3A_371] : memref<16777216xf32, #tpu.memory_space<hbm>> -> memref<16384xf32, #tpu.memory_space<hbm>>
    tpu.wait_dma2 semaphore(%arg15 : memref<!tpu.dma_semaphore, #tpu.memory_space<semaphore_mem>>) src(%arg8 : memref<16384xf32, #tpu.memory_space<vmem>>) dst(%dma_wait3A_373 : memref<16384xf32, #tpu.memory_space<hbm>>)
    %parallel_loop3A_374 = arith.constant 0 : i32
    %parallel_loop3A_375 = arith.constant 1024 : i32
    %parallel_loop3A_376 = arith.constant 1 : i32
    scf.for %parallel_loop3A_928 = %parallel_loop3A_374 to %parallel_loop3A_375 step %parallel_loop3A_376  : i32 {
      %parallel_loop3A_929 = arith.constant 16 : i32
      %parallel_loop3A_930 = arith.muli %parallel_loop3A_928, %parallel_loop3A_929 : i32
      %parallel_loop3A_931 = arith.index_cast %parallel_loop3A_930 : i32 to index
      %parallel_loop3A_932 = tpu.vector_load %arg5[%parallel_loop3A_931] {strides = array<i32>} : memref<16384xf32, #tpu.memory_space<vmem>>, vector<16xf32>,
      %parallel_loop3A_933 = vector.shape_cast %parallel_loop3A_932 : vector<16xf32> to vector<16xf32>
      %parallel_loop3A_934 = arith.index_cast %parallel_loop3A_930 : i32 to index
      %parallel_loop3A_935 = tpu.vector_load %arg11[%parallel_loop3A_934] {strides = array<i32>} : memref<16384xf32, #tpu.memory_space<vmem>>, vector<16xf32>,
      %parallel_loop3A_936 = vector.shape_cast %parallel_loop3A_935 : vector<16xf32> to vector<16xf32>
      %parallel_loop3A_937 = arith.addf %parallel_loop3A_933, %parallel_loop3A_936 : vector<16xf32>
      %parallel_loop3A_938 = arith.index_cast %parallel_loop3A_930 : i32 to index
      %parallel_loop3A_939 = tpu.vector_load %arg8[%parallel_loop3A_938] {strides = array<i32>} : memref<16384xf32, #tpu.memory_space<vmem>>, vector<16xf32>,
      %parallel_loop3A_940 = vector.shape_cast %parallel_loop3A_939 : vector<16xf32> to vector<16xf32>
      %parallel_loop3A_941 = vector.shape_cast %parallel_loop3A_937 : vector<16xf32> to vector<16xf32>
      tpu.vector_store %arg8[%parallel_loop3A_938], %parallel_loop3A_941 {strides = array<i32>} : memref<16384xf32, #tpu.memory_space<vmem>>, vector<16xf32>,
    } {sc.loop_unroll_factor = 8 : i64, sc.parallel_access}
    %add3A_377 = arith.constant 0 : i32
    %add3A_378 = arith.addi %add3A_377, %mul3A_2 : i32
    %add3A_379 = arith.constant 49152 : i32
    %add3A_380 = arith.addi %add3A_378, %add3A_379 : i32
    %dma_start3A_381 = tpu.memref_slice %arg4[%add3A_380] : memref<16777216xf32, #tpu.memory_space<hbm>> -> memref<16384xf32, #tpu.memory_space<hbm>>
    %dma_start3A_382 = tpu.memref_slice %arg4[%add3A_380] : memref<16777216xf32, #tpu.memory_space<hbm>> -> memref<16384xf32, #tpu.memory_space<hbm>>
    tpu.enqueue_dma source(%arg8 : memref<16384xf32, #tpu.memory_space<vmem>>) target(%dma_start3A_382 : memref<16384xf32, #tpu.memory_space<hbm>>) target_semaphore(%arg15 : memref<!tpu.dma_semaphore, #tpu.memory_space<semaphore_mem>>)
    %add3A_383 = arith.constant 12582912 : i32
    %add3A_384 = arith.addi %add3A_383, %mul3A_2 : i32
    %add3A_385 = arith.constant 49152 : i32
    %add3A_386 = arith.addi %add3A_384, %add3A_385 : i32
    %dma_start3A_387 = tpu.memref_slice %arg2[%add3A_386] : memref<16777216xf32, #tpu.memory_space<hbm>> -> memref<16384xf32, #tpu.memory_space<hbm>>
    %dma_start3A_388 = tpu.memref_slice %arg2[%add3A_386] : memref<16777216xf32, #tpu.memory_space<hbm>> -> memref<16384xf32, #tpu.memory_space<hbm>>
    tpu.enqueue_dma source(%dma_start3A_388 : memref<16384xf32, #tpu.memory_space<hbm>>) target(%arg5 : memref<16384xf32, #tpu.memory_space<vmem>>) target_semaphore(%arg12 : memref<!tpu.dma_semaphore, #tpu.memory_space<semaphore_mem>>)
    %add3A_389 = arith.constant 4194304 : i32
    %add3A_390 = arith.addi %add3A_389, %mul3A_2 : i32
    %add3A_391 = arith.constant 49152 : i32
    %add3A_392 = arith.addi %add3A_390, %add3A_391 : i32
    %dma_wait3A_393 = tpu.memref_slice %arg2[%add3A_392] : memref<16777216xf32, #tpu.memory_space<hbm>> -> memref<16384xf32, #tpu.memory_space<hbm>>
    %dma_wait3A_394 = tpu.memref_slice %arg2[%add3A_392] : memref<16777216xf32, #tpu.memory_space<hbm>> -> memref<16384xf32, #tpu.memory_space<hbm>>
    tpu.wait_dma2 semaphore(%arg13 : memref<!tpu.dma_semaphore, #tpu.memory_space<semaphore_mem>>) src(%dma_wait3A_394 : memref<16384xf32, #tpu.memory_space<hbm>>) dst(%arg6 : memref<16384xf32, #tpu.memory_space<vmem>>)
    %add3A_395 = arith.constant 12582912 : i32
    %add3A_396 = arith.addi %add3A_395, %mul3A_2 : i32
    %add3A_397 = arith.constant 32768 : i32
    %add3A_398 = arith.addi %add3A_396, %add3A_397 : i32
    %dma_wait3A_399 = tpu.memref_slice %arg4[%add3A_398] : memref<16777216xf32, #tpu.memory_space<hbm>> -> memref<16384xf32, #tpu.memory_space<hbm>>
    %dma_wait3A_400 = tpu.memref_slice %arg4[%add3A_398] : memref<16777216xf32, #tpu.memory_space<hbm>> -> memref<16384xf32, #tpu.memory_space<hbm>>
    tpu.wait_dma2 semaphore(%arg16 : memref<!tpu.dma_semaphore, #tpu.memory_space<semaphore_mem>>) src(%arg9 : memref<16384xf32, #tpu.memory_space<vmem>>) dst(%dma_wait3A_400 : memref<16384xf32, #tpu.memory_space<hbm>>)
    %parallel_loop3A_401 = arith.constant 0 : i32
    %parallel_loop3A_402 = arith.constant 1024 : i32
    %parallel_loop3A_403 = arith.constant 1 : i32
    scf.for %parallel_loop3A_928 = %parallel_loop3A_401 to %parallel_loop3A_402 step %parallel_loop3A_403  : i32 {
      %parallel_loop3A_929 = arith.constant 16 : i32
      %parallel_loop3A_930 = arith.muli %parallel_loop3A_928, %parallel_loop3A_929 : i32
      %parallel_loop3A_931 = arith.index_cast %parallel_loop3A_930 : i32 to index
      %parallel_loop3A_932 = tpu.vector_load %arg6[%parallel_loop3A_931] {strides = array<i32>} : memref<16384xf32, #tpu.memory_space<vmem>>, vector<16xf32>,
      %parallel_loop3A_933 = vector.shape_cast %parallel_loop3A_932 : vector<16xf32> to vector<16xf32>
      %parallel_loop3A_934 = arith.index_cast %parallel_loop3A_930 : i32 to index
      %parallel_loop3A_935 = tpu.vector_load %arg11[%parallel_loop3A_934] {strides = array<i32>} : memref<16384xf32, #tpu.memory_space<vmem>>, vector<16xf32>,
      %parallel_loop3A_936 = vector.shape_cast %parallel_loop3A_935 : vector<16xf32> to vector<16xf32>
      %parallel_loop3A_937 = arith.addf %parallel_loop3A_933, %parallel_loop3A_936 : vector<16xf32>
      %parallel_loop3A_938 = arith.index_cast %parallel_loop3A_930 : i32 to index
      %parallel_loop3A_939 = tpu.vector_load %arg9[%parallel_loop3A_938] {strides = array<i32>} : memref<16384xf32, #tpu.memory_space<vmem>>, vector<16xf32>,
      %parallel_loop3A_940 = vector.shape_cast %parallel_loop3A_939 : vector<16xf32> to vector<16xf32>
      %parallel_loop3A_941 = vector.shape_cast %parallel_loop3A_937 : vector<16xf32> to vector<16xf32>
      tpu.vector_store %arg9[%parallel_loop3A_938], %parallel_loop3A_941 {strides = array<i32>} : memref<16384xf32, #tpu.memory_space<vmem>>, vector<16xf32>,
    } {sc.loop_unroll_factor = 8 : i64, sc.parallel_access}
    %add3A_404 = arith.constant 4194304 : i32
    %add3A_405 = arith.addi %add3A_404, %mul3A_2 : i32
    %add3A_406 = arith.constant 49152 : i32
    %add3A_407 = arith.addi %add3A_405, %add3A_406 : i32
    %dma_start3A_408 = tpu.memref_slice %arg4[%add3A_407] : memref<16777216xf32, #tpu.memory_space<hbm>> -> memref<16384xf32, #tpu.memory_space<hbm>>
    %dma_start3A_409 = tpu.memref_slice %arg4[%add3A_407] : memref<16777216xf32, #tpu.memory_space<hbm>> -> memref<16384xf32, #tpu.memory_space<hbm>>
    tpu.enqueue_dma source(%arg9 : memref<16384xf32, #tpu.memory_space<vmem>>) target(%dma_start3A_409 : memref<16384xf32, #tpu.memory_space<hbm>>) target_semaphore(%arg16 : memref<!tpu.dma_semaphore, #tpu.memory_space<semaphore_mem>>)
    %add3A_410 = arith.constant 0 : i32
    %add3A_411 = arith.addi %add3A_410, %mul3A_2 : i32
    %add3A_412 = arith.constant 65536 : i32
    %add3A_413 = arith.addi %add3A_411, %add3A_412 : i32
    %dma_start3A_414 = tpu.memref_slice %arg2[%add3A_413] : memref<16777216xf32, #tpu.memory_space<hbm>> -> memref<16384xf32, #tpu.memory_space<hbm>>
    %dma_start3A_415 = tpu.memref_slice %arg2[%add3A_413] : memref<16777216xf32, #tpu.memory_space<hbm>> -> memref<16384xf32, #tpu.memory_space<hbm>>
    tpu.enqueue_dma source(%dma_start3A_415 : memref<16384xf32, #tpu.memory_space<hbm>>) target(%arg6 : memref<16384xf32, #tpu.memory_space<vmem>>) target_semaphore(%arg13 : memref<!tpu.dma_semaphore, #tpu.memory_space<semaphore_mem>>)
    %add3A_416 = arith.constant 65536 : i32
    %add3A_417 = arith.addi %mul3A_2, %add3A_416 : i32
    %dma_start3A_418 = tpu.memref_slice %arg3[%add3A_417] : memref<4194304xf32, #tpu.memory_space<hbm>> -> memref<16384xf32, #tpu.memory_space<hbm>>
    %dma_start3A_419 = tpu.memref_slice %arg3[%add3A_417] : memref<4194304xf32, #tpu.memory_space<hbm>> -> memref<16384xf32, #tpu.memory_space<hbm>>
    tpu.enqueue_dma source(%dma_start3A_419 : memref<16384xf32, #tpu.memory_space<hbm>>) target(%arg10 : memref<16384xf32, #tpu.memory_space<vmem>>) target_semaphore(%arg17 : memref<!tpu.dma_semaphore, #tpu.memory_space<semaphore_mem>>)
    %add3A_420 = arith.constant 8388608 : i32
    %add3A_421 = arith.addi %add3A_420, %mul3A_2 : i32
    %add3A_422 = arith.constant 49152 : i32
    %add3A_423 = arith.addi %add3A_421, %add3A_422 : i32
    %dma_wait3A_424 = tpu.memref_slice %arg2[%add3A_423] : memref<16777216xf32, #tpu.memory_space<hbm>> -> memref<16384xf32, #tpu.memory_space<hbm>>
    %dma_wait3A_425 = tpu.memref_slice %arg2[%add3A_423] : memref<16777216xf32, #tpu.memory_space<hbm>> -> memref<16384xf32, #tpu.memory_space<hbm>>
    tpu.wait_dma2 semaphore(%arg14 : memref<!tpu.dma_semaphore, #tpu.memory_space<semaphore_mem>>) src(%dma_wait3A_425 : memref<16384xf32, #tpu.memory_space<hbm>>) dst(%arg7 : memref<16384xf32, #tpu.memory_space<vmem>>)
    %add3A_426 = arith.constant 0 : i32
    %add3A_427 = arith.addi %add3A_426, %mul3A_2 : i32
    %add3A_428 = arith.constant 49152 : i32
    %add3A_429 = arith.addi %add3A_427, %add3A_428 : i32
    %dma_wait3A_430 = tpu.memref_slice %arg4[%add3A_429] : memref<16777216xf32, #tpu.memory_space<hbm>> -> memref<16384xf32, #tpu.memory_space<hbm>>
    %dma_wait3A_431 = tpu.memref_slice %arg4[%add3A_429] : memref<16777216xf32, #tpu.memory_space<hbm>> -> memref<16384xf32, #tpu.memory_space<hbm>>
    tpu.wait_dma2 semaphore(%arg15 : memref<!tpu.dma_semaphore, #tpu.memory_space<semaphore_mem>>) src(%arg8 : memref<16384xf32, #tpu.memory_space<vmem>>) dst(%dma_wait3A_431 : memref<16384xf32, #tpu.memory_space<hbm>>)
    %parallel_loop3A_432 = arith.constant 0 : i32
    %parallel_loop3A_433 = arith.constant 1024 : i32
    %parallel_loop3A_434 = arith.constant 1 : i32
    scf.for %parallel_loop3A_928 = %parallel_loop3A_432 to %parallel_loop3A_433 step %parallel_loop3A_434  : i32 {
      %parallel_loop3A_929 = arith.constant 16 : i32
      %parallel_loop3A_930 = arith.muli %parallel_loop3A_928, %parallel_loop3A_929 : i32
      %parallel_loop3A_931 = arith.index_cast %parallel_loop3A_930 : i32 to index
      %parallel_loop3A_932 = tpu.vector_load %arg7[%parallel_loop3A_931] {strides = array<i32>} : memref<16384xf32, #tpu.memory_space<vmem>>, vector<16xf32>,
      %parallel_loop3A_933 = vector.shape_cast %parallel_loop3A_932 : vector<16xf32> to vector<16xf32>
      %parallel_loop3A_934 = arith.index_cast %parallel_loop3A_930 : i32 to index
      %parallel_loop3A_935 = tpu.vector_load %arg11[%parallel_loop3A_934] {strides = array<i32>} : memref<16384xf32, #tpu.memory_space<vmem>>, vector<16xf32>,
      %parallel_loop3A_936 = vector.shape_cast %parallel_loop3A_935 : vector<16xf32> to vector<16xf32>
      %parallel_loop3A_937 = arith.addf %parallel_loop3A_933, %parallel_loop3A_936 : vector<16xf32>
      %parallel_loop3A_938 = arith.index_cast %parallel_loop3A_930 : i32 to index
      %parallel_loop3A_939 = tpu.vector_load %arg8[%parallel_loop3A_938] {strides = array<i32>} : memref<16384xf32, #tpu.memory_space<vmem>>, vector<16xf32>,
      %parallel_loop3A_940 = vector.shape_cast %parallel_loop3A_939 : vector<16xf32> to vector<16xf32>
      %parallel_loop3A_941 = vector.shape_cast %parallel_loop3A_937 : vector<16xf32> to vector<16xf32>
      tpu.vector_store %arg8[%parallel_loop3A_938], %parallel_loop3A_941 {strides = array<i32>} : memref<16384xf32, #tpu.memory_space<vmem>>, vector<16xf32>,
    } {sc.loop_unroll_factor = 8 : i64, sc.parallel_access}
    %add3A_435 = arith.constant 8388608 : i32
    %add3A_436 = arith.addi %add3A_435, %mul3A_2 : i32
    %add3A_437 = arith.constant 49152 : i32
    %add3A_438 = arith.addi %add3A_436, %add3A_437 : i32
    %dma_start3A_439 = tpu.memref_slice %arg4[%add3A_438] : memref<16777216xf32, #tpu.memory_space<hbm>> -> memref<16384xf32, #tpu.memory_space<hbm>>
    %dma_start3A_440 = tpu.memref_slice %arg4[%add3A_438] : memref<16777216xf32, #tpu.memory_space<hbm>> -> memref<16384xf32, #tpu.memory_space<hbm>>
    tpu.enqueue_dma source(%arg8 : memref<16384xf32, #tpu.memory_space<vmem>>) target(%dma_start3A_440 : memref<16384xf32, #tpu.memory_space<hbm>>) target_semaphore(%arg15 : memref<!tpu.dma_semaphore, #tpu.memory_space<semaphore_mem>>)
    %add3A_441 = arith.constant 4194304 : i32
    %add3A_442 = arith.addi %add3A_441, %mul3A_2 : i32
    %add3A_443 = arith.constant 65536 : i32
    %add3A_444 = arith.addi %add3A_442, %add3A_443 : i32
    %dma_start3A_445 = tpu.memref_slice %arg2[%add3A_444] : memref<16777216xf32, #tpu.memory_space<hbm>> -> memref<16384xf32, #tpu.memory_space<hbm>>
    %dma_start3A_446 = tpu.memref_slice %arg2[%add3A_444] : memref<16777216xf32, #tpu.memory_space<hbm>> -> memref<16384xf32, #tpu.memory_space<hbm>>
    tpu.enqueue_dma source(%dma_start3A_446 : memref<16384xf32, #tpu.memory_space<hbm>>) target(%arg7 : memref<16384xf32, #tpu.memory_space<vmem>>) target_semaphore(%arg14 : memref<!tpu.dma_semaphore, #tpu.memory_space<semaphore_mem>>)
    %add3A_447 = arith.constant 12582912 : i32
    %add3A_448 = arith.addi %add3A_447, %mul3A_2 : i32
    %add3A_449 = arith.constant 49152 : i32
    %add3A_450 = arith.addi %add3A_448, %add3A_449 : i32
    %dma_wait3A_451 = tpu.memref_slice %arg2[%add3A_450] : memref<16777216xf32, #tpu.memory_space<hbm>> -> memref<16384xf32, #tpu.memory_space<hbm>>
    %dma_wait3A_452 = tpu.memref_slice %arg2[%add3A_450] : memref<16777216xf32, #tpu.memory_space<hbm>> -> memref<16384xf32, #tpu.memory_space<hbm>>
    tpu.wait_dma2 semaphore(%arg12 : memref<!tpu.dma_semaphore, #tpu.memory_space<semaphore_mem>>) src(%dma_wait3A_452 : memref<16384xf32, #tpu.memory_space<hbm>>) dst(%arg5 : memref<16384xf32, #tpu.memory_space<vmem>>)
    %add3A_453 = arith.constant 4194304 : i32
    %add3A_454 = arith.addi %add3A_453, %mul3A_2 : i32
    %add3A_455 = arith.constant 49152 : i32
    %add3A_456 = arith.addi %add3A_454, %add3A_455 : i32
    %dma_wait3A_457 = tpu.memref_slice %arg4[%add3A_456] : memref<16777216xf32, #tpu.memory_space<hbm>> -> memref<16384xf32, #tpu.memory_space<hbm>>
    %dma_wait3A_458 = tpu.memref_slice %arg4[%add3A_456] : memref<16777216xf32, #tpu.memory_space<hbm>> -> memref<16384xf32, #tpu.memory_space<hbm>>
    tpu.wait_dma2 semaphore(%arg16 : memref<!tpu.dma_semaphore, #tpu.memory_space<semaphore_mem>>) src(%arg9 : memref<16384xf32, #tpu.memory_space<vmem>>) dst(%dma_wait3A_458 : memref<16384xf32, #tpu.memory_space<hbm>>)
    %parallel_loop3A_459 = arith.constant 0 : i32
    %parallel_loop3A_460 = arith.constant 1024 : i32
    %parallel_loop3A_461 = arith.constant 1 : i32
    scf.for %parallel_loop3A_928 = %parallel_loop3A_459 to %parallel_loop3A_460 step %parallel_loop3A_461  : i32 {
      %parallel_loop3A_929 = arith.constant 16 : i32
      %parallel_loop3A_930 = arith.muli %parallel_loop3A_928, %parallel_loop3A_929 : i32
      %parallel_loop3A_931 = arith.index_cast %parallel_loop3A_930 : i32 to index
      %parallel_loop3A_932 = tpu.vector_load %arg5[%parallel_loop3A_931] {strides = array<i32>} : memref<16384xf32, #tpu.memory_space<vmem>>, vector<16xf32>,
      %parallel_loop3A_933 = vector.shape_cast %parallel_loop3A_932 : vector<16xf32> to vector<16xf32>
      %parallel_loop3A_934 = arith.index_cast %parallel_loop3A_930 : i32 to index
      %parallel_loop3A_935 = tpu.vector_load %arg11[%parallel_loop3A_934] {strides = array<i32>} : memref<16384xf32, #tpu.memory_space<vmem>>, vector<16xf32>,
      %parallel_loop3A_936 = vector.shape_cast %parallel_loop3A_935 : vector<16xf32> to vector<16xf32>
      %parallel_loop3A_937 = arith.addf %parallel_loop3A_933, %parallel_loop3A_936 : vector<16xf32>
      %parallel_loop3A_938 = arith.index_cast %parallel_loop3A_930 : i32 to index
      %parallel_loop3A_939 = tpu.vector_load %arg9[%parallel_loop3A_938] {strides = array<i32>} : memref<16384xf32, #tpu.memory_space<vmem>>, vector<16xf32>,
      %parallel_loop3A_940 = vector.shape_cast %parallel_loop3A_939 : vector<16xf32> to vector<16xf32>
      %parallel_loop3A_941 = vector.shape_cast %parallel_loop3A_937 : vector<16xf32> to vector<16xf32>
      tpu.vector_store %arg9[%parallel_loop3A_938], %parallel_loop3A_941 {strides = array<i32>} : memref<16384xf32, #tpu.memory_space<vmem>>, vector<16xf32>,
    } {sc.loop_unroll_factor = 8 : i64, sc.parallel_access}
    %add3A_462 = arith.constant 12582912 : i32
    %add3A_463 = arith.addi %add3A_462, %mul3A_2 : i32
    %add3A_464 = arith.constant 49152 : i32
    %add3A_465 = arith.addi %add3A_463, %add3A_464 : i32
    %dma_start3A_466 = tpu.memref_slice %arg4[%add3A_465] : memref<16777216xf32, #tpu.memory_space<hbm>> -> memref<16384xf32, #tpu.memory_space<hbm>>
    %dma_start3A_467 = tpu.memref_slice %arg4[%add3A_465] : memref<16777216xf32, #tpu.memory_space<hbm>> -> memref<16384xf32, #tpu.memory_space<hbm>>
    tpu.enqueue_dma source(%arg9 : memref<16384xf32, #tpu.memory_space<vmem>>) target(%dma_start3A_467 : memref<16384xf32, #tpu.memory_space<hbm>>) target_semaphore(%arg16 : memref<!tpu.dma_semaphore, #tpu.memory_space<semaphore_mem>>)
    %add3A_468 = arith.constant 8388608 : i32
    %add3A_469 = arith.addi %add3A_468, %mul3A_2 : i32
    %add3A_470 = arith.constant 65536 : i32
    %add3A_471 = arith.addi %add3A_469, %add3A_470 : i32
    %dma_start3A_472 = tpu.memref_slice %arg2[%add3A_471] : memref<16777216xf32, #tpu.memory_space<hbm>> -> memref<16384xf32, #tpu.memory_space<hbm>>
    %dma_start3A_473 = tpu.memref_slice %arg2[%add3A_471] : memref<16777216xf32, #tpu.memory_space<hbm>> -> memref<16384xf32, #tpu.memory_space<hbm>>
    tpu.enqueue_dma source(%dma_start3A_473 : memref<16384xf32, #tpu.memory_space<hbm>>) target(%arg5 : memref<16384xf32, #tpu.memory_space<vmem>>) target_semaphore(%arg12 : memref<!tpu.dma_semaphore, #tpu.memory_space<semaphore_mem>>)
    %add3A_474 = arith.constant 0 : i32
    %add3A_475 = arith.addi %add3A_474, %mul3A_2 : i32
    %add3A_476 = arith.constant 65536 : i32
    %add3A_477 = arith.addi %add3A_475, %add3A_476 : i32
    %dma_wait3A_478 = tpu.memref_slice %arg2[%add3A_477] : memref<16777216xf32, #tpu.memory_space<hbm>> -> memref<16384xf32, #tpu.memory_space<hbm>>
    %dma_wait3A_479 = tpu.memref_slice %arg2[%add3A_477] : memref<16777216xf32, #tpu.memory_space<hbm>> -> memref<16384xf32, #tpu.memory_space<hbm>>
    tpu.wait_dma2 semaphore(%arg13 : memref<!tpu.dma_semaphore, #tpu.memory_space<semaphore_mem>>) src(%dma_wait3A_479 : memref<16384xf32, #tpu.memory_space<hbm>>) dst(%arg6 : memref<16384xf32, #tpu.memory_space<vmem>>)
    %add3A_480 = arith.constant 65536 : i32
    %add3A_481 = arith.addi %mul3A_2, %add3A_480 : i32
    %dma_wait3A_482 = tpu.memref_slice %arg3[%add3A_481] : memref<4194304xf32, #tpu.memory_space<hbm>> -> memref<16384xf32, #tpu.memory_space<hbm>>
    %dma_wait3A_483 = tpu.memref_slice %arg3[%add3A_481] : memref<4194304xf32, #tpu.memory_space<hbm>> -> memref<16384xf32, #tpu.memory_space<hbm>>
    tpu.wait_dma2 semaphore(%arg17 : memref<!tpu.dma_semaphore, #tpu.memory_space<semaphore_mem>>) src(%dma_wait3A_483 : memref<16384xf32, #tpu.memory_space<hbm>>) dst(%arg10 : memref<16384xf32, #tpu.memory_space<vmem>>)
    %add3A_484 = arith.constant 8388608 : i32
    %add3A_485 = arith.addi %add3A_484, %mul3A_2 : i32
    %add3A_486 = arith.constant 49152 : i32
    %add3A_487 = arith.addi %add3A_485, %add3A_486 : i32
    %dma_wait3A_488 = tpu.memref_slice %arg4[%add3A_487] : memref<16777216xf32, #tpu.memory_space<hbm>> -> memref<16384xf32, #tpu.memory_space<hbm>>
    %dma_wait3A_489 = tpu.memref_slice %arg4[%add3A_487] : memref<16777216xf32, #tpu.memory_space<hbm>> -> memref<16384xf32, #tpu.memory_space<hbm>>
    tpu.wait_dma2 semaphore(%arg15 : memref<!tpu.dma_semaphore, #tpu.memory_space<semaphore_mem>>) src(%arg8 : memref<16384xf32, #tpu.memory_space<vmem>>) dst(%dma_wait3A_489 : memref<16384xf32, #tpu.memory_space<hbm>>)
    %parallel_loop3A_490 = arith.constant 0 : i32
    %parallel_loop3A_491 = arith.constant 1024 : i32
    %parallel_loop3A_492 = arith.constant 1 : i32
    scf.for %parallel_loop3A_928 = %parallel_loop3A_490 to %parallel_loop3A_491 step %parallel_loop3A_492  : i32 {
      %parallel_loop3A_929 = arith.constant 16 : i32
      %parallel_loop3A_930 = arith.muli %parallel_loop3A_928, %parallel_loop3A_929 : i32
      %parallel_loop3A_931 = arith.index_cast %parallel_loop3A_930 : i32 to index
      %parallel_loop3A_932 = tpu.vector_load %arg6[%parallel_loop3A_931] {strides = array<i32>} : memref<16384xf32, #tpu.memory_space<vmem>>, vector<16xf32>,
      %parallel_loop3A_933 = vector.shape_cast %parallel_loop3A_932 : vector<16xf32> to vector<16xf32>
      %parallel_loop3A_934 = arith.index_cast %parallel_loop3A_930 : i32 to index
      %parallel_loop3A_935 = tpu.vector_load %arg10[%parallel_loop3A_934] {strides = array<i32>} : memref<16384xf32, #tpu.memory_space<vmem>>, vector<16xf32>,
      %parallel_loop3A_936 = vector.shape_cast %parallel_loop3A_935 : vector<16xf32> to vector<16xf32>
      %parallel_loop3A_937 = arith.addf %parallel_loop3A_933, %parallel_loop3A_936 : vector<16xf32>
      %parallel_loop3A_938 = arith.index_cast %parallel_loop3A_930 : i32 to index
      %parallel_loop3A_939 = tpu.vector_load %arg8[%parallel_loop3A_938] {strides = array<i32>} : memref<16384xf32, #tpu.memory_space<vmem>>, vector<16xf32>,
      %parallel_loop3A_940 = vector.shape_cast %parallel_loop3A_939 : vector<16xf32> to vector<16xf32>
      %parallel_loop3A_941 = vector.shape_cast %parallel_loop3A_937 : vector<16xf32> to vector<16xf32>
      tpu.vector_store %arg8[%parallel_loop3A_938], %parallel_loop3A_941 {strides = array<i32>} : memref<16384xf32, #tpu.memory_space<vmem>>, vector<16xf32>,
    } {sc.loop_unroll_factor = 8 : i64, sc.parallel_access}
    %add3A_493 = arith.constant 0 : i32
    %add3A_494 = arith.addi %add3A_493, %mul3A_2 : i32
    %add3A_495 = arith.constant 65536 : i32
    %add3A_496 = arith.addi %add3A_494, %add3A_495 : i32
    %dma_start3A_497 = tpu.memref_slice %arg4[%add3A_496] : memref<16777216xf32, #tpu.memory_space<hbm>> -> memref<16384xf32, #tpu.memory_space<hbm>>
    %dma_start3A_498 = tpu.memref_slice %arg4[%add3A_496] : memref<16777216xf32, #tpu.memory_space<hbm>> -> memref<16384xf32, #tpu.memory_space<hbm>>
    tpu.enqueue_dma source(%arg8 : memref<16384xf32, #tpu.memory_space<vmem>>) target(%dma_start3A_498 : memref<16384xf32, #tpu.memory_space<hbm>>) target_semaphore(%arg15 : memref<!tpu.dma_semaphore, #tpu.memory_space<semaphore_mem>>)
    %add3A_499 = arith.constant 12582912 : i32
    %add3A_500 = arith.addi %add3A_499, %mul3A_2 : i32
    %add3A_501 = arith.constant 65536 : i32
    %add3A_502 = arith.addi %add3A_500, %add3A_501 : i32
    %dma_start3A_503 = tpu.memref_slice %arg2[%add3A_502] : memref<16777216xf32, #tpu.memory_space<hbm>> -> memref<16384xf32, #tpu.memory_space<hbm>>
    %dma_start3A_504 = tpu.memref_slice %arg2[%add3A_502] : memref<16777216xf32, #tpu.memory_space<hbm>> -> memref<16384xf32, #tpu.memory_space<hbm>>
    tpu.enqueue_dma source(%dma_start3A_504 : memref<16384xf32, #tpu.memory_space<hbm>>) target(%arg6 : memref<16384xf32, #tpu.memory_space<vmem>>) target_semaphore(%arg13 : memref<!tpu.dma_semaphore, #tpu.memory_space<semaphore_mem>>)
    %add3A_505 = arith.constant 4194304 : i32
    %add3A_506 = arith.addi %add3A_505, %mul3A_2 : i32
    %add3A_507 = arith.constant 65536 : i32
    %add3A_508 = arith.addi %add3A_506, %add3A_507 : i32
    %dma_wait3A_509 = tpu.memref_slice %arg2[%add3A_508] : memref<16777216xf32, #tpu.memory_space<hbm>> -> memref<16384xf32, #tpu.memory_space<hbm>>
    %dma_wait3A_510 = tpu.memref_slice %arg2[%add3A_508] : memref<16777216xf32, #tpu.memory_space<hbm>> -> memref<16384xf32, #tpu.memory_space<hbm>>
    tpu.wait_dma2 semaphore(%arg14 : memref<!tpu.dma_semaphore, #tpu.memory_space<semaphore_mem>>) src(%dma_wait3A_510 : memref<16384xf32, #tpu.memory_space<hbm>>) dst(%arg7 : memref<16384xf32, #tpu.memory_space<vmem>>)
    %add3A_511 = arith.constant 12582912 : i32
    %add3A_512 = arith.addi %add3A_511, %mul3A_2 : i32
    %add3A_513 = arith.constant 49152 : i32
    %add3A_514 = arith.addi %add3A_512, %add3A_513 : i32
    %dma_wait3A_515 = tpu.memref_slice %arg4[%add3A_514] : memref<16777216xf32, #tpu.memory_space<hbm>> -> memref<16384xf32, #tpu.memory_space<hbm>>
    %dma_wait3A_516 = tpu.memref_slice %arg4[%add3A_514] : memref<16777216xf32, #tpu.memory_space<hbm>> -> memref<16384xf32, #tpu.memory_space<hbm>>
    tpu.wait_dma2 semaphore(%arg16 : memref<!tpu.dma_semaphore, #tpu.memory_space<semaphore_mem>>) src(%arg9 : memref<16384xf32, #tpu.memory_space<vmem>>) dst(%dma_wait3A_516 : memref<16384xf32, #tpu.memory_space<hbm>>)
    %parallel_loop3A_517 = arith.constant 0 : i32
    %parallel_loop3A_518 = arith.constant 1024 : i32
    %parallel_loop3A_519 = arith.constant 1 : i32
    scf.for %parallel_loop3A_928 = %parallel_loop3A_517 to %parallel_loop3A_518 step %parallel_loop3A_519  : i32 {
      %parallel_loop3A_929 = arith.constant 16 : i32
      %parallel_loop3A_930 = arith.muli %parallel_loop3A_928, %parallel_loop3A_929 : i32
      %parallel_loop3A_931 = arith.index_cast %parallel_loop3A_930 : i32 to index
      %parallel_loop3A_932 = tpu.vector_load %arg7[%parallel_loop3A_931] {strides = array<i32>} : memref<16384xf32, #tpu.memory_space<vmem>>, vector<16xf32>,
      %parallel_loop3A_933 = vector.shape_cast %parallel_loop3A_932 : vector<16xf32> to vector<16xf32>
      %parallel_loop3A_934 = arith.index_cast %parallel_loop3A_930 : i32 to index
      %parallel_loop3A_935 = tpu.vector_load %arg10[%parallel_loop3A_934] {strides = array<i32>} : memref<16384xf32, #tpu.memory_space<vmem>>, vector<16xf32>,
      %parallel_loop3A_936 = vector.shape_cast %parallel_loop3A_935 : vector<16xf32> to vector<16xf32>
      %parallel_loop3A_937 = arith.addf %parallel_loop3A_933, %parallel_loop3A_936 : vector<16xf32>
      %parallel_loop3A_938 = arith.index_cast %parallel_loop3A_930 : i32 to index
      %parallel_loop3A_939 = tpu.vector_load %arg9[%parallel_loop3A_938] {strides = array<i32>} : memref<16384xf32, #tpu.memory_space<vmem>>, vector<16xf32>,
      %parallel_loop3A_940 = vector.shape_cast %parallel_loop3A_939 : vector<16xf32> to vector<16xf32>
      %parallel_loop3A_941 = vector.shape_cast %parallel_loop3A_937 : vector<16xf32> to vector<16xf32>
      tpu.vector_store %arg9[%parallel_loop3A_938], %parallel_loop3A_941 {strides = array<i32>} : memref<16384xf32, #tpu.memory_space<vmem>>, vector<16xf32>,
    } {sc.loop_unroll_factor = 8 : i64, sc.parallel_access}
    %add3A_520 = arith.constant 4194304 : i32
    %add3A_521 = arith.addi %add3A_520, %mul3A_2 : i32
    %add3A_522 = arith.constant 65536 : i32
    %add3A_523 = arith.addi %add3A_521, %add3A_522 : i32
    %dma_start3A_524 = tpu.memref_slice %arg4[%add3A_523] : memref<16777216xf32, #tpu.memory_space<hbm>> -> memref<16384xf32, #tpu.memory_space<hbm>>
    %dma_start3A_525 = tpu.memref_slice %arg4[%add3A_523] : memref<16777216xf32, #tpu.memory_space<hbm>> -> memref<16384xf32, #tpu.memory_space<hbm>>
    tpu.enqueue_dma source(%arg9 : memref<16384xf32, #tpu.memory_space<vmem>>) target(%dma_start3A_525 : memref<16384xf32, #tpu.memory_space<hbm>>) target_semaphore(%arg16 : memref<!tpu.dma_semaphore, #tpu.memory_space<semaphore_mem>>)
    %add3A_526 = arith.constant 0 : i32
    %add3A_527 = arith.addi %add3A_526, %mul3A_2 : i32
    %add3A_528 = arith.constant 81920 : i32
    %add3A_529 = arith.addi %add3A_527, %add3A_528 : i32
    %dma_start3A_530 = tpu.memref_slice %arg2[%add3A_529] : memref<16777216xf32, #tpu.memory_space<hbm>> -> memref<16384xf32, #tpu.memory_space<hbm>>
    %dma_start3A_531 = tpu.memref_slice %arg2[%add3A_529] : memref<16777216xf32, #tpu.memory_space<hbm>> -> memref<16384xf32, #tpu.memory_space<hbm>>
    tpu.enqueue_dma source(%dma_start3A_531 : memref<16384xf32, #tpu.memory_space<hbm>>) target(%arg7 : memref<16384xf32, #tpu.memory_space<vmem>>) target_semaphore(%arg14 : memref<!tpu.dma_semaphore, #tpu.memory_space<semaphore_mem>>)
    %add3A_532 = arith.constant 81920 : i32
    %add3A_533 = arith.addi %mul3A_2, %add3A_532 : i32
    %dma_start3A_534 = tpu.memref_slice %arg3[%add3A_533] : memref<4194304xf32, #tpu.memory_space<hbm>> -> memref<16384xf32, #tpu.memory_space<hbm>>
    %dma_start3A_535 = tpu.memref_slice %arg3[%add3A_533] : memref<4194304xf32, #tpu.memory_space<hbm>> -> memref<16384xf32, #tpu.memory_space<hbm>>
    tpu.enqueue_dma source(%dma_start3A_535 : memref<16384xf32, #tpu.memory_space<hbm>>) target(%arg11 : memref<16384xf32, #tpu.memory_space<vmem>>) target_semaphore(%arg18 : memref<!tpu.dma_semaphore, #tpu.memory_space<semaphore_mem>>)
    %add3A_536 = arith.constant 8388608 : i32
    %add3A_537 = arith.addi %add3A_536, %mul3A_2 : i32
    %add3A_538 = arith.constant 65536 : i32
    %add3A_539 = arith.addi %add3A_537, %add3A_538 : i32
    %dma_wait3A_540 = tpu.memref_slice %arg2[%add3A_539] : memref<16777216xf32, #tpu.memory_space<hbm>> -> memref<16384xf32, #tpu.memory_space<hbm>>
    %dma_wait3A_541 = tpu.memref_slice %arg2[%add3A_539] : memref<16777216xf32, #tpu.memory_space<hbm>> -> memref<16384xf32, #tpu.memory_space<hbm>>
    tpu.wait_dma2 semaphore(%arg12 : memref<!tpu.dma_semaphore, #tpu.memory_space<semaphore_mem>>) src(%dma_wait3A_541 : memref<16384xf32, #tpu.memory_space<hbm>>) dst(%arg5 : memref<16384xf32, #tpu.memory_space<vmem>>)
    %add3A_542 = arith.constant 0 : i32
    %add3A_543 = arith.addi %add3A_542, %mul3A_2 : i32
    %add3A_544 = arith.constant 65536 : i32
    %add3A_545 = arith.addi %add3A_543, %add3A_544 : i32
    %dma_wait3A_546 = tpu.memref_slice %arg4[%add3A_545] : memref<16777216xf32, #tpu.memory_space<hbm>> -> memref<16384xf32, #tpu.memory_space<hbm>>
    %dma_wait3A_547 = tpu.memref_slice %arg4[%add3A_545] : memref<16777216xf32, #tpu.memory_space<hbm>> -> memref<16384xf32, #tpu.memory_space<hbm>>
    tpu.wait_dma2 semaphore(%arg15 : memref<!tpu.dma_semaphore, #tpu.memory_space<semaphore_mem>>) src(%arg8 : memref<16384xf32, #tpu.memory_space<vmem>>) dst(%dma_wait3A_547 : memref<16384xf32, #tpu.memory_space<hbm>>)
    %parallel_loop3A_548 = arith.constant 0 : i32
    %parallel_loop3A_549 = arith.constant 1024 : i32
    %parallel_loop3A_550 = arith.constant 1 : i32
    scf.for %parallel_loop3A_928 = %parallel_loop3A_548 to %parallel_loop3A_549 step %parallel_loop3A_550  : i32 {
      %parallel_loop3A_929 = arith.constant 16 : i32
      %parallel_loop3A_930 = arith.muli %parallel_loop3A_928, %parallel_loop3A_929 : i32
      %parallel_loop3A_931 = arith.index_cast %parallel_loop3A_930 : i32 to index
      %parallel_loop3A_932 = tpu.vector_load %arg5[%parallel_loop3A_931] {strides = array<i32>} : memref<16384xf32, #tpu.memory_space<vmem>>, vector<16xf32>,
      %parallel_loop3A_933 = vector.shape_cast %parallel_loop3A_932 : vector<16xf32> to vector<16xf32>
      %parallel_loop3A_934 = arith.index_cast %parallel_loop3A_930 : i32 to index
      %parallel_loop3A_935 = tpu.vector_load %arg10[%parallel_loop3A_934] {strides = array<i32>} : memref<16384xf32, #tpu.memory_space<vmem>>, vector<16xf32>,
      %parallel_loop3A_936 = vector.shape_cast %parallel_loop3A_935 : vector<16xf32> to vector<16xf32>
      %parallel_loop3A_937 = arith.addf %parallel_loop3A_933, %parallel_loop3A_936 : vector<16xf32>
      %parallel_loop3A_938 = arith.index_cast %parallel_loop3A_930 : i32 to index
      %parallel_loop3A_939 = tpu.vector_load %arg8[%parallel_loop3A_938] {strides = array<i32>} : memref<16384xf32, #tpu.memory_space<vmem>>, vector<16xf32>,
      %parallel_loop3A_940 = vector.shape_cast %parallel_loop3A_939 : vector<16xf32> to vector<16xf32>
      %parallel_loop3A_941 = vector.shape_cast %parallel_loop3A_937 : vector<16xf32> to vector<16xf32>
      tpu.vector_store %arg8[%parallel_loop3A_938], %parallel_loop3A_941 {strides = array<i32>} : memref<16384xf32, #tpu.memory_space<vmem>>, vector<16xf32>,
    } {sc.loop_unroll_factor = 8 : i64, sc.parallel_access}
    %add3A_551 = arith.constant 8388608 : i32
    %add3A_552 = arith.addi %add3A_551, %mul3A_2 : i32
    %add3A_553 = arith.constant 65536 : i32
    %add3A_554 = arith.addi %add3A_552, %add3A_553 : i32
    %dma_start3A_555 = tpu.memref_slice %arg4[%add3A_554] : memref<16777216xf32, #tpu.memory_space<hbm>> -> memref<16384xf32, #tpu.memory_space<hbm>>
    %dma_start3A_556 = tpu.memref_slice %arg4[%add3A_554] : memref<16777216xf32, #tpu.memory_space<hbm>> -> memref<16384xf32, #tpu.memory_space<hbm>>
    tpu.enqueue_dma source(%arg8 : memref<16384xf32, #tpu.memory_space<vmem>>) target(%dma_start3A_556 : memref<16384xf32, #tpu.memory_space<hbm>>) target_semaphore(%arg15 : memref<!tpu.dma_semaphore, #tpu.memory_space<semaphore_mem>>)
    %add3A_557 = arith.constant 4194304 : i32
    %add3A_558 = arith.addi %add3A_557, %mul3A_2 : i32
    %add3A_559 = arith.constant 81920 : i32
    %add3A_560 = arith.addi %add3A_558, %add3A_559 : i32
    %dma_start3A_561 = tpu.memref_slice %arg2[%add3A_560] : memref<16777216xf32, #tpu.memory_space<hbm>> -> memref<16384xf32, #tpu.memory_space<hbm>>
    %dma_start3A_562 = tpu.memref_slice %arg2[%add3A_560] : memref<16777216xf32, #tpu.memory_space<hbm>> -> memref<16384xf32, #tpu.memory_space<hbm>>
    tpu.enqueue_dma source(%dma_start3A_562 : memref<16384xf32, #tpu.memory_space<hbm>>) target(%arg5 : memref<16384xf32, #tpu.memory_space<vmem>>) target_semaphore(%arg12 : memref<!tpu.dma_semaphore, #tpu.memory_space<semaphore_mem>>)
    %add3A_563 = arith.constant 12582912 : i32
    %add3A_564 = arith.addi %add3A_563, %mul3A_2 : i32
    %add3A_565 = arith.constant 65536 : i32
    %add3A_566 = arith.addi %add3A_564, %add3A_565 : i32
    %dma_wait3A_567 = tpu.memref_slice %arg2[%add3A_566] : memref<16777216xf32, #tpu.memory_space<hbm>> -> memref<16384xf32, #tpu.memory_space<hbm>>
    %dma_wait3A_568 = tpu.memref_slice %arg2[%add3A_566] : memref<16777216xf32, #tpu.memory_space<hbm>> -> memref<16384xf32, #tpu.memory_space<hbm>>
    tpu.wait_dma2 semaphore(%arg13 : memref<!tpu.dma_semaphore, #tpu.memory_space<semaphore_mem>>) src(%dma_wait3A_568 : memref<16384xf32, #tpu.memory_space<hbm>>) dst(%arg6 : memref<16384xf32, #tpu.memory_space<vmem>>)
    %add3A_569 = arith.constant 4194304 : i32
    %add3A_570 = arith.addi %add3A_569, %mul3A_2 : i32
    %add3A_571 = arith.constant 65536 : i32
    %add3A_572 = arith.addi %add3A_570, %add3A_571 : i32
    %dma_wait3A_573 = tpu.memref_slice %arg4[%add3A_572] : memref<16777216xf32, #tpu.memory_space<hbm>> -> memref<16384xf32, #tpu.memory_space<hbm>>
    %dma_wait3A_574 = tpu.memref_slice %arg4[%add3A_572] : memref<16777216xf32, #tpu.memory_space<hbm>> -> memref<16384xf32, #tpu.memory_space<hbm>>
    tpu.wait_dma2 semaphore(%arg16 : memref<!tpu.dma_semaphore, #tpu.memory_space<semaphore_mem>>) src(%arg9 : memref<16384xf32, #tpu.memory_space<vmem>>) dst(%dma_wait3A_574 : memref<16384xf32, #tpu.memory_space<hbm>>)
    %parallel_loop3A_575 = arith.constant 0 : i32
    %parallel_loop3A_576 = arith.constant 1024 : i32
    %parallel_loop3A_577 = arith.constant 1 : i32
    scf.for %parallel_loop3A_928 = %parallel_loop3A_575 to %parallel_loop3A_576 step %parallel_loop3A_577  : i32 {
      %parallel_loop3A_929 = arith.constant 16 : i32
      %parallel_loop3A_930 = arith.muli %parallel_loop3A_928, %parallel_loop3A_929 : i32
      %parallel_loop3A_931 = arith.index_cast %parallel_loop3A_930 : i32 to index
      %parallel_loop3A_932 = tpu.vector_load %arg6[%parallel_loop3A_931] {strides = array<i32>} : memref<16384xf32, #tpu.memory_space<vmem>>, vector<16xf32>,
      %parallel_loop3A_933 = vector.shape_cast %parallel_loop3A_932 : vector<16xf32> to vector<16xf32>
      %parallel_loop3A_934 = arith.index_cast %parallel_loop3A_930 : i32 to index
      %parallel_loop3A_935 = tpu.vector_load %arg10[%parallel_loop3A_934] {strides = array<i32>} : memref<16384xf32, #tpu.memory_space<vmem>>, vector<16xf32>,
      %parallel_loop3A_936 = vector.shape_cast %parallel_loop3A_935 : vector<16xf32> to vector<16xf32>
      %parallel_loop3A_937 = arith.addf %parallel_loop3A_933, %parallel_loop3A_936 : vector<16xf32>
      %parallel_loop3A_938 = arith.index_cast %parallel_loop3A_930 : i32 to index
      %parallel_loop3A_939 = tpu.vector_load %arg9[%parallel_loop3A_938] {strides = array<i32>} : memref<16384xf32, #tpu.memory_space<vmem>>, vector<16xf32>,
      %parallel_loop3A_940 = vector.shape_cast %parallel_loop3A_939 : vector<16xf32> to vector<16xf32>
      %parallel_loop3A_941 = vector.shape_cast %parallel_loop3A_937 : vector<16xf32> to vector<16xf32>
      tpu.vector_store %arg9[%parallel_loop3A_938], %parallel_loop3A_941 {strides = array<i32>} : memref<16384xf32, #tpu.memory_space<vmem>>, vector<16xf32>,
    } {sc.loop_unroll_factor = 8 : i64, sc.parallel_access}
    %add3A_578 = arith.constant 12582912 : i32
    %add3A_579 = arith.addi %add3A_578, %mul3A_2 : i32
    %add3A_580 = arith.constant 65536 : i32
    %add3A_581 = arith.addi %add3A_579, %add3A_580 : i32
    %dma_start3A_582 = tpu.memref_slice %arg4[%add3A_581] : memref<16777216xf32, #tpu.memory_space<hbm>> -> memref<16384xf32, #tpu.memory_space<hbm>>
    %dma_start3A_583 = tpu.memref_slice %arg4[%add3A_581] : memref<16777216xf32, #tpu.memory_space<hbm>> -> memref<16384xf32, #tpu.memory_space<hbm>>
    tpu.enqueue_dma source(%arg9 : memref<16384xf32, #tpu.memory_space<vmem>>) target(%dma_start3A_583 : memref<16384xf32, #tpu.memory_space<hbm>>) target_semaphore(%arg16 : memref<!tpu.dma_semaphore, #tpu.memory_space<semaphore_mem>>)
    %add3A_584 = arith.constant 8388608 : i32
    %add3A_585 = arith.addi %add3A_584, %mul3A_2 : i32
    %add3A_586 = arith.constant 81920 : i32
    %add3A_587 = arith.addi %add3A_585, %add3A_586 : i32
    %dma_start3A_588 = tpu.memref_slice %arg2[%add3A_587] : memref<16777216xf32, #tpu.memory_space<hbm>> -> memref<16384xf32, #tpu.memory_space<hbm>>
    %dma_start3A_589 = tpu.memref_slice %arg2[%add3A_587] : memref<16777216xf32, #tpu.memory_space<hbm>> -> memref<16384xf32, #tpu.memory_space<hbm>>
    tpu.enqueue_dma source(%dma_start3A_589 : memref<16384xf32, #tpu.memory_space<hbm>>) target(%arg6 : memref<16384xf32, #tpu.memory_space<vmem>>) target_semaphore(%arg13 : memref<!tpu.dma_semaphore, #tpu.memory_space<semaphore_mem>>)
    %add3A_590 = arith.constant 0 : i32
    %add3A_591 = arith.addi %add3A_590, %mul3A_2 : i32
    %add3A_592 = arith.constant 81920 : i32
    %add3A_593 = arith.addi %add3A_591, %add3A_592 : i32
    %dma_wait3A_594 = tpu.memref_slice %arg2[%add3A_593] : memref<16777216xf32, #tpu.memory_space<hbm>> -> memref<16384xf32, #tpu.memory_space<hbm>>
    %dma_wait3A_595 = tpu.memref_slice %arg2[%add3A_593] : memref<16777216xf32, #tpu.memory_space<hbm>> -> memref<16384xf32, #tpu.memory_space<hbm>>
    tpu.wait_dma2 semaphore(%arg14 : memref<!tpu.dma_semaphore, #tpu.memory_space<semaphore_mem>>) src(%dma_wait3A_595 : memref<16384xf32, #tpu.memory_space<hbm>>) dst(%arg7 : memref<16384xf32, #tpu.memory_space<vmem>>)
    %add3A_596 = arith.constant 81920 : i32
    %add3A_597 = arith.addi %mul3A_2, %add3A_596 : i32
    %dma_wait3A_598 = tpu.memref_slice %arg3[%add3A_597] : memref<4194304xf32, #tpu.memory_space<hbm>> -> memref<16384xf32, #tpu.memory_space<hbm>>
    %dma_wait3A_599 = tpu.memref_slice %arg3[%add3A_597] : memref<4194304xf32, #tpu.memory_space<hbm>> -> memref<16384xf32, #tpu.memory_space<hbm>>
    tpu.wait_dma2 semaphore(%arg18 : memref<!tpu.dma_semaphore, #tpu.memory_space<semaphore_mem>>) src(%dma_wait3A_599 : memref<16384xf32, #tpu.memory_space<hbm>>) dst(%arg11 : memref<16384xf32, #tpu.memory_space<vmem>>)
    %add3A_600 = arith.constant 8388608 : i32
    %add3A_601 = arith.addi %add3A_600, %mul3A_2 : i32
    %add3A_602 = arith.constant 65536 : i32
    %add3A_603 = arith.addi %add3A_601, %add3A_602 : i32
    %dma_wait3A_604 = tpu.memref_slice %arg4[%add3A_603] : memref<16777216xf32, #tpu.memory_space<hbm>> -> memref<16384xf32, #tpu.memory_space<hbm>>
    %dma_wait3A_605 = tpu.memref_slice %arg4[%add3A_603] : memref<16777216xf32, #tpu.memory_space<hbm>> -> memref<16384xf32, #tpu.memory_space<hbm>>
    tpu.wait_dma2 semaphore(%arg15 : memref<!tpu.dma_semaphore, #tpu.memory_space<semaphore_mem>>) src(%arg8 : memref<16384xf32, #tpu.memory_space<vmem>>) dst(%dma_wait3A_605 : memref<16384xf32, #tpu.memory_space<hbm>>)
    %parallel_loop3A_606 = arith.constant 0 : i32
    %parallel_loop3A_607 = arith.constant 1024 : i32
    %parallel_loop3A_608 = arith.constant 1 : i32
    scf.for %parallel_loop3A_928 = %parallel_loop3A_606 to %parallel_loop3A_607 step %parallel_loop3A_608  : i32 {
      %parallel_loop3A_929 = arith.constant 16 : i32
      %parallel_loop3A_930 = arith.muli %parallel_loop3A_928, %parallel_loop3A_929 : i32
      %parallel_loop3A_931 = arith.index_cast %parallel_loop3A_930 : i32 to index
      %parallel_loop3A_932 = tpu.vector_load %arg7[%parallel_loop3A_931] {strides = array<i32>} : memref<16384xf32, #tpu.memory_space<vmem>>, vector<16xf32>,
      %parallel_loop3A_933 = vector.shape_cast %parallel_loop3A_932 : vector<16xf32> to vector<16xf32>
      %parallel_loop3A_934 = arith.index_cast %parallel_loop3A_930 : i32 to index
      %parallel_loop3A_935 = tpu.vector_load %arg11[%parallel_loop3A_934] {strides = array<i32>} : memref<16384xf32, #tpu.memory_space<vmem>>, vector<16xf32>,
      %parallel_loop3A_936 = vector.shape_cast %parallel_loop3A_935 : vector<16xf32> to vector<16xf32>
      %parallel_loop3A_937 = arith.addf %parallel_loop3A_933, %parallel_loop3A_936 : vector<16xf32>
      %parallel_loop3A_938 = arith.index_cast %parallel_loop3A_930 : i32 to index
      %parallel_loop3A_939 = tpu.vector_load %arg8[%parallel_loop3A_938] {strides = array<i32>} : memref<16384xf32, #tpu.memory_space<vmem>>, vector<16xf32>,
      %parallel_loop3A_940 = vector.shape_cast %parallel_loop3A_939 : vector<16xf32> to vector<16xf32>
      %parallel_loop3A_941 = vector.shape_cast %parallel_loop3A_937 : vector<16xf32> to vector<16xf32>
      tpu.vector_store %arg8[%parallel_loop3A_938], %parallel_loop3A_941 {strides = array<i32>} : memref<16384xf32, #tpu.memory_space<vmem>>, vector<16xf32>,
    } {sc.loop_unroll_factor = 8 : i64, sc.parallel_access}
    %add3A_609 = arith.constant 0 : i32
    %add3A_610 = arith.addi %add3A_609, %mul3A_2 : i32
    %add3A_611 = arith.constant 81920 : i32
    %add3A_612 = arith.addi %add3A_610, %add3A_611 : i32
    %dma_start3A_613 = tpu.memref_slice %arg4[%add3A_612] : memref<16777216xf32, #tpu.memory_space<hbm>> -> memref<16384xf32, #tpu.memory_space<hbm>>
    %dma_start3A_614 = tpu.memref_slice %arg4[%add3A_612] : memref<16777216xf32, #tpu.memory_space<hbm>> -> memref<16384xf32, #tpu.memory_space<hbm>>
    tpu.enqueue_dma source(%arg8 : memref<16384xf32, #tpu.memory_space<vmem>>) target(%dma_start3A_614 : memref<16384xf32, #tpu.memory_space<hbm>>) target_semaphore(%arg15 : memref<!tpu.dma_semaphore, #tpu.memory_space<semaphore_mem>>)
    %add3A_615 = arith.constant 12582912 : i32
    %add3A_616 = arith.addi %add3A_615, %mul3A_2 : i32
    %add3A_617 = arith.constant 81920 : i32
    %add3A_618 = arith.addi %add3A_616, %add3A_617 : i32
    %dma_start3A_619 = tpu.memref_slice %arg2[%add3A_618] : memref<16777216xf32, #tpu.memory_space<hbm>> -> memref<16384xf32, #tpu.memory_space<hbm>>
    %dma_start3A_620 = tpu.memref_slice %arg2[%add3A_618] : memref<16777216xf32, #tpu.memory_space<hbm>> -> memref<16384xf32, #tpu.memory_space<hbm>>
    tpu.enqueue_dma source(%dma_start3A_620 : memref<16384xf32, #tpu.memory_space<hbm>>) target(%arg7 : memref<16384xf32, #tpu.memory_space<vmem>>) target_semaphore(%arg14 : memref<!tpu.dma_semaphore, #tpu.memory_space<semaphore_mem>>)
    %add3A_621 = arith.constant 4194304 : i32
    %add3A_622 = arith.addi %add3A_621, %mul3A_2 : i32
    %add3A_623 = arith.constant 81920 : i32
    %add3A_624 = arith.addi %add3A_622, %add3A_623 : i32
    %dma_wait3A_625 = tpu.memref_slice %arg2[%add3A_624] : memref<16777216xf32, #tpu.memory_space<hbm>> -> memref<16384xf32, #tpu.memory_space<hbm>>
    %dma_wait3A_626 = tpu.memref_slice %arg2[%add3A_624] : memref<16777216xf32, #tpu.memory_space<hbm>> -> memref<16384xf32, #tpu.memory_space<hbm>>
    tpu.wait_dma2 semaphore(%arg12 : memref<!tpu.dma_semaphore, #tpu.memory_space<semaphore_mem>>) src(%dma_wait3A_626 : memref<16384xf32, #tpu.memory_space<hbm>>) dst(%arg5 : memref<16384xf32, #tpu.memory_space<vmem>>)
    %add3A_627 = arith.constant 12582912 : i32
    %add3A_628 = arith.addi %add3A_627, %mul3A_2 : i32
    %add3A_629 = arith.constant 65536 : i32
    %add3A_630 = arith.addi %add3A_628, %add3A_629 : i32
    %dma_wait3A_631 = tpu.memref_slice %arg4[%add3A_630] : memref<16777216xf32, #tpu.memory_space<hbm>> -> memref<16384xf32, #tpu.memory_space<hbm>>
    %dma_wait3A_632 = tpu.memref_slice %arg4[%add3A_630] : memref<16777216xf32, #tpu.memory_space<hbm>> -> memref<16384xf32, #tpu.memory_space<hbm>>
    tpu.wait_dma2 semaphore(%arg16 : memref<!tpu.dma_semaphore, #tpu.memory_space<semaphore_mem>>) src(%arg9 : memref<16384xf32, #tpu.memory_space<vmem>>) dst(%dma_wait3A_632 : memref<16384xf32, #tpu.memory_space<hbm>>)
    %parallel_loop3A_633 = arith.constant 0 : i32
    %parallel_loop3A_634 = arith.constant 1024 : i32
    %parallel_loop3A_635 = arith.constant 1 : i32
    scf.for %parallel_loop3A_928 = %parallel_loop3A_633 to %parallel_loop3A_634 step %parallel_loop3A_635  : i32 {
      %parallel_loop3A_929 = arith.constant 16 : i32
      %parallel_loop3A_930 = arith.muli %parallel_loop3A_928, %parallel_loop3A_929 : i32
      %parallel_loop3A_931 = arith.index_cast %parallel_loop3A_930 : i32 to index
      %parallel_loop3A_932 = tpu.vector_load %arg5[%parallel_loop3A_931] {strides = array<i32>} : memref<16384xf32, #tpu.memory_space<vmem>>, vector<16xf32>,
      %parallel_loop3A_933 = vector.shape_cast %parallel_loop3A_932 : vector<16xf32> to vector<16xf32>
      %parallel_loop3A_934 = arith.index_cast %parallel_loop3A_930 : i32 to index
      %parallel_loop3A_935 = tpu.vector_load %arg11[%parallel_loop3A_934] {strides = array<i32>} : memref<16384xf32, #tpu.memory_space<vmem>>, vector<16xf32>,
      %parallel_loop3A_936 = vector.shape_cast %parallel_loop3A_935 : vector<16xf32> to vector<16xf32>
      %parallel_loop3A_937 = arith.addf %parallel_loop3A_933, %parallel_loop3A_936 : vector<16xf32>
      %parallel_loop3A_938 = arith.index_cast %parallel_loop3A_930 : i32 to index
      %parallel_loop3A_939 = tpu.vector_load %arg9[%parallel_loop3A_938] {strides = array<i32>} : memref<16384xf32, #tpu.memory_space<vmem>>, vector<16xf32>,
      %parallel_loop3A_940 = vector.shape_cast %parallel_loop3A_939 : vector<16xf32> to vector<16xf32>
      %parallel_loop3A_941 = vector.shape_cast %parallel_loop3A_937 : vector<16xf32> to vector<16xf32>
      tpu.vector_store %arg9[%parallel_loop3A_938], %parallel_loop3A_941 {strides = array<i32>} : memref<16384xf32, #tpu.memory_space<vmem>>, vector<16xf32>,
    } {sc.loop_unroll_factor = 8 : i64, sc.parallel_access}
    %add3A_636 = arith.constant 4194304 : i32
    %add3A_637 = arith.addi %add3A_636, %mul3A_2 : i32
    %add3A_638 = arith.constant 81920 : i32
    %add3A_639 = arith.addi %add3A_637, %add3A_638 : i32
    %dma_start3A_640 = tpu.memref_slice %arg4[%add3A_639] : memref<16777216xf32, #tpu.memory_space<hbm>> -> memref<16384xf32, #tpu.memory_space<hbm>>
    %dma_start3A_641 = tpu.memref_slice %arg4[%add3A_639] : memref<16777216xf32, #tpu.memory_space<hbm>> -> memref<16384xf32, #tpu.memory_space<hbm>>
    tpu.enqueue_dma source(%arg9 : memref<16384xf32, #tpu.memory_space<vmem>>) target(%dma_start3A_641 : memref<16384xf32, #tpu.memory_space<hbm>>) target_semaphore(%arg16 : memref<!tpu.dma_semaphore, #tpu.memory_space<semaphore_mem>>)
    %add3A_642 = arith.constant 0 : i32
    %add3A_643 = arith.addi %add3A_642, %mul3A_2 : i32
    %add3A_644 = arith.constant 98304 : i32
    %add3A_645 = arith.addi %add3A_643, %add3A_644 : i32
    %dma_start3A_646 = tpu.memref_slice %arg2[%add3A_645] : memref<16777216xf32, #tpu.memory_space<hbm>> -> memref<16384xf32, #tpu.memory_space<hbm>>
    %dma_start3A_647 = tpu.memref_slice %arg2[%add3A_645] : memref<16777216xf32, #tpu.memory_space<hbm>> -> memref<16384xf32, #tpu.memory_space<hbm>>
    tpu.enqueue_dma source(%dma_start3A_647 : memref<16384xf32, #tpu.memory_space<hbm>>) target(%arg5 : memref<16384xf32, #tpu.memory_space<vmem>>) target_semaphore(%arg12 : memref<!tpu.dma_semaphore, #tpu.memory_space<semaphore_mem>>)
    %add3A_648 = arith.constant 98304 : i32
    %add3A_649 = arith.addi %mul3A_2, %add3A_648 : i32
    %dma_start3A_650 = tpu.memref_slice %arg3[%add3A_649] : memref<4194304xf32, #tpu.memory_space<hbm>> -> memref<16384xf32, #tpu.memory_space<hbm>>
    %dma_start3A_651 = tpu.memref_slice %arg3[%add3A_649] : memref<4194304xf32, #tpu.memory_space<hbm>> -> memref<16384xf32, #tpu.memory_space<hbm>>
    tpu.enqueue_dma source(%dma_start3A_651 : memref<16384xf32, #tpu.memory_space<hbm>>) target(%arg10 : memref<16384xf32, #tpu.memory_space<vmem>>) target_semaphore(%arg17 : memref<!tpu.dma_semaphore, #tpu.memory_space<semaphore_mem>>)
    %add3A_652 = arith.constant 8388608 : i32
    %add3A_653 = arith.addi %add3A_652, %mul3A_2 : i32
    %add3A_654 = arith.constant 81920 : i32
    %add3A_655 = arith.addi %add3A_653, %add3A_654 : i32
    %dma_wait3A_656 = tpu.memref_slice %arg2[%add3A_655] : memref<16777216xf32, #tpu.memory_space<hbm>> -> memref<16384xf32, #tpu.memory_space<hbm>>
    %dma_wait3A_657 = tpu.memref_slice %arg2[%add3A_655] : memref<16777216xf32, #tpu.memory_space<hbm>> -> memref<16384xf32, #tpu.memory_space<hbm>>
    tpu.wait_dma2 semaphore(%arg13 : memref<!tpu.dma_semaphore, #tpu.memory_space<semaphore_mem>>) src(%dma_wait3A_657 : memref<16384xf32, #tpu.memory_space<hbm>>) dst(%arg6 : memref<16384xf32, #tpu.memory_space<vmem>>)
    %add3A_658 = arith.constant 0 : i32
    %add3A_659 = arith.addi %add3A_658, %mul3A_2 : i32
    %add3A_660 = arith.constant 81920 : i32
    %add3A_661 = arith.addi %add3A_659, %add3A_660 : i32
    %dma_wait3A_662 = tpu.memref_slice %arg4[%add3A_661] : memref<16777216xf32, #tpu.memory_space<hbm>> -> memref<16384xf32, #tpu.memory_space<hbm>>
    %dma_wait3A_663 = tpu.memref_slice %arg4[%add3A_661] : memref<16777216xf32, #tpu.memory_space<hbm>> -> memref<16384xf32, #tpu.memory_space<hbm>>
    tpu.wait_dma2 semaphore(%arg15 : memref<!tpu.dma_semaphore, #tpu.memory_space<semaphore_mem>>) src(%arg8 : memref<16384xf32, #tpu.memory_space<vmem>>) dst(%dma_wait3A_663 : memref<16384xf32, #tpu.memory_space<hbm>>)
    %parallel_loop3A_664 = arith.constant 0 : i32
    %parallel_loop3A_665 = arith.constant 1024 : i32
    %parallel_loop3A_666 = arith.constant 1 : i32
    scf.for %parallel_loop3A_928 = %parallel_loop3A_664 to %parallel_loop3A_665 step %parallel_loop3A_666  : i32 {
      %parallel_loop3A_929 = arith.constant 16 : i32
      %parallel_loop3A_930 = arith.muli %parallel_loop3A_928, %parallel_loop3A_929 : i32
      %parallel_loop3A_931 = arith.index_cast %parallel_loop3A_930 : i32 to index
      %parallel_loop3A_932 = tpu.vector_load %arg6[%parallel_loop3A_931] {strides = array<i32>} : memref<16384xf32, #tpu.memory_space<vmem>>, vector<16xf32>,
      %parallel_loop3A_933 = vector.shape_cast %parallel_loop3A_932 : vector<16xf32> to vector<16xf32>
      %parallel_loop3A_934 = arith.index_cast %parallel_loop3A_930 : i32 to index
      %parallel_loop3A_935 = tpu.vector_load %arg11[%parallel_loop3A_934] {strides = array<i32>} : memref<16384xf32, #tpu.memory_space<vmem>>, vector<16xf32>,
      %parallel_loop3A_936 = vector.shape_cast %parallel_loop3A_935 : vector<16xf32> to vector<16xf32>
      %parallel_loop3A_937 = arith.addf %parallel_loop3A_933, %parallel_loop3A_936 : vector<16xf32>
      %parallel_loop3A_938 = arith.index_cast %parallel_loop3A_930 : i32 to index
      %parallel_loop3A_939 = tpu.vector_load %arg8[%parallel_loop3A_938] {strides = array<i32>} : memref<16384xf32, #tpu.memory_space<vmem>>, vector<16xf32>,
      %parallel_loop3A_940 = vector.shape_cast %parallel_loop3A_939 : vector<16xf32> to vector<16xf32>
      %parallel_loop3A_941 = vector.shape_cast %parallel_loop3A_937 : vector<16xf32> to vector<16xf32>
      tpu.vector_store %arg8[%parallel_loop3A_938], %parallel_loop3A_941 {strides = array<i32>} : memref<16384xf32, #tpu.memory_space<vmem>>, vector<16xf32>,
    } {sc.loop_unroll_factor = 8 : i64, sc.parallel_access}
    %add3A_667 = arith.constant 8388608 : i32
    %add3A_668 = arith.addi %add3A_667, %mul3A_2 : i32
    %add3A_669 = arith.constant 81920 : i32
    %add3A_670 = arith.addi %add3A_668, %add3A_669 : i32
    %dma_start3A_671 = tpu.memref_slice %arg4[%add3A_670] : memref<16777216xf32, #tpu.memory_space<hbm>> -> memref<16384xf32, #tpu.memory_space<hbm>>
    %dma_start3A_672 = tpu.memref_slice %arg4[%add3A_670] : memref<16777216xf32, #tpu.memory_space<hbm>> -> memref<16384xf32, #tpu.memory_space<hbm>>
    tpu.enqueue_dma source(%arg8 : memref<16384xf32, #tpu.memory_space<vmem>>) target(%dma_start3A_672 : memref<16384xf32, #tpu.memory_space<hbm>>) target_semaphore(%arg15 : memref<!tpu.dma_semaphore, #tpu.memory_space<semaphore_mem>>)
    %add3A_673 = arith.constant 4194304 : i32
    %add3A_674 = arith.addi %add3A_673, %mul3A_2 : i32
    %add3A_675 = arith.constant 98304 : i32
    %add3A_676 = arith.addi %add3A_674, %add3A_675 : i32
    %dma_start3A_677 = tpu.memref_slice %arg2[%add3A_676] : memref<16777216xf32, #tpu.memory_space<hbm>> -> memref<16384xf32, #tpu.memory_space<hbm>>
    %dma_start3A_678 = tpu.memref_slice %arg2[%add3A_676] : memref<16777216xf32, #tpu.memory_space<hbm>> -> memref<16384xf32, #tpu.memory_space<hbm>>
    tpu.enqueue_dma source(%dma_start3A_678 : memref<16384xf32, #tpu.memory_space<hbm>>) target(%arg6 : memref<16384xf32, #tpu.memory_space<vmem>>) target_semaphore(%arg13 : memref<!tpu.dma_semaphore, #tpu.memory_space<semaphore_mem>>)
    %add3A_679 = arith.constant 12582912 : i32
    %add3A_680 = arith.addi %add3A_679, %mul3A_2 : i32
    %add3A_681 = arith.constant 81920 : i32
    %add3A_682 = arith.addi %add3A_680, %add3A_681 : i32
    %dma_wait3A_683 = tpu.memref_slice %arg2[%add3A_682] : memref<16777216xf32, #tpu.memory_space<hbm>> -> memref<16384xf32, #tpu.memory_space<hbm>>
    %dma_wait3A_684 = tpu.memref_slice %arg2[%add3A_682] : memref<16777216xf32, #tpu.memory_space<hbm>> -> memref<16384xf32, #tpu.memory_space<hbm>>
    tpu.wait_dma2 semaphore(%arg14 : memref<!tpu.dma_semaphore, #tpu.memory_space<semaphore_mem>>) src(%dma_wait3A_684 : memref<16384xf32, #tpu.memory_space<hbm>>) dst(%arg7 : memref<16384xf32, #tpu.memory_space<vmem>>)
    %add3A_685 = arith.constant 4194304 : i32
    %add3A_686 = arith.addi %add3A_685, %mul3A_2 : i32
    %add3A_687 = arith.constant 81920 : i32
    %add3A_688 = arith.addi %add3A_686, %add3A_687 : i32
    %dma_wait3A_689 = tpu.memref_slice %arg4[%add3A_688] : memref<16777216xf32, #tpu.memory_space<hbm>> -> memref<16384xf32, #tpu.memory_space<hbm>>
    %dma_wait3A_690 = tpu.memref_slice %arg4[%add3A_688] : memref<16777216xf32, #tpu.memory_space<hbm>> -> memref<16384xf32, #tpu.memory_space<hbm>>
    tpu.wait_dma2 semaphore(%arg16 : memref<!tpu.dma_semaphore, #tpu.memory_space<semaphore_mem>>) src(%arg9 : memref<16384xf32, #tpu.memory_space<vmem>>) dst(%dma_wait3A_690 : memref<16384xf32, #tpu.memory_space<hbm>>)
    %parallel_loop3A_691 = arith.constant 0 : i32
    %parallel_loop3A_692 = arith.constant 1024 : i32
    %parallel_loop3A_693 = arith.constant 1 : i32
    scf.for %parallel_loop3A_928 = %parallel_loop3A_691 to %parallel_loop3A_692 step %parallel_loop3A_693  : i32 {
      %parallel_loop3A_929 = arith.constant 16 : i32
      %parallel_loop3A_930 = arith.muli %parallel_loop3A_928, %parallel_loop3A_929 : i32
      %parallel_loop3A_931 = arith.index_cast %parallel_loop3A_930 : i32 to index
      %parallel_loop3A_932 = tpu.vector_load %arg7[%parallel_loop3A_931] {strides = array<i32>} : memref<16384xf32, #tpu.memory_space<vmem>>, vector<16xf32>,
      %parallel_loop3A_933 = vector.shape_cast %parallel_loop3A_932 : vector<16xf32> to vector<16xf32>
      %parallel_loop3A_934 = arith.index_cast %parallel_loop3A_930 : i32 to index
      %parallel_loop3A_935 = tpu.vector_load %arg11[%parallel_loop3A_934] {strides = array<i32>} : memref<16384xf32, #tpu.memory_space<vmem>>, vector<16xf32>,
      %parallel_loop3A_936 = vector.shape_cast %parallel_loop3A_935 : vector<16xf32> to vector<16xf32>
      %parallel_loop3A_937 = arith.addf %parallel_loop3A_933, %parallel_loop3A_936 : vector<16xf32>
      %parallel_loop3A_938 = arith.index_cast %parallel_loop3A_930 : i32 to index
      %parallel_loop3A_939 = tpu.vector_load %arg9[%parallel_loop3A_938] {strides = array<i32>} : memref<16384xf32, #tpu.memory_space<vmem>>, vector<16xf32>,
      %parallel_loop3A_940 = vector.shape_cast %parallel_loop3A_939 : vector<16xf32> to vector<16xf32>
      %parallel_loop3A_941 = vector.shape_cast %parallel_loop3A_937 : vector<16xf32> to vector<16xf32>
      tpu.vector_store %arg9[%parallel_loop3A_938], %parallel_loop3A_941 {strides = array<i32>} : memref<16384xf32, #tpu.memory_space<vmem>>, vector<16xf32>,
    } {sc.loop_unroll_factor = 8 : i64, sc.parallel_access}
    %add3A_694 = arith.constant 12582912 : i32
    %add3A_695 = arith.addi %add3A_694, %mul3A_2 : i32
    %add3A_696 = arith.constant 81920 : i32
    %add3A_697 = arith.addi %add3A_695, %add3A_696 : i32
    %dma_start3A_698 = tpu.memref_slice %arg4[%add3A_697] : memref<16777216xf32, #tpu.memory_space<hbm>> -> memref<16384xf32, #tpu.memory_space<hbm>>
    %dma_start3A_699 = tpu.memref_slice %arg4[%add3A_697] : memref<16777216xf32, #tpu.memory_space<hbm>> -> memref<16384xf32, #tpu.memory_space<hbm>>
    tpu.enqueue_dma source(%arg9 : memref<16384xf32, #tpu.memory_space<vmem>>) target(%dma_start3A_699 : memref<16384xf32, #tpu.memory_space<hbm>>) target_semaphore(%arg16 : memref<!tpu.dma_semaphore, #tpu.memory_space<semaphore_mem>>)
    %add3A_700 = arith.constant 8388608 : i32
    %add3A_701 = arith.addi %add3A_700, %mul3A_2 : i32
    %add3A_702 = arith.constant 98304 : i32
    %add3A_703 = arith.addi %add3A_701, %add3A_702 : i32
    %dma_start3A_704 = tpu.memref_slice %arg2[%add3A_703] : memref<16777216xf32, #tpu.memory_space<hbm>> -> memref<16384xf32, #tpu.memory_space<hbm>>
    %dma_start3A_705 = tpu.memref_slice %arg2[%add3A_703] : memref<16777216xf32, #tpu.memory_space<hbm>> -> memref<16384xf32, #tpu.memory_space<hbm>>
    tpu.enqueue_dma source(%dma_start3A_705 : memref<16384xf32, #tpu.memory_space<hbm>>) target(%arg7 : memref<16384xf32, #tpu.memory_space<vmem>>) target_semaphore(%arg14 : memref<!tpu.dma_semaphore, #tpu.memory_space<semaphore_mem>>)
    %add3A_706 = arith.constant 0 : i32
    %add3A_707 = arith.addi %add3A_706, %mul3A_2 : i32
    %add3A_708 = arith.constant 98304 : i32
    %add3A_709 = arith.addi %add3A_707, %add3A_708 : i32
    %dma_wait3A_710 = tpu.memref_slice %arg2[%add3A_709] : memref<16777216xf32, #tpu.memory_space<hbm>> -> memref<16384xf32, #tpu.memory_space<hbm>>
    %dma_wait3A_711 = tpu.memref_slice %arg2[%add3A_709] : memref<16777216xf32, #tpu.memory_space<hbm>> -> memref<16384xf32, #tpu.memory_space<hbm>>
    tpu.wait_dma2 semaphore(%arg12 : memref<!tpu.dma_semaphore, #tpu.memory_space<semaphore_mem>>) src(%dma_wait3A_711 : memref<16384xf32, #tpu.memory_space<hbm>>) dst(%arg5 : memref<16384xf32, #tpu.memory_space<vmem>>)
    %add3A_712 = arith.constant 98304 : i32
    %add3A_713 = arith.addi %mul3A_2, %add3A_712 : i32
    %dma_wait3A_714 = tpu.memref_slice %arg3[%add3A_713] : memref<4194304xf32, #tpu.memory_space<hbm>> -> memref<16384xf32, #tpu.memory_space<hbm>>
    %dma_wait3A_715 = tpu.memref_slice %arg3[%add3A_713] : memref<4194304xf32, #tpu.memory_space<hbm>> -> memref<16384xf32, #tpu.memory_space<hbm>>
    tpu.wait_dma2 semaphore(%arg17 : memref<!tpu.dma_semaphore, #tpu.memory_space<semaphore_mem>>) src(%dma_wait3A_715 : memref<16384xf32, #tpu.memory_space<hbm>>) dst(%arg10 : memref<16384xf32, #tpu.memory_space<vmem>>)
    %add3A_716 = arith.constant 8388608 : i32
    %add3A_717 = arith.addi %add3A_716, %mul3A_2 : i32
    %add3A_718 = arith.constant 81920 : i32
    %add3A_719 = arith.addi %add3A_717, %add3A_718 : i32
    %dma_wait3A_720 = tpu.memref_slice %arg4[%add3A_719] : memref<16777216xf32, #tpu.memory_space<hbm>> -> memref<16384xf32, #tpu.memory_space<hbm>>
    %dma_wait3A_721 = tpu.memref_slice %arg4[%add3A_719] : memref<16777216xf32, #tpu.memory_space<hbm>> -> memref<16384xf32, #tpu.memory_space<hbm>>
    tpu.wait_dma2 semaphore(%arg15 : memref<!tpu.dma_semaphore, #tpu.memory_space<semaphore_mem>>) src(%arg8 : memref<16384xf32, #tpu.memory_space<vmem>>) dst(%dma_wait3A_721 : memref<16384xf32, #tpu.memory_space<hbm>>)
    %parallel_loop3A_722 = arith.constant 0 : i32
    %parallel_loop3A_723 = arith.constant 1024 : i32
    %parallel_loop3A_724 = arith.constant 1 : i32
    scf.for %parallel_loop3A_928 = %parallel_loop3A_722 to %parallel_loop3A_723 step %parallel_loop3A_724  : i32 {
      %parallel_loop3A_929 = arith.constant 16 : i32
      %parallel_loop3A_930 = arith.muli %parallel_loop3A_928, %parallel_loop3A_929 : i32
      %parallel_loop3A_931 = arith.index_cast %parallel_loop3A_930 : i32 to index
      %parallel_loop3A_932 = tpu.vector_load %arg5[%parallel_loop3A_931] {strides = array<i32>} : memref<16384xf32, #tpu.memory_space<vmem>>, vector<16xf32>,
      %parallel_loop3A_933 = vector.shape_cast %parallel_loop3A_932 : vector<16xf32> to vector<16xf32>
      %parallel_loop3A_934 = arith.index_cast %parallel_loop3A_930 : i32 to index
      %parallel_loop3A_935 = tpu.vector_load %arg10[%parallel_loop3A_934] {strides = array<i32>} : memref<16384xf32, #tpu.memory_space<vmem>>, vector<16xf32>,
      %parallel_loop3A_936 = vector.shape_cast %parallel_loop3A_935 : vector<16xf32> to vector<16xf32>
      %parallel_loop3A_937 = arith.addf %parallel_loop3A_933, %parallel_loop3A_936 : vector<16xf32>
      %parallel_loop3A_938 = arith.index_cast %parallel_loop3A_930 : i32 to index
      %parallel_loop3A_939 = tpu.vector_load %arg8[%parallel_loop3A_938] {strides = array<i32>} : memref<16384xf32, #tpu.memory_space<vmem>>, vector<16xf32>,
      %parallel_loop3A_940 = vector.shape_cast %parallel_loop3A_939 : vector<16xf32> to vector<16xf32>
      %parallel_loop3A_941 = vector.shape_cast %parallel_loop3A_937 : vector<16xf32> to vector<16xf32>
      tpu.vector_store %arg8[%parallel_loop3A_938], %parallel_loop3A_941 {strides = array<i32>} : memref<16384xf32, #tpu.memory_space<vmem>>, vector<16xf32>,
    } {sc.loop_unroll_factor = 8 : i64, sc.parallel_access}
    %add3A_725 = arith.constant 0 : i32
    %add3A_726 = arith.addi %add3A_725, %mul3A_2 : i32
    %add3A_727 = arith.constant 98304 : i32
    %add3A_728 = arith.addi %add3A_726, %add3A_727 : i32
    %dma_start3A_729 = tpu.memref_slice %arg4[%add3A_728] : memref<16777216xf32, #tpu.memory_space<hbm>> -> memref<16384xf32, #tpu.memory_space<hbm>>
    %dma_start3A_730 = tpu.memref_slice %arg4[%add3A_728] : memref<16777216xf32, #tpu.memory_space<hbm>> -> memref<16384xf32, #tpu.memory_space<hbm>>
    tpu.enqueue_dma source(%arg8 : memref<16384xf32, #tpu.memory_space<vmem>>) target(%dma_start3A_730 : memref<16384xf32, #tpu.memory_space<hbm>>) target_semaphore(%arg15 : memref<!tpu.dma_semaphore, #tpu.memory_space<semaphore_mem>>)
    %add3A_731 = arith.constant 12582912 : i32
    %add3A_732 = arith.addi %add3A_731, %mul3A_2 : i32
    %add3A_733 = arith.constant 98304 : i32
    %add3A_734 = arith.addi %add3A_732, %add3A_733 : i32
    %dma_start3A_735 = tpu.memref_slice %arg2[%add3A_734] : memref<16777216xf32, #tpu.memory_space<hbm>> -> memref<16384xf32, #tpu.memory_space<hbm>>
    %dma_start3A_736 = tpu.memref_slice %arg2[%add3A_734] : memref<16777216xf32, #tpu.memory_space<hbm>> -> memref<16384xf32, #tpu.memory_space<hbm>>
    tpu.enqueue_dma source(%dma_start3A_736 : memref<16384xf32, #tpu.memory_space<hbm>>) target(%arg5 : memref<16384xf32, #tpu.memory_space<vmem>>) target_semaphore(%arg12 : memref<!tpu.dma_semaphore, #tpu.memory_space<semaphore_mem>>)
    %add3A_737 = arith.constant 4194304 : i32
    %add3A_738 = arith.addi %add3A_737, %mul3A_2 : i32
    %add3A_739 = arith.constant 98304 : i32
    %add3A_740 = arith.addi %add3A_738, %add3A_739 : i32
    %dma_wait3A_741 = tpu.memref_slice %arg2[%add3A_740] : memref<16777216xf32, #tpu.memory_space<hbm>> -> memref<16384xf32, #tpu.memory_space<hbm>>
    %dma_wait3A_742 = tpu.memref_slice %arg2[%add3A_740] : memref<16777216xf32, #tpu.memory_space<hbm>> -> memref<16384xf32, #tpu.memory_space<hbm>>
    tpu.wait_dma2 semaphore(%arg13 : memref<!tpu.dma_semaphore, #tpu.memory_space<semaphore_mem>>) src(%dma_wait3A_742 : memref<16384xf32, #tpu.memory_space<hbm>>) dst(%arg6 : memref<16384xf32, #tpu.memory_space<vmem>>)
    %add3A_743 = arith.constant 12582912 : i32
    %add3A_744 = arith.addi %add3A_743, %mul3A_2 : i32
    %add3A_745 = arith.constant 81920 : i32
    %add3A_746 = arith.addi %add3A_744, %add3A_745 : i32
    %dma_wait3A_747 = tpu.memref_slice %arg4[%add3A_746] : memref<16777216xf32, #tpu.memory_space<hbm>> -> memref<16384xf32, #tpu.memory_space<hbm>>
    %dma_wait3A_748 = tpu.memref_slice %arg4[%add3A_746] : memref<16777216xf32, #tpu.memory_space<hbm>> -> memref<16384xf32, #tpu.memory_space<hbm>>
    tpu.wait_dma2 semaphore(%arg16 : memref<!tpu.dma_semaphore, #tpu.memory_space<semaphore_mem>>) src(%arg9 : memref<16384xf32, #tpu.memory_space<vmem>>) dst(%dma_wait3A_748 : memref<16384xf32, #tpu.memory_space<hbm>>)
    %parallel_loop3A_749 = arith.constant 0 : i32
    %parallel_loop3A_750 = arith.constant 1024 : i32
    %parallel_loop3A_751 = arith.constant 1 : i32
    scf.for %parallel_loop3A_928 = %parallel_loop3A_749 to %parallel_loop3A_750 step %parallel_loop3A_751  : i32 {
      %parallel_loop3A_929 = arith.constant 16 : i32
      %parallel_loop3A_930 = arith.muli %parallel_loop3A_928, %parallel_loop3A_929 : i32
      %parallel_loop3A_931 = arith.index_cast %parallel_loop3A_930 : i32 to index
      %parallel_loop3A_932 = tpu.vector_load %arg6[%parallel_loop3A_931] {strides = array<i32>} : memref<16384xf32, #tpu.memory_space<vmem>>, vector<16xf32>,
      %parallel_loop3A_933 = vector.shape_cast %parallel_loop3A_932 : vector<16xf32> to vector<16xf32>
      %parallel_loop3A_934 = arith.index_cast %parallel_loop3A_930 : i32 to index
      %parallel_loop3A_935 = tpu.vector_load %arg10[%parallel_loop3A_934] {strides = array<i32>} : memref<16384xf32, #tpu.memory_space<vmem>>, vector<16xf32>,
      %parallel_loop3A_936 = vector.shape_cast %parallel_loop3A_935 : vector<16xf32> to vector<16xf32>
      %parallel_loop3A_937 = arith.addf %parallel_loop3A_933, %parallel_loop3A_936 : vector<16xf32>
      %parallel_loop3A_938 = arith.index_cast %parallel_loop3A_930 : i32 to index
      %parallel_loop3A_939 = tpu.vector_load %arg9[%parallel_loop3A_938] {strides = array<i32>} : memref<16384xf32, #tpu.memory_space<vmem>>, vector<16xf32>,
      %parallel_loop3A_940 = vector.shape_cast %parallel_loop3A_939 : vector<16xf32> to vector<16xf32>
      %parallel_loop3A_941 = vector.shape_cast %parallel_loop3A_937 : vector<16xf32> to vector<16xf32>
      tpu.vector_store %arg9[%parallel_loop3A_938], %parallel_loop3A_941 {strides = array<i32>} : memref<16384xf32, #tpu.memory_space<vmem>>, vector<16xf32>,
    } {sc.loop_unroll_factor = 8 : i64, sc.parallel_access}
    %add3A_752 = arith.constant 4194304 : i32
    %add3A_753 = arith.addi %add3A_752, %mul3A_2 : i32
    %add3A_754 = arith.constant 98304 : i32
    %add3A_755 = arith.addi %add3A_753, %add3A_754 : i32
    %dma_start3A_756 = tpu.memref_slice %arg4[%add3A_755] : memref<16777216xf32, #tpu.memory_space<hbm>> -> memref<16384xf32, #tpu.memory_space<hbm>>
    %dma_start3A_757 = tpu.memref_slice %arg4[%add3A_755] : memref<16777216xf32, #tpu.memory_space<hbm>> -> memref<16384xf32, #tpu.memory_space<hbm>>
    tpu.enqueue_dma source(%arg9 : memref<16384xf32, #tpu.memory_space<vmem>>) target(%dma_start3A_757 : memref<16384xf32, #tpu.memory_space<hbm>>) target_semaphore(%arg16 : memref<!tpu.dma_semaphore, #tpu.memory_space<semaphore_mem>>)
    %add3A_758 = arith.constant 0 : i32
    %add3A_759 = arith.addi %add3A_758, %mul3A_2 : i32
    %add3A_760 = arith.constant 114688 : i32
    %add3A_761 = arith.addi %add3A_759, %add3A_760 : i32
    %dma_start3A_762 = tpu.memref_slice %arg2[%add3A_761] : memref<16777216xf32, #tpu.memory_space<hbm>> -> memref<16384xf32, #tpu.memory_space<hbm>>
    %dma_start3A_763 = tpu.memref_slice %arg2[%add3A_761] : memref<16777216xf32, #tpu.memory_space<hbm>> -> memref<16384xf32, #tpu.memory_space<hbm>>
    tpu.enqueue_dma source(%dma_start3A_763 : memref<16384xf32, #tpu.memory_space<hbm>>) target(%arg6 : memref<16384xf32, #tpu.memory_space<vmem>>) target_semaphore(%arg13 : memref<!tpu.dma_semaphore, #tpu.memory_space<semaphore_mem>>)
    %add3A_764 = arith.constant 114688 : i32
    %add3A_765 = arith.addi %mul3A_2, %add3A_764 : i32
    %dma_start3A_766 = tpu.memref_slice %arg3[%add3A_765] : memref<4194304xf32, #tpu.memory_space<hbm>> -> memref<16384xf32, #tpu.memory_space<hbm>>
    %dma_start3A_767 = tpu.memref_slice %arg3[%add3A_765] : memref<4194304xf32, #tpu.memory_space<hbm>> -> memref<16384xf32, #tpu.memory_space<hbm>>
    tpu.enqueue_dma source(%dma_start3A_767 : memref<16384xf32, #tpu.memory_space<hbm>>) target(%arg11 : memref<16384xf32, #tpu.memory_space<vmem>>) target_semaphore(%arg18 : memref<!tpu.dma_semaphore, #tpu.memory_space<semaphore_mem>>)
    %add3A_768 = arith.constant 8388608 : i32
    %add3A_769 = arith.addi %add3A_768, %mul3A_2 : i32
    %add3A_770 = arith.constant 98304 : i32
    %add3A_771 = arith.addi %add3A_769, %add3A_770 : i32
    %dma_wait3A_772 = tpu.memref_slice %arg2[%add3A_771] : memref<16777216xf32, #tpu.memory_space<hbm>> -> memref<16384xf32, #tpu.memory_space<hbm>>
    %dma_wait3A_773 = tpu.memref_slice %arg2[%add3A_771] : memref<16777216xf32, #tpu.memory_space<hbm>> -> memref<16384xf32, #tpu.memory_space<hbm>>
    tpu.wait_dma2 semaphore(%arg14 : memref<!tpu.dma_semaphore, #tpu.memory_space<semaphore_mem>>) src(%dma_wait3A_773 : memref<16384xf32, #tpu.memory_space<hbm>>) dst(%arg7 : memref<16384xf32, #tpu.memory_space<vmem>>)
    %add3A_774 = arith.constant 0 : i32
    %add3A_775 = arith.addi %add3A_774, %mul3A_2 : i32
    %add3A_776 = arith.constant 98304 : i32
    %add3A_777 = arith.addi %add3A_775, %add3A_776 : i32
    %dma_wait3A_778 = tpu.memref_slice %arg4[%add3A_777] : memref<16777216xf32, #tpu.memory_space<hbm>> -> memref<16384xf32, #tpu.memory_space<hbm>>
    %dma_wait3A_779 = tpu.memref_slice %arg4[%add3A_777] : memref<16777216xf32, #tpu.memory_space<hbm>> -> memref<16384xf32, #tpu.memory_space<hbm>>
    tpu.wait_dma2 semaphore(%arg15 : memref<!tpu.dma_semaphore, #tpu.memory_space<semaphore_mem>>) src(%arg8 : memref<16384xf32, #tpu.memory_space<vmem>>) dst(%dma_wait3A_779 : memref<16384xf32, #tpu.memory_space<hbm>>)
    %parallel_loop3A_780 = arith.constant 0 : i32
    %parallel_loop3A_781 = arith.constant 1024 : i32
    %parallel_loop3A_782 = arith.constant 1 : i32
    scf.for %parallel_loop3A_928 = %parallel_loop3A_780 to %parallel_loop3A_781 step %parallel_loop3A_782  : i32 {
      %parallel_loop3A_929 = arith.constant 16 : i32
      %parallel_loop3A_930 = arith.muli %parallel_loop3A_928, %parallel_loop3A_929 : i32
      %parallel_loop3A_931 = arith.index_cast %parallel_loop3A_930 : i32 to index
      %parallel_loop3A_932 = tpu.vector_load %arg7[%parallel_loop3A_931] {strides = array<i32>} : memref<16384xf32, #tpu.memory_space<vmem>>, vector<16xf32>,
      %parallel_loop3A_933 = vector.shape_cast %parallel_loop3A_932 : vector<16xf32> to vector<16xf32>
      %parallel_loop3A_934 = arith.index_cast %parallel_loop3A_930 : i32 to index
      %parallel_loop3A_935 = tpu.vector_load %arg10[%parallel_loop3A_934] {strides = array<i32>} : memref<16384xf32, #tpu.memory_space<vmem>>, vector<16xf32>,
      %parallel_loop3A_936 = vector.shape_cast %parallel_loop3A_935 : vector<16xf32> to vector<16xf32>
      %parallel_loop3A_937 = arith.addf %parallel_loop3A_933, %parallel_loop3A_936 : vector<16xf32>
      %parallel_loop3A_938 = arith.index_cast %parallel_loop3A_930 : i32 to index
      %parallel_loop3A_939 = tpu.vector_load %arg8[%parallel_loop3A_938] {strides = array<i32>} : memref<16384xf32, #tpu.memory_space<vmem>>, vector<16xf32>,
      %parallel_loop3A_940 = vector.shape_cast %parallel_loop3A_939 : vector<16xf32> to vector<16xf32>
      %parallel_loop3A_941 = vector.shape_cast %parallel_loop3A_937 : vector<16xf32> to vector<16xf32>
      tpu.vector_store %arg8[%parallel_loop3A_938], %parallel_loop3A_941 {strides = array<i32>} : memref<16384xf32, #tpu.memory_space<vmem>>, vector<16xf32>,
    } {sc.loop_unroll_factor = 8 : i64, sc.parallel_access}
    %add3A_783 = arith.constant 8388608 : i32
    %add3A_784 = arith.addi %add3A_783, %mul3A_2 : i32
    %add3A_785 = arith.constant 98304 : i32
    %add3A_786 = arith.addi %add3A_784, %add3A_785 : i32
    %dma_start3A_787 = tpu.memref_slice %arg4[%add3A_786] : memref<16777216xf32, #tpu.memory_space<hbm>> -> memref<16384xf32, #tpu.memory_space<hbm>>
    %dma_start3A_788 = tpu.memref_slice %arg4[%add3A_786] : memref<16777216xf32, #tpu.memory_space<hbm>> -> memref<16384xf32, #tpu.memory_space<hbm>>
    tpu.enqueue_dma source(%arg8 : memref<16384xf32, #tpu.memory_space<vmem>>) target(%dma_start3A_788 : memref<16384xf32, #tpu.memory_space<hbm>>) target_semaphore(%arg15 : memref<!tpu.dma_semaphore, #tpu.memory_space<semaphore_mem>>)
    %add3A_789 = arith.constant 4194304 : i32
    %add3A_790 = arith.addi %add3A_789, %mul3A_2 : i32
    %add3A_791 = arith.constant 114688 : i32
    %add3A_792 = arith.addi %add3A_790, %add3A_791 : i32
    %dma_start3A_793 = tpu.memref_slice %arg2[%add3A_792] : memref<16777216xf32, #tpu.memory_space<hbm>> -> memref<16384xf32, #tpu.memory_space<hbm>>
    %dma_start3A_794 = tpu.memref_slice %arg2[%add3A_792] : memref<16777216xf32, #tpu.memory_space<hbm>> -> memref<16384xf32, #tpu.memory_space<hbm>>
    tpu.enqueue_dma source(%dma_start3A_794 : memref<16384xf32, #tpu.memory_space<hbm>>) target(%arg7 : memref<16384xf32, #tpu.memory_space<vmem>>) target_semaphore(%arg14 : memref<!tpu.dma_semaphore, #tpu.memory_space<semaphore_mem>>)
    %add3A_795 = arith.constant 12582912 : i32
    %add3A_796 = arith.addi %add3A_795, %mul3A_2 : i32
    %add3A_797 = arith.constant 98304 : i32
    %add3A_798 = arith.addi %add3A_796, %add3A_797 : i32
    %dma_wait3A_799 = tpu.memref_slice %arg2[%add3A_798] : memref<16777216xf32, #tpu.memory_space<hbm>> -> memref<16384xf32, #tpu.memory_space<hbm>>
    %dma_wait3A_800 = tpu.memref_slice %arg2[%add3A_798] : memref<16777216xf32, #tpu.memory_space<hbm>> -> memref<16384xf32, #tpu.memory_space<hbm>>
    tpu.wait_dma2 semaphore(%arg12 : memref<!tpu.dma_semaphore, #tpu.memory_space<semaphore_mem>>) src(%dma_wait3A_800 : memref<16384xf32, #tpu.memory_space<hbm>>) dst(%arg5 : memref<16384xf32, #tpu.memory_space<vmem>>)
    %add3A_801 = arith.constant 4194304 : i32
    %add3A_802 = arith.addi %add3A_801, %mul3A_2 : i32
    %add3A_803 = arith.constant 98304 : i32
    %add3A_804 = arith.addi %add3A_802, %add3A_803 : i32
    %dma_wait3A_805 = tpu.memref_slice %arg4[%add3A_804] : memref<16777216xf32, #tpu.memory_space<hbm>> -> memref<16384xf32, #tpu.memory_space<hbm>>
    %dma_wait3A_806 = tpu.memref_slice %arg4[%add3A_804] : memref<16777216xf32, #tpu.memory_space<hbm>> -> memref<16384xf32, #tpu.memory_space<hbm>>
    tpu.wait_dma2 semaphore(%arg16 : memref<!tpu.dma_semaphore, #tpu.memory_space<semaphore_mem>>) src(%arg9 : memref<16384xf32, #tpu.memory_space<vmem>>) dst(%dma_wait3A_806 : memref<16384xf32, #tpu.memory_space<hbm>>)
    %parallel_loop3A_807 = arith.constant 0 : i32
    %parallel_loop3A_808 = arith.constant 1024 : i32
    %parallel_loop3A_809 = arith.constant 1 : i32
    scf.for %parallel_loop3A_928 = %parallel_loop3A_807 to %parallel_loop3A_808 step %parallel_loop3A_809  : i32 {
      %parallel_loop3A_929 = arith.constant 16 : i32
      %parallel_loop3A_930 = arith.muli %parallel_loop3A_928, %parallel_loop3A_929 : i32
      %parallel_loop3A_931 = arith.index_cast %parallel_loop3A_930 : i32 to index
      %parallel_loop3A_932 = tpu.vector_load %arg5[%parallel_loop3A_931] {strides = array<i32>} : memref<16384xf32, #tpu.memory_space<vmem>>, vector<16xf32>,
      %parallel_loop3A_933 = vector.shape_cast %parallel_loop3A_932 : vector<16xf32> to vector<16xf32>
      %parallel_loop3A_934 = arith.index_cast %parallel_loop3A_930 : i32 to index
      %parallel_loop3A_935 = tpu.vector_load %arg10[%parallel_loop3A_934] {strides = array<i32>} : memref<16384xf32, #tpu.memory_space<vmem>>, vector<16xf32>,
      %parallel_loop3A_936 = vector.shape_cast %parallel_loop3A_935 : vector<16xf32> to vector<16xf32>
      %parallel_loop3A_937 = arith.addf %parallel_loop3A_933, %parallel_loop3A_936 : vector<16xf32>
      %parallel_loop3A_938 = arith.index_cast %parallel_loop3A_930 : i32 to index
      %parallel_loop3A_939 = tpu.vector_load %arg9[%parallel_loop3A_938] {strides = array<i32>} : memref<16384xf32, #tpu.memory_space<vmem>>, vector<16xf32>,
      %parallel_loop3A_940 = vector.shape_cast %parallel_loop3A_939 : vector<16xf32> to vector<16xf32>
      %parallel_loop3A_941 = vector.shape_cast %parallel_loop3A_937 : vector<16xf32> to vector<16xf32>
      tpu.vector_store %arg9[%parallel_loop3A_938], %parallel_loop3A_941 {strides = array<i32>} : memref<16384xf32, #tpu.memory_space<vmem>>, vector<16xf32>,
    } {sc.loop_unroll_factor = 8 : i64, sc.parallel_access}
    %add3A_810 = arith.constant 12582912 : i32
    %add3A_811 = arith.addi %add3A_810, %mul3A_2 : i32
    %add3A_812 = arith.constant 98304 : i32
    %add3A_813 = arith.addi %add3A_811, %add3A_812 : i32
    %dma_start3A_814 = tpu.memref_slice %arg4[%add3A_813] : memref<16777216xf32, #tpu.memory_space<hbm>> -> memref<16384xf32, #tpu.memory_space<hbm>>
    %dma_start3A_815 = tpu.memref_slice %arg4[%add3A_813] : memref<16777216xf32, #tpu.memory_space<hbm>> -> memref<16384xf32, #tpu.memory_space<hbm>>
    tpu.enqueue_dma source(%arg9 : memref<16384xf32, #tpu.memory_space<vmem>>) target(%dma_start3A_815 : memref<16384xf32, #tpu.memory_space<hbm>>) target_semaphore(%arg16 : memref<!tpu.dma_semaphore, #tpu.memory_space<semaphore_mem>>)
    %add3A_816 = arith.constant 8388608 : i32
    %add3A_817 = arith.addi %add3A_816, %mul3A_2 : i32
    %add3A_818 = arith.constant 114688 : i32
    %add3A_819 = arith.addi %add3A_817, %add3A_818 : i32
    %dma_start3A_820 = tpu.memref_slice %arg2[%add3A_819] : memref<16777216xf32, #tpu.memory_space<hbm>> -> memref<16384xf32, #tpu.memory_space<hbm>>
    %dma_start3A_821 = tpu.memref_slice %arg2[%add3A_819] : memref<16777216xf32, #tpu.memory_space<hbm>> -> memref<16384xf32, #tpu.memory_space<hbm>>
    tpu.enqueue_dma source(%dma_start3A_821 : memref<16384xf32, #tpu.memory_space<hbm>>) target(%arg5 : memref<16384xf32, #tpu.memory_space<vmem>>) target_semaphore(%arg12 : memref<!tpu.dma_semaphore, #tpu.memory_space<semaphore_mem>>)
    %add3A_822 = arith.constant 0 : i32
    %add3A_823 = arith.addi %add3A_822, %mul3A_2 : i32
    %add3A_824 = arith.constant 114688 : i32
    %add3A_825 = arith.addi %add3A_823, %add3A_824 : i32
    %dma_wait3A_826 = tpu.memref_slice %arg2[%add3A_825] : memref<16777216xf32, #tpu.memory_space<hbm>> -> memref<16384xf32, #tpu.memory_space<hbm>>
    %dma_wait3A_827 = tpu.memref_slice %arg2[%add3A_825] : memref<16777216xf32, #tpu.memory_space<hbm>> -> memref<16384xf32, #tpu.memory_space<hbm>>
    tpu.wait_dma2 semaphore(%arg13 : memref<!tpu.dma_semaphore, #tpu.memory_space<semaphore_mem>>) src(%dma_wait3A_827 : memref<16384xf32, #tpu.memory_space<hbm>>) dst(%arg6 : memref<16384xf32, #tpu.memory_space<vmem>>)
    %add3A_828 = arith.constant 114688 : i32
    %add3A_829 = arith.addi %mul3A_2, %add3A_828 : i32
    %dma_wait3A_830 = tpu.memref_slice %arg3[%add3A_829] : memref<4194304xf32, #tpu.memory_space<hbm>> -> memref<16384xf32, #tpu.memory_space<hbm>>
    %dma_wait3A_831 = tpu.memref_slice %arg3[%add3A_829] : memref<4194304xf32, #tpu.memory_space<hbm>> -> memref<16384xf32, #tpu.memory_space<hbm>>
    tpu.wait_dma2 semaphore(%arg18 : memref<!tpu.dma_semaphore, #tpu.memory_space<semaphore_mem>>) src(%dma_wait3A_831 : memref<16384xf32, #tpu.memory_space<hbm>>) dst(%arg11 : memref<16384xf32, #tpu.memory_space<vmem>>)
    %add3A_832 = arith.constant 8388608 : i32
    %add3A_833 = arith.addi %add3A_832, %mul3A_2 : i32
    %add3A_834 = arith.constant 98304 : i32
    %add3A_835 = arith.addi %add3A_833, %add3A_834 : i32
    %dma_wait3A_836 = tpu.memref_slice %arg4[%add3A_835] : memref<16777216xf32, #tpu.memory_space<hbm>> -> memref<16384xf32, #tpu.memory_space<hbm>>
    %dma_wait3A_837 = tpu.memref_slice %arg4[%add3A_835] : memref<16777216xf32, #tpu.memory_space<hbm>> -> memref<16384xf32, #tpu.memory_space<hbm>>
    tpu.wait_dma2 semaphore(%arg15 : memref<!tpu.dma_semaphore, #tpu.memory_space<semaphore_mem>>) src(%arg8 : memref<16384xf32, #tpu.memory_space<vmem>>) dst(%dma_wait3A_837 : memref<16384xf32, #tpu.memory_space<hbm>>)
    %parallel_loop3A_838 = arith.constant 0 : i32
    %parallel_loop3A_839 = arith.constant 1024 : i32
    %parallel_loop3A_840 = arith.constant 1 : i32
    scf.for %parallel_loop3A_928 = %parallel_loop3A_838 to %parallel_loop3A_839 step %parallel_loop3A_840  : i32 {
      %parallel_loop3A_929 = arith.constant 16 : i32
      %parallel_loop3A_930 = arith.muli %parallel_loop3A_928, %parallel_loop3A_929 : i32
      %parallel_loop3A_931 = arith.index_cast %parallel_loop3A_930 : i32 to index
      %parallel_loop3A_932 = tpu.vector_load %arg6[%parallel_loop3A_931] {strides = array<i32>} : memref<16384xf32, #tpu.memory_space<vmem>>, vector<16xf32>,
      %parallel_loop3A_933 = vector.shape_cast %parallel_loop3A_932 : vector<16xf32> to vector<16xf32>
      %parallel_loop3A_934 = arith.index_cast %parallel_loop3A_930 : i32 to index
      %parallel_loop3A_935 = tpu.vector_load %arg11[%parallel_loop3A_934] {strides = array<i32>} : memref<16384xf32, #tpu.memory_space<vmem>>, vector<16xf32>,
      %parallel_loop3A_936 = vector.shape_cast %parallel_loop3A_935 : vector<16xf32> to vector<16xf32>
      %parallel_loop3A_937 = arith.addf %parallel_loop3A_933, %parallel_loop3A_936 : vector<16xf32>
      %parallel_loop3A_938 = arith.index_cast %parallel_loop3A_930 : i32 to index
      %parallel_loop3A_939 = tpu.vector_load %arg8[%parallel_loop3A_938] {strides = array<i32>} : memref<16384xf32, #tpu.memory_space<vmem>>, vector<16xf32>,
      %parallel_loop3A_940 = vector.shape_cast %parallel_loop3A_939 : vector<16xf32> to vector<16xf32>
      %parallel_loop3A_941 = vector.shape_cast %parallel_loop3A_937 : vector<16xf32> to vector<16xf32>
      tpu.vector_store %arg8[%parallel_loop3A_938], %parallel_loop3A_941 {strides = array<i32>} : memref<16384xf32, #tpu.memory_space<vmem>>, vector<16xf32>,
    } {sc.loop_unroll_factor = 8 : i64, sc.parallel_access}
    %add3A_841 = arith.constant 0 : i32
    %add3A_842 = arith.addi %add3A_841, %mul3A_2 : i32
    %add3A_843 = arith.constant 114688 : i32
    %add3A_844 = arith.addi %add3A_842, %add3A_843 : i32
    %dma_start3A_845 = tpu.memref_slice %arg4[%add3A_844] : memref<16777216xf32, #tpu.memory_space<hbm>> -> memref<16384xf32, #tpu.memory_space<hbm>>
    %dma_start3A_846 = tpu.memref_slice %arg4[%add3A_844] : memref<16777216xf32, #tpu.memory_space<hbm>> -> memref<16384xf32, #tpu.memory_space<hbm>>
    tpu.enqueue_dma source(%arg8 : memref<16384xf32, #tpu.memory_space<vmem>>) target(%dma_start3A_846 : memref<16384xf32, #tpu.memory_space<hbm>>) target_semaphore(%arg15 : memref<!tpu.dma_semaphore, #tpu.memory_space<semaphore_mem>>)
    %add3A_847 = arith.constant 12582912 : i32
    %add3A_848 = arith.addi %add3A_847, %mul3A_2 : i32
    %add3A_849 = arith.constant 114688 : i32
    %add3A_850 = arith.addi %add3A_848, %add3A_849 : i32
    %dma_start3A_851 = tpu.memref_slice %arg2[%add3A_850] : memref<16777216xf32, #tpu.memory_space<hbm>> -> memref<16384xf32, #tpu.memory_space<hbm>>
    %dma_start3A_852 = tpu.memref_slice %arg2[%add3A_850] : memref<16777216xf32, #tpu.memory_space<hbm>> -> memref<16384xf32, #tpu.memory_space<hbm>>
    tpu.enqueue_dma source(%dma_start3A_852 : memref<16384xf32, #tpu.memory_space<hbm>>) target(%arg6 : memref<16384xf32, #tpu.memory_space<vmem>>) target_semaphore(%arg13 : memref<!tpu.dma_semaphore, #tpu.memory_space<semaphore_mem>>)
    %add3A_853 = arith.constant 4194304 : i32
    %add3A_854 = arith.addi %add3A_853, %mul3A_2 : i32
    %add3A_855 = arith.constant 114688 : i32
    %add3A_856 = arith.addi %add3A_854, %add3A_855 : i32
    %dma_wait3A_857 = tpu.memref_slice %arg2[%add3A_856] : memref<16777216xf32, #tpu.memory_space<hbm>> -> memref<16384xf32, #tpu.memory_space<hbm>>
    %dma_wait3A_858 = tpu.memref_slice %arg2[%add3A_856] : memref<16777216xf32, #tpu.memory_space<hbm>> -> memref<16384xf32, #tpu.memory_space<hbm>>
    tpu.wait_dma2 semaphore(%arg14 : memref<!tpu.dma_semaphore, #tpu.memory_space<semaphore_mem>>) src(%dma_wait3A_858 : memref<16384xf32, #tpu.memory_space<hbm>>) dst(%arg7 : memref<16384xf32, #tpu.memory_space<vmem>>)
    %add3A_859 = arith.constant 12582912 : i32
    %add3A_860 = arith.addi %add3A_859, %mul3A_2 : i32
    %add3A_861 = arith.constant 98304 : i32
    %add3A_862 = arith.addi %add3A_860, %add3A_861 : i32
    %dma_wait3A_863 = tpu.memref_slice %arg4[%add3A_862] : memref<16777216xf32, #tpu.memory_space<hbm>> -> memref<16384xf32, #tpu.memory_space<hbm>>
    %dma_wait3A_864 = tpu.memref_slice %arg4[%add3A_862] : memref<16777216xf32, #tpu.memory_space<hbm>> -> memref<16384xf32, #tpu.memory_space<hbm>>
    tpu.wait_dma2 semaphore(%arg16 : memref<!tpu.dma_semaphore, #tpu.memory_space<semaphore_mem>>) src(%arg9 : memref<16384xf32, #tpu.memory_space<vmem>>) dst(%dma_wait3A_864 : memref<16384xf32, #tpu.memory_space<hbm>>)
    %parallel_loop3A_865 = arith.constant 0 : i32
    %parallel_loop3A_866 = arith.constant 1024 : i32
    %parallel_loop3A_867 = arith.constant 1 : i32
    scf.for %parallel_loop3A_928 = %parallel_loop3A_865 to %parallel_loop3A_866 step %parallel_loop3A_867  : i32 {
      %parallel_loop3A_929 = arith.constant 16 : i32
      %parallel_loop3A_930 = arith.muli %parallel_loop3A_928, %parallel_loop3A_929 : i32
      %parallel_loop3A_931 = arith.index_cast %parallel_loop3A_930 : i32 to index
      %parallel_loop3A_932 = tpu.vector_load %arg7[%parallel_loop3A_931] {strides = array<i32>} : memref<16384xf32, #tpu.memory_space<vmem>>, vector<16xf32>,
      %parallel_loop3A_933 = vector.shape_cast %parallel_loop3A_932 : vector<16xf32> to vector<16xf32>
      %parallel_loop3A_934 = arith.index_cast %parallel_loop3A_930 : i32 to index
      %parallel_loop3A_935 = tpu.vector_load %arg11[%parallel_loop3A_934] {strides = array<i32>} : memref<16384xf32, #tpu.memory_space<vmem>>, vector<16xf32>,
      %parallel_loop3A_936 = vector.shape_cast %parallel_loop3A_935 : vector<16xf32> to vector<16xf32>
      %parallel_loop3A_937 = arith.addf %parallel_loop3A_933, %parallel_loop3A_936 : vector<16xf32>
      %parallel_loop3A_938 = arith.index_cast %parallel_loop3A_930 : i32 to index
      %parallel_loop3A_939 = tpu.vector_load %arg9[%parallel_loop3A_938] {strides = array<i32>} : memref<16384xf32, #tpu.memory_space<vmem>>, vector<16xf32>,
      %parallel_loop3A_940 = vector.shape_cast %parallel_loop3A_939 : vector<16xf32> to vector<16xf32>
      %parallel_loop3A_941 = vector.shape_cast %parallel_loop3A_937 : vector<16xf32> to vector<16xf32>
      tpu.vector_store %arg9[%parallel_loop3A_938], %parallel_loop3A_941 {strides = array<i32>} : memref<16384xf32, #tpu.memory_space<vmem>>, vector<16xf32>,
    } {sc.loop_unroll_factor = 8 : i64, sc.parallel_access}
    %add3A_868 = arith.constant 4194304 : i32
    %add3A_869 = arith.addi %add3A_868, %mul3A_2 : i32
    %add3A_870 = arith.constant 114688 : i32
    %add3A_871 = arith.addi %add3A_869, %add3A_870 : i32
    %dma_start3A_872 = tpu.memref_slice %arg4[%add3A_871] : memref<16777216xf32, #tpu.memory_space<hbm>> -> memref<16384xf32, #tpu.memory_space<hbm>>
    %dma_start3A_873 = tpu.memref_slice %arg4[%add3A_871] : memref<16777216xf32, #tpu.memory_space<hbm>> -> memref<16384xf32, #tpu.memory_space<hbm>>
    tpu.enqueue_dma source(%arg9 : memref<16384xf32, #tpu.memory_space<vmem>>) target(%dma_start3A_873 : memref<16384xf32, #tpu.memory_space<hbm>>) target_semaphore(%arg16 : memref<!tpu.dma_semaphore, #tpu.memory_space<semaphore_mem>>)
    %add3A_874 = arith.constant 8388608 : i32
    %add3A_875 = arith.addi %add3A_874, %mul3A_2 : i32
    %add3A_876 = arith.constant 114688 : i32
    %add3A_877 = arith.addi %add3A_875, %add3A_876 : i32
    %dma_wait3A_878 = tpu.memref_slice %arg2[%add3A_877] : memref<16777216xf32, #tpu.memory_space<hbm>> -> memref<16384xf32, #tpu.memory_space<hbm>>
    %dma_wait3A_879 = tpu.memref_slice %arg2[%add3A_877] : memref<16777216xf32, #tpu.memory_space<hbm>> -> memref<16384xf32, #tpu.memory_space<hbm>>
    tpu.wait_dma2 semaphore(%arg12 : memref<!tpu.dma_semaphore, #tpu.memory_space<semaphore_mem>>) src(%dma_wait3A_879 : memref<16384xf32, #tpu.memory_space<hbm>>) dst(%arg5 : memref<16384xf32, #tpu.memory_space<vmem>>)
    %add3A_880 = arith.constant 0 : i32
    %add3A_881 = arith.addi %add3A_880, %mul3A_2 : i32
    %add3A_882 = arith.constant 114688 : i32
    %add3A_883 = arith.addi %add3A_881, %add3A_882 : i32
    %dma_wait3A_884 = tpu.memref_slice %arg4[%add3A_883] : memref<16777216xf32, #tpu.memory_space<hbm>> -> memref<16384xf32, #tpu.memory_space<hbm>>
    %dma_wait3A_885 = tpu.memref_slice %arg4[%add3A_883] : memref<16777216xf32, #tpu.memory_space<hbm>> -> memref<16384xf32, #tpu.memory_space<hbm>>
    tpu.wait_dma2 semaphore(%arg15 : memref<!tpu.dma_semaphore, #tpu.memory_space<semaphore_mem>>) src(%arg8 : memref<16384xf32, #tpu.memory_space<vmem>>) dst(%dma_wait3A_885 : memref<16384xf32, #tpu.memory_space<hbm>>)
    %parallel_loop3A_886 = arith.constant 0 : i32
    %parallel_loop3A_887 = arith.constant 1024 : i32
    %parallel_loop3A_888 = arith.constant 1 : i32
    scf.for %parallel_loop3A_928 = %parallel_loop3A_886 to %parallel_loop3A_887 step %parallel_loop3A_888  : i32 {
      %parallel_loop3A_929 = arith.constant 16 : i32
      %parallel_loop3A_930 = arith.muli %parallel_loop3A_928, %parallel_loop3A_929 : i32
      %parallel_loop3A_931 = arith.index_cast %parallel_loop3A_930 : i32 to index
      %parallel_loop3A_932 = tpu.vector_load %arg5[%parallel_loop3A_931] {strides = array<i32>} : memref<16384xf32, #tpu.memory_space<vmem>>, vector<16xf32>,
      %parallel_loop3A_933 = vector.shape_cast %parallel_loop3A_932 : vector<16xf32> to vector<16xf32>
      %parallel_loop3A_934 = arith.index_cast %parallel_loop3A_930 : i32 to index
      %parallel_loop3A_935 = tpu.vector_load %arg11[%parallel_loop3A_934] {strides = array<i32>} : memref<16384xf32, #tpu.memory_space<vmem>>, vector<16xf32>,
      %parallel_loop3A_936 = vector.shape_cast %parallel_loop3A_935 : vector<16xf32> to vector<16xf32>
      %parallel_loop3A_937 = arith.addf %parallel_loop3A_933, %parallel_loop3A_936 : vector<16xf32>
      %parallel_loop3A_938 = arith.index_cast %parallel_loop3A_930 : i32 to index
      %parallel_loop3A_939 = tpu.vector_load %arg8[%parallel_loop3A_938] {strides = array<i32>} : memref<16384xf32, #tpu.memory_space<vmem>>, vector<16xf32>,
      %parallel_loop3A_940 = vector.shape_cast %parallel_loop3A_939 : vector<16xf32> to vector<16xf32>
      %parallel_loop3A_941 = vector.shape_cast %parallel_loop3A_937 : vector<16xf32> to vector<16xf32>
      tpu.vector_store %arg8[%parallel_loop3A_938], %parallel_loop3A_941 {strides = array<i32>} : memref<16384xf32, #tpu.memory_space<vmem>>, vector<16xf32>,
    } {sc.loop_unroll_factor = 8 : i64, sc.parallel_access}
    %add3A_889 = arith.constant 8388608 : i32
    %add3A_890 = arith.addi %add3A_889, %mul3A_2 : i32
    %add3A_891 = arith.constant 114688 : i32
    %add3A_892 = arith.addi %add3A_890, %add3A_891 : i32
    %dma_start3A_893 = tpu.memref_slice %arg4[%add3A_892] : memref<16777216xf32, #tpu.memory_space<hbm>> -> memref<16384xf32, #tpu.memory_space<hbm>>
    %dma_start3A_894 = tpu.memref_slice %arg4[%add3A_892] : memref<16777216xf32, #tpu.memory_space<hbm>> -> memref<16384xf32, #tpu.memory_space<hbm>>
    tpu.enqueue_dma source(%arg8 : memref<16384xf32, #tpu.memory_space<vmem>>) target(%dma_start3A_894 : memref<16384xf32, #tpu.memory_space<hbm>>) target_semaphore(%arg15 : memref<!tpu.dma_semaphore, #tpu.memory_space<semaphore_mem>>)
    %add3A_895 = arith.constant 12582912 : i32
    %add3A_896 = arith.addi %add3A_895, %mul3A_2 : i32
    %add3A_897 = arith.constant 114688 : i32
    %add3A_898 = arith.addi %add3A_896, %add3A_897 : i32
    %dma_wait3A_899 = tpu.memref_slice %arg2[%add3A_898] : memref<16777216xf32, #tpu.memory_space<hbm>> -> memref<16384xf32, #tpu.memory_space<hbm>>
    %dma_wait3A_900 = tpu.memref_slice %arg2[%add3A_898] : memref<16777216xf32, #tpu.memory_space<hbm>> -> memref<16384xf32, #tpu.memory_space<hbm>>
    tpu.wait_dma2 semaphore(%arg13 : memref<!tpu.dma_semaphore, #tpu.memory_space<semaphore_mem>>) src(%dma_wait3A_900 : memref<16384xf32, #tpu.memory_space<hbm>>) dst(%arg6 : memref<16384xf32, #tpu.memory_space<vmem>>)
    %add3A_901 = arith.constant 4194304 : i32
    %add3A_902 = arith.addi %add3A_901, %mul3A_2 : i32
    %add3A_903 = arith.constant 114688 : i32
    %add3A_904 = arith.addi %add3A_902, %add3A_903 : i32
    %dma_wait3A_905 = tpu.memref_slice %arg4[%add3A_904] : memref<16777216xf32, #tpu.memory_space<hbm>> -> memref<16384xf32, #tpu.memory_space<hbm>>
    %dma_wait3A_906 = tpu.memref_slice %arg4[%add3A_904] : memref<16777216xf32, #tpu.memory_space<hbm>> -> memref<16384xf32, #tpu.memory_space<hbm>>
    tpu.wait_dma2 semaphore(%arg16 : memref<!tpu.dma_semaphore, #tpu.memory_space<semaphore_mem>>) src(%arg9 : memref<16384xf32, #tpu.memory_space<vmem>>) dst(%dma_wait3A_906 : memref<16384xf32, #tpu.memory_space<hbm>>)
    %parallel_loop3A_907 = arith.constant 0 : i32
    %parallel_loop3A_908 = arith.constant 1024 : i32
    %parallel_loop3A_909 = arith.constant 1 : i32
    scf.for %parallel_loop3A_928 = %parallel_loop3A_907 to %parallel_loop3A_908 step %parallel_loop3A_909  : i32 {
      %parallel_loop3A_929 = arith.constant 16 : i32
      %parallel_loop3A_930 = arith.muli %parallel_loop3A_928, %parallel_loop3A_929 : i32
      %parallel_loop3A_931 = arith.index_cast %parallel_loop3A_930 : i32 to index
      %parallel_loop3A_932 = tpu.vector_load %arg6[%parallel_loop3A_931] {strides = array<i32>} : memref<16384xf32, #tpu.memory_space<vmem>>, vector<16xf32>,
      %parallel_loop3A_933 = vector.shape_cast %parallel_loop3A_932 : vector<16xf32> to vector<16xf32>
      %parallel_loop3A_934 = arith.index_cast %parallel_loop3A_930 : i32 to index
      %parallel_loop3A_935 = tpu.vector_load %arg11[%parallel_loop3A_934] {strides = array<i32>} : memref<16384xf32, #tpu.memory_space<vmem>>, vector<16xf32>,
      %parallel_loop3A_936 = vector.shape_cast %parallel_loop3A_935 : vector<16xf32> to vector<16xf32>
      %parallel_loop3A_937 = arith.addf %parallel_loop3A_933, %parallel_loop3A_936 : vector<16xf32>
      %parallel_loop3A_938 = arith.index_cast %parallel_loop3A_930 : i32 to index
      %parallel_loop3A_939 = tpu.vector_load %arg9[%parallel_loop3A_938] {strides = array<i32>} : memref<16384xf32, #tpu.memory_space<vmem>>, vector<16xf32>,
      %parallel_loop3A_940 = vector.shape_cast %parallel_loop3A_939 : vector<16xf32> to vector<16xf32>
      %parallel_loop3A_941 = vector.shape_cast %parallel_loop3A_937 : vector<16xf32> to vector<16xf32>
      tpu.vector_store %arg9[%parallel_loop3A_938], %parallel_loop3A_941 {strides = array<i32>} : memref<16384xf32, #tpu.memory_space<vmem>>, vector<16xf32>,
    } {sc.loop_unroll_factor = 8 : i64, sc.parallel_access}
    %add3A_910 = arith.constant 12582912 : i32
    %add3A_911 = arith.addi %add3A_910, %mul3A_2 : i32
    %add3A_912 = arith.constant 114688 : i32
    %add3A_913 = arith.addi %add3A_911, %add3A_912 : i32
    %dma_start3A_914 = tpu.memref_slice %arg4[%add3A_913] : memref<16777216xf32, #tpu.memory_space<hbm>> -> memref<16384xf32, #tpu.memory_space<hbm>>
    %dma_start3A_915 = tpu.memref_slice %arg4[%add3A_913] : memref<16777216xf32, #tpu.memory_space<hbm>> -> memref<16384xf32, #tpu.memory_space<hbm>>
    tpu.enqueue_dma source(%arg9 : memref<16384xf32, #tpu.memory_space<vmem>>) target(%dma_start3A_915 : memref<16384xf32, #tpu.memory_space<hbm>>) target_semaphore(%arg16 : memref<!tpu.dma_semaphore, #tpu.memory_space<semaphore_mem>>)
    %add3A_916 = arith.constant 8388608 : i32
    %add3A_917 = arith.addi %add3A_916, %mul3A_2 : i32
    %add3A_918 = arith.constant 114688 : i32
    %add3A_919 = arith.addi %add3A_917, %add3A_918 : i32
    %dma_wait3A_920 = tpu.memref_slice %arg4[%add3A_919] : memref<16777216xf32, #tpu.memory_space<hbm>> -> memref<16384xf32, #tpu.memory_space<hbm>>
    %dma_wait3A_921 = tpu.memref_slice %arg4[%add3A_919] : memref<16777216xf32, #tpu.memory_space<hbm>> -> memref<16384xf32, #tpu.memory_space<hbm>>
    tpu.wait_dma2 semaphore(%arg15 : memref<!tpu.dma_semaphore, #tpu.memory_space<semaphore_mem>>) src(%arg8 : memref<16384xf32, #tpu.memory_space<vmem>>) dst(%dma_wait3A_921 : memref<16384xf32, #tpu.memory_space<hbm>>)
    %add3A_922 = arith.constant 12582912 : i32
    %add3A_923 = arith.addi %add3A_922, %mul3A_2 : i32
    %add3A_924 = arith.constant 114688 : i32
    %add3A_925 = arith.addi %add3A_923, %add3A_924 : i32
    %dma_wait3A_926 = tpu.memref_slice %arg4[%add3A_925] : memref<16777216xf32, #tpu.memory_space<hbm>> -> memref<16384xf32, #tpu.memory_space<hbm>>
    %dma_wait3A_927 = tpu.memref_slice %arg4[%add3A_925] : memref<16777216xf32, #tpu.memory_space<hbm>> -> memref<16384xf32, #tpu.memory_space<hbm>>
    tpu.wait_dma2 semaphore(%arg16 : memref<!tpu.dma_semaphore, #tpu.memory_space<semaphore_mem>>) src(%arg9 : memref<16384xf32, #tpu.memory_space<vmem>>) dst(%dma_wait3A_927 : memref<16384xf32, #tpu.memory_space<hbm>>)
    return
  }
}

</mosaic_0001>

<sc_bundles>
// kernel: kernel.3.cloned.1.call-start
scs
__scs_entry_jumppad:
0x0: {  	(pc) =	sbr.rel $0x88, $3  }
0x1: {  	(tag) =	ssettag $0x0;
	lr =	simm.s32 $0x1  }
0x2: {  	[smem:$0x3F9F] =	sst lr;
	_ =	strace $0xD0000000  }
0x3: {  	_ = 	snop  }
0x4: {  	_ = 	snop  }
0x5: {  	_ = 	snop  }
0x6: {  	_ = 	snop  }
0x7: {  	_ = 	snop  }
__scs_overlays_trampoline_lowered:
0x8: {  	[smem:$0x3FAE] =	sst s0  }
0x9: {  	[smem:$0x3FAF] =	sst s1  }
0xa: {  	[smem:$0x3FB0] =	sst s2  }
0xb: {  	[smem:$0x3FB1] =	sst s3  }
0xc: {  	[smem:$0x3FB2] =	sst s4  }
0xd: {  	[smem:$0x3FB3] =	sst s5  }
0xe: {  	[smem:$0x3FB4] =	sst s6  }
0xf: {  	[smem:$0x3FB5] =	sst s7  }
0x10: {  	[smem:$0x3FB6] =	sst s8  }
0x11: {  	[smem:$0x3FB7] =	sst s9;
	s0 =	simm.s32 @!p0 $0x0  }
0x12: {  	s1 =	sld [smem:$0x3F9D];
	s0 =	simm.s32 @p0 $0x1  }
0x13: {  	[smem:$0x3FB8] =	sst s0;
	s0 =	simm.s32 @!p1 $0x0  }
0x14: {  	s2 =	sld [smem:$0x3F9C];
	s0 =	simm.s32 @p1 $0x1  }
0x15: {  	[smem:$0x3FB9] =	sst s0;
	s0 =	simm.s32 @!p2 $0x0  }
0x16: {  	s3 =	sld [smem:$0x3FDB];
	s0 =	simm.s32 @p2 $0x1  }
0x17: {  	s4 =	simm.s32 $0x1BF5;
	[smem:$0x3FBB] =	sst s0  }
0x18: {  	s0 =	sld [smem:$0x3F9E];
	_ =	swait.ge [sflag:s4], $0x0  }
0x19: {  	s7 =	sld [smem:$0x3F9F]  }
0x1a: {  	s8 =	sadd.s32 $0xFFFFE003, lr  }
0x1b: {  	s9 =	sadd.s32 $0xFFFFFEF7, lr;
	s5 =	simm.s32 $0xFFFFFFFF;
	p2 =	slt.u32 s8, $0xFFFFF086  }
0x1c: {  	p1 =	slt.u32 s9, $0xF7A;
	s5 =	simm.s32 @!p2 $0x0  }
0x1d: {  	s5 =	simm.s32 @p1 $0x1;
	p0 =	seq.s32 s7, s2  }
0x1e: {  	s7 =	smul.u32 @!p0 $0xF7A, s2;
	p2 =	seq.s32 @!p0 s5, $0x0  }
0x1f: {  	s9 =	smul.u32 $0xF7A, s1;
	s8 =	simm.s32 @!p0 $0x1BF5;
	p2 =	por !p2, p0  }
0x20: {  	[sflag:s8] =	ssyncset.s32 @!p0 $0xFFFFF086;
	s6 =	sadd.s32 @!p0 s3, s7;
	s7 =	simm.s32 @!p0 $0x108  }
0x21: {  	s3 =	sadd.s32 s3, s9;
	s6 =	sadd.s32 @!p0 $0x88, s6;
	s7 =	simm.s32 @p2 $0x1082  }
0x22: {  	[simem:s7], [sflag:s8] =	dma.local @!p0 [hbm:s6], $0xF7A  }
0x23: {  	s9 =	sor.u32 $0xD0000000, s2;
	s6 =	simm.s32 $0x108;
	_ =	swait.ge @!p0 [sflag:s8], $0x0  }
0x24: {  	s3 =	sadd.s32 $0x88, s3;
	s6 =	simm.s32 @!p1 $0x1082;
	[sflag:s4] =	ssyncset.s32 $0xFFFFF086  }
0x25: {  	[simem:s6], [sflag:s4] =	dma.local [hbm:s3], $0xF7A  }
0x26: {  	[smem:$0x3F9F] =	sst s1;
	(tag) =	ssettag s2;
	_ =	strace s9  }
0x27: {  	s1 =	sld [smem:$0x3FAF]  }
0x28: {  	s2 =	sld [smem:$0x3FB0]  }
0x29: {  	s4 =	sld [smem:$0x3FB2]  }
0x2a: {  	p0 =	seq.s32 s5, $0x0;
	s5 =	sld [smem:$0x3FB3]  }
0x2b: {  	s6 =	sld [smem:$0x3FB4]  }
0x2c: {  	s7 =	sld [smem:$0x3FB5]  }
0x2d: {  	s3 =	simm.s32 $0x108;
	s8 =	sld [smem:$0x3FB6]  }
0x2e: {  	s3 =	simm.s32 @!p0 $0x1082;
	s9 =	sld [smem:$0x3FB7]  }
0x2f: {  	lr =	sadd.s32 s0, s3;
	s0 =	sld [smem:$0x3FAE]  }
0x30: {  	s3 =	sld [smem:$0x3FB1]  }
0x31: {  	[smem:$0x3FBA] =	sst s10  }
0x32: {  	s10 =	sld [smem:$0x3FB8];
	_ =	sdelay $0x3  }
0x33: {  	p0 =	seq.s32 s10, $0x1;
	s10 =	sld [smem:$0x3FBA];
	_ =	sdelay $0x3  }
0x34: {  	[smem:$0x3FBA] =	sst s10  }
0x35: {  	s10 =	sld [smem:$0x3FB9];
	_ =	sdelay $0x3  }
0x36: {  	p1 =	seq.s32 s10, $0x1;
	s10 =	sld [smem:$0x3FBA];
	_ =	sdelay $0x3  }
0x37: {  	[smem:$0x3FBA] =	sst s10  }
0x38: {  	s10 =	sld [smem:$0x3FBB]  }
0x39: {  	_ = 	snop;
	(pc) =	sbr.ind lr, $3  }
0x3a: {  	_ = 	snop  }
0x3b: {  	_ = 	snop  }
0x3c: {  	p2 =	seq.s32 s10, $0x1;
	s10 =	sld [smem:$0x3FBA]  }
0x3d: {  	_ =	shalt  }
0x3e: {  	_ =	shalt  }
0x3f: {  	_ =	shalt  }
0x40: {  	_ =	shalt  }
0x41: {  	_ =	shalt  }
0x42: {  	_ =	shalt  }
0x43: {  	_ =	shalt  }
0x44: {  	_ =	shalt  }
0x45: {  	_ =	shalt  }
0x46: {  	_ =	shalt  }
0x47: {  	_ =	shalt  }
0x48: {  	_ =	shalt  }
0x49: {  	_ =	shalt  }
0x4a: {  	_ =	shalt  }
0x4b: {  	_ =	shalt  }
0x4c: {  	_ =	shalt  }
0x4d: {  	_ =	shalt  }
0x4e: {  	_ =	shalt  }
0x4f: {  	_ =	shalt  }
0x50: {  	_ =	shalt  }
0x51: {  	_ =	shalt  }
0x52: {  	_ =	shalt  }
0x53: {  	_ =	shalt  }
0x54: {  	_ =	shalt  }
0x55: {  	_ =	shalt  }
0x56: {  	_ =	shalt  }
0x57: {  	_ =	shalt  }
0x58: {  	_ =	shalt  }
0x59: {  	_ =	shalt  }
0x5a: {  	_ =	shalt  }
0x5b: {  	_ =	shalt  }
0x5c: {  	_ =	shalt  }
0x5d: {  	_ =	shalt  }
0x5e: {  	_ =	shalt  }
0x5f: {  	_ =	shalt  }
0x60: {  	_ =	shalt  }
0x61: {  	_ =	shalt  }
0x62: {  	_ =	shalt  }
0x63: {  	_ =	shalt  }
0x64: {  	_ =	shalt  }
0x65: {  	_ =	shalt  }
0x66: {  	_ =	shalt  }
0x67: {  	_ =	shalt  }
0x68: {  	_ =	shalt  }
0x69: {  	_ =	shalt  }
0x6a: {  	_ =	shalt  }
0x6b: {  	_ =	shalt  }
0x6c: {  	_ =	shalt  }
0x6d: {  	_ =	shalt  }
0x6e: {  	_ =	shalt  }
0x6f: {  	_ =	shalt  }
0x70: {  	_ =	shalt  }
0x71: {  	_ =	shalt  }
0x72: {  	_ =	shalt  }
0x73: {  	_ =	shalt  }
0x74: {  	_ =	shalt  }
0x75: {  	_ =	shalt  }
0x76: {  	_ =	shalt  }
0x77: {  	_ =	shalt  }
0x78: {  	_ =	shalt  }
0x79: {  	_ =	shalt  }
0x7a: {  	_ =	shalt  }
0x7b: {  	_ =	shalt  }
0x7c: {  	_ =	shalt  }
0x7d: {  	_ =	shalt  }
0x7e: {  	_ =	shalt  }
0x7f: {  	_ =	shalt  }
0x80: {  	_ =	shalt  }
0x81: {  	_ =	shalt  }
0x82: {  	_ =	shalt  }
0x83: {  	_ =	shalt  }
0x84: {  	_ =	shalt  }
0x85: {  	_ =	shalt  }
0x86: {  	_ =	shalt  }
0x87: {  	_ =	shalt  }
.Lfunc_end0:
.L_simem_size_0:
called_computation.1_lowered:
.L_overlay_start_0:
0x88: {  	s2 =	sld [smem:$0x3FD9]  }
0x89: {  	s3 =	sld [smem:$0x3FFE];
	_ =	sdelay $0x1  }
0x8a: {  	s1 =	srdreg.scid  }
0x8b: {  	s0 =	sand.u32 $0x1, s1  }
0x8c: {  	s17 =	sshll.u32 s0, $0xA;
	s2 =	sadd.s32 s3, s2  }
0x8d: {  	s2 =	sadd.s32 s2, s17  }
0x8e: {  	[smem:$0x3FC6] =	sst s2  }
0x8f: {  	_ = 	snop  }
0x90: {  	s2 =	sld [smem:$0x3FD0];
	(tm) =	ssettm $0x1  }
0x91: {  	s18 =	sld [smem:$0x3FFB];
	_ =	sdelay $0x3  }
0x92: {  	_ =	strace s18  }
0x93: {  	s3 =	sld [smem:$0x3FFC];
	_ =	sdelay $0x3  }
0x94: {  	_ =	strace s3  }
0x95: {  	s3 =	sld [smem:$0x3FFD];
	_ =	sdelay $0x3  }
0x96: {  	_ =	strace s3  }
0x97: {  	_ =	strace $0x8FFFFFFF  }
0x98: {  	s19 =	sld [smem:$0x3FDB];
	_ =	sdelay $0x1  }
0x99: {  	s4 =	simm.s32 $_scs_section_size  }
0x9a: {  	s5 =	simm.s32 $_size__tile_overlayer_lowered;
	s6 =	simm.s32 $_tile_overlayer_lowered  }
0x9b: {  	s22 =	simm.s32 $0x1BFF;
	s21 =	sshll.u32 s6, $0x1;
	s3 =	sadd.s32 s4, s19  }
0x9c: {  	s7 =	simm.s32 $0x0;
	s20 =	sshll.u32 s5, $0x1;
	s5 =	sadd.s32 s21, s3  }
0x9d: {  	[timem:s7], [sflag:s22] =	dma.local [hbm:s5], s20  }
0x9e: {  	_ =	swait.ge [sflag:s22], s20  }
0x9f: {  	s4 =	ssub.s32 $0x0, s20;
	[sflag:s22] =	ssyncset.done $0x0  }
0xa0: {  	[sflag:s22] =	ssyncadd.s32 s4;
	_ =	sdelay $0x1  }
0xa1: {  	s23 =	simm.s32 $0x1B8B  }
0xa2: {  	_ =	swait.ge [sflag:s23], $0x1  }
0xa3: {  	[sflag:s23] =	ssyncset.done $0x0  }
0xa4: {  	s25 =	simm.s32 $0x1B8E;
	s24 =	sld [smem:$0x3FFE];
	[sflag:s23] =	ssyncadd.s32 $0xFFFFFFFF  }
0xa5: {  	s26 =	simm.s32 $execute0_lowered;
	[smem:$0x3FD2] =	sst s25  }
0xa6: {  	s5 =	sshll.u32 s26, $0x1;
	_ =	strace $0x80000049;
	[dreg:$0x1] =	wrdreg $0xFFFFFFFF  }
0xa7: {  	s28 =	simm.s32 $_size_execute0_lowered;
	s3 =	sadd.s32 s3, s5;
	[dreg:$0x0] =	wrdreg $0x0  }
0xa8: {  	s5 =	sshll.u32 s28, $0x1;
	[dreg:$0x2] =	wrdreg s3  }
0xa9: {  	[dreg:$0x3] =	wrdreg s5  }
0xaa: {  	[dreg:$0x4] =	wrdreg $0xC0  }
0xab: {  	_ =	task [dreg:s7], $0x5FFFF  }
0xac: {  	[dreg:$0x1] =	wrdreg $0xFFFFFFFF  }
0xad: {  	[dreg:$0x0] =	wrdreg $0x60  }
0xae: {  	[dreg:$0x2] =	wrdreg s2  }
0xaf: {  	[dreg:$0x3] =	wrdreg s24  }
0xb0: {  	[dreg:$0x4] =	wrdreg $0x9  }
0xb1: {  	_ =	task.clear_ibuf [dreg:s7], $0x5FFFF;
	_ =	strace $0x90000049  }
0xb2: {  	s29 =	simm.s32 $0x9;
	_ =	strace $0x8000004B  }
0xb3: {  	_ =	swait.ge [sflag:s29], $0x1  }
0xb4: {  	[sflag:s29] =	ssyncadd.s32 $0xFFFFFFFF  }
0xb5: {  	_ =	strace $0x9000004B  }
0xb6: {  	_ =	sfence  }
0xb7: {  	s30 =	sld [smem:$0x0];
	_ =	sdelay $0x2  }
0xb8: {  	s31 =	sshll.u32 s1, $0xD;
	s1 =	sshrl.u32 s1, $0x2  }
0xb9: {  	s3 =	sand.u32 $0x4000, s31;
	s1 =	sadd.s32 s1, s30  }
0xba: {  	s0 =	sor.u32 s3, s0;
	s1 =	sshll.u32 s1, $0x11  }
0xbb: {  	s0 =	sor.u32 s1, s0  }
0xbc: {  	s0 =	sadd.s32 $0x8F2B, s0  }
0xbd: {  	[sflag:s0] =	ssyncadd.remote.s32 $0x1  }
0xbe: {  	_ =	sfence.sel $0xFFFF  }
0xbf: {  	[dreg:$0x0] =	wrdreg $0xFFFFFFFF;
	(pc) =	sbr.abs _section_cstart, $3  }
0xc0: {  	[dreg:$0x1] =	wrdreg $0xFFFFFFFF  }
0xc1: {  	_ =	task.clear_ibuf [dreg:s7], $0x2FFFF;
	_ =	strace $0x9FFFFFFF  }
0xc2: {  	(tm) =	ssettm $0x7FFFFFFF  }
0xc3: {  	_ =	shalt  }
tec
execute0_lowered:
.L_overlay_start_1:
0x0: {  	(tag) =	ssettag $0x1  }
0x1: {  	s0 =	srdreg.scid  }
0x2: {  	s4 =	stileid.u32;
	s3 =	sand.u32 $0x1, s0  }
0x3: {  	s10 =	rddreg [dreg:$0x0];
	s4 =	sshll.u32 s4, $0xF;
	s5 =	sshll.u32 s3, $0xE  }
0x4: {  	s2 =	rddreg [dreg:$0x1];
	s1 =	simm.s32 $0x0;
	s8 =	sor.u32 s5, s4  }
0x5: {  	[smem:$0x7FF] =	sst s1;
	s4 =	sor.u32 $0x80000, s8  }
0x6: {  	s0 =	sadd.s32 $0xA00, s2;
	s25 =	sor.u32 $0x100000, s8;
	s24 =	sadd.s32 s10, s4  }
0x7: {  	s30 =	sor.u32 $0x800, s8;
	s26 =	sadd.s32 s10, s25;
	[dreg:$0x3] =	wrdreg s24  }
0x8: {  	s5 =	sor.u32 $0x180000, s8;
	s6 =	sadd.s32 s0, s30;
	[dreg:$0x4] =	wrdreg s26  }
0x9: {  	s13 =	sadd.s32 $0x80A00, s2;
	s31 =	sadd.s32 s10, s5;
	[dreg:$0x5] =	wrdreg s6  }
0xa: {  	s3 =	ssub.s32 $0x2, s3;
	s4 =	sadd.s32 s13, s4;
	[dreg:$0x6] =	wrdreg s31  }
0xb: {  	s7 =	sor.u32 $0x80800, s8;
	s2 =	sadd.s32 s13, s25;
	[dreg:$0x7] =	wrdreg s4  }
0xc: {  	s23 =	sshrl.u32 s3, $0x1;
	s9 =	sadd.s32 s10, s7;
	[dreg:$0x9] =	wrdreg s2  }
0xd: {  	s12 =	sor.u32 $0x100800, s8;
	s11 =	sadd.s32 s13, s5;
	[dreg:$0xa] =	wrdreg s9  }
0xe: {  	s14 =	ssub.s32 s3, s23;
	s15 =	sadd.s32 s10, s12;
	[dreg:$0xb] =	wrdreg s11  }
0xf: {  	s16 =	sor.u32 $0x180800, s8;
	s3 =	sadd.s32 s13, s30;
	[dreg:$0xc] =	wrdreg s15  }
0x10: {  	s18 =	sor.u32 $0x1000, s8;
	s17 =	sadd.s32 s10, s16;
	[dreg:$0xd] =	wrdreg s3  }
0x11: {  	s19 =	sadd.s32 s10, s18;
	[dreg:$0xe] =	wrdreg s17  }
0x12: {  	s21 =	sor.u32 $0x81000, s8;
	s20 =	sadd.s32 s0, s18;
	[dreg:$0x10] =	wrdreg s19  }
0x13: {  	s22 =	sadd.s32 s10, s21;
	[dreg:$0x11] =	wrdreg s20  }
0x14: {  	s23 =	sadd.s32 s13, s21;
	[dreg:$0x15] =	wrdreg s22  }
0x15: {  	s6 =	sadd.s32 s10, s30;
	[dreg:$0x16] =	wrdreg s23  }
0x16: {  	s2 =	sadd.s32 s13, s7;
	[dreg:$0x8] =	wrdreg s6  }
0x17: {  	s4 =	sadd.s32 s13, s12;
	[dreg:$0xf] =	wrdreg s2  }
0x18: {  	s3 =	sadd.s32 s13, s16;
	[dreg:$0x12] =	wrdreg s4  }
0x19: {  	s24 =	sor.u32 $0x101000, s8;
	[dreg:$0x13] =	wrdreg s3;
	s2 =	sadd.s32 s13, s18  }
0x1a: {  	s26 =	sor.u32 $0x181000, s8;
	s25 =	sadd.s32 s10, s24;
	[dreg:$0x14] =	wrdreg s2  }
0x1b: {  	s31 =	sor.u32 $0x1800, s8;
	s30 =	sadd.s32 s10, s26;
	[dreg:$0x17] =	wrdreg s25  }
0x1c: {  	s4 =	sadd.s32 s10, s31;
	[dreg:$0x19] =	wrdreg s30  }
0x1d: {  	s9 =	sor.u32 $0x101800, s8;
	s5 =	sadd.s32 s0, s31;
	[dreg:$0x1b] =	wrdreg s4  }
0x1e: {  	s12 =	sor.u32 $0x181800, s8;
	s11 =	sadd.s32 s10, s9;
	[dreg:$0x1c] =	wrdreg s5  }
0x1f: {  	s16 =	sor.u32 $0x2000, s8;
	s15 =	sadd.s32 s10, s12;
	[smem:$0x7DE] =	sst s11  }
0x20: {  	s28 =	simm.s32 $0x7;
	s17 =	sadd.s32 s10, s16;
	[smem:$0x7E0] =	sst s15  }
0x21: {  	s19 =	sor.u32 $0x82000, s8;
	s18 =	sadd.s32 s0, s16;
	[smem:$0x7E2] =	sst s17  }
0x22: {  	s20 =	sor.u32 $0x102000, s8;
	s21 =	sadd.s32 s10, s19;
	[smem:$0x7E3] =	sst s18  }
0x23: {  	s29 =	simm.s32 $0x0;
	s22 =	sadd.s32 s10, s20;
	[smem:$0x7E5] =	sst s21  }
0x24: {  	s14 =	smax.u32 s14, $0x1;
	s23 =	sadd.s32 s13, s20;
	[smem:$0x7E7] =	sst s22  }
0x25: {  	s6 =	sor.u32 $0x81800, s8;
	s2 =	sadd.s32 s13, s24;
	[smem:$0x7E8] =	sst s23  }
0x26: {  	s7 =	sadd.s32 s10, s6;
	s3 =	sadd.s32 s13, s6;
	[dreg:$0x18] =	wrdreg s2  }
0x27: {  	s24 =	sor.u32 $0x182000, s8;
	s25 =	sor.u32 $0x2800, s8;
	[dreg:$0x1e] =	wrdreg s7  }
0x28: {  	s5 =	sor.u32 $0x82800, s8;
	s21 =	sadd.s32 s0, s8;
	[dreg:$0x1f] =	wrdreg s3  }
0x29: {  	s11 =	sor.u32 $0x182800, s8;
	s2 =	sadd.s32 s13, s26;
	[smem:$0x7F9] =	sst s21  }
0x2a: {  	s15 =	sor.u32 $0x3000, s8;
	s3 =	sadd.s32 s13, s12;
	[dreg:$0x1a] =	wrdreg s2  }
0x2b: {  	s18 =	sor.u32 $0x83000, s8;
	s26 =	sadd.s32 s10, s24;
	[smem:$0x7E1] =	sst s3  }
0x2c: {  	s22 =	sor.u32 $0x103000, s8;
	s30 =	sadd.s32 s10, s25;
	[smem:$0x7E9] =	sst s26  }
0x2d: {  	s23 =	sor.u32 $0x3800, s8;
	s4 =	sadd.s32 s13, s25;
	[smem:$0x7EB] =	sst s30  }
0x2e: {  	s6 =	sadd.s32 s10, s5;
	s7 =	sor.u32 $0x102800, s8;
	[smem:$0x7ED] =	sst s4  }
0x2f: {  	s12 =	sadd.s32 s10, s11;
	s17 =	sadd.s32 s0, s15;
	[smem:$0x7EE] =	sst s6  }
0x30: {  	s20 =	sadd.s32 s13, s18;
	s21 =	simm.s32 $0xC000;
	[smem:$0x7F2] =	sst s12  }
0x31: {  	s2 =	sadd.s32 s13, s31;
	s31 =	sadd.s32 s0, s25;
	[smem:$0x7F5] =	sst s17  }
0x32: {  	[smem:$0x7F8] =	sst s20;
	s0 =	sadd.s32 s0, s23;
	s25 =	sor.u32 $0x183000, s8  }
0x33: {  	s4 =	sadd.s32 s10, s23;
	s6 =	sadd.s32 s10, s8;
	[dreg:$0x1d] =	wrdreg s2  }
0x34: {  	s30 =	sor.u32 $0x83800, s8;
	s17 =	simm.s32 $0x14000;
	[smem:$0x7EC] =	sst s31  }
0x35: {  	s20 =	simm.s32 $0x6;
	s2 =	sadd.s32 s13, s9;
	[smem:$0x7FA] =	sst s0  }
0x36: {  	s9 =	sadd.s32 s10, s7;
	s26 =	sadd.s32 s10, s25;
	[smem:$0x7DF] =	sst s2  }
0x37: {  	s3 =	sadd.s32 s13, s25;
	s31 =	sor.u32 $0x103800, s8;
	[smem:$0x7F0] =	sst s9  }
0x38: {  	s25 =	simm.s32 $0x4;
	s2 =	sadd.s32 s13, s16;
	[smem:$0x7FD] =	sst s26  }
0x39: {  	s16 =	sadd.s32 s10, s15;
	s9 =	sadd.s32 s10, s31;
	[smem:$0x7E4] =	sst s2  }
0x3a: {  	s12 =	sadd.s32 s13, s31;
	s2 =	sadd.s32 s13, s19;
	[smem:$0x7F4] =	sst s16  }
0x3b: {  	s26 =	simm.s32 $0x5;
	s19 =	sadd.s32 s10, s18;
	[smem:$0x7E6] =	sst s2  }
0x3c: {  	s16 =	simm.s32 $0x8000;
	s2 =	sadd.s32 s13, s24;
	[smem:$0x7F7] =	sst s19  }
0x3d: {  	s18 =	simm.s32 $0x18000;
	s24 =	sadd.s32 s10, s22;
	[smem:$0x7EA] =	sst s2  }
0x3e: {  	s19 =	simm.s32 $0x1;
	s2 =	sadd.s32 s13, s5;
	[smem:$0x7FB] =	sst s24  }
0x3f: {  	s5 =	sadd.s32 s13, s23;
	s23 =	simm.s32 $0x10000;
	s24 =	simm.s32 $0x3  }
0x40: {  	[smem:$0x7EF] =	sst s2;
	s2 =	sadd.s32 s13, s7;
	s7 =	sadd.s32 s13, s8  }
0x41: {  	[smem:$0x7F1] =	sst s2;
	s2 =	sadd.s32 s13, s11;
	s11 =	sadd.s32 s13, s30  }
0x42: {  	[smem:$0x7F3] =	sst s2;
	s2 =	sadd.s32 s13, s15;
	s15 =	sor.u32 $0x183800, s8  }
0x43: {  	s8 =	sadd.s32 s10, s30;
	[smem:$0x7F6] =	sst s2;
	s2 =	sadd.s32 s13, s22  }
0x44: {  	s10 =	sadd.s32 s10, s15;
	s13 =	sadd.s32 s13, s15;
	[smem:$0x7FC] =	sst s2  }
0x45: {  	s15 =	simm.s32 $0x4000;
	s22 =	simm.s32 $0x2;
	_ =	strace $0x8000004A  }
.LBB2_1:
0x46: {  	[tilespmem:s1], [sflag:$0x1] =	stream.linear.gather [hbm4b:s6+s1], $0x4000, $0x38;
	[tilespmem:$0x1C000] =	vst v63  }
0x47: {  	s0 =	rddreg [dreg:$0x3]  }
0x48: {  	[tilespmem:s15], [sflag:$0x2] =	stream.linear.gather [hbm4b:s0+s1], $0x4000, $0x38;
	[tilespmem:$0x1C000] =	vst v63  }
0x49: {  	s2 =	rddreg [dreg:$0x4]  }
0x4a: {  	[tilespmem:s16], [sflag:$0x3] =	stream.linear.gather [hbm4b:s2+s1], $0x4000, $0x38;
	[tilespmem:$0x1C000] =	vst v63  }
0x4b: {  	s2 =	sld [smem:$0x7F9];
	_ =	sdelay $0x2  }
0x4c: {  	[tilespmem:s17], [sflag:$0x6] =	stream.linear.gather [hbm4b:s2+s1], $0x4000, $0x38;
	[tilespmem:$0x1C000] =	vst v63  }
0x4d: {  	s2 =	rddreg [dreg:$0x5]  }
0x4e: {  	[tilespmem:s18], [sflag:$0x7] =	stream.linear.gather [hbm4b:s2+s1], $0x4000, $0x38;
	[tilespmem:$0x1C000] =	vst v63  }
0x4f: {  	_ =	swait.ge [sflag:s19], $0x4000  }
0x50: {  	[sflag:s19] =	ssyncset.done $0x0  }
0x51: {  	[sflag:s19] =	ssyncadd.s32 $0xFFFFC000  }
0x52: {  	_ =	swait.ge [sflag:s20], $0x4000  }
0x53: {  	[sflag:s20] =	ssyncset.done $0x0  }
0x54: {  	s2 =	simm.s32 $0x40;
	[sflag:s20] =	ssyncadd.s32 $0xFFFFC000  }
0x55: {  	s30 =	simm.s32 $0x14040;
	v1 =	vld [tilespmem:s2+$0x30]  }
0x56: {  	v2 =	vld [tilespmem:s30+$0x30]  }
0x57: {  	v0 =	vld [tilespmem:s30+$0xFFFFFFC0]  }
0x58: {  	v3 =	vld [tilespmem:s2+$0xFFFFFFD0]  }
0x59: {  	v4 =	vld [tilespmem:s30+$0xFFFFFFD0]  }
0x5a: {  	v5 =	vld [tilespmem:s2+$0xFFFFFFE0]  }
0x5b: {  	v6 =	vld [tilespmem:s30+$0xFFFFFFE0]  }
0x5c: {  	v7 =	vld [tilespmem:s2+$0xFFFFFFF0]  }
0x5d: {  	v8 =	vld [tilespmem:s30+$0xFFFFFFF0]  }
0x5e: {  	v9 =	vld [tilespmem:s2+$0x0]  }
0x5f: {  	v10 =	vld [tilespmem:s30+$0x0];
	v2 =	vadd.f32 v2, v1  }
0x60: {  	s31 =	simm.s32 $0xC040;
	v4 =	vadd.f32 v4, v3;
	v1 =	vld [tilespmem:s2+$0x10]  }
0x61: {  	v5 =	vadd.f32 v6, v5;
	v3 =	vld [tilespmem:s30+$0x10];
	[tilespmem:s31+$0x30] =	vst v2  }
0x62: {  	v6 =	vadd.f32 v8, v7;
	[tilespmem:s31+$0xFFFFFFD0] =	vst v4;
	v2 =	vld [tilespmem:s2+$0x20]  }
0x63: {  	[tilespmem:s31+$0xFFFFFFE0] =	vst v5;
	v5 =	vld [tilespmem:s30+$0x20]  }
0x64: {  	s0 =	simm.s32 $0x0;
	v4 =	vld [tilespmem:s2+$0xFFFFFFC0];
	[tilespmem:s31+$0xFFFFFFF0] =	vst v6;
	v6 =	vadd.f32 v10, v9;
	s2 =	simm.s32 $0xC0  }
.LBB2_2:
0x65: {  	v7 =	vld [tilespmem:s2+$0x30];
	s30 =	sadd.s32 $0x80, s30  }
0x66: {  	s0 =	sadd.s32 $0x8, s0;
	v8 =	vld [tilespmem:s30+$0x30];
	[tilespmem:s31+$0x0] =	vst v6;
	v1 =	vadd.f32 v3, v1  }
0x67: {  	p0 =	slt.u32 s0, $0x3F8;
	v3 =	vld [tilespmem:s30+$0xFFFFFFC0]  }
0x68: {  	v6 =	vld [tilespmem:s2+$0xFFFFFFD0];
	[tilespmem:s31+$0x10] =	vst v1;
	v1 =	vadd.f32 v5, v2  }
0x69: {  	v2 =	vld [tilespmem:s30+$0xFFFFFFD0];
	v9 =	vadd.f32 v0, v4  }
0x6a: {  	v4 =	vld [tilespmem:s2+$0xFFFFFFE0];
	[tilespmem:s31+$0x20] =	vst v1  }
0x6b: {  	v1 =	vld [tilespmem:s30+$0xFFFFFFE0];
	v5 =	vadd.f32 v8, v7;
	[tilespmem:s31+$0xFFFFFFC0] =	vst v9  }
0x6c: {  	s31 =	sadd.s32 $0x80, s31;
	v7 =	vld [tilespmem:s2+$0xFFFFFFF0];
	v0 =	vmov v3  }
0x6d: {  	v8 =	vld [tilespmem:s30+$0xFFFFFFF0];
	[tilespmem:s31+$0x30] =	vst v5  }
0x6e: {  	v2 =	vadd.f32 v2, v6;
	v6 =	vld [tilespmem:s2+$0x0]  }
0x6f: {  	v9 =	vld [tilespmem:s30+$0x0]  }
.Ltmp0:
0x70: {  	[tilespmem:s31+$0xFFFFFFD0] =	vst v2;
	v2 =	vadd.f32 v1, v4;
	v1 =	vld [tilespmem:s2+$0x10];
	(pc) =	sbr.rel @p0 .LBB2_2-.Ltmp0, $4  }
0x71: {  	v3 =	vld [tilespmem:s30+$0x10]  }
0x72: {  	[tilespmem:s31+$0xFFFFFFE0] =	vst v2;
	v7 =	vadd.f32 v8, v7;
	v2 =	vld [tilespmem:s2+$0x20]  }
0x73: {  	v5 =	vld [tilespmem:s30+$0x20]  }
0x74: {  	v4 =	vld [tilespmem:s2+$0xFFFFFFC0];
	[tilespmem:s31+$0xFFFFFFF0] =	vst v7;
	v6 =	vadd.f32 v9, v6;
	s2 =	sadd.s32 $0x80, s2  }
0x75: {  	_ =	sdelay $0x1  }
0x76: {  	v1 =	vadd.f32 v3, v1  }
0x77: {  	[tilespmem:s31+$0x0] =	vst v6;
	v2 =	vadd.f32 v5, v2  }
0x78: {  	[tilespmem:s31+$0x10] =	vst v1;
	v0 =	vadd.f32 v0, v4  }
0x79: {  	[tilespmem:s31+$0x20] =	vst v2  }
0x7a: {  	[tilespmem:s31+$0xFFFFFFC0] =	vst v0  }
0x7b: {  	[hbm4b:s7+s1] =	stream.linear.scatter [tilespmem:s21], [sflag:$0x4], $0x4000, $0x38;
	[tilespmem:$0x1C000] =	vst v63  }
0x7c: {  	s0 =	rddreg [dreg:$0x6]  }
0x7d: {  	[tilespmem:s1], [sflag:$0x1] =	stream.linear.gather [hbm4b:s0+s1], $0x4000, $0x38;
	[tilespmem:$0x1C000] =	vst v63  }
0x7e: {  	_ =	swait.ge [sflag:s22], $0x4000  }
0x7f: {  	[sflag:s22] =	ssyncset.done $0x0  }
0x80: {  	s2 =	simm.s32 $0x4040;
	[sflag:s22] =	ssyncadd.s32 $0xFFFFC000  }
0x81: {  	s30 =	simm.s32 $0x14040;
	v1 =	vld [tilespmem:s2+$0x30]  }
0x82: {  	v2 =	vld [tilespmem:s30+$0x30]  }
0x83: {  	v0 =	vld [tilespmem:s30+$0xFFFFFFC0]  }
0x84: {  	v3 =	vld [tilespmem:s2+$0xFFFFFFD0]  }
0x85: {  	v4 =	vld [tilespmem:s30+$0xFFFFFFD0]  }
0x86: {  	v5 =	vld [tilespmem:s2+$0xFFFFFFE0]  }
0x87: {  	v6 =	vld [tilespmem:s30+$0xFFFFFFE0]  }
0x88: {  	v7 =	vld [tilespmem:s2+$0xFFFFFFF0]  }
0x89: {  	v8 =	vld [tilespmem:s30+$0xFFFFFFF0]  }
0x8a: {  	v9 =	vld [tilespmem:s2+$0x0]  }
0x8b: {  	v10 =	vld [tilespmem:s30+$0x0];
	v2 =	vadd.f32 v2, v1  }
0x8c: {  	s31 =	simm.s32 $0x10040;
	v4 =	vadd.f32 v4, v3;
	v1 =	vld [tilespmem:s2+$0x10]  }
0x8d: {  	v5 =	vadd.f32 v6, v5;
	v3 =	vld [tilespmem:s30+$0x10];
	[tilespmem:s31+$0x30] =	vst v2  }
0x8e: {  	v6 =	vadd.f32 v8, v7;
	[tilespmem:s31+$0xFFFFFFD0] =	vst v4;
	v2 =	vld [tilespmem:s2+$0x20]  }
0x8f: {  	[tilespmem:s31+$0xFFFFFFE0] =	vst v5;
	v5 =	vld [tilespmem:s30+$0x20]  }
0x90: {  	s0 =	simm.s32 $0x0;
	v4 =	vld [tilespmem:s2+$0xFFFFFFC0];
	[tilespmem:s31+$0xFFFFFFF0] =	vst v6;
	v6 =	vadd.f32 v10, v9;
	s2 =	simm.s32 $0x40C0  }
.LBB2_4:
0x91: {  	v7 =	vld [tilespmem:s2+$0x30];
	s30 =	sadd.s32 $0x80, s30  }
0x92: {  	s0 =	sadd.s32 $0x8, s0;
	v8 =	vld [tilespmem:s30+$0x30];
	[tilespmem:s31+$0x0] =	vst v6;
	v1 =	vadd.f32 v3, v1  }
0x93: {  	p0 =	slt.u32 s0, $0x3F8;
	v3 =	vld [tilespmem:s30+$0xFFFFFFC0]  }
0x94: {  	v6 =	vld [tilespmem:s2+$0xFFFFFFD0];
	[tilespmem:s31+$0x10] =	vst v1;
	v1 =	vadd.f32 v5, v2  }
0x95: {  	v2 =	vld [tilespmem:s30+$0xFFFFFFD0];
	v9 =	vadd.f32 v0, v4  }
0x96: {  	v4 =	vld [tilespmem:s2+$0xFFFFFFE0];
	[tilespmem:s31+$0x20] =	vst v1  }
0x97: {  	v1 =	vld [tilespmem:s30+$0xFFFFFFE0];
	v5 =	vadd.f32 v8, v7;
	[tilespmem:s31+$0xFFFFFFC0] =	vst v9  }
0x98: {  	s31 =	sadd.s32 $0x80, s31;
	v7 =	vld [tilespmem:s2+$0xFFFFFFF0];
	v0 =	vmov v3  }
0x99: {  	v8 =	vld [tilespmem:s30+$0xFFFFFFF0];
	[tilespmem:s31+$0x30] =	vst v5  }
0x9a: {  	v2 =	vadd.f32 v2, v6;
	v6 =	vld [tilespmem:s2+$0x0]  }
0x9b: {  	v9 =	vld [tilespmem:s30+$0x0]  }
.Ltmp1:
0x9c: {  	[tilespmem:s31+$0xFFFFFFD0] =	vst v2;
	v2 =	vadd.f32 v1, v4;
	v1 =	vld [tilespmem:s2+$0x10];
	(pc) =	sbr.rel @p0 .LBB2_4-.Ltmp1, $4  }
0x9d: {  	v3 =	vld [tilespmem:s30+$0x10]  }
0x9e: {  	[tilespmem:s31+$0xFFFFFFE0] =	vst v2;
	v7 =	vadd.f32 v8, v7;
	v2 =	vld [tilespmem:s2+$0x20]  }
0x9f: {  	v5 =	vld [tilespmem:s30+$0x20]  }
0xa0: {  	v4 =	vld [tilespmem:s2+$0xFFFFFFC0];
	[tilespmem:s31+$0xFFFFFFF0] =	vst v7;
	v6 =	vadd.f32 v9, v6;
	s2 =	sadd.s32 $0x80, s2  }
0xa1: {  	_ =	sdelay $0x1  }
0xa2: {  	v1 =	vadd.f32 v3, v1  }
0xa3: {  	[tilespmem:s31+$0x0] =	vst v6;
	v2 =	vadd.f32 v5, v2  }
0xa4: {  	[tilespmem:s31+$0x10] =	vst v1;
	v0 =	vadd.f32 v0, v4  }
0xa5: {  	[tilespmem:s31+$0x20] =	vst v2  }
0xa6: {  	[tilespmem:s31+$0xFFFFFFC0] =	vst v0  }
0xa7: {  	s0 =	rddreg [dreg:$0x7]  }
0xa8: {  	[hbm4b:s0+s1] =	stream.linear.scatter [tilespmem:s23], [sflag:$0x5], $0x4000, $0x38;
	[tilespmem:$0x1C000] =	vst v63  }
0xa9: {  	s2 =	rddreg [dreg:$0x8]  }
0xaa: {  	[tilespmem:s15], [sflag:$0x2] =	stream.linear.gather [hbm4b:s2+s1], $0x4000, $0x38;
	[tilespmem:$0x1C000] =	vst v63  }
0xab: {  	_ =	swait.ge [sflag:s24], $0x4000  }
0xac: {  	[sflag:s24] =	ssyncset.done $0x0  }
0xad: {  	[sflag:s24] =	ssyncadd.s32 $0xFFFFC000  }
0xae: {  	_ =	swait.ge [sflag:s25], $0x4000  }
0xaf: {  	[sflag:s25] =	ssyncset.done $0x0  }
0xb0: {  	s2 =	simm.s32 $0x8040;
	[sflag:s25] =	ssyncadd.s32 $0xFFFFC000  }
0xb1: {  	s30 =	simm.s32 $0x14040;
	v1 =	vld [tilespmem:s2+$0x30]  }
0xb2: {  	v2 =	vld [tilespmem:s30+$0x30]  }
0xb3: {  	v0 =	vld [tilespmem:s30+$0xFFFFFFC0]  }
0xb4: {  	v3 =	vld [tilespmem:s2+$0xFFFFFFD0]  }
0xb5: {  	v4 =	vld [tilespmem:s30+$0xFFFFFFD0]  }
0xb6: {  	v5 =	vld [tilespmem:s2+$0xFFFFFFE0]  }
0xb7: {  	v6 =	vld [tilespmem:s30+$0xFFFFFFE0]  }
0xb8: {  	v7 =	vld [tilespmem:s2+$0xFFFFFFF0]  }
0xb9: {  	v8 =	vld [tilespmem:s30+$0xFFFFFFF0]  }
0xba: {  	v9 =	vld [tilespmem:s2+$0x0]  }
0xbb: {  	v10 =	vld [tilespmem:s30+$0x0];
	v2 =	vadd.f32 v2, v1  }
0xbc: {  	s31 =	simm.s32 $0xC040;
	v4 =	vadd.f32 v4, v3;
	v1 =	vld [tilespmem:s2+$0x10]  }
0xbd: {  	v5 =	vadd.f32 v6, v5;
	v3 =	vld [tilespmem:s30+$0x10];
	[tilespmem:s31+$0x30] =	vst v2  }
0xbe: {  	v6 =	vadd.f32 v8, v7;
	[tilespmem:s31+$0xFFFFFFD0] =	vst v4;
	v2 =	vld [tilespmem:s2+$0x20]  }
0xbf: {  	[tilespmem:s31+$0xFFFFFFE0] =	vst v5;
	v5 =	vld [tilespmem:s30+$0x20]  }
0xc0: {  	s0 =	simm.s32 $0x0;
	v4 =	vld [tilespmem:s2+$0xFFFFFFC0];
	[tilespmem:s31+$0xFFFFFFF0] =	vst v6;
	v6 =	vadd.f32 v10, v9;
	s2 =	simm.s32 $0x80C0  }
.LBB2_6:
0xc1: {  	v7 =	vld [tilespmem:s2+$0x30];
	s30 =	sadd.s32 $0x80, s30  }
0xc2: {  	s0 =	sadd.s32 $0x8, s0;
	v8 =	vld [tilespmem:s30+$0x30];
	[tilespmem:s31+$0x0] =	vst v6;
	v1 =	vadd.f32 v3, v1  }
0xc3: {  	p0 =	slt.u32 s0, $0x3F8;
	v3 =	vld [tilespmem:s30+$0xFFFFFFC0]  }
0xc4: {  	v6 =	vld [tilespmem:s2+$0xFFFFFFD0];
	[tilespmem:s31+$0x10] =	vst v1;
	v1 =	vadd.f32 v5, v2  }
0xc5: {  	v2 =	vld [tilespmem:s30+$0xFFFFFFD0];
	v9 =	vadd.f32 v0, v4  }
0xc6: {  	v4 =	vld [tilespmem:s2+$0xFFFFFFE0];
	[tilespmem:s31+$0x20] =	vst v1  }
0xc7: {  	v1 =	vld [tilespmem:s30+$0xFFFFFFE0];
	v5 =	vadd.f32 v8, v7;
	[tilespmem:s31+$0xFFFFFFC0] =	vst v9  }
0xc8: {  	s31 =	sadd.s32 $0x80, s31;
	v7 =	vld [tilespmem:s2+$0xFFFFFFF0];
	v0 =	vmov v3  }
0xc9: {  	v8 =	vld [tilespmem:s30+$0xFFFFFFF0];
	[tilespmem:s31+$0x30] =	vst v5  }
0xca: {  	v2 =	vadd.f32 v2, v6;
	v6 =	vld [tilespmem:s2+$0x0]  }
0xcb: {  	v9 =	vld [tilespmem:s30+$0x0]  }
.Ltmp2:
0xcc: {  	[tilespmem:s31+$0xFFFFFFD0] =	vst v2;
	v2 =	vadd.f32 v1, v4;
	v1 =	vld [tilespmem:s2+$0x10];
	(pc) =	sbr.rel @p0 .LBB2_6-.Ltmp2, $4  }
0xcd: {  	v3 =	vld [tilespmem:s30+$0x10]  }
0xce: {  	[tilespmem:s31+$0xFFFFFFE0] =	vst v2;
	v7 =	vadd.f32 v8, v7;
	v2 =	vld [tilespmem:s2+$0x20]  }
0xcf: {  	v5 =	vld [tilespmem:s30+$0x20]  }
0xd0: {  	v4 =	vld [tilespmem:s2+$0xFFFFFFC0];
	[tilespmem:s31+$0xFFFFFFF0] =	vst v7;
	v6 =	vadd.f32 v9, v6;
	s2 =	sadd.s32 $0x80, s2  }
0xd1: {  	_ =	sdelay $0x1  }
0xd2: {  	v1 =	vadd.f32 v3, v1  }
0xd3: {  	[tilespmem:s31+$0x0] =	vst v6;
	v2 =	vadd.f32 v5, v2  }
0xd4: {  	[tilespmem:s31+$0x10] =	vst v1;
	v0 =	vadd.f32 v0, v4  }
0xd5: {  	[tilespmem:s31+$0x20] =	vst v2  }
0xd6: {  	[tilespmem:s31+$0xFFFFFFC0] =	vst v0  }
0xd7: {  	s0 =	rddreg [dreg:$0x9]  }
0xd8: {  	[hbm4b:s0+s1] =	stream.linear.scatter [tilespmem:s21], [sflag:$0x4], $0x4000, $0x38;
	[tilespmem:$0x1C000] =	vst v63  }
0xd9: {  	s2 =	rddreg [dreg:$0xa]  }
0xda: {  	[tilespmem:s16], [sflag:$0x3] =	stream.linear.gather [hbm4b:s2+s1], $0x4000, $0x38;
	[tilespmem:$0x1C000] =	vst v63  }
0xdb: {  	_ =	swait.ge [sflag:s19], $0x4000  }
0xdc: {  	[sflag:s19] =	ssyncset.done $0x0  }
0xdd: {  	[sflag:s19] =	ssyncadd.s32 $0xFFFFC000  }
0xde: {  	_ =	swait.ge [sflag:s26], $0x4000  }
0xdf: {  	[sflag:s26] =	ssyncset.done $0x0  }
0xe0: {  	s2 =	simm.s32 $0x40;
	[sflag:s26] =	ssyncadd.s32 $0xFFFFC000  }
0xe1: {  	s30 =	simm.s32 $0x14040;
	v1 =	vld [tilespmem:s2+$0x30]  }
0xe2: {  	v2 =	vld [tilespmem:s30+$0x30]  }
0xe3: {  	v0 =	vld [tilespmem:s30+$0xFFFFFFC0]  }
0xe4: {  	v3 =	vld [tilespmem:s2+$0xFFFFFFD0]  }
0xe5: {  	v4 =	vld [tilespmem:s30+$0xFFFFFFD0]  }
0xe6: {  	v5 =	vld [tilespmem:s2+$0xFFFFFFE0]  }
0xe7: {  	v6 =	vld [tilespmem:s30+$0xFFFFFFE0]  }
0xe8: {  	v7 =	vld [tilespmem:s2+$0xFFFFFFF0]  }
0xe9: {  	v8 =	vld [tilespmem:s30+$0xFFFFFFF0]  }
0xea: {  	v9 =	vld [tilespmem:s2+$0x0]  }
0xeb: {  	v10 =	vld [tilespmem:s30+$0x0];
	v2 =	vadd.f32 v2, v1  }
0xec: {  	s31 =	simm.s32 $0x10040;
	v4 =	vadd.f32 v4, v3;
	v1 =	vld [tilespmem:s2+$0x10]  }
0xed: {  	v5 =	vadd.f32 v6, v5;
	v3 =	vld [tilespmem:s30+$0x10];
	[tilespmem:s31+$0x30] =	vst v2  }
0xee: {  	v6 =	vadd.f32 v8, v7;
	[tilespmem:s31+$0xFFFFFFD0] =	vst v4;
	v2 =	vld [tilespmem:s2+$0x20]  }
0xef: {  	[tilespmem:s31+$0xFFFFFFE0] =	vst v5;
	v5 =	vld [tilespmem:s30+$0x20]  }
0xf0: {  	s0 =	simm.s32 $0x0;
	v4 =	vld [tilespmem:s2+$0xFFFFFFC0];
	[tilespmem:s31+$0xFFFFFFF0] =	vst v6;
	v6 =	vadd.f32 v10, v9;
	s2 =	simm.s32 $0xC0  }
.LBB2_8:
0xf1: {  	v7 =	vld [tilespmem:s2+$0x30];
	s30 =	sadd.s32 $0x80, s30  }
0xf2: {  	s0 =	sadd.s32 $0x8, s0;
	v8 =	vld [tilespmem:s30+$0x30];
	[tilespmem:s31+$0x0] =	vst v6;
	v1 =	vadd.f32 v3, v1  }
0xf3: {  	p0 =	slt.u32 s0, $0x3F8;
	v3 =	vld [tilespmem:s30+$0xFFFFFFC0]  }
0xf4: {  	v6 =	vld [tilespmem:s2+$0xFFFFFFD0];
	[tilespmem:s31+$0x10] =	vst v1;
	v1 =	vadd.f32 v5, v2  }
0xf5: {  	v2 =	vld [tilespmem:s30+$0xFFFFFFD0];
	v9 =	vadd.f32 v0, v4  }
0xf6: {  	v4 =	vld [tilespmem:s2+$0xFFFFFFE0];
	[tilespmem:s31+$0x20] =	vst v1  }
0xf7: {  	v1 =	vld [tilespmem:s30+$0xFFFFFFE0];
	v5 =	vadd.f32 v8, v7;
	[tilespmem:s31+$0xFFFFFFC0] =	vst v9  }
0xf8: {  	s31 =	sadd.s32 $0x80, s31;
	v7 =	vld [tilespmem:s2+$0xFFFFFFF0];
	v0 =	vmov v3  }
0xf9: {  	v8 =	vld [tilespmem:s30+$0xFFFFFFF0];
	[tilespmem:s31+$0x30] =	vst v5  }
0xfa: {  	v2 =	vadd.f32 v2, v6;
	v6 =	vld [tilespmem:s2+$0x0]  }
0xfb: {  	v9 =	vld [tilespmem:s30+$0x0]  }
.Ltmp3:
0xfc: {  	[tilespmem:s31+$0xFFFFFFD0] =	vst v2;
	v2 =	vadd.f32 v1, v4;
	v1 =	vld [tilespmem:s2+$0x10];
	(pc) =	sbr.rel @p0 .LBB2_8-.Ltmp3, $4  }
0xfd: {  	v3 =	vld [tilespmem:s30+$0x10]  }
0xfe: {  	[tilespmem:s31+$0xFFFFFFE0] =	vst v2;
	v7 =	vadd.f32 v8, v7;
	v2 =	vld [tilespmem:s2+$0x20]  }
0xff: {  	v5 =	vld [tilespmem:s30+$0x20]  }
0x100: {  	v4 =	vld [tilespmem:s2+$0xFFFFFFC0];
	[tilespmem:s31+$0xFFFFFFF0] =	vst v7;
	v6 =	vadd.f32 v9, v6;
	s2 =	sadd.s32 $0x80, s2  }
0x101: {  	_ =	sdelay $0x1  }
0x102: {  	v1 =	vadd.f32 v3, v1  }
0x103: {  	[tilespmem:s31+$0x0] =	vst v6;
	v2 =	vadd.f32 v5, v2  }
0x104: {  	[tilespmem:s31+$0x10] =	vst v1;
	v0 =	vadd.f32 v0, v4  }
0x105: {  	[tilespmem:s31+$0x20] =	vst v2  }
0x106: {  	[tilespmem:s31+$0xFFFFFFC0] =	vst v0  }
0x107: {  	s0 =	rddreg [dreg:$0xb]  }
0x108: {  	[hbm4b:s0+s1] =	stream.linear.scatter [tilespmem:s23], [sflag:$0x5], $0x4000, $0x38;
	[tilespmem:$0x1C000] =	vst v63  }
0x109: {  	s2 =	rddreg [dreg:$0xc]  }
0x10a: {  	[tilespmem:s1], [sflag:$0x1] =	stream.linear.gather [hbm4b:s2+s1], $0x4000, $0x38;
	[tilespmem:$0x1C000] =	vst v63  }
0x10b: {  	_ =	swait.ge [sflag:s22], $0x4000  }
0x10c: {  	[sflag:s22] =	ssyncset.done $0x0  }
0x10d: {  	[sflag:s22] =	ssyncadd.s32 $0xFFFFC000  }
0x10e: {  	_ =	swait.ge [sflag:s28], $0x4000  }
0x10f: {  	[sflag:s28] =	ssyncset.done $0x0  }
0x110: {  	[sflag:s28] =	ssyncadd.s32 $0xFFFFC000  }
0x111: {  	_ =	swait.ge [sflag:s25], $0x4000  }
0x112: {  	[sflag:s25] =	ssyncset.done $0x0  }
0x113: {  	s2 =	simm.s32 $0x4040;
	[sflag:s25] =	ssyncadd.s32 $0xFFFFC000  }
0x114: {  	s30 =	simm.s32 $0x18040;
	v1 =	vld [tilespmem:s2+$0x30]  }
0x115: {  	v2 =	vld [tilespmem:s30+$0x30]  }
0x116: {  	v0 =	vld [tilespmem:s30+$0xFFFFFFC0]  }
0x117: {  	v3 =	vld [tilespmem:s2+$0xFFFFFFD0]  }
0x118: {  	v4 =	vld [tilespmem:s30+$0xFFFFFFD0]  }
0x119: {  	v5 =	vld [tilespmem:s2+$0xFFFFFFE0]  }
0x11a: {  	v6 =	vld [tilespmem:s30+$0xFFFFFFE0]  }
0x11b: {  	v7 =	vld [tilespmem:s2+$0xFFFFFFF0]  }
0x11c: {  	v8 =	vld [tilespmem:s30+$0xFFFFFFF0]  }
0x11d: {  	v9 =	vld [tilespmem:s2+$0x0]  }
0x11e: {  	v10 =	vld [tilespmem:s30+$0x0];
	v2 =	vadd.f32 v2, v1  }
0x11f: {  	s31 =	simm.s32 $0xC040;
	v4 =	vadd.f32 v4, v3;
	v1 =	vld [tilespmem:s2+$0x10]  }
0x120: {  	v5 =	vadd.f32 v6, v5;
	v3 =	vld [tilespmem:s30+$0x10];
	[tilespmem:s31+$0x30] =	vst v2  }
0x121: {  	v6 =	vadd.f32 v8, v7;
	[tilespmem:s31+$0xFFFFFFD0] =	vst v4;
	v2 =	vld [tilespmem:s2+$0x20]  }
0x122: {  	[tilespmem:s31+$0xFFFFFFE0] =	vst v5;
	v5 =	vld [tilespmem:s30+$0x20]  }
0x123: {  	s0 =	simm.s32 $0x0;
	v4 =	vld [tilespmem:s2+$0xFFFFFFC0];
	[tilespmem:s31+$0xFFFFFFF0] =	vst v6;
	v6 =	vadd.f32 v10, v9;
	s2 =	simm.s32 $0x40C0  }
.LBB2_10:
0x124: {  	v7 =	vld [tilespmem:s2+$0x30];
	s30 =	sadd.s32 $0x80, s30  }
0x125: {  	s0 =	sadd.s32 $0x8, s0;
	v8 =	vld [tilespmem:s30+$0x30];
	[tilespmem:s31+$0x0] =	vst v6;
	v1 =	vadd.f32 v3, v1  }
0x126: {  	p0 =	slt.u32 s0, $0x3F8;
	v3 =	vld [tilespmem:s30+$0xFFFFFFC0]  }
0x127: {  	v6 =	vld [tilespmem:s2+$0xFFFFFFD0];
	[tilespmem:s31+$0x10] =	vst v1;
	v1 =	vadd.f32 v5, v2  }
0x128: {  	v2 =	vld [tilespmem:s30+$0xFFFFFFD0];
	v9 =	vadd.f32 v0, v4  }
0x129: {  	v4 =	vld [tilespmem:s2+$0xFFFFFFE0];
	[tilespmem:s31+$0x20] =	vst v1  }
0x12a: {  	v1 =	vld [tilespmem:s30+$0xFFFFFFE0];
	v5 =	vadd.f32 v8, v7;
	[tilespmem:s31+$0xFFFFFFC0] =	vst v9  }
0x12b: {  	s31 =	sadd.s32 $0x80, s31;
	v7 =	vld [tilespmem:s2+$0xFFFFFFF0];
	v0 =	vmov v3  }
0x12c: {  	v8 =	vld [tilespmem:s30+$0xFFFFFFF0];
	[tilespmem:s31+$0x30] =	vst v5  }
0x12d: {  	v2 =	vadd.f32 v2, v6;
	v6 =	vld [tilespmem:s2+$0x0]  }
0x12e: {  	v9 =	vld [tilespmem:s30+$0x0]  }
.Ltmp4:
0x12f: {  	[tilespmem:s31+$0xFFFFFFD0] =	vst v2;
	v2 =	vadd.f32 v1, v4;
	v1 =	vld [tilespmem:s2+$0x10];
	(pc) =	sbr.rel @p0 .LBB2_10-.Ltmp4, $4  }
0x130: {  	v3 =	vld [tilespmem:s30+$0x10]  }
0x131: {  	[tilespmem:s31+$0xFFFFFFE0] =	vst v2;
	v7 =	vadd.f32 v8, v7;
	v2 =	vld [tilespmem:s2+$0x20]  }
0x132: {  	v5 =	vld [tilespmem:s30+$0x20]  }
0x133: {  	v4 =	vld [tilespmem:s2+$0xFFFFFFC0];
	[tilespmem:s31+$0xFFFFFFF0] =	vst v7;
	v6 =	vadd.f32 v9, v6;
	s2 =	sadd.s32 $0x80, s2  }
0x134: {  	_ =	sdelay $0x1  }
0x135: {  	v1 =	vadd.f32 v3, v1  }
0x136: {  	[tilespmem:s31+$0x0] =	vst v6;
	v2 =	vadd.f32 v5, v2  }
0x137: {  	[tilespmem:s31+$0x10] =	vst v1;
	v0 =	vadd.f32 v0, v4  }
0x138: {  	[tilespmem:s31+$0x20] =	vst v2  }
0x139: {  	[tilespmem:s31+$0xFFFFFFC0] =	vst v0  }
0x13a: {  	s0 =	rddreg [dreg:$0xd]  }
0x13b: {  	[hbm4b:s0+s1] =	stream.linear.scatter [tilespmem:s21], [sflag:$0x4], $0x4000, $0x38;
	[tilespmem:$0x1C000] =	vst v63  }
0x13c: {  	s2 =	rddreg [dreg:$0xe]  }
0x13d: {  	[tilespmem:s15], [sflag:$0x2] =	stream.linear.gather [hbm4b:s2+s1], $0x4000, $0x38;
	[tilespmem:$0x1C000] =	vst v63  }
0x13e: {  	_ =	swait.ge [sflag:s24], $0x4000  }
0x13f: {  	[sflag:s24] =	ssyncset.done $0x0  }
0x140: {  	[sflag:s24] =	ssyncadd.s32 $0xFFFFC000  }
0x141: {  	_ =	swait.ge [sflag:s26], $0x4000  }
0x142: {  	[sflag:s26] =	ssyncset.done $0x0  }
0x143: {  	s2 =	simm.s32 $0x8040;
	[sflag:s26] =	ssyncadd.s32 $0xFFFFC000  }
0x144: {  	s30 =	simm.s32 $0x18040;
	v1 =	vld [tilespmem:s2+$0x30]  }
0x145: {  	v2 =	vld [tilespmem:s30+$0x30]  }
0x146: {  	v0 =	vld [tilespmem:s30+$0xFFFFFFC0]  }
0x147: {  	v3 =	vld [tilespmem:s2+$0xFFFFFFD0]  }
0x148: {  	v4 =	vld [tilespmem:s30+$0xFFFFFFD0]  }
0x149: {  	v5 =	vld [tilespmem:s2+$0xFFFFFFE0]  }
0x14a: {  	v6 =	vld [tilespmem:s30+$0xFFFFFFE0]  }
0x14b: {  	v7 =	vld [tilespmem:s2+$0xFFFFFFF0]  }
0x14c: {  	v8 =	vld [tilespmem:s30+$0xFFFFFFF0]  }
0x14d: {  	v9 =	vld [tilespmem:s2+$0x0]  }
0x14e: {  	v10 =	vld [tilespmem:s30+$0x0];
	v2 =	vadd.f32 v2, v1  }
0x14f: {  	s31 =	simm.s32 $0x10040;
	v4 =	vadd.f32 v4, v3;
	v1 =	vld [tilespmem:s2+$0x10]  }
0x150: {  	v5 =	vadd.f32 v6, v5;
	v3 =	vld [tilespmem:s30+$0x10];
	[tilespmem:s31+$0x30] =	vst v2  }
0x151: {  	v6 =	vadd.f32 v8, v7;
	[tilespmem:s31+$0xFFFFFFD0] =	vst v4;
	v2 =	vld [tilespmem:s2+$0x20]  }
0x152: {  	[tilespmem:s31+$0xFFFFFFE0] =	vst v5;
	v5 =	vld [tilespmem:s30+$0x20]  }
0x153: {  	s0 =	simm.s32 $0x0;
	v4 =	vld [tilespmem:s2+$0xFFFFFFC0];
	[tilespmem:s31+$0xFFFFFFF0] =	vst v6;
	v6 =	vadd.f32 v10, v9;
	s2 =	simm.s32 $0x80C0  }
.LBB2_12:
0x154: {  	v7 =	vld [tilespmem:s2+$0x30];
	s30 =	sadd.s32 $0x80, s30  }
0x155: {  	s0 =	sadd.s32 $0x8, s0;
	v8 =	vld [tilespmem:s30+$0x30];
	[tilespmem:s31+$0x0] =	vst v6;
	v1 =	vadd.f32 v3, v1  }
0x156: {  	p0 =	slt.u32 s0, $0x3F8;
	v3 =	vld [tilespmem:s30+$0xFFFFFFC0]  }
0x157: {  	v6 =	vld [tilespmem:s2+$0xFFFFFFD0];
	[tilespmem:s31+$0x10] =	vst v1;
	v1 =	vadd.f32 v5, v2  }
0x158: {  	v2 =	vld [tilespmem:s30+$0xFFFFFFD0];
	v9 =	vadd.f32 v0, v4  }
0x159: {  	v4 =	vld [tilespmem:s2+$0xFFFFFFE0];
	[tilespmem:s31+$0x20] =	vst v1  }
0x15a: {  	v1 =	vld [tilespmem:s30+$0xFFFFFFE0];
	v5 =	vadd.f32 v8, v7;
	[tilespmem:s31+$0xFFFFFFC0] =	vst v9  }
0x15b: {  	s31 =	sadd.s32 $0x80, s31;
	v7 =	vld [tilespmem:s2+$0xFFFFFFF0];
	v0 =	vmov v3  }
0x15c: {  	v8 =	vld [tilespmem:s30+$0xFFFFFFF0];
	[tilespmem:s31+$0x30] =	vst v5  }
0x15d: {  	v2 =	vadd.f32 v2, v6;
	v6 =	vld [tilespmem:s2+$0x0]  }
0x15e: {  	v9 =	vld [tilespmem:s30+$0x0]  }
.Ltmp5:
0x15f: {  	[tilespmem:s31+$0xFFFFFFD0] =	vst v2;
	v2 =	vadd.f32 v1, v4;
	v1 =	vld [tilespmem:s2+$0x10];
	(pc) =	sbr.rel @p0 .LBB2_12-.Ltmp5, $4  }
0x160: {  	v3 =	vld [tilespmem:s30+$0x10]  }
0x161: {  	[tilespmem:s31+$0xFFFFFFE0] =	vst v2;
	v7 =	vadd.f32 v8, v7;
	v2 =	vld [tilespmem:s2+$0x20]  }
0x162: {  	v5 =	vld [tilespmem:s30+$0x20]  }
0x163: {  	v4 =	vld [tilespmem:s2+$0xFFFFFFC0];
	[tilespmem:s31+$0xFFFFFFF0] =	vst v7;
	v6 =	vadd.f32 v9, v6;
	s2 =	sadd.s32 $0x80, s2  }
0x164: {  	_ =	sdelay $0x1  }
0x165: {  	v1 =	vadd.f32 v3, v1  }
0x166: {  	[tilespmem:s31+$0x0] =	vst v6;
	v2 =	vadd.f32 v5, v2  }
0x167: {  	[tilespmem:s31+$0x10] =	vst v1;
	v0 =	vadd.f32 v0, v4  }
0x168: {  	[tilespmem:s31+$0x20] =	vst v2  }
0x169: {  	[tilespmem:s31+$0xFFFFFFC0] =	vst v0  }
0x16a: {  	s0 =	rddreg [dreg:$0xf]  }
0x16b: {  	[hbm4b:s0+s1] =	stream.linear.scatter [tilespmem:s23], [sflag:$0x5], $0x4000, $0x38;
	[tilespmem:$0x1C000] =	vst v63  }
0x16c: {  	s2 =	rddreg [dreg:$0x10]  }
0x16d: {  	[tilespmem:s16], [sflag:$0x3] =	stream.linear.gather [hbm4b:s2+s1], $0x4000, $0x38;
	[tilespmem:$0x1C000] =	vst v63  }
0x16e: {  	s2 =	rddreg [dreg:$0x11]  }
0x16f: {  	[tilespmem:s17], [sflag:$0x6] =	stream.linear.gather [hbm4b:s2+s1], $0x4000, $0x38;
	[tilespmem:$0x1C000] =	vst v63  }
0x170: {  	_ =	swait.ge [sflag:s19], $0x4000  }
0x171: {  	[sflag:s19] =	ssyncset.done $0x0  }
0x172: {  	[sflag:s19] =	ssyncadd.s32 $0xFFFFC000  }
0x173: {  	_ =	swait.ge [sflag:s25], $0x4000  }
0x174: {  	[sflag:s25] =	ssyncset.done $0x0  }
0x175: {  	s2 =	simm.s32 $0x40;
	[sflag:s25] =	ssyncadd.s32 $0xFFFFC000  }
0x176: {  	s30 =	simm.s32 $0x18040;
	v1 =	vld [tilespmem:s2+$0x30]  }
0x177: {  	v2 =	vld [tilespmem:s30+$0x30]  }
0x178: {  	v0 =	vld [tilespmem:s30+$0xFFFFFFC0]  }
0x179: {  	v3 =	vld [tilespmem:s2+$0xFFFFFFD0]  }
0x17a: {  	v4 =	vld [tilespmem:s30+$0xFFFFFFD0]  }
0x17b: {  	v5 =	vld [tilespmem:s2+$0xFFFFFFE0]  }
0x17c: {  	v6 =	vld [tilespmem:s30+$0xFFFFFFE0]  }
0x17d: {  	v7 =	vld [tilespmem:s2+$0xFFFFFFF0]  }
0x17e: {  	v8 =	vld [tilespmem:s30+$0xFFFFFFF0]  }
0x17f: {  	v9 =	vld [tilespmem:s2+$0x0]  }
0x180: {  	v10 =	vld [tilespmem:s30+$0x0];
	v2 =	vadd.f32 v2, v1  }
0x181: {  	s31 =	simm.s32 $0xC040;
	v4 =	vadd.f32 v4, v3;
	v1 =	vld [tilespmem:s2+$0x10]  }
0x182: {  	v5 =	vadd.f32 v6, v5;
	v3 =	vld [tilespmem:s30+$0x10];
	[tilespmem:s31+$0x30] =	vst v2  }
0x183: {  	v6 =	vadd.f32 v8, v7;
	[tilespmem:s31+$0xFFFFFFD0] =	vst v4;
	v2 =	vld [tilespmem:s2+$0x20]  }
0x184: {  	[tilespmem:s31+$0xFFFFFFE0] =	vst v5;
	v5 =	vld [tilespmem:s30+$0x20]  }
0x185: {  	s0 =	simm.s32 $0x0;
	v4 =	vld [tilespmem:s2+$0xFFFFFFC0];
	[tilespmem:s31+$0xFFFFFFF0] =	vst v6;
	v6 =	vadd.f32 v10, v9;
	s2 =	simm.s32 $0xC0  }
.LBB2_14:
0x186: {  	v7 =	vld [tilespmem:s2+$0x30];
	s30 =	sadd.s32 $0x80, s30  }
0x187: {  	s0 =	sadd.s32 $0x8, s0;
	v8 =	vld [tilespmem:s30+$0x30];
	[tilespmem:s31+$0x0] =	vst v6;
	v1 =	vadd.f32 v3, v1  }
0x188: {  	p0 =	slt.u32 s0, $0x3F8;
	v3 =	vld [tilespmem:s30+$0xFFFFFFC0]  }
0x189: {  	v6 =	vld [tilespmem:s2+$0xFFFFFFD0];
	[tilespmem:s31+$0x10] =	vst v1;
	v1 =	vadd.f32 v5, v2  }
0x18a: {  	v2 =	vld [tilespmem:s30+$0xFFFFFFD0];
	v9 =	vadd.f32 v0, v4  }
0x18b: {  	v4 =	vld [tilespmem:s2+$0xFFFFFFE0];
	[tilespmem:s31+$0x20] =	vst v1  }
0x18c: {  	v1 =	vld [tilespmem:s30+$0xFFFFFFE0];
	v5 =	vadd.f32 v8, v7;
	[tilespmem:s31+$0xFFFFFFC0] =	vst v9  }
0x18d: {  	s31 =	sadd.s32 $0x80, s31;
	v7 =	vld [tilespmem:s2+$0xFFFFFFF0];
	v0 =	vmov v3  }
0x18e: {  	v8 =	vld [tilespmem:s30+$0xFFFFFFF0];
	[tilespmem:s31+$0x30] =	vst v5  }
0x18f: {  	v2 =	vadd.f32 v2, v6;
	v6 =	vld [tilespmem:s2+$0x0]  }
0x190: {  	v9 =	vld [tilespmem:s30+$0x0]  }
.Ltmp6:
0x191: {  	[tilespmem:s31+$0xFFFFFFD0] =	vst v2;
	v2 =	vadd.f32 v1, v4;
	v1 =	vld [tilespmem:s2+$0x10];
	(pc) =	sbr.rel @p0 .LBB2_14-.Ltmp6, $4  }
0x192: {  	v3 =	vld [tilespmem:s30+$0x10]  }
0x193: {  	[tilespmem:s31+$0xFFFFFFE0] =	vst v2;
	v7 =	vadd.f32 v8, v7;
	v2 =	vld [tilespmem:s2+$0x20]  }
0x194: {  	v5 =	vld [tilespmem:s30+$0x20]  }
0x195: {  	v4 =	vld [tilespmem:s2+$0xFFFFFFC0];
	[tilespmem:s31+$0xFFFFFFF0] =	vst v7;
	v6 =	vadd.f32 v9, v6;
	s2 =	sadd.s32 $0x80, s2  }
0x196: {  	_ =	sdelay $0x1  }
0x197: {  	v1 =	vadd.f32 v3, v1  }
0x198: {  	[tilespmem:s31+$0x0] =	vst v6;
	v2 =	vadd.f32 v5, v2  }
0x199: {  	[tilespmem:s31+$0x10] =	vst v1;
	v0 =	vadd.f32 v0, v4  }
0x19a: {  	[tilespmem:s31+$0x20] =	vst v2  }
0x19b: {  	[tilespmem:s31+$0xFFFFFFC0] =	vst v0  }
0x19c: {  	s0 =	rddreg [dreg:$0x12]  }
0x19d: {  	[hbm4b:s0+s1] =	stream.linear.scatter [tilespmem:s21], [sflag:$0x4], $0x4000, $0x38;
	[tilespmem:$0x1C000] =	vst v63  }
0x19e: {  	s2 =	rddreg [dreg:$0x15]  }
0x19f: {  	[tilespmem:s1], [sflag:$0x1] =	stream.linear.gather [hbm4b:s2+s1], $0x4000, $0x38;
	[tilespmem:$0x1C000] =	vst v63  }
0x1a0: {  	_ =	swait.ge [sflag:s22], $0x4000  }
0x1a1: {  	[sflag:s22] =	ssyncset.done $0x0  }
0x1a2: {  	[sflag:s22] =	ssyncadd.s32 $0xFFFFC000  }
0x1a3: {  	_ =	swait.ge [sflag:s26], $0x4000  }
0x1a4: {  	[sflag:s26] =	ssyncset.done $0x0  }
0x1a5: {  	s2 =	simm.s32 $0x4040;
	[sflag:s26] =	ssyncadd.s32 $0xFFFFC000  }
0x1a6: {  	s30 =	simm.s32 $0x18040;
	v1 =	vld [tilespmem:s2+$0x30]  }
0x1a7: {  	v2 =	vld [tilespmem:s30+$0x30]  }
0x1a8: {  	v0 =	vld [tilespmem:s30+$0xFFFFFFC0]  }
0x1a9: {  	v3 =	vld [tilespmem:s2+$0xFFFFFFD0]  }
0x1aa: {  	v4 =	vld [tilespmem:s30+$0xFFFFFFD0]  }
0x1ab: {  	v5 =	vld [tilespmem:s2+$0xFFFFFFE0]  }
0x1ac: {  	v6 =	vld [tilespmem:s30+$0xFFFFFFE0]  }
0x1ad: {  	v7 =	vld [tilespmem:s2+$0xFFFFFFF0]  }
0x1ae: {  	v8 =	vld [tilespmem:s30+$0xFFFFFFF0]  }
0x1af: {  	v9 =	vld [tilespmem:s2+$0x0]  }
0x1b0: {  	v10 =	vld [tilespmem:s30+$0x0];
	v2 =	vadd.f32 v2, v1  }
0x1b1: {  	s31 =	simm.s32 $0x10040;
	v4 =	vadd.f32 v4, v3;
	v1 =	vld [tilespmem:s2+$0x10]  }
0x1b2: {  	v5 =	vadd.f32 v6, v5;
	v3 =	vld [tilespmem:s30+$0x10];
	[tilespmem:s31+$0x30] =	vst v2  }
0x1b3: {  	v6 =	vadd.f32 v8, v7;
	[tilespmem:s31+$0xFFFFFFD0] =	vst v4;
	v2 =	vld [tilespmem:s2+$0x20]  }
0x1b4: {  	[tilespmem:s31+$0xFFFFFFE0] =	vst v5;
	v5 =	vld [tilespmem:s30+$0x20]  }
0x1b5: {  	s0 =	simm.s32 $0x0;
	v4 =	vld [tilespmem:s2+$0xFFFFFFC0];
	[tilespmem:s31+$0xFFFFFFF0] =	vst v6;
	v6 =	vadd.f32 v10, v9;
	s2 =	simm.s32 $0x40C0  }
.LBB2_16:
0x1b6: {  	v7 =	vld [tilespmem:s2+$0x30];
	s30 =	sadd.s32 $0x80, s30  }
0x1b7: {  	s0 =	sadd.s32 $0x8, s0;
	v8 =	vld [tilespmem:s30+$0x30];
	[tilespmem:s31+$0x0] =	vst v6;
	v1 =	vadd.f32 v3, v1  }
0x1b8: {  	p0 =	slt.u32 s0, $0x3F8;
	v3 =	vld [tilespmem:s30+$0xFFFFFFC0]  }
0x1b9: {  	v6 =	vld [tilespmem:s2+$0xFFFFFFD0];
	[tilespmem:s31+$0x10] =	vst v1;
	v1 =	vadd.f32 v5, v2  }
0x1ba: {  	v2 =	vld [tilespmem:s30+$0xFFFFFFD0];
	v9 =	vadd.f32 v0, v4  }
0x1bb: {  	v4 =	vld [tilespmem:s2+$0xFFFFFFE0];
	[tilespmem:s31+$0x20] =	vst v1  }
0x1bc: {  	v1 =	vld [tilespmem:s30+$0xFFFFFFE0];
	v5 =	vadd.f32 v8, v7;
	[tilespmem:s31+$0xFFFFFFC0] =	vst v9  }
0x1bd: {  	s31 =	sadd.s32 $0x80, s31;
	v7 =	vld [tilespmem:s2+$0xFFFFFFF0];
	v0 =	vmov v3  }
0x1be: {  	v8 =	vld [tilespmem:s30+$0xFFFFFFF0];
	[tilespmem:s31+$0x30] =	vst v5  }
0x1bf: {  	v2 =	vadd.f32 v2, v6;
	v6 =	vld [tilespmem:s2+$0x0]  }
0x1c0: {  	v9 =	vld [tilespmem:s30+$0x0]  }
.Ltmp7:
0x1c1: {  	[tilespmem:s31+$0xFFFFFFD0] =	vst v2;
	v2 =	vadd.f32 v1, v4;
	v1 =	vld [tilespmem:s2+$0x10];
	(pc) =	sbr.rel @p0 .LBB2_16-.Ltmp7, $4  }
0x1c2: {  	v3 =	vld [tilespmem:s30+$0x10]  }
0x1c3: {  	[tilespmem:s31+$0xFFFFFFE0] =	vst v2;
	v7 =	vadd.f32 v8, v7;
	v2 =	vld [tilespmem:s2+$0x20]  }
0x1c4: {  	v5 =	vld [tilespmem:s30+$0x20]  }
0x1c5: {  	v4 =	vld [tilespmem:s2+$0xFFFFFFC0];
	[tilespmem:s31+$0xFFFFFFF0] =	vst v7;
	v6 =	vadd.f32 v9, v6;
	s2 =	sadd.s32 $0x80, s2  }
0x1c6: {  	_ =	sdelay $0x1  }
0x1c7: {  	v1 =	vadd.f32 v3, v1  }
0x1c8: {  	[tilespmem:s31+$0x0] =	vst v6;
	v2 =	vadd.f32 v5, v2  }
0x1c9: {  	[tilespmem:s31+$0x10] =	vst v1;
	v0 =	vadd.f32 v0, v4  }
0x1ca: {  	[tilespmem:s31+$0x20] =	vst v2  }
0x1cb: {  	[tilespmem:s31+$0xFFFFFFC0] =	vst v0  }
0x1cc: {  	s0 =	rddreg [dreg:$0x13]  }
0x1cd: {  	[hbm4b:s0+s1] =	stream.linear.scatter [tilespmem:s23], [sflag:$0x5], $0x4000, $0x38;
	[tilespmem:$0x1C000] =	vst v63  }
0x1ce: {  	s2 =	rddreg [dreg:$0x17]  }
0x1cf: {  	[tilespmem:s15], [sflag:$0x2] =	stream.linear.gather [hbm4b:s2+s1], $0x4000, $0x38;
	[tilespmem:$0x1C000] =	vst v63  }
0x1d0: {  	_ =	swait.ge [sflag:s24], $0x4000  }
0x1d1: {  	[sflag:s24] =	ssyncset.done $0x0  }
0x1d2: {  	[sflag:s24] =	ssyncadd.s32 $0xFFFFC000  }
0x1d3: {  	_ =	swait.ge [sflag:s20], $0x4000  }
0x1d4: {  	[sflag:s20] =	ssyncset.done $0x0  }
0x1d5: {  	[sflag:s20] =	ssyncadd.s32 $0xFFFFC000  }
0x1d6: {  	_ =	swait.ge [sflag:s25], $0x4000  }
0x1d7: {  	[sflag:s25] =	ssyncset.done $0x0  }
0x1d8: {  	s2 =	simm.s32 $0x8040;
	[sflag:s25] =	ssyncadd.s32 $0xFFFFC000  }
0x1d9: {  	s30 =	simm.s32 $0x14040;
	v1 =	vld [tilespmem:s2+$0x30]  }
0x1da: {  	v2 =	vld [tilespmem:s30+$0x30]  }
0x1db: {  	v0 =	vld [tilespmem:s30+$0xFFFFFFC0]  }
0x1dc: {  	v3 =	vld [tilespmem:s2+$0xFFFFFFD0]  }
0x1dd: {  	v4 =	vld [tilespmem:s30+$0xFFFFFFD0]  }
0x1de: {  	v5 =	vld [tilespmem:s2+$0xFFFFFFE0]  }
0x1df: {  	v6 =	vld [tilespmem:s30+$0xFFFFFFE0]  }
0x1e0: {  	v7 =	vld [tilespmem:s2+$0xFFFFFFF0]  }
0x1e1: {  	v8 =	vld [tilespmem:s30+$0xFFFFFFF0]  }
0x1e2: {  	v9 =	vld [tilespmem:s2+$0x0]  }
0x1e3: {  	v10 =	vld [tilespmem:s30+$0x0];
	v2 =	vadd.f32 v2, v1  }
0x1e4: {  	s31 =	simm.s32 $0xC040;
	v4 =	vadd.f32 v4, v3;
	v1 =	vld [tilespmem:s2+$0x10]  }
0x1e5: {  	v5 =	vadd.f32 v6, v5;
	v3 =	vld [tilespmem:s30+$0x10];
	[tilespmem:s31+$0x30] =	vst v2  }
0x1e6: {  	v6 =	vadd.f32 v8, v7;
	[tilespmem:s31+$0xFFFFFFD0] =	vst v4;
	v2 =	vld [tilespmem:s2+$0x20]  }
0x1e7: {  	[tilespmem:s31+$0xFFFFFFE0] =	vst v5;
	v5 =	vld [tilespmem:s30+$0x20]  }
0x1e8: {  	s0 =	simm.s32 $0x0;
	v4 =	vld [tilespmem:s2+$0xFFFFFFC0];
	[tilespmem:s31+$0xFFFFFFF0] =	vst v6;
	v6 =	vadd.f32 v10, v9;
	s2 =	simm.s32 $0x80C0  }
.LBB2_18:
0x1e9: {  	v7 =	vld [tilespmem:s2+$0x30];
	s30 =	sadd.s32 $0x80, s30  }
0x1ea: {  	s0 =	sadd.s32 $0x8, s0;
	v8 =	vld [tilespmem:s30+$0x30];
	[tilespmem:s31+$0x0] =	vst v6;
	v1 =	vadd.f32 v3, v1  }
0x1eb: {  	p0 =	slt.u32 s0, $0x3F8;
	v3 =	vld [tilespmem:s30+$0xFFFFFFC0]  }
0x1ec: {  	v6 =	vld [tilespmem:s2+$0xFFFFFFD0];
	[tilespmem:s31+$0x10] =	vst v1;
	v1 =	vadd.f32 v5, v2  }
0x1ed: {  	v2 =	vld [tilespmem:s30+$0xFFFFFFD0];
	v9 =	vadd.f32 v0, v4  }
0x1ee: {  	v4 =	vld [tilespmem:s2+$0xFFFFFFE0];
	[tilespmem:s31+$0x20] =	vst v1  }
0x1ef: {  	v1 =	vld [tilespmem:s30+$0xFFFFFFE0];
	v5 =	vadd.f32 v8, v7;
	[tilespmem:s31+$0xFFFFFFC0] =	vst v9  }
0x1f0: {  	s31 =	sadd.s32 $0x80, s31;
	v7 =	vld [tilespmem:s2+$0xFFFFFFF0];
	v0 =	vmov v3  }
0x1f1: {  	v8 =	vld [tilespmem:s30+$0xFFFFFFF0];
	[tilespmem:s31+$0x30] =	vst v5  }
0x1f2: {  	v2 =	vadd.f32 v2, v6;
	v6 =	vld [tilespmem:s2+$0x0]  }
0x1f3: {  	v9 =	vld [tilespmem:s30+$0x0]  }
.Ltmp8:
0x1f4: {  	[tilespmem:s31+$0xFFFFFFD0] =	vst v2;
	v2 =	vadd.f32 v1, v4;
	v1 =	vld [tilespmem:s2+$0x10];
	(pc) =	sbr.rel @p0 .LBB2_18-.Ltmp8, $4  }
0x1f5: {  	v3 =	vld [tilespmem:s30+$0x10]  }
0x1f6: {  	[tilespmem:s31+$0xFFFFFFE0] =	vst v2;
	v7 =	vadd.f32 v8, v7;
	v2 =	vld [tilespmem:s2+$0x20]  }
0x1f7: {  	v5 =	vld [tilespmem:s30+$0x20]  }
0x1f8: {  	v4 =	vld [tilespmem:s2+$0xFFFFFFC0];
	[tilespmem:s31+$0xFFFFFFF0] =	vst v7;
	v6 =	vadd.f32 v9, v6;
	s2 =	sadd.s32 $0x80, s2  }
0x1f9: {  	_ =	sdelay $0x1  }
0x1fa: {  	v1 =	vadd.f32 v3, v1  }
0x1fb: {  	[tilespmem:s31+$0x0] =	vst v6;
	v2 =	vadd.f32 v5, v2  }
0x1fc: {  	[tilespmem:s31+$0x10] =	vst v1;
	v0 =	vadd.f32 v0, v4  }
0x1fd: {  	[tilespmem:s31+$0x20] =	vst v2  }
0x1fe: {  	[tilespmem:s31+$0xFFFFFFC0] =	vst v0  }
0x1ff: {  	s0 =	rddreg [dreg:$0x14]  }
0x200: {  	[hbm4b:s0+s1] =	stream.linear.scatter [tilespmem:s21], [sflag:$0x4], $0x4000, $0x38;
	[tilespmem:$0x1C000] =	vst v63  }
0x201: {  	s2 =	rddreg [dreg:$0x19]  }
0x202: {  	[tilespmem:s16], [sflag:$0x3] =	stream.linear.gather [hbm4b:s2+s1], $0x4000, $0x38;
	[tilespmem:$0x1C000] =	vst v63  }
0x203: {  	_ =	swait.ge [sflag:s19], $0x4000  }
0x204: {  	[sflag:s19] =	ssyncset.done $0x0  }
0x205: {  	[sflag:s19] =	ssyncadd.s32 $0xFFFFC000  }
0x206: {  	_ =	swait.ge [sflag:s26], $0x4000  }
0x207: {  	[sflag:s26] =	ssyncset.done $0x0  }
0x208: {  	s2 =	simm.s32 $0x40;
	[sflag:s26] =	ssyncadd.s32 $0xFFFFC000  }
0x209: {  	s30 =	simm.s32 $0x14040;
	v1 =	vld [tilespmem:s2+$0x30]  }
0x20a: {  	v2 =	vld [tilespmem:s30+$0x30]  }
0x20b: {  	v0 =	vld [tilespmem:s30+$0xFFFFFFC0]  }
0x20c: {  	v3 =	vld [tilespmem:s2+$0xFFFFFFD0]  }
0x20d: {  	v4 =	vld [tilespmem:s30+$0xFFFFFFD0]  }
0x20e: {  	v5 =	vld [tilespmem:s2+$0xFFFFFFE0]  }
0x20f: {  	v6 =	vld [tilespmem:s30+$0xFFFFFFE0]  }
0x210: {  	v7 =	vld [tilespmem:s2+$0xFFFFFFF0]  }
0x211: {  	v8 =	vld [tilespmem:s30+$0xFFFFFFF0]  }
0x212: {  	v9 =	vld [tilespmem:s2+$0x0]  }
0x213: {  	v10 =	vld [tilespmem:s30+$0x0];
	v2 =	vadd.f32 v2, v1  }
0x214: {  	s31 =	simm.s32 $0x10040;
	v4 =	vadd.f32 v4, v3;
	v1 =	vld [tilespmem:s2+$0x10]  }
0x215: {  	v5 =	vadd.f32 v6, v5;
	v3 =	vld [tilespmem:s30+$0x10];
	[tilespmem:s31+$0x30] =	vst v2  }
0x216: {  	v6 =	vadd.f32 v8, v7;
	[tilespmem:s31+$0xFFFFFFD0] =	vst v4;
	v2 =	vld [tilespmem:s2+$0x20]  }
0x217: {  	[tilespmem:s31+$0xFFFFFFE0] =	vst v5;
	v5 =	vld [tilespmem:s30+$0x20]  }
0x218: {  	s0 =	simm.s32 $0x0;
	v4 =	vld [tilespmem:s2+$0xFFFFFFC0];
	[tilespmem:s31+$0xFFFFFFF0] =	vst v6;
	v6 =	vadd.f32 v10, v9;
	s2 =	simm.s32 $0xC0  }
.LBB2_20:
0x219: {  	v7 =	vld [tilespmem:s2+$0x30];
	s30 =	sadd.s32 $0x80, s30  }
0x21a: {  	s0 =	sadd.s32 $0x8, s0;
	v8 =	vld [tilespmem:s30+$0x30];
	[tilespmem:s31+$0x0] =	vst v6;
	v1 =	vadd.f32 v3, v1  }
0x21b: {  	p0 =	slt.u32 s0, $0x3F8;
	v3 =	vld [tilespmem:s30+$0xFFFFFFC0]  }
0x21c: {  	v6 =	vld [tilespmem:s2+$0xFFFFFFD0];
	[tilespmem:s31+$0x10] =	vst v1;
	v1 =	vadd.f32 v5, v2  }
0x21d: {  	v2 =	vld [tilespmem:s30+$0xFFFFFFD0];
	v9 =	vadd.f32 v0, v4  }
0x21e: {  	v4 =	vld [tilespmem:s2+$0xFFFFFFE0];
	[tilespmem:s31+$0x20] =	vst v1  }
0x21f: {  	v1 =	vld [tilespmem:s30+$0xFFFFFFE0];
	v5 =	vadd.f32 v8, v7;
	[tilespmem:s31+$0xFFFFFFC0] =	vst v9  }
0x220: {  	s31 =	sadd.s32 $0x80, s31;
	v7 =	vld [tilespmem:s2+$0xFFFFFFF0];
	v0 =	vmov v3  }
0x221: {  	v8 =	vld [tilespmem:s30+$0xFFFFFFF0];
	[tilespmem:s31+$0x30] =	vst v5  }
0x222: {  	v2 =	vadd.f32 v2, v6;
	v6 =	vld [tilespmem:s2+$0x0]  }
0x223: {  	v9 =	vld [tilespmem:s30+$0x0]  }
.Ltmp9:
0x224: {  	[tilespmem:s31+$0xFFFFFFD0] =	vst v2;
	v2 =	vadd.f32 v1, v4;
	v1 =	vld [tilespmem:s2+$0x10];
	(pc) =	sbr.rel @p0 .LBB2_20-.Ltmp9, $4  }
0x225: {  	v3 =	vld [tilespmem:s30+$0x10]  }
0x226: {  	[tilespmem:s31+$0xFFFFFFE0] =	vst v2;
	v7 =	vadd.f32 v8, v7;
	v2 =	vld [tilespmem:s2+$0x20]  }
0x227: {  	v5 =	vld [tilespmem:s30+$0x20]  }
0x228: {  	v4 =	vld [tilespmem:s2+$0xFFFFFFC0];
	[tilespmem:s31+$0xFFFFFFF0] =	vst v7;
	v6 =	vadd.f32 v9, v6;
	s2 =	sadd.s32 $0x80, s2  }
0x229: {  	_ =	sdelay $0x1  }
0x22a: {  	v1 =	vadd.f32 v3, v1  }
0x22b: {  	[tilespmem:s31+$0x0] =	vst v6;
	v2 =	vadd.f32 v5, v2  }
0x22c: {  	[tilespmem:s31+$0x10] =	vst v1;
	v0 =	vadd.f32 v0, v4  }
0x22d: {  	[tilespmem:s31+$0x20] =	vst v2  }
0x22e: {  	[tilespmem:s31+$0xFFFFFFC0] =	vst v0  }
0x22f: {  	s0 =	rddreg [dreg:$0x16]  }
0x230: {  	[hbm4b:s0+s1] =	stream.linear.scatter [tilespmem:s23], [sflag:$0x5], $0x4000, $0x38;
	[tilespmem:$0x1C000] =	vst v63  }
0x231: {  	s2 =	rddreg [dreg:$0x1b]  }
0x232: {  	[tilespmem:s1], [sflag:$0x1] =	stream.linear.gather [hbm4b:s2+s1], $0x4000, $0x38;
	[tilespmem:$0x1C000] =	vst v63  }
0x233: {  	s2 =	rddreg [dreg:$0x1c]  }
0x234: {  	[tilespmem:s18], [sflag:$0x7] =	stream.linear.gather [hbm4b:s2+s1], $0x4000, $0x38;
	[tilespmem:$0x1C000] =	vst v63  }
0x235: {  	_ =	swait.ge [sflag:s22], $0x4000  }
0x236: {  	[sflag:s22] =	ssyncset.done $0x0  }
0x237: {  	[sflag:s22] =	ssyncadd.s32 $0xFFFFC000  }
0x238: {  	_ =	swait.ge [sflag:s25], $0x4000  }
0x239: {  	[sflag:s25] =	ssyncset.done $0x0  }
0x23a: {  	s2 =	simm.s32 $0x4040;
	[sflag:s25] =	ssyncadd.s32 $0xFFFFC000  }
0x23b: {  	s30 =	simm.s32 $0x14040;
	v1 =	vld [tilespmem:s2+$0x30]  }
0x23c: {  	v2 =	vld [tilespmem:s30+$0x30]  }
0x23d: {  	v0 =	vld [tilespmem:s30+$0xFFFFFFC0]  }
0x23e: {  	v3 =	vld [tilespmem:s2+$0xFFFFFFD0]  }
0x23f: {  	v4 =	vld [tilespmem:s30+$0xFFFFFFD0]  }
0x240: {  	v5 =	vld [tilespmem:s2+$0xFFFFFFE0]  }
0x241: {  	v6 =	vld [tilespmem:s30+$0xFFFFFFE0]  }
0x242: {  	v7 =	vld [tilespmem:s2+$0xFFFFFFF0]  }
0x243: {  	v8 =	vld [tilespmem:s30+$0xFFFFFFF0]  }
0x244: {  	v9 =	vld [tilespmem:s2+$0x0]  }
0x245: {  	v10 =	vld [tilespmem:s30+$0x0];
	v2 =	vadd.f32 v2, v1  }
0x246: {  	s31 =	simm.s32 $0xC040;
	v4 =	vadd.f32 v4, v3;
	v1 =	vld [tilespmem:s2+$0x10]  }
0x247: {  	v5 =	vadd.f32 v6, v5;
	v3 =	vld [tilespmem:s30+$0x10];
	[tilespmem:s31+$0x30] =	vst v2  }
0x248: {  	v6 =	vadd.f32 v8, v7;
	[tilespmem:s31+$0xFFFFFFD0] =	vst v4;
	v2 =	vld [tilespmem:s2+$0x20]  }
0x249: {  	[tilespmem:s31+$0xFFFFFFE0] =	vst v5;
	v5 =	vld [tilespmem:s30+$0x20]  }
0x24a: {  	s0 =	simm.s32 $0x0;
	v4 =	vld [tilespmem:s2+$0xFFFFFFC0];
	[tilespmem:s31+$0xFFFFFFF0] =	vst v6;
	v6 =	vadd.f32 v10, v9;
	s2 =	simm.s32 $0x40C0  }
.LBB2_22:
0x24b: {  	v7 =	vld [tilespmem:s2+$0x30];
	s30 =	sadd.s32 $0x80, s30  }
0x24c: {  	s0 =	sadd.s32 $0x8, s0;
	v8 =	vld [tilespmem:s30+$0x30];
	[tilespmem:s31+$0x0] =	vst v6;
	v1 =	vadd.f32 v3, v1  }
0x24d: {  	p0 =	slt.u32 s0, $0x3F8;
	v3 =	vld [tilespmem:s30+$0xFFFFFFC0]  }
0x24e: {  	v6 =	vld [tilespmem:s2+$0xFFFFFFD0];
	[tilespmem:s31+$0x10] =	vst v1;
	v1 =	vadd.f32 v5, v2  }
0x24f: {  	v2 =	vld [tilespmem:s30+$0xFFFFFFD0];
	v9 =	vadd.f32 v0, v4  }
0x250: {  	v4 =	vld [tilespmem:s2+$0xFFFFFFE0];
	[tilespmem:s31+$0x20] =	vst v1  }
0x251: {  	v1 =	vld [tilespmem:s30+$0xFFFFFFE0];
	v5 =	vadd.f32 v8, v7;
	[tilespmem:s31+$0xFFFFFFC0] =	vst v9  }
0x252: {  	s31 =	sadd.s32 $0x80, s31;
	v7 =	vld [tilespmem:s2+$0xFFFFFFF0];
	v0 =	vmov v3  }
0x253: {  	v8 =	vld [tilespmem:s30+$0xFFFFFFF0];
	[tilespmem:s31+$0x30] =	vst v5  }
0x254: {  	v2 =	vadd.f32 v2, v6;
	v6 =	vld [tilespmem:s2+$0x0]  }
0x255: {  	v9 =	vld [tilespmem:s30+$0x0]  }
.Ltmp10:
0x256: {  	[tilespmem:s31+$0xFFFFFFD0] =	vst v2;
	v2 =	vadd.f32 v1, v4;
	v1 =	vld [tilespmem:s2+$0x10];
	(pc) =	sbr.rel @p0 .LBB2_22-.Ltmp10, $4  }
0x257: {  	v3 =	vld [tilespmem:s30+$0x10]  }
0x258: {  	[tilespmem:s31+$0xFFFFFFE0] =	vst v2;
	v7 =	vadd.f32 v8, v7;
	v2 =	vld [tilespmem:s2+$0x20]  }
0x259: {  	v5 =	vld [tilespmem:s30+$0x20]  }
0x25a: {  	v4 =	vld [tilespmem:s2+$0xFFFFFFC0];
	[tilespmem:s31+$0xFFFFFFF0] =	vst v7;
	v6 =	vadd.f32 v9, v6;
	s2 =	sadd.s32 $0x80, s2  }
0x25b: {  	_ =	sdelay $0x1  }
0x25c: {  	v1 =	vadd.f32 v3, v1  }
0x25d: {  	[tilespmem:s31+$0x0] =	vst v6;
	v2 =	vadd.f32 v5, v2  }
0x25e: {  	[tilespmem:s31+$0x10] =	vst v1;
	v0 =	vadd.f32 v0, v4  }
0x25f: {  	[tilespmem:s31+$0x20] =	vst v2  }
0x260: {  	[tilespmem:s31+$0xFFFFFFC0] =	vst v0  }
0x261: {  	s0 =	rddreg [dreg:$0x18]  }
0x262: {  	[hbm4b:s0+s1] =	stream.linear.scatter [tilespmem:s21], [sflag:$0x4], $0x4000, $0x38;
	[tilespmem:$0x1C000] =	vst v63  }
0x263: {  	s2 =	rddreg [dreg:$0x1e]  }
0x264: {  	[tilespmem:s15], [sflag:$0x2] =	stream.linear.gather [hbm4b:s2+s1], $0x4000, $0x38;
	[tilespmem:$0x1C000] =	vst v63  }
0x265: {  	_ =	swait.ge [sflag:s24], $0x4000  }
0x266: {  	[sflag:s24] =	ssyncset.done $0x0  }
0x267: {  	[sflag:s24] =	ssyncadd.s32 $0xFFFFC000  }
0x268: {  	_ =	swait.ge [sflag:s26], $0x4000  }
0x269: {  	[sflag:s26] =	ssyncset.done $0x0  }
0x26a: {  	s2 =	simm.s32 $0x8040;
	[sflag:s26] =	ssyncadd.s32 $0xFFFFC000  }
0x26b: {  	s30 =	simm.s32 $0x14040;
	v1 =	vld [tilespmem:s2+$0x30]  }
0x26c: {  	v2 =	vld [tilespmem:s30+$0x30]  }
0x26d: {  	v0 =	vld [tilespmem:s30+$0xFFFFFFC0]  }
0x26e: {  	v3 =	vld [tilespmem:s2+$0xFFFFFFD0]  }
0x26f: {  	v4 =	vld [tilespmem:s30+$0xFFFFFFD0]  }
0x270: {  	v5 =	vld [tilespmem:s2+$0xFFFFFFE0]  }
0x271: {  	v6 =	vld [tilespmem:s30+$0xFFFFFFE0]  }
0x272: {  	v7 =	vld [tilespmem:s2+$0xFFFFFFF0]  }
0x273: {  	v8 =	vld [tilespmem:s30+$0xFFFFFFF0]  }
0x274: {  	v9 =	vld [tilespmem:s2+$0x0]  }
0x275: {  	v10 =	vld [tilespmem:s30+$0x0];
	v2 =	vadd.f32 v2, v1  }
0x276: {  	s31 =	simm.s32 $0x10040;
	v4 =	vadd.f32 v4, v3;
	v1 =	vld [tilespmem:s2+$0x10]  }
0x277: {  	v5 =	vadd.f32 v6, v5;
	v3 =	vld [tilespmem:s30+$0x10];
	[tilespmem:s31+$0x30] =	vst v2  }
0x278: {  	v6 =	vadd.f32 v8, v7;
	[tilespmem:s31+$0xFFFFFFD0] =	vst v4;
	v2 =	vld [tilespmem:s2+$0x20]  }
0x279: {  	[tilespmem:s31+$0xFFFFFFE0] =	vst v5;
	v5 =	vld [tilespmem:s30+$0x20]  }
0x27a: {  	s0 =	simm.s32 $0x0;
	v4 =	vld [tilespmem:s2+$0xFFFFFFC0];
	[tilespmem:s31+$0xFFFFFFF0] =	vst v6;
	v6 =	vadd.f32 v10, v9;
	s2 =	simm.s32 $0x80C0  }
.LBB2_24:
0x27b: {  	v7 =	vld [tilespmem:s2+$0x30];
	s30 =	sadd.s32 $0x80, s30  }
0x27c: {  	s0 =	sadd.s32 $0x8, s0;
	v8 =	vld [tilespmem:s30+$0x30];
	[tilespmem:s31+$0x0] =	vst v6;
	v1 =	vadd.f32 v3, v1  }
0x27d: {  	p0 =	slt.u32 s0, $0x3F8;
	v3 =	vld [tilespmem:s30+$0xFFFFFFC0]  }
0x27e: {  	v6 =	vld [tilespmem:s2+$0xFFFFFFD0];
	[tilespmem:s31+$0x10] =	vst v1;
	v1 =	vadd.f32 v5, v2  }
0x27f: {  	v2 =	vld [tilespmem:s30+$0xFFFFFFD0];
	v9 =	vadd.f32 v0, v4  }
0x280: {  	v4 =	vld [tilespmem:s2+$0xFFFFFFE0];
	[tilespmem:s31+$0x20] =	vst v1  }
0x281: {  	v1 =	vld [tilespmem:s30+$0xFFFFFFE0];
	v5 =	vadd.f32 v8, v7;
	[tilespmem:s31+$0xFFFFFFC0] =	vst v9  }
0x282: {  	s31 =	sadd.s32 $0x80, s31;
	v7 =	vld [tilespmem:s2+$0xFFFFFFF0];
	v0 =	vmov v3  }
0x283: {  	v8 =	vld [tilespmem:s30+$0xFFFFFFF0];
	[tilespmem:s31+$0x30] =	vst v5  }
0x284: {  	v2 =	vadd.f32 v2, v6;
	v6 =	vld [tilespmem:s2+$0x0]  }
0x285: {  	v9 =	vld [tilespmem:s30+$0x0]  }
.Ltmp11:
0x286: {  	[tilespmem:s31+$0xFFFFFFD0] =	vst v2;
	v2 =	vadd.f32 v1, v4;
	v1 =	vld [tilespmem:s2+$0x10];
	(pc) =	sbr.rel @p0 .LBB2_24-.Ltmp11, $4  }
0x287: {  	v3 =	vld [tilespmem:s30+$0x10]  }
0x288: {  	[tilespmem:s31+$0xFFFFFFE0] =	vst v2;
	v7 =	vadd.f32 v8, v7;
	v2 =	vld [tilespmem:s2+$0x20]  }
0x289: {  	v5 =	vld [tilespmem:s30+$0x20]  }
0x28a: {  	v4 =	vld [tilespmem:s2+$0xFFFFFFC0];
	[tilespmem:s31+$0xFFFFFFF0] =	vst v7;
	v6 =	vadd.f32 v9, v6;
	s2 =	sadd.s32 $0x80, s2  }
0x28b: {  	_ =	sdelay $0x1  }
0x28c: {  	v1 =	vadd.f32 v3, v1  }
0x28d: {  	[tilespmem:s31+$0x0] =	vst v6;
	v2 =	vadd.f32 v5, v2  }
0x28e: {  	[tilespmem:s31+$0x10] =	vst v1;
	v0 =	vadd.f32 v0, v4  }
0x28f: {  	[tilespmem:s31+$0x20] =	vst v2  }
0x290: {  	[tilespmem:s31+$0xFFFFFFC0] =	vst v0  }
0x291: {  	s0 =	rddreg [dreg:$0x1a]  }
0x292: {  	s2 =	sld [smem:$0x7DE]  }
0x293: {  	[hbm4b:s0+s1] =	stream.linear.scatter [tilespmem:s23], [sflag:$0x5], $0x4000, $0x38;
	[tilespmem:$0x1C000] =	vst v63  }
0x294: {  	_ = 	snop  }
0x295: {  	[tilespmem:s16], [sflag:$0x3] =	stream.linear.gather [hbm4b:s2+s1], $0x4000, $0x38;
	[tilespmem:$0x1C000] =	vst v63  }
0x296: {  	_ =	swait.ge [sflag:s19], $0x4000  }
0x297: {  	[sflag:s19] =	ssyncset.done $0x0  }
0x298: {  	[sflag:s19] =	ssyncadd.s32 $0xFFFFC000  }
0x299: {  	_ =	swait.ge [sflag:s28], $0x4000  }
0x29a: {  	[sflag:s28] =	ssyncset.done $0x0  }
0x29b: {  	[sflag:s28] =	ssyncadd.s32 $0xFFFFC000  }
0x29c: {  	_ =	swait.ge [sflag:s25], $0x4000  }
0x29d: {  	[sflag:s25] =	ssyncset.done $0x0  }
0x29e: {  	s2 =	simm.s32 $0x40;
	[sflag:s25] =	ssyncadd.s32 $0xFFFFC000  }
0x29f: {  	s30 =	simm.s32 $0x18040;
	v1 =	vld [tilespmem:s2+$0x30]  }
0x2a0: {  	v2 =	vld [tilespmem:s30+$0x30]  }
0x2a1: {  	v0 =	vld [tilespmem:s30+$0xFFFFFFC0]  }
0x2a2: {  	v3 =	vld [tilespmem:s2+$0xFFFFFFD0]  }
0x2a3: {  	v4 =	vld [tilespmem:s30+$0xFFFFFFD0]  }
0x2a4: {  	v5 =	vld [tilespmem:s2+$0xFFFFFFE0]  }
0x2a5: {  	v6 =	vld [tilespmem:s30+$0xFFFFFFE0]  }
0x2a6: {  	v7 =	vld [tilespmem:s2+$0xFFFFFFF0]  }
0x2a7: {  	v8 =	vld [tilespmem:s30+$0xFFFFFFF0]  }
0x2a8: {  	v9 =	vld [tilespmem:s2+$0x0]  }
0x2a9: {  	v10 =	vld [tilespmem:s30+$0x0];
	v2 =	vadd.f32 v2, v1  }
0x2aa: {  	s31 =	simm.s32 $0xC040;
	v4 =	vadd.f32 v4, v3;
	v1 =	vld [tilespmem:s2+$0x10]  }
0x2ab: {  	v5 =	vadd.f32 v6, v5;
	v3 =	vld [tilespmem:s30+$0x10];
	[tilespmem:s31+$0x30] =	vst v2  }
0x2ac: {  	v6 =	vadd.f32 v8, v7;
	[tilespmem:s31+$0xFFFFFFD0] =	vst v4;
	v2 =	vld [tilespmem:s2+$0x20]  }
0x2ad: {  	[tilespmem:s31+$0xFFFFFFE0] =	vst v5;
	v5 =	vld [tilespmem:s30+$0x20]  }
0x2ae: {  	s0 =	simm.s32 $0x0;
	v4 =	vld [tilespmem:s2+$0xFFFFFFC0];
	[tilespmem:s31+$0xFFFFFFF0] =	vst v6;
	v6 =	vadd.f32 v10, v9;
	s2 =	simm.s32 $0xC0  }
.LBB2_26:
0x2af: {  	v7 =	vld [tilespmem:s2+$0x30];
	s30 =	sadd.s32 $0x80, s30  }
0x2b0: {  	s0 =	sadd.s32 $0x8, s0;
	v8 =	vld [tilespmem:s30+$0x30];
	[tilespmem:s31+$0x0] =	vst v6;
	v1 =	vadd.f32 v3, v1  }
0x2b1: {  	p0 =	slt.u32 s0, $0x3F8;
	v3 =	vld [tilespmem:s30+$0xFFFFFFC0]  }
0x2b2: {  	v6 =	vld [tilespmem:s2+$0xFFFFFFD0];
	[tilespmem:s31+$0x10] =	vst v1;
	v1 =	vadd.f32 v5, v2  }
0x2b3: {  	v2 =	vld [tilespmem:s30+$0xFFFFFFD0];
	v9 =	vadd.f32 v0, v4  }
0x2b4: {  	v4 =	vld [tilespmem:s2+$0xFFFFFFE0];
	[tilespmem:s31+$0x20] =	vst v1  }
0x2b5: {  	v1 =	vld [tilespmem:s30+$0xFFFFFFE0];
	v5 =	vadd.f32 v8, v7;
	[tilespmem:s31+$0xFFFFFFC0] =	vst v9  }
0x2b6: {  	s31 =	sadd.s32 $0x80, s31;
	v7 =	vld [tilespmem:s2+$0xFFFFFFF0];
	v0 =	vmov v3  }
0x2b7: {  	v8 =	vld [tilespmem:s30+$0xFFFFFFF0];
	[tilespmem:s31+$0x30] =	vst v5  }
0x2b8: {  	v2 =	vadd.f32 v2, v6;
	v6 =	vld [tilespmem:s2+$0x0]  }
0x2b9: {  	v9 =	vld [tilespmem:s30+$0x0]  }
.Ltmp12:
0x2ba: {  	[tilespmem:s31+$0xFFFFFFD0] =	vst v2;
	v2 =	vadd.f32 v1, v4;
	v1 =	vld [tilespmem:s2+$0x10];
	(pc) =	sbr.rel @p0 .LBB2_26-.Ltmp12, $4  }
0x2bb: {  	v3 =	vld [tilespmem:s30+$0x10]  }
0x2bc: {  	[tilespmem:s31+$0xFFFFFFE0] =	vst v2;
	v7 =	vadd.f32 v8, v7;
	v2 =	vld [tilespmem:s2+$0x20]  }
0x2bd: {  	v5 =	vld [tilespmem:s30+$0x20]  }
0x2be: {  	v4 =	vld [tilespmem:s2+$0xFFFFFFC0];
	[tilespmem:s31+$0xFFFFFFF0] =	vst v7;
	v6 =	vadd.f32 v9, v6;
	s2 =	sadd.s32 $0x80, s2  }
0x2bf: {  	_ =	sdelay $0x1  }
0x2c0: {  	v1 =	vadd.f32 v3, v1  }
0x2c1: {  	[tilespmem:s31+$0x0] =	vst v6;
	v2 =	vadd.f32 v5, v2  }
0x2c2: {  	[tilespmem:s31+$0x10] =	vst v1;
	v0 =	vadd.f32 v0, v4  }
0x2c3: {  	[tilespmem:s31+$0x20] =	vst v2  }
0x2c4: {  	[tilespmem:s31+$0xFFFFFFC0] =	vst v0  }
0x2c5: {  	s0 =	rddreg [dreg:$0x1d]  }
0x2c6: {  	s2 =	sld [smem:$0x7E0]  }
0x2c7: {  	[hbm4b:s0+s1] =	stream.linear.scatter [tilespmem:s21], [sflag:$0x4], $0x4000, $0x38;
	[tilespmem:$0x1C000] =	vst v63  }
0x2c8: {  	_ = 	snop  }
0x2c9: {  	[tilespmem:s1], [sflag:$0x1] =	stream.linear.gather [hbm4b:s2+s1], $0x4000, $0x38;
	[tilespmem:$0x1C000] =	vst v63  }
0x2ca: {  	_ =	swait.ge [sflag:s22], $0x4000  }
0x2cb: {  	[sflag:s22] =	ssyncset.done $0x0  }
0x2cc: {  	[sflag:s22] =	ssyncadd.s32 $0xFFFFC000  }
0x2cd: {  	_ =	swait.ge [sflag:s26], $0x4000  }
0x2ce: {  	[sflag:s26] =	ssyncset.done $0x0  }
0x2cf: {  	s2 =	simm.s32 $0x4040;
	[sflag:s26] =	ssyncadd.s32 $0xFFFFC000  }
0x2d0: {  	s30 =	simm.s32 $0x18040;
	v1 =	vld [tilespmem:s2+$0x30]  }
0x2d1: {  	v2 =	vld [tilespmem:s30+$0x30]  }
0x2d2: {  	v0 =	vld [tilespmem:s30+$0xFFFFFFC0]  }
0x2d3: {  	v3 =	vld [tilespmem:s2+$0xFFFFFFD0]  }
0x2d4: {  	v4 =	vld [tilespmem:s30+$0xFFFFFFD0]  }
0x2d5: {  	v5 =	vld [tilespmem:s2+$0xFFFFFFE0]  }
0x2d6: {  	v6 =	vld [tilespmem:s30+$0xFFFFFFE0]  }
0x2d7: {  	v7 =	vld [tilespmem:s2+$0xFFFFFFF0]  }
0x2d8: {  	v8 =	vld [tilespmem:s30+$0xFFFFFFF0]  }
0x2d9: {  	v9 =	vld [tilespmem:s2+$0x0]  }
0x2da: {  	v10 =	vld [tilespmem:s30+$0x0];
	v2 =	vadd.f32 v2, v1  }
0x2db: {  	s31 =	simm.s32 $0x10040;
	v4 =	vadd.f32 v4, v3;
	v1 =	vld [tilespmem:s2+$0x10]  }
0x2dc: {  	v5 =	vadd.f32 v6, v5;
	v3 =	vld [tilespmem:s30+$0x10];
	[tilespmem:s31+$0x30] =	vst v2  }
0x2dd: {  	v6 =	vadd.f32 v8, v7;
	[tilespmem:s31+$0xFFFFFFD0] =	vst v4;
	v2 =	vld [tilespmem:s2+$0x20]  }
0x2de: {  	[tilespmem:s31+$0xFFFFFFE0] =	vst v5;
	v5 =	vld [tilespmem:s30+$0x20]  }
0x2df: {  	s0 =	simm.s32 $0x0;
	v4 =	vld [tilespmem:s2+$0xFFFFFFC0];
	[tilespmem:s31+$0xFFFFFFF0] =	vst v6;
	v6 =	vadd.f32 v10, v9;
	s2 =	simm.s32 $0x40C0  }
.LBB2_28:
0x2e0: {  	v7 =	vld [tilespmem:s2+$0x30];
	s30 =	sadd.s32 $0x80, s30  }
0x2e1: {  	s0 =	sadd.s32 $0x8, s0;
	v8 =	vld [tilespmem:s30+$0x30];
	[tilespmem:s31+$0x0] =	vst v6;
	v1 =	vadd.f32 v3, v1  }
0x2e2: {  	p0 =	slt.u32 s0, $0x3F8;
	v3 =	vld [tilespmem:s30+$0xFFFFFFC0]  }
0x2e3: {  	v6 =	vld [tilespmem:s2+$0xFFFFFFD0];
	[tilespmem:s31+$0x10] =	vst v1;
	v1 =	vadd.f32 v5, v2  }
0x2e4: {  	v2 =	vld [tilespmem:s30+$0xFFFFFFD0];
	v9 =	vadd.f32 v0, v4  }
0x2e5: {  	v4 =	vld [tilespmem:s2+$0xFFFFFFE0];
	[tilespmem:s31+$0x20] =	vst v1  }
0x2e6: {  	v1 =	vld [tilespmem:s30+$0xFFFFFFE0];
	v5 =	vadd.f32 v8, v7;
	[tilespmem:s31+$0xFFFFFFC0] =	vst v9  }
0x2e7: {  	s31 =	sadd.s32 $0x80, s31;
	v7 =	vld [tilespmem:s2+$0xFFFFFFF0];
	v0 =	vmov v3  }
0x2e8: {  	v8 =	vld [tilespmem:s30+$0xFFFFFFF0];
	[tilespmem:s31+$0x30] =	vst v5  }
0x2e9: {  	v2 =	vadd.f32 v2, v6;
	v6 =	vld [tilespmem:s2+$0x0]  }
0x2ea: {  	v9 =	vld [tilespmem:s30+$0x0]  }
.Ltmp13:
0x2eb: {  	[tilespmem:s31+$0xFFFFFFD0] =	vst v2;
	v2 =	vadd.f32 v1, v4;
	v1 =	vld [tilespmem:s2+$0x10];
	(pc) =	sbr.rel @p0 .LBB2_28-.Ltmp13, $4  }
0x2ec: {  	v3 =	vld [tilespmem:s30+$0x10]  }
0x2ed: {  	[tilespmem:s31+$0xFFFFFFE0] =	vst v2;
	v7 =	vadd.f32 v8, v7;
	v2 =	vld [tilespmem:s2+$0x20]  }
0x2ee: {  	v5 =	vld [tilespmem:s30+$0x20]  }
0x2ef: {  	v4 =	vld [tilespmem:s2+$0xFFFFFFC0];
	[tilespmem:s31+$0xFFFFFFF0] =	vst v7;
	v6 =	vadd.f32 v9, v6;
	s2 =	sadd.s32 $0x80, s2  }
0x2f0: {  	_ =	sdelay $0x1  }
0x2f1: {  	v1 =	vadd.f32 v3, v1  }
0x2f2: {  	[tilespmem:s31+$0x0] =	vst v6;
	v2 =	vadd.f32 v5, v2  }
0x2f3: {  	[tilespmem:s31+$0x10] =	vst v1;
	v0 =	vadd.f32 v0, v4  }
0x2f4: {  	[tilespmem:s31+$0x20] =	vst v2  }
0x2f5: {  	[tilespmem:s31+$0xFFFFFFC0] =	vst v0  }
0x2f6: {  	s0 =	rddreg [dreg:$0x1f]  }
0x2f7: {  	s2 =	sld [smem:$0x7E2]  }
0x2f8: {  	[hbm4b:s0+s1] =	stream.linear.scatter [tilespmem:s23], [sflag:$0x5], $0x4000, $0x38;
	[tilespmem:$0x1C000] =	vst v63  }
0x2f9: {  	_ = 	snop  }
0x2fa: {  	[tilespmem:s15], [sflag:$0x2] =	stream.linear.gather [hbm4b:s2+s1], $0x4000, $0x38;
	[tilespmem:$0x1C000] =	vst v63  }
0x2fb: {  	s2 =	sld [smem:$0x7E3];
	_ =	sdelay $0x2  }
0x2fc: {  	[tilespmem:s17], [sflag:$0x6] =	stream.linear.gather [hbm4b:s2+s1], $0x4000, $0x38;
	[tilespmem:$0x1C000] =	vst v63  }
0x2fd: {  	_ =	swait.ge [sflag:s24], $0x4000  }
0x2fe: {  	[sflag:s24] =	ssyncset.done $0x0  }
0x2ff: {  	[sflag:s24] =	ssyncadd.s32 $0xFFFFC000  }
0x300: {  	_ =	swait.ge [sflag:s25], $0x4000  }
0x301: {  	[sflag:s25] =	ssyncset.done $0x0  }
0x302: {  	s2 =	simm.s32 $0x8040;
	[sflag:s25] =	ssyncadd.s32 $0xFFFFC000  }
0x303: {  	s30 =	simm.s32 $0x18040;
	v1 =	vld [tilespmem:s2+$0x30]  }
0x304: {  	v2 =	vld [tilespmem:s30+$0x30]  }
0x305: {  	v0 =	vld [tilespmem:s30+$0xFFFFFFC0]  }
0x306: {  	v3 =	vld [tilespmem:s2+$0xFFFFFFD0]  }
0x307: {  	v4 =	vld [tilespmem:s30+$0xFFFFFFD0]  }
0x308: {  	v5 =	vld [tilespmem:s2+$0xFFFFFFE0]  }
0x309: {  	v6 =	vld [tilespmem:s30+$0xFFFFFFE0]  }
0x30a: {  	v7 =	vld [tilespmem:s2+$0xFFFFFFF0]  }
0x30b: {  	v8 =	vld [tilespmem:s30+$0xFFFFFFF0]  }
0x30c: {  	v9 =	vld [tilespmem:s2+$0x0]  }
0x30d: {  	v10 =	vld [tilespmem:s30+$0x0];
	v2 =	vadd.f32 v2, v1  }
0x30e: {  	s31 =	simm.s32 $0xC040;
	v4 =	vadd.f32 v4, v3;
	v1 =	vld [tilespmem:s2+$0x10]  }
0x30f: {  	v5 =	vadd.f32 v6, v5;
	v3 =	vld [tilespmem:s30+$0x10];
	[tilespmem:s31+$0x30] =	vst v2  }
0x310: {  	v6 =	vadd.f32 v8, v7;
	[tilespmem:s31+$0xFFFFFFD0] =	vst v4;
	v2 =	vld [tilespmem:s2+$0x20]  }
0x311: {  	[tilespmem:s31+$0xFFFFFFE0] =	vst v5;
	v5 =	vld [tilespmem:s30+$0x20]  }
0x312: {  	s0 =	simm.s32 $0x0;
	v4 =	vld [tilespmem:s2+$0xFFFFFFC0];
	[tilespmem:s31+$0xFFFFFFF0] =	vst v6;
	v6 =	vadd.f32 v10, v9;
	s2 =	simm.s32 $0x80C0  }
.LBB2_30:
0x313: {  	v7 =	vld [tilespmem:s2+$0x30];
	s30 =	sadd.s32 $0x80, s30  }
0x314: {  	s0 =	sadd.s32 $0x8, s0;
	v8 =	vld [tilespmem:s30+$0x30];
	[tilespmem:s31+$0x0] =	vst v6;
	v1 =	vadd.f32 v3, v1  }
0x315: {  	p0 =	slt.u32 s0, $0x3F8;
	v3 =	vld [tilespmem:s30+$0xFFFFFFC0]  }
0x316: {  	v6 =	vld [tilespmem:s2+$0xFFFFFFD0];
	[tilespmem:s31+$0x10] =	vst v1;
	v1 =	vadd.f32 v5, v2  }
0x317: {  	v2 =	vld [tilespmem:s30+$0xFFFFFFD0];
	v9 =	vadd.f32 v0, v4  }
0x318: {  	v4 =	vld [tilespmem:s2+$0xFFFFFFE0];
	[tilespmem:s31+$0x20] =	vst v1  }
0x319: {  	v1 =	vld [tilespmem:s30+$0xFFFFFFE0];
	v5 =	vadd.f32 v8, v7;
	[tilespmem:s31+$0xFFFFFFC0] =	vst v9  }
0x31a: {  	s31 =	sadd.s32 $0x80, s31;
	v7 =	vld [tilespmem:s2+$0xFFFFFFF0];
	v0 =	vmov v3  }
0x31b: {  	v8 =	vld [tilespmem:s30+$0xFFFFFFF0];
	[tilespmem:s31+$0x30] =	vst v5  }
0x31c: {  	v2 =	vadd.f32 v2, v6;
	v6 =	vld [tilespmem:s2+$0x0]  }
0x31d: {  	v9 =	vld [tilespmem:s30+$0x0]  }
.Ltmp14:
0x31e: {  	[tilespmem:s31+$0xFFFFFFD0] =	vst v2;
	v2 =	vadd.f32 v1, v4;
	v1 =	vld [tilespmem:s2+$0x10];
	(pc) =	sbr.rel @p0 .LBB2_30-.Ltmp14, $4  }
0x31f: {  	v3 =	vld [tilespmem:s30+$0x10]  }
0x320: {  	[tilespmem:s31+$0xFFFFFFE0] =	vst v2;
	v7 =	vadd.f32 v8, v7;
	v2 =	vld [tilespmem:s2+$0x20]  }
0x321: {  	v5 =	vld [tilespmem:s30+$0x20]  }
0x322: {  	v4 =	vld [tilespmem:s2+$0xFFFFFFC0];
	[tilespmem:s31+$0xFFFFFFF0] =	vst v7;
	v6 =	vadd.f32 v9, v6;
	s2 =	sadd.s32 $0x80, s2  }
0x323: {  	_ =	sdelay $0x1  }
0x324: {  	v1 =	vadd.f32 v3, v1  }
0x325: {  	[tilespmem:s31+$0x0] =	vst v6;
	v2 =	vadd.f32 v5, v2  }
0x326: {  	[tilespmem:s31+$0x10] =	vst v1;
	v0 =	vadd.f32 v0, v4  }
0x327: {  	[tilespmem:s31+$0x20] =	vst v2  }
0x328: {  	[tilespmem:s31+$0xFFFFFFC0] =	vst v0  }
0x329: {  	s0 =	sld [smem:$0x7DF];
	_ =	sdelay $0x1  }
0x32a: {  	s2 =	sld [smem:$0x7E5]  }
0x32b: {  	[hbm4b:s0+s1] =	stream.linear.scatter [tilespmem:s21], [sflag:$0x4], $0x4000, $0x38;
	[tilespmem:$0x1C000] =	vst v63  }
0x32c: {  	_ = 	snop  }
0x32d: {  	[tilespmem:s16], [sflag:$0x3] =	stream.linear.gather [hbm4b:s2+s1], $0x4000, $0x38;
	[tilespmem:$0x1C000] =	vst v63  }
0x32e: {  	_ =	swait.ge [sflag:s19], $0x4000  }
0x32f: {  	[sflag:s19] =	ssyncset.done $0x0  }
0x330: {  	[sflag:s19] =	ssyncadd.s32 $0xFFFFC000  }
0x331: {  	_ =	swait.ge [sflag:s26], $0x4000  }
0x332: {  	[sflag:s26] =	ssyncset.done $0x0  }
0x333: {  	s2 =	simm.s32 $0x40;
	[sflag:s26] =	ssyncadd.s32 $0xFFFFC000  }
0x334: {  	s30 =	simm.s32 $0x18040;
	v1 =	vld [tilespmem:s2+$0x30]  }
0x335: {  	v2 =	vld [tilespmem:s30+$0x30]  }
0x336: {  	v0 =	vld [tilespmem:s30+$0xFFFFFFC0]  }
0x337: {  	v3 =	vld [tilespmem:s2+$0xFFFFFFD0]  }
0x338: {  	v4 =	vld [tilespmem:s30+$0xFFFFFFD0]  }
0x339: {  	v5 =	vld [tilespmem:s2+$0xFFFFFFE0]  }
0x33a: {  	v6 =	vld [tilespmem:s30+$0xFFFFFFE0]  }
0x33b: {  	v7 =	vld [tilespmem:s2+$0xFFFFFFF0]  }
0x33c: {  	v8 =	vld [tilespmem:s30+$0xFFFFFFF0]  }
0x33d: {  	v9 =	vld [tilespmem:s2+$0x0]  }
0x33e: {  	v10 =	vld [tilespmem:s30+$0x0];
	v2 =	vadd.f32 v2, v1  }
0x33f: {  	s31 =	simm.s32 $0x10040;
	v4 =	vadd.f32 v4, v3;
	v1 =	vld [tilespmem:s2+$0x10]  }
0x340: {  	v5 =	vadd.f32 v6, v5;
	v3 =	vld [tilespmem:s30+$0x10];
	[tilespmem:s31+$0x30] =	vst v2  }
0x341: {  	v6 =	vadd.f32 v8, v7;
	[tilespmem:s31+$0xFFFFFFD0] =	vst v4;
	v2 =	vld [tilespmem:s2+$0x20]  }
0x342: {  	[tilespmem:s31+$0xFFFFFFE0] =	vst v5;
	v5 =	vld [tilespmem:s30+$0x20]  }
0x343: {  	s0 =	simm.s32 $0x0;
	v4 =	vld [tilespmem:s2+$0xFFFFFFC0];
	[tilespmem:s31+$0xFFFFFFF0] =	vst v6;
	v6 =	vadd.f32 v10, v9;
	s2 =	simm.s32 $0xC0  }
.LBB2_32:
0x344: {  	v7 =	vld [tilespmem:s2+$0x30];
	s30 =	sadd.s32 $0x80, s30  }
0x345: {  	s0 =	sadd.s32 $0x8, s0;
	v8 =	vld [tilespmem:s30+$0x30];
	[tilespmem:s31+$0x0] =	vst v6;
	v1 =	vadd.f32 v3, v1  }
0x346: {  	p0 =	slt.u32 s0, $0x3F8;
	v3 =	vld [tilespmem:s30+$0xFFFFFFC0]  }
0x347: {  	v6 =	vld [tilespmem:s2+$0xFFFFFFD0];
	[tilespmem:s31+$0x10] =	vst v1;
	v1 =	vadd.f32 v5, v2  }
0x348: {  	v2 =	vld [tilespmem:s30+$0xFFFFFFD0];
	v9 =	vadd.f32 v0, v4  }
0x349: {  	v4 =	vld [tilespmem:s2+$0xFFFFFFE0];
	[tilespmem:s31+$0x20] =	vst v1  }
0x34a: {  	v1 =	vld [tilespmem:s30+$0xFFFFFFE0];
	v5 =	vadd.f32 v8, v7;
	[tilespmem:s31+$0xFFFFFFC0] =	vst v9  }
0x34b: {  	s31 =	sadd.s32 $0x80, s31;
	v7 =	vld [tilespmem:s2+$0xFFFFFFF0];
	v0 =	vmov v3  }
0x34c: {  	v8 =	vld [tilespmem:s30+$0xFFFFFFF0];
	[tilespmem:s31+$0x30] =	vst v5  }
0x34d: {  	v2 =	vadd.f32 v2, v6;
	v6 =	vld [tilespmem:s2+$0x0]  }
0x34e: {  	v9 =	vld [tilespmem:s30+$0x0]  }
.Ltmp15:
0x34f: {  	[tilespmem:s31+$0xFFFFFFD0] =	vst v2;
	v2 =	vadd.f32 v1, v4;
	v1 =	vld [tilespmem:s2+$0x10];
	(pc) =	sbr.rel @p0 .LBB2_32-.Ltmp15, $4  }
0x350: {  	v3 =	vld [tilespmem:s30+$0x10]  }
0x351: {  	[tilespmem:s31+$0xFFFFFFE0] =	vst v2;
	v7 =	vadd.f32 v8, v7;
	v2 =	vld [tilespmem:s2+$0x20]  }
0x352: {  	v5 =	vld [tilespmem:s30+$0x20]  }
0x353: {  	v4 =	vld [tilespmem:s2+$0xFFFFFFC0];
	[tilespmem:s31+$0xFFFFFFF0] =	vst v7;
	v6 =	vadd.f32 v9, v6;
	s2 =	sadd.s32 $0x80, s2  }
0x354: {  	_ =	sdelay $0x1  }
0x355: {  	v1 =	vadd.f32 v3, v1  }
0x356: {  	[tilespmem:s31+$0x0] =	vst v6;
	v2 =	vadd.f32 v5, v2  }
0x357: {  	[tilespmem:s31+$0x10] =	vst v1;
	v0 =	vadd.f32 v0, v4  }
0x358: {  	[tilespmem:s31+$0x20] =	vst v2  }
0x359: {  	[tilespmem:s31+$0xFFFFFFC0] =	vst v0  }
0x35a: {  	s0 =	sld [smem:$0x7E1];
	_ =	sdelay $0x1  }
0x35b: {  	s2 =	sld [smem:$0x7E7]  }
0x35c: {  	[hbm4b:s0+s1] =	stream.linear.scatter [tilespmem:s23], [sflag:$0x5], $0x4000, $0x38;
	[tilespmem:$0x1C000] =	vst v63  }
0x35d: {  	_ = 	snop  }
0x35e: {  	[tilespmem:s1], [sflag:$0x1] =	stream.linear.gather [hbm4b:s2+s1], $0x4000, $0x38;
	[tilespmem:$0x1C000] =	vst v63  }
0x35f: {  	_ =	swait.ge [sflag:s22], $0x4000  }
0x360: {  	[sflag:s22] =	ssyncset.done $0x0  }
0x361: {  	[sflag:s22] =	ssyncadd.s32 $0xFFFFC000  }
0x362: {  	_ =	swait.ge [sflag:s20], $0x4000  }
0x363: {  	[sflag:s20] =	ssyncset.done $0x0  }
0x364: {  	[sflag:s20] =	ssyncadd.s32 $0xFFFFC000  }
0x365: {  	_ =	swait.ge [sflag:s25], $0x4000  }
0x366: {  	[sflag:s25] =	ssyncset.done $0x0  }
0x367: {  	s2 =	simm.s32 $0x4040;
	[sflag:s25] =	ssyncadd.s32 $0xFFFFC000  }
0x368: {  	s30 =	simm.s32 $0x14040;
	v1 =	vld [tilespmem:s2+$0x30]  }
0x369: {  	v2 =	vld [tilespmem:s30+$0x30]  }
0x36a: {  	v0 =	vld [tilespmem:s30+$0xFFFFFFC0]  }
0x36b: {  	v3 =	vld [tilespmem:s2+$0xFFFFFFD0]  }
0x36c: {  	v4 =	vld [tilespmem:s30+$0xFFFFFFD0]  }
0x36d: {  	v5 =	vld [tilespmem:s2+$0xFFFFFFE0]  }
0x36e: {  	v6 =	vld [tilespmem:s30+$0xFFFFFFE0]  }
0x36f: {  	v7 =	vld [tilespmem:s2+$0xFFFFFFF0]  }
0x370: {  	v8 =	vld [tilespmem:s30+$0xFFFFFFF0]  }
0x371: {  	v9 =	vld [tilespmem:s2+$0x0]  }
0x372: {  	v10 =	vld [tilespmem:s30+$0x0];
	v2 =	vadd.f32 v2, v1  }
0x373: {  	s31 =	simm.s32 $0xC040;
	v4 =	vadd.f32 v4, v3;
	v1 =	vld [tilespmem:s2+$0x10]  }
0x374: {  	v5 =	vadd.f32 v6, v5;
	v3 =	vld [tilespmem:s30+$0x10];
	[tilespmem:s31+$0x30] =	vst v2  }
0x375: {  	v6 =	vadd.f32 v8, v7;
	[tilespmem:s31+$0xFFFFFFD0] =	vst v4;
	v2 =	vld [tilespmem:s2+$0x20]  }
0x376: {  	[tilespmem:s31+$0xFFFFFFE0] =	vst v5;
	v5 =	vld [tilespmem:s30+$0x20]  }
0x377: {  	s0 =	simm.s32 $0x0;
	v4 =	vld [tilespmem:s2+$0xFFFFFFC0];
	[tilespmem:s31+$0xFFFFFFF0] =	vst v6;
	v6 =	vadd.f32 v10, v9;
	s2 =	simm.s32 $0x40C0  }
.LBB2_34:
0x378: {  	v7 =	vld [tilespmem:s2+$0x30];
	s30 =	sadd.s32 $0x80, s30  }
0x379: {  	s0 =	sadd.s32 $0x8, s0;
	v8 =	vld [tilespmem:s30+$0x30];
	[tilespmem:s31+$0x0] =	vst v6;
	v1 =	vadd.f32 v3, v1  }
0x37a: {  	p0 =	slt.u32 s0, $0x3F8;
	v3 =	vld [tilespmem:s30+$0xFFFFFFC0]  }
0x37b: {  	v6 =	vld [tilespmem:s2+$0xFFFFFFD0];
	[tilespmem:s31+$0x10] =	vst v1;
	v1 =	vadd.f32 v5, v2  }
0x37c: {  	v2 =	vld [tilespmem:s30+$0xFFFFFFD0];
	v9 =	vadd.f32 v0, v4  }
0x37d: {  	v4 =	vld [tilespmem:s2+$0xFFFFFFE0];
	[tilespmem:s31+$0x20] =	vst v1  }
0x37e: {  	v1 =	vld [tilespmem:s30+$0xFFFFFFE0];
	v5 =	vadd.f32 v8, v7;
	[tilespmem:s31+$0xFFFFFFC0] =	vst v9  }
0x37f: {  	s31 =	sadd.s32 $0x80, s31;
	v7 =	vld [tilespmem:s2+$0xFFFFFFF0];
	v0 =	vmov v3  }
0x380: {  	v8 =	vld [tilespmem:s30+$0xFFFFFFF0];
	[tilespmem:s31+$0x30] =	vst v5  }
0x381: {  	v2 =	vadd.f32 v2, v6;
	v6 =	vld [tilespmem:s2+$0x0]  }
0x382: {  	v9 =	vld [tilespmem:s30+$0x0]  }
.Ltmp16:
0x383: {  	[tilespmem:s31+$0xFFFFFFD0] =	vst v2;
	v2 =	vadd.f32 v1, v4;
	v1 =	vld [tilespmem:s2+$0x10];
	(pc) =	sbr.rel @p0 .LBB2_34-.Ltmp16, $4  }
0x384: {  	v3 =	vld [tilespmem:s30+$0x10]  }
0x385: {  	[tilespmem:s31+$0xFFFFFFE0] =	vst v2;
	v7 =	vadd.f32 v8, v7;
	v2 =	vld [tilespmem:s2+$0x20]  }
0x386: {  	v5 =	vld [tilespmem:s30+$0x20]  }
0x387: {  	v4 =	vld [tilespmem:s2+$0xFFFFFFC0];
	[tilespmem:s31+$0xFFFFFFF0] =	vst v7;
	v6 =	vadd.f32 v9, v6;
	s2 =	sadd.s32 $0x80, s2  }
0x388: {  	_ =	sdelay $0x1  }
0x389: {  	v1 =	vadd.f32 v3, v1  }
0x38a: {  	[tilespmem:s31+$0x0] =	vst v6;
	v2 =	vadd.f32 v5, v2  }
0x38b: {  	[tilespmem:s31+$0x10] =	vst v1;
	v0 =	vadd.f32 v0, v4  }
0x38c: {  	[tilespmem:s31+$0x20] =	vst v2  }
0x38d: {  	[tilespmem:s31+$0xFFFFFFC0] =	vst v0  }
0x38e: {  	s0 =	sld [smem:$0x7E4];
	_ =	sdelay $0x1  }
0x38f: {  	s2 =	sld [smem:$0x7E9]  }
0x390: {  	[hbm4b:s0+s1] =	stream.linear.scatter [tilespmem:s21], [sflag:$0x4], $0x4000, $0x38;
	[tilespmem:$0x1C000] =	vst v63  }
0x391: {  	_ = 	snop  }
0x392: {  	[tilespmem:s15], [sflag:$0x2] =	stream.linear.gather [hbm4b:s2+s1], $0x4000, $0x38;
	[tilespmem:$0x1C000] =	vst v63  }
0x393: {  	_ =	swait.ge [sflag:s24], $0x4000  }
0x394: {  	[sflag:s24] =	ssyncset.done $0x0  }
0x395: {  	[sflag:s24] =	ssyncadd.s32 $0xFFFFC000  }
0x396: {  	_ =	swait.ge [sflag:s26], $0x4000  }
0x397: {  	[sflag:s26] =	ssyncset.done $0x0  }
0x398: {  	s2 =	simm.s32 $0x8040;
	[sflag:s26] =	ssyncadd.s32 $0xFFFFC000  }
0x399: {  	s30 =	simm.s32 $0x14040;
	v1 =	vld [tilespmem:s2+$0x30]  }
0x39a: {  	v2 =	vld [tilespmem:s30+$0x30]  }
0x39b: {  	v0 =	vld [tilespmem:s30+$0xFFFFFFC0]  }
0x39c: {  	v3 =	vld [tilespmem:s2+$0xFFFFFFD0]  }
0x39d: {  	v4 =	vld [tilespmem:s30+$0xFFFFFFD0]  }
0x39e: {  	v5 =	vld [tilespmem:s2+$0xFFFFFFE0]  }
0x39f: {  	v6 =	vld [tilespmem:s30+$0xFFFFFFE0]  }
0x3a0: {  	v7 =	vld [tilespmem:s2+$0xFFFFFFF0]  }
0x3a1: {  	v8 =	vld [tilespmem:s30+$0xFFFFFFF0]  }
0x3a2: {  	v9 =	vld [tilespmem:s2+$0x0]  }
0x3a3: {  	v10 =	vld [tilespmem:s30+$0x0];
	v2 =	vadd.f32 v2, v1  }
0x3a4: {  	s31 =	simm.s32 $0x10040;
	v4 =	vadd.f32 v4, v3;
	v1 =	vld [tilespmem:s2+$0x10]  }
0x3a5: {  	v5 =	vadd.f32 v6, v5;
	v3 =	vld [tilespmem:s30+$0x10];
	[tilespmem:s31+$0x30] =	vst v2  }
0x3a6: {  	v6 =	vadd.f32 v8, v7;
	[tilespmem:s31+$0xFFFFFFD0] =	vst v4;
	v2 =	vld [tilespmem:s2+$0x20]  }
0x3a7: {  	[tilespmem:s31+$0xFFFFFFE0] =	vst v5;
	v5 =	vld [tilespmem:s30+$0x20]  }
0x3a8: {  	s0 =	simm.s32 $0x0;
	v4 =	vld [tilespmem:s2+$0xFFFFFFC0];
	[tilespmem:s31+$0xFFFFFFF0] =	vst v6;
	v6 =	vadd.f32 v10, v9;
	s2 =	simm.s32 $0x80C0  }
.LBB2_36:
0x3a9: {  	v7 =	vld [tilespmem:s2+$0x30];
	s30 =	sadd.s32 $0x80, s30  }
0x3aa: {  	s0 =	sadd.s32 $0x8, s0;
	v8 =	vld [tilespmem:s30+$0x30];
	[tilespmem:s31+$0x0] =	vst v6;
	v1 =	vadd.f32 v3, v1  }
0x3ab: {  	p0 =	slt.u32 s0, $0x3F8;
	v3 =	vld [tilespmem:s30+$0xFFFFFFC0]  }
0x3ac: {  	v6 =	vld [tilespmem:s2+$0xFFFFFFD0];
	[tilespmem:s31+$0x10] =	vst v1;
	v1 =	vadd.f32 v5, v2  }
0x3ad: {  	v2 =	vld [tilespmem:s30+$0xFFFFFFD0];
	v9 =	vadd.f32 v0, v4  }
0x3ae: {  	v4 =	vld [tilespmem:s2+$0xFFFFFFE0];
	[tilespmem:s31+$0x20] =	vst v1  }
0x3af: {  	v1 =	vld [tilespmem:s30+$0xFFFFFFE0];
	v5 =	vadd.f32 v8, v7;
	[tilespmem:s31+$0xFFFFFFC0] =	vst v9  }
0x3b0: {  	s31 =	sadd.s32 $0x80, s31;
	v7 =	vld [tilespmem:s2+$0xFFFFFFF0];
	v0 =	vmov v3  }
0x3b1: {  	v8 =	vld [tilespmem:s30+$0xFFFFFFF0];
	[tilespmem:s31+$0x30] =	vst v5  }
0x3b2: {  	v2 =	vadd.f32 v2, v6;
	v6 =	vld [tilespmem:s2+$0x0]  }
0x3b3: {  	v9 =	vld [tilespmem:s30+$0x0]  }
.Ltmp17:
0x3b4: {  	[tilespmem:s31+$0xFFFFFFD0] =	vst v2;
	v2 =	vadd.f32 v1, v4;
	v1 =	vld [tilespmem:s2+$0x10];
	(pc) =	sbr.rel @p0 .LBB2_36-.Ltmp17, $4  }
0x3b5: {  	v3 =	vld [tilespmem:s30+$0x10]  }
0x3b6: {  	[tilespmem:s31+$0xFFFFFFE0] =	vst v2;
	v7 =	vadd.f32 v8, v7;
	v2 =	vld [tilespmem:s2+$0x20]  }
0x3b7: {  	v5 =	vld [tilespmem:s30+$0x20]  }
0x3b8: {  	v4 =	vld [tilespmem:s2+$0xFFFFFFC0];
	[tilespmem:s31+$0xFFFFFFF0] =	vst v7;
	v6 =	vadd.f32 v9, v6;
	s2 =	sadd.s32 $0x80, s2  }
0x3b9: {  	_ =	sdelay $0x1  }
0x3ba: {  	v1 =	vadd.f32 v3, v1  }
0x3bb: {  	[tilespmem:s31+$0x0] =	vst v6;
	v2 =	vadd.f32 v5, v2  }
0x3bc: {  	[tilespmem:s31+$0x10] =	vst v1;
	v0 =	vadd.f32 v0, v4  }
0x3bd: {  	[tilespmem:s31+$0x20] =	vst v2  }
0x3be: {  	[tilespmem:s31+$0xFFFFFFC0] =	vst v0  }
0x3bf: {  	s0 =	sld [smem:$0x7E6];
	_ =	sdelay $0x1  }
0x3c0: {  	s2 =	sld [smem:$0x7EB]  }
0x3c1: {  	[hbm4b:s0+s1] =	stream.linear.scatter [tilespmem:s23], [sflag:$0x5], $0x4000, $0x38;
	[tilespmem:$0x1C000] =	vst v63  }
0x3c2: {  	_ = 	snop  }
0x3c3: {  	[tilespmem:s16], [sflag:$0x3] =	stream.linear.gather [hbm4b:s2+s1], $0x4000, $0x38;
	[tilespmem:$0x1C000] =	vst v63  }
0x3c4: {  	s2 =	sld [smem:$0x7EC];
	_ =	sdelay $0x2  }
0x3c5: {  	[tilespmem:s18], [sflag:$0x7] =	stream.linear.gather [hbm4b:s2+s1], $0x4000, $0x38;
	[tilespmem:$0x1C000] =	vst v63  }
0x3c6: {  	_ =	swait.ge [sflag:s19], $0x4000  }
0x3c7: {  	[sflag:s19] =	ssyncset.done $0x0  }
0x3c8: {  	[sflag:s19] =	ssyncadd.s32 $0xFFFFC000  }
0x3c9: {  	_ =	swait.ge [sflag:s25], $0x4000  }
0x3ca: {  	[sflag:s25] =	ssyncset.done $0x0  }
0x3cb: {  	s2 =	simm.s32 $0x40;
	[sflag:s25] =	ssyncadd.s32 $0xFFFFC000  }
0x3cc: {  	s30 =	simm.s32 $0x14040;
	v1 =	vld [tilespmem:s2+$0x30]  }
0x3cd: {  	v2 =	vld [tilespmem:s30+$0x30]  }
0x3ce: {  	v0 =	vld [tilespmem:s30+$0xFFFFFFC0]  }
0x3cf: {  	v3 =	vld [tilespmem:s2+$0xFFFFFFD0]  }
0x3d0: {  	v4 =	vld [tilespmem:s30+$0xFFFFFFD0]  }
0x3d1: {  	v5 =	vld [tilespmem:s2+$0xFFFFFFE0]  }
0x3d2: {  	v6 =	vld [tilespmem:s30+$0xFFFFFFE0]  }
0x3d3: {  	v7 =	vld [tilespmem:s2+$0xFFFFFFF0]  }
0x3d4: {  	v8 =	vld [tilespmem:s30+$0xFFFFFFF0]  }
0x3d5: {  	v9 =	vld [tilespmem:s2+$0x0]  }
0x3d6: {  	v10 =	vld [tilespmem:s30+$0x0];
	v2 =	vadd.f32 v2, v1  }
0x3d7: {  	s31 =	simm.s32 $0xC040;
	v4 =	vadd.f32 v4, v3;
	v1 =	vld [tilespmem:s2+$0x10]  }
0x3d8: {  	v5 =	vadd.f32 v6, v5;
	v3 =	vld [tilespmem:s30+$0x10];
	[tilespmem:s31+$0x30] =	vst v2  }
0x3d9: {  	v6 =	vadd.f32 v8, v7;
	[tilespmem:s31+$0xFFFFFFD0] =	vst v4;
	v2 =	vld [tilespmem:s2+$0x20]  }
0x3da: {  	[tilespmem:s31+$0xFFFFFFE0] =	vst v5;
	v5 =	vld [tilespmem:s30+$0x20]  }
0x3db: {  	s0 =	simm.s32 $0x0;
	v4 =	vld [tilespmem:s2+$0xFFFFFFC0];
	[tilespmem:s31+$0xFFFFFFF0] =	vst v6;
	v6 =	vadd.f32 v10, v9;
	s2 =	simm.s32 $0xC0  }
.LBB2_38:
0x3dc: {  	v7 =	vld [tilespmem:s2+$0x30];
	s30 =	sadd.s32 $0x80, s30  }
0x3dd: {  	s0 =	sadd.s32 $0x8, s0;
	v8 =	vld [tilespmem:s30+$0x30];
	[tilespmem:s31+$0x0] =	vst v6;
	v1 =	vadd.f32 v3, v1  }
0x3de: {  	p0 =	slt.u32 s0, $0x3F8;
	v3 =	vld [tilespmem:s30+$0xFFFFFFC0]  }
0x3df: {  	v6 =	vld [tilespmem:s2+$0xFFFFFFD0];
	[tilespmem:s31+$0x10] =	vst v1;
	v1 =	vadd.f32 v5, v2  }
0x3e0: {  	v2 =	vld [tilespmem:s30+$0xFFFFFFD0];
	v9 =	vadd.f32 v0, v4  }
0x3e1: {  	v4 =	vld [tilespmem:s2+$0xFFFFFFE0];
	[tilespmem:s31+$0x20] =	vst v1  }
0x3e2: {  	v1 =	vld [tilespmem:s30+$0xFFFFFFE0];
	v5 =	vadd.f32 v8, v7;
	[tilespmem:s31+$0xFFFFFFC0] =	vst v9  }
0x3e3: {  	s31 =	sadd.s32 $0x80, s31;
	v7 =	vld [tilespmem:s2+$0xFFFFFFF0];
	v0 =	vmov v3  }
0x3e4: {  	v8 =	vld [tilespmem:s30+$0xFFFFFFF0];
	[tilespmem:s31+$0x30] =	vst v5  }
0x3e5: {  	v2 =	vadd.f32 v2, v6;
	v6 =	vld [tilespmem:s2+$0x0]  }
0x3e6: {  	v9 =	vld [tilespmem:s30+$0x0]  }
.Ltmp18:
0x3e7: {  	[tilespmem:s31+$0xFFFFFFD0] =	vst v2;
	v2 =	vadd.f32 v1, v4;
	v1 =	vld [tilespmem:s2+$0x10];
	(pc) =	sbr.rel @p0 .LBB2_38-.Ltmp18, $4  }
0x3e8: {  	v3 =	vld [tilespmem:s30+$0x10]  }
0x3e9: {  	[tilespmem:s31+$0xFFFFFFE0] =	vst v2;
	v7 =	vadd.f32 v8, v7;
	v2 =	vld [tilespmem:s2+$0x20]  }
0x3ea: {  	v5 =	vld [tilespmem:s30+$0x20]  }
0x3eb: {  	v4 =	vld [tilespmem:s2+$0xFFFFFFC0];
	[tilespmem:s31+$0xFFFFFFF0] =	vst v7;
	v6 =	vadd.f32 v9, v6;
	s2 =	sadd.s32 $0x80, s2  }
0x3ec: {  	_ =	sdelay $0x1  }
0x3ed: {  	v1 =	vadd.f32 v3, v1  }
0x3ee: {  	[tilespmem:s31+$0x0] =	vst v6;
	v2 =	vadd.f32 v5, v2  }
0x3ef: {  	[tilespmem:s31+$0x10] =	vst v1;
	v0 =	vadd.f32 v0, v4  }
0x3f0: {  	[tilespmem:s31+$0x20] =	vst v2  }
0x3f1: {  	[tilespmem:s31+$0xFFFFFFC0] =	vst v0  }
0x3f2: {  	s0 =	sld [smem:$0x7E8];
	_ =	sdelay $0x1  }
0x3f3: {  	s2 =	sld [smem:$0x7EE]  }
0x3f4: {  	[hbm4b:s0+s1] =	stream.linear.scatter [tilespmem:s21], [sflag:$0x4], $0x4000, $0x38;
	[tilespmem:$0x1C000] =	vst v63  }
0x3f5: {  	_ = 	snop  }
0x3f6: {  	[tilespmem:s1], [sflag:$0x1] =	stream.linear.gather [hbm4b:s2+s1], $0x4000, $0x38;
	[tilespmem:$0x1C000] =	vst v63  }
0x3f7: {  	_ =	swait.ge [sflag:s22], $0x4000  }
0x3f8: {  	[sflag:s22] =	ssyncset.done $0x0  }
0x3f9: {  	[sflag:s22] =	ssyncadd.s32 $0xFFFFC000  }
0x3fa: {  	_ =	swait.ge [sflag:s26], $0x4000  }
0x3fb: {  	[sflag:s26] =	ssyncset.done $0x0  }
0x3fc: {  	s2 =	simm.s32 $0x4040;
	[sflag:s26] =	ssyncadd.s32 $0xFFFFC000  }
0x3fd: {  	s30 =	simm.s32 $0x14040;
	v1 =	vld [tilespmem:s2+$0x30]  }
0x3fe: {  	v2 =	vld [tilespmem:s30+$0x30]  }
0x3ff: {  	v0 =	vld [tilespmem:s30+$0xFFFFFFC0]  }
0x400: {  	v3 =	vld [tilespmem:s2+$0xFFFFFFD0]  }
0x401: {  	v4 =	vld [tilespmem:s30+$0xFFFFFFD0]  }
0x402: {  	v5 =	vld [tilespmem:s2+$0xFFFFFFE0]  }
0x403: {  	v6 =	vld [tilespmem:s30+$0xFFFFFFE0]  }
0x404: {  	v7 =	vld [tilespmem:s2+$0xFFFFFFF0]  }
0x405: {  	v8 =	vld [tilespmem:s30+$0xFFFFFFF0]  }
0x406: {  	v9 =	vld [tilespmem:s2+$0x0]  }
0x407: {  	v10 =	vld [tilespmem:s30+$0x0];
	v2 =	vadd.f32 v2, v1  }
0x408: {  	s31 =	simm.s32 $0x10040;
	v4 =	vadd.f32 v4, v3;
	v1 =	vld [tilespmem:s2+$0x10]  }
0x409: {  	v5 =	vadd.f32 v6, v5;
	v3 =	vld [tilespmem:s30+$0x10];
	[tilespmem:s31+$0x30] =	vst v2  }
0x40a: {  	v6 =	vadd.f32 v8, v7;
	[tilespmem:s31+$0xFFFFFFD0] =	vst v4;
	v2 =	vld [tilespmem:s2+$0x20]  }
0x40b: {  	[tilespmem:s31+$0xFFFFFFE0] =	vst v5;
	v5 =	vld [tilespmem:s30+$0x20]  }
0x40c: {  	s0 =	simm.s32 $0x0;
	v4 =	vld [tilespmem:s2+$0xFFFFFFC0];
	[tilespmem:s31+$0xFFFFFFF0] =	vst v6;
	v6 =	vadd.f32 v10, v9;
	s2 =	simm.s32 $0x40C0  }
.LBB2_40:
0x40d: {  	v7 =	vld [tilespmem:s2+$0x30];
	s30 =	sadd.s32 $0x80, s30  }
0x40e: {  	s0 =	sadd.s32 $0x8, s0;
	v8 =	vld [tilespmem:s30+$0x30];
	[tilespmem:s31+$0x0] =	vst v6;
	v1 =	vadd.f32 v3, v1  }
0x40f: {  	p0 =	slt.u32 s0, $0x3F8;
	v3 =	vld [tilespmem:s30+$0xFFFFFFC0]  }
0x410: {  	v6 =	vld [tilespmem:s2+$0xFFFFFFD0];
	[tilespmem:s31+$0x10] =	vst v1;
	v1 =	vadd.f32 v5, v2  }
0x411: {  	v2 =	vld [tilespmem:s30+$0xFFFFFFD0];
	v9 =	vadd.f32 v0, v4  }
0x412: {  	v4 =	vld [tilespmem:s2+$0xFFFFFFE0];
	[tilespmem:s31+$0x20] =	vst v1  }
0x413: {  	v1 =	vld [tilespmem:s30+$0xFFFFFFE0];
	v5 =	vadd.f32 v8, v7;
	[tilespmem:s31+$0xFFFFFFC0] =	vst v9  }
0x414: {  	s31 =	sadd.s32 $0x80, s31;
	v7 =	vld [tilespmem:s2+$0xFFFFFFF0];
	v0 =	vmov v3  }
0x415: {  	v8 =	vld [tilespmem:s30+$0xFFFFFFF0];
	[tilespmem:s31+$0x30] =	vst v5  }
0x416: {  	v2 =	vadd.f32 v2, v6;
	v6 =	vld [tilespmem:s2+$0x0]  }
0x417: {  	v9 =	vld [tilespmem:s30+$0x0]  }
.Ltmp19:
0x418: {  	[tilespmem:s31+$0xFFFFFFD0] =	vst v2;
	v2 =	vadd.f32 v1, v4;
	v1 =	vld [tilespmem:s2+$0x10];
	(pc) =	sbr.rel @p0 .LBB2_40-.Ltmp19, $4  }
0x419: {  	v3 =	vld [tilespmem:s30+$0x10]  }
0x41a: {  	[tilespmem:s31+$0xFFFFFFE0] =	vst v2;
	v7 =	vadd.f32 v8, v7;
	v2 =	vld [tilespmem:s2+$0x20]  }
0x41b: {  	v5 =	vld [tilespmem:s30+$0x20]  }
0x41c: {  	v4 =	vld [tilespmem:s2+$0xFFFFFFC0];
	[tilespmem:s31+$0xFFFFFFF0] =	vst v7;
	v6 =	vadd.f32 v9, v6;
	s2 =	sadd.s32 $0x80, s2  }
0x41d: {  	_ =	sdelay $0x1  }
0x41e: {  	v1 =	vadd.f32 v3, v1  }
0x41f: {  	[tilespmem:s31+$0x0] =	vst v6;
	v2 =	vadd.f32 v5, v2  }
0x420: {  	[tilespmem:s31+$0x10] =	vst v1;
	v0 =	vadd.f32 v0, v4  }
0x421: {  	[tilespmem:s31+$0x20] =	vst v2  }
0x422: {  	[tilespmem:s31+$0xFFFFFFC0] =	vst v0  }
0x423: {  	s0 =	sld [smem:$0x7EA];
	_ =	sdelay $0x1  }
0x424: {  	s2 =	sld [smem:$0x7F0]  }
0x425: {  	[hbm4b:s0+s1] =	stream.linear.scatter [tilespmem:s23], [sflag:$0x5], $0x4000, $0x38;
	[tilespmem:$0x1C000] =	vst v63  }
0x426: {  	_ = 	snop  }
0x427: {  	[tilespmem:s15], [sflag:$0x2] =	stream.linear.gather [hbm4b:s2+s1], $0x4000, $0x38;
	[tilespmem:$0x1C000] =	vst v63  }
0x428: {  	_ =	swait.ge [sflag:s24], $0x4000  }
0x429: {  	[sflag:s24] =	ssyncset.done $0x0  }
0x42a: {  	[sflag:s24] =	ssyncadd.s32 $0xFFFFC000  }
0x42b: {  	_ =	swait.ge [sflag:s28], $0x4000  }
0x42c: {  	[sflag:s28] =	ssyncset.done $0x0  }
0x42d: {  	[sflag:s28] =	ssyncadd.s32 $0xFFFFC000  }
0x42e: {  	_ =	swait.ge [sflag:s25], $0x4000  }
0x42f: {  	[sflag:s25] =	ssyncset.done $0x0  }
0x430: {  	s2 =	simm.s32 $0x8040;
	[sflag:s25] =	ssyncadd.s32 $0xFFFFC000  }
0x431: {  	s30 =	simm.s32 $0x18040;
	v1 =	vld [tilespmem:s2+$0x30]  }
0x432: {  	v2 =	vld [tilespmem:s30+$0x30]  }
0x433: {  	v0 =	vld [tilespmem:s30+$0xFFFFFFC0]  }
0x434: {  	v3 =	vld [tilespmem:s2+$0xFFFFFFD0]  }
0x435: {  	v4 =	vld [tilespmem:s30+$0xFFFFFFD0]  }
0x436: {  	v5 =	vld [tilespmem:s2+$0xFFFFFFE0]  }
0x437: {  	v6 =	vld [tilespmem:s30+$0xFFFFFFE0]  }
0x438: {  	v7 =	vld [tilespmem:s2+$0xFFFFFFF0]  }
0x439: {  	v8 =	vld [tilespmem:s30+$0xFFFFFFF0]  }
0x43a: {  	v9 =	vld [tilespmem:s2+$0x0]  }
0x43b: {  	v10 =	vld [tilespmem:s30+$0x0];
	v2 =	vadd.f32 v2, v1  }
0x43c: {  	s31 =	simm.s32 $0xC040;
	v4 =	vadd.f32 v4, v3;
	v1 =	vld [tilespmem:s2+$0x10]  }
0x43d: {  	v5 =	vadd.f32 v6, v5;
	v3 =	vld [tilespmem:s30+$0x10];
	[tilespmem:s31+$0x30] =	vst v2  }
0x43e: {  	v6 =	vadd.f32 v8, v7;
	[tilespmem:s31+$0xFFFFFFD0] =	vst v4;
	v2 =	vld [tilespmem:s2+$0x20]  }
0x43f: {  	[tilespmem:s31+$0xFFFFFFE0] =	vst v5;
	v5 =	vld [tilespmem:s30+$0x20]  }
0x440: {  	s0 =	simm.s32 $0x0;
	v4 =	vld [tilespmem:s2+$0xFFFFFFC0];
	[tilespmem:s31+$0xFFFFFFF0] =	vst v6;
	v6 =	vadd.f32 v10, v9;
	s2 =	simm.s32 $0x80C0  }
.LBB2_42:
0x441: {  	v7 =	vld [tilespmem:s2+$0x30];
	s30 =	sadd.s32 $0x80, s30  }
0x442: {  	s0 =	sadd.s32 $0x8, s0;
	v8 =	vld [tilespmem:s30+$0x30];
	[tilespmem:s31+$0x0] =	vst v6;
	v1 =	vadd.f32 v3, v1  }
0x443: {  	p0 =	slt.u32 s0, $0x3F8;
	v3 =	vld [tilespmem:s30+$0xFFFFFFC0]  }
0x444: {  	v6 =	vld [tilespmem:s2+$0xFFFFFFD0];
	[tilespmem:s31+$0x10] =	vst v1;
	v1 =	vadd.f32 v5, v2  }
0x445: {  	v2 =	vld [tilespmem:s30+$0xFFFFFFD0];
	v9 =	vadd.f32 v0, v4  }
0x446: {  	v4 =	vld [tilespmem:s2+$0xFFFFFFE0];
	[tilespmem:s31+$0x20] =	vst v1  }
0x447: {  	v1 =	vld [tilespmem:s30+$0xFFFFFFE0];
	v5 =	vadd.f32 v8, v7;
	[tilespmem:s31+$0xFFFFFFC0] =	vst v9  }
0x448: {  	s31 =	sadd.s32 $0x80, s31;
	v7 =	vld [tilespmem:s2+$0xFFFFFFF0];
	v0 =	vmov v3  }
0x449: {  	v8 =	vld [tilespmem:s30+$0xFFFFFFF0];
	[tilespmem:s31+$0x30] =	vst v5  }
0x44a: {  	v2 =	vadd.f32 v2, v6;
	v6 =	vld [tilespmem:s2+$0x0]  }
0x44b: {  	v9 =	vld [tilespmem:s30+$0x0]  }
.Ltmp20:
0x44c: {  	[tilespmem:s31+$0xFFFFFFD0] =	vst v2;
	v2 =	vadd.f32 v1, v4;
	v1 =	vld [tilespmem:s2+$0x10];
	(pc) =	sbr.rel @p0 .LBB2_42-.Ltmp20, $4  }
0x44d: {  	v3 =	vld [tilespmem:s30+$0x10]  }
0x44e: {  	[tilespmem:s31+$0xFFFFFFE0] =	vst v2;
	v7 =	vadd.f32 v8, v7;
	v2 =	vld [tilespmem:s2+$0x20]  }
0x44f: {  	v5 =	vld [tilespmem:s30+$0x20]  }
0x450: {  	v4 =	vld [tilespmem:s2+$0xFFFFFFC0];
	[tilespmem:s31+$0xFFFFFFF0] =	vst v7;
	v6 =	vadd.f32 v9, v6;
	s2 =	sadd.s32 $0x80, s2  }
0x451: {  	_ =	sdelay $0x1  }
0x452: {  	v1 =	vadd.f32 v3, v1  }
0x453: {  	[tilespmem:s31+$0x0] =	vst v6;
	v2 =	vadd.f32 v5, v2  }
0x454: {  	[tilespmem:s31+$0x10] =	vst v1;
	v0 =	vadd.f32 v0, v4  }
0x455: {  	[tilespmem:s31+$0x20] =	vst v2  }
0x456: {  	[tilespmem:s31+$0xFFFFFFC0] =	vst v0  }
0x457: {  	s0 =	sld [smem:$0x7ED];
	_ =	sdelay $0x1  }
0x458: {  	s2 =	sld [smem:$0x7F2]  }
0x459: {  	[hbm4b:s0+s1] =	stream.linear.scatter [tilespmem:s21], [sflag:$0x4], $0x4000, $0x38;
	[tilespmem:$0x1C000] =	vst v63  }
0x45a: {  	_ = 	snop  }
0x45b: {  	[tilespmem:s16], [sflag:$0x3] =	stream.linear.gather [hbm4b:s2+s1], $0x4000, $0x38;
	[tilespmem:$0x1C000] =	vst v63  }
0x45c: {  	_ =	swait.ge [sflag:s19], $0x4000  }
0x45d: {  	[sflag:s19] =	ssyncset.done $0x0  }
0x45e: {  	[sflag:s19] =	ssyncadd.s32 $0xFFFFC000  }
0x45f: {  	_ =	swait.ge [sflag:s26], $0x4000  }
0x460: {  	[sflag:s26] =	ssyncset.done $0x0  }
0x461: {  	s2 =	simm.s32 $0x40;
	[sflag:s26] =	ssyncadd.s32 $0xFFFFC000  }
0x462: {  	s30 =	simm.s32 $0x18040;
	v1 =	vld [tilespmem:s2+$0x30]  }
0x463: {  	v2 =	vld [tilespmem:s30+$0x30]  }
0x464: {  	v0 =	vld [tilespmem:s30+$0xFFFFFFC0]  }
0x465: {  	v3 =	vld [tilespmem:s2+$0xFFFFFFD0]  }
0x466: {  	v4 =	vld [tilespmem:s30+$0xFFFFFFD0]  }
0x467: {  	v5 =	vld [tilespmem:s2+$0xFFFFFFE0]  }
0x468: {  	v6 =	vld [tilespmem:s30+$0xFFFFFFE0]  }
0x469: {  	v7 =	vld [tilespmem:s2+$0xFFFFFFF0]  }
0x46a: {  	v8 =	vld [tilespmem:s30+$0xFFFFFFF0]  }
0x46b: {  	v9 =	vld [tilespmem:s2+$0x0]  }
0x46c: {  	v10 =	vld [tilespmem:s30+$0x0];
	v2 =	vadd.f32 v2, v1  }
0x46d: {  	s31 =	simm.s32 $0x10040;
	v4 =	vadd.f32 v4, v3;
	v1 =	vld [tilespmem:s2+$0x10]  }
0x46e: {  	v5 =	vadd.f32 v6, v5;
	v3 =	vld [tilespmem:s30+$0x10];
	[tilespmem:s31+$0x30] =	vst v2  }
0x46f: {  	v6 =	vadd.f32 v8, v7;
	[tilespmem:s31+$0xFFFFFFD0] =	vst v4;
	v2 =	vld [tilespmem:s2+$0x20]  }
0x470: {  	[tilespmem:s31+$0xFFFFFFE0] =	vst v5;
	v5 =	vld [tilespmem:s30+$0x20]  }
0x471: {  	s0 =	simm.s32 $0x0;
	v4 =	vld [tilespmem:s2+$0xFFFFFFC0];
	[tilespmem:s31+$0xFFFFFFF0] =	vst v6;
	v6 =	vadd.f32 v10, v9;
	s2 =	simm.s32 $0xC0  }
.LBB2_44:
0x472: {  	v7 =	vld [tilespmem:s2+$0x30];
	s30 =	sadd.s32 $0x80, s30  }
0x473: {  	s0 =	sadd.s32 $0x8, s0;
	v8 =	vld [tilespmem:s30+$0x30];
	[tilespmem:s31+$0x0] =	vst v6;
	v1 =	vadd.f32 v3, v1  }
0x474: {  	p0 =	slt.u32 s0, $0x3F8;
	v3 =	vld [tilespmem:s30+$0xFFFFFFC0]  }
0x475: {  	v6 =	vld [tilespmem:s2+$0xFFFFFFD0];
	[tilespmem:s31+$0x10] =	vst v1;
	v1 =	vadd.f32 v5, v2  }
0x476: {  	v2 =	vld [tilespmem:s30+$0xFFFFFFD0];
	v9 =	vadd.f32 v0, v4  }
0x477: {  	v4 =	vld [tilespmem:s2+$0xFFFFFFE0];
	[tilespmem:s31+$0x20] =	vst v1  }
0x478: {  	v1 =	vld [tilespmem:s30+$0xFFFFFFE0];
	v5 =	vadd.f32 v8, v7;
	[tilespmem:s31+$0xFFFFFFC0] =	vst v9  }
0x479: {  	s31 =	sadd.s32 $0x80, s31;
	v7 =	vld [tilespmem:s2+$0xFFFFFFF0];
	v0 =	vmov v3  }
0x47a: {  	v8 =	vld [tilespmem:s30+$0xFFFFFFF0];
	[tilespmem:s31+$0x30] =	vst v5  }
0x47b: {  	v2 =	vadd.f32 v2, v6;
	v6 =	vld [tilespmem:s2+$0x0]  }
0x47c: {  	v9 =	vld [tilespmem:s30+$0x0]  }
.Ltmp21:
0x47d: {  	[tilespmem:s31+$0xFFFFFFD0] =	vst v2;
	v2 =	vadd.f32 v1, v4;
	v1 =	vld [tilespmem:s2+$0x10];
	(pc) =	sbr.rel @p0 .LBB2_44-.Ltmp21, $4  }
0x47e: {  	v3 =	vld [tilespmem:s30+$0x10]  }
0x47f: {  	[tilespmem:s31+$0xFFFFFFE0] =	vst v2;
	v7 =	vadd.f32 v8, v7;
	v2 =	vld [tilespmem:s2+$0x20]  }
0x480: {  	v5 =	vld [tilespmem:s30+$0x20]  }
0x481: {  	v4 =	vld [tilespmem:s2+$0xFFFFFFC0];
	[tilespmem:s31+$0xFFFFFFF0] =	vst v7;
	v6 =	vadd.f32 v9, v6;
	s2 =	sadd.s32 $0x80, s2  }
0x482: {  	_ =	sdelay $0x1  }
0x483: {  	v1 =	vadd.f32 v3, v1  }
0x484: {  	[tilespmem:s31+$0x0] =	vst v6;
	v2 =	vadd.f32 v5, v2  }
0x485: {  	[tilespmem:s31+$0x10] =	vst v1;
	v0 =	vadd.f32 v0, v4  }
0x486: {  	[tilespmem:s31+$0x20] =	vst v2  }
0x487: {  	[tilespmem:s31+$0xFFFFFFC0] =	vst v0  }
0x488: {  	s0 =	sld [smem:$0x7EF];
	_ =	sdelay $0x1  }
0x489: {  	s2 =	sld [smem:$0x7F4]  }
0x48a: {  	[hbm4b:s0+s1] =	stream.linear.scatter [tilespmem:s23], [sflag:$0x5], $0x4000, $0x38;
	[tilespmem:$0x1C000] =	vst v63  }
0x48b: {  	_ = 	snop  }
0x48c: {  	[tilespmem:s1], [sflag:$0x1] =	stream.linear.gather [hbm4b:s2+s1], $0x4000, $0x38;
	[tilespmem:$0x1C000] =	vst v63  }
0x48d: {  	s2 =	sld [smem:$0x7F5];
	_ =	sdelay $0x2  }
0x48e: {  	[tilespmem:s17], [sflag:$0x6] =	stream.linear.gather [hbm4b:s2+s1], $0x4000, $0x38;
	[tilespmem:$0x1C000] =	vst v63  }
0x48f: {  	_ =	swait.ge [sflag:s22], $0x4000  }
0x490: {  	[sflag:s22] =	ssyncset.done $0x0  }
0x491: {  	[sflag:s22] =	ssyncadd.s32 $0xFFFFC000  }
0x492: {  	_ =	swait.ge [sflag:s25], $0x4000  }
0x493: {  	[sflag:s25] =	ssyncset.done $0x0  }
0x494: {  	s2 =	simm.s32 $0x4040;
	[sflag:s25] =	ssyncadd.s32 $0xFFFFC000  }
0x495: {  	s30 =	simm.s32 $0x18040;
	v1 =	vld [tilespmem:s2+$0x30]  }
0x496: {  	v2 =	vld [tilespmem:s30+$0x30]  }
0x497: {  	v0 =	vld [tilespmem:s30+$0xFFFFFFC0]  }
0x498: {  	v3 =	vld [tilespmem:s2+$0xFFFFFFD0]  }
0x499: {  	v4 =	vld [tilespmem:s30+$0xFFFFFFD0]  }
0x49a: {  	v5 =	vld [tilespmem:s2+$0xFFFFFFE0]  }
0x49b: {  	v6 =	vld [tilespmem:s30+$0xFFFFFFE0]  }
0x49c: {  	v7 =	vld [tilespmem:s2+$0xFFFFFFF0]  }
0x49d: {  	v8 =	vld [tilespmem:s30+$0xFFFFFFF0]  }
0x49e: {  	v9 =	vld [tilespmem:s2+$0x0]  }
0x49f: {  	v10 =	vld [tilespmem:s30+$0x0];
	v2 =	vadd.f32 v2, v1  }
0x4a0: {  	s31 =	simm.s32 $0xC040;
	v4 =	vadd.f32 v4, v3;
	v1 =	vld [tilespmem:s2+$0x10]  }
0x4a1: {  	v5 =	vadd.f32 v6, v5;
	v3 =	vld [tilespmem:s30+$0x10];
	[tilespmem:s31+$0x30] =	vst v2  }
0x4a2: {  	v6 =	vadd.f32 v8, v7;
	[tilespmem:s31+$0xFFFFFFD0] =	vst v4;
	v2 =	vld [tilespmem:s2+$0x20]  }
0x4a3: {  	[tilespmem:s31+$0xFFFFFFE0] =	vst v5;
	v5 =	vld [tilespmem:s30+$0x20]  }
0x4a4: {  	s0 =	simm.s32 $0x0;
	v4 =	vld [tilespmem:s2+$0xFFFFFFC0];
	[tilespmem:s31+$0xFFFFFFF0] =	vst v6;
	v6 =	vadd.f32 v10, v9;
	s2 =	simm.s32 $0x40C0  }
.LBB2_46:
0x4a5: {  	v7 =	vld [tilespmem:s2+$0x30];
	s30 =	sadd.s32 $0x80, s30  }
0x4a6: {  	s0 =	sadd.s32 $0x8, s0;
	v8 =	vld [tilespmem:s30+$0x30];
	[tilespmem:s31+$0x0] =	vst v6;
	v1 =	vadd.f32 v3, v1  }
0x4a7: {  	p0 =	slt.u32 s0, $0x3F8;
	v3 =	vld [tilespmem:s30+$0xFFFFFFC0]  }
0x4a8: {  	v6 =	vld [tilespmem:s2+$0xFFFFFFD0];
	[tilespmem:s31+$0x10] =	vst v1;
	v1 =	vadd.f32 v5, v2  }
0x4a9: {  	v2 =	vld [tilespmem:s30+$0xFFFFFFD0];
	v9 =	vadd.f32 v0, v4  }
0x4aa: {  	v4 =	vld [tilespmem:s2+$0xFFFFFFE0];
	[tilespmem:s31+$0x20] =	vst v1  }
0x4ab: {  	v1 =	vld [tilespmem:s30+$0xFFFFFFE0];
	v5 =	vadd.f32 v8, v7;
	[tilespmem:s31+$0xFFFFFFC0] =	vst v9  }
0x4ac: {  	s31 =	sadd.s32 $0x80, s31;
	v7 =	vld [tilespmem:s2+$0xFFFFFFF0];
	v0 =	vmov v3  }
0x4ad: {  	v8 =	vld [tilespmem:s30+$0xFFFFFFF0];
	[tilespmem:s31+$0x30] =	vst v5  }
0x4ae: {  	v2 =	vadd.f32 v2, v6;
	v6 =	vld [tilespmem:s2+$0x0]  }
0x4af: {  	v9 =	vld [tilespmem:s30+$0x0]  }
.Ltmp22:
0x4b0: {  	[tilespmem:s31+$0xFFFFFFD0] =	vst v2;
	v2 =	vadd.f32 v1, v4;
	v1 =	vld [tilespmem:s2+$0x10];
	(pc) =	sbr.rel @p0 .LBB2_46-.Ltmp22, $4  }
0x4b1: {  	v3 =	vld [tilespmem:s30+$0x10]  }
0x4b2: {  	[tilespmem:s31+$0xFFFFFFE0] =	vst v2;
	v7 =	vadd.f32 v8, v7;
	v2 =	vld [tilespmem:s2+$0x20]  }
0x4b3: {  	v5 =	vld [tilespmem:s30+$0x20]  }
0x4b4: {  	v4 =	vld [tilespmem:s2+$0xFFFFFFC0];
	[tilespmem:s31+$0xFFFFFFF0] =	vst v7;
	v6 =	vadd.f32 v9, v6;
	s2 =	sadd.s32 $0x80, s2  }
0x4b5: {  	_ =	sdelay $0x1  }
0x4b6: {  	v1 =	vadd.f32 v3, v1  }
0x4b7: {  	[tilespmem:s31+$0x0] =	vst v6;
	v2 =	vadd.f32 v5, v2  }
0x4b8: {  	[tilespmem:s31+$0x10] =	vst v1;
	v0 =	vadd.f32 v0, v4  }
0x4b9: {  	[tilespmem:s31+$0x20] =	vst v2  }
0x4ba: {  	[tilespmem:s31+$0xFFFFFFC0] =	vst v0  }
0x4bb: {  	s0 =	sld [smem:$0x7F1];
	_ =	sdelay $0x1  }
0x4bc: {  	s2 =	sld [smem:$0x7F7]  }
0x4bd: {  	[hbm4b:s0+s1] =	stream.linear.scatter [tilespmem:s21], [sflag:$0x4], $0x4000, $0x38;
	[tilespmem:$0x1C000] =	vst v63  }
0x4be: {  	_ = 	snop  }
0x4bf: {  	[tilespmem:s15], [sflag:$0x2] =	stream.linear.gather [hbm4b:s2+s1], $0x4000, $0x38;
	[tilespmem:$0x1C000] =	vst v63  }
0x4c0: {  	_ =	swait.ge [sflag:s24], $0x4000  }
0x4c1: {  	[sflag:s24] =	ssyncset.done $0x0  }
0x4c2: {  	[sflag:s24] =	ssyncadd.s32 $0xFFFFC000  }
0x4c3: {  	_ =	swait.ge [sflag:s26], $0x4000  }
0x4c4: {  	[sflag:s26] =	ssyncset.done $0x0  }
0x4c5: {  	s2 =	simm.s32 $0x8040;
	[sflag:s26] =	ssyncadd.s32 $0xFFFFC000  }
0x4c6: {  	s30 =	simm.s32 $0x18040;
	v1 =	vld [tilespmem:s2+$0x30]  }
0x4c7: {  	v2 =	vld [tilespmem:s30+$0x30]  }
0x4c8: {  	v0 =	vld [tilespmem:s30+$0xFFFFFFC0]  }
0x4c9: {  	v3 =	vld [tilespmem:s2+$0xFFFFFFD0]  }
0x4ca: {  	v4 =	vld [tilespmem:s30+$0xFFFFFFD0]  }
0x4cb: {  	v5 =	vld [tilespmem:s2+$0xFFFFFFE0]  }
0x4cc: {  	v6 =	vld [tilespmem:s30+$0xFFFFFFE0]  }
0x4cd: {  	v7 =	vld [tilespmem:s2+$0xFFFFFFF0]  }
0x4ce: {  	v8 =	vld [tilespmem:s30+$0xFFFFFFF0]  }
0x4cf: {  	v9 =	vld [tilespmem:s2+$0x0]  }
0x4d0: {  	v10 =	vld [tilespmem:s30+$0x0];
	v2 =	vadd.f32 v2, v1  }
0x4d1: {  	s31 =	simm.s32 $0x10040;
	v4 =	vadd.f32 v4, v3;
	v1 =	vld [tilespmem:s2+$0x10]  }
0x4d2: {  	v5 =	vadd.f32 v6, v5;
	v3 =	vld [tilespmem:s30+$0x10];
	[tilespmem:s31+$0x30] =	vst v2  }
0x4d3: {  	v6 =	vadd.f32 v8, v7;
	[tilespmem:s31+$0xFFFFFFD0] =	vst v4;
	v2 =	vld [tilespmem:s2+$0x20]  }
0x4d4: {  	[tilespmem:s31+$0xFFFFFFE0] =	vst v5;
	v5 =	vld [tilespmem:s30+$0x20]  }
0x4d5: {  	s0 =	simm.s32 $0x0;
	v4 =	vld [tilespmem:s2+$0xFFFFFFC0];
	[tilespmem:s31+$0xFFFFFFF0] =	vst v6;
	v6 =	vadd.f32 v10, v9;
	s2 =	simm.s32 $0x80C0  }
.LBB2_48:
0x4d6: {  	v7 =	vld [tilespmem:s2+$0x30];
	s30 =	sadd.s32 $0x80, s30  }
0x4d7: {  	s0 =	sadd.s32 $0x8, s0;
	v8 =	vld [tilespmem:s30+$0x30];
	[tilespmem:s31+$0x0] =	vst v6;
	v1 =	vadd.f32 v3, v1  }
0x4d8: {  	p0 =	slt.u32 s0, $0x3F8;
	v3 =	vld [tilespmem:s30+$0xFFFFFFC0]  }
0x4d9: {  	v6 =	vld [tilespmem:s2+$0xFFFFFFD0];
	[tilespmem:s31+$0x10] =	vst v1;
	v1 =	vadd.f32 v5, v2  }
0x4da: {  	v2 =	vld [tilespmem:s30+$0xFFFFFFD0];
	v9 =	vadd.f32 v0, v4  }
0x4db: {  	v4 =	vld [tilespmem:s2+$0xFFFFFFE0];
	[tilespmem:s31+$0x20] =	vst v1  }
0x4dc: {  	v1 =	vld [tilespmem:s30+$0xFFFFFFE0];
	v5 =	vadd.f32 v8, v7;
	[tilespmem:s31+$0xFFFFFFC0] =	vst v9  }
0x4dd: {  	s31 =	sadd.s32 $0x80, s31;
	v7 =	vld [tilespmem:s2+$0xFFFFFFF0];
	v0 =	vmov v3  }
0x4de: {  	v8 =	vld [tilespmem:s30+$0xFFFFFFF0];
	[tilespmem:s31+$0x30] =	vst v5  }
0x4df: {  	v2 =	vadd.f32 v2, v6;
	v6 =	vld [tilespmem:s2+$0x0]  }
0x4e0: {  	v9 =	vld [tilespmem:s30+$0x0]  }
.Ltmp23:
0x4e1: {  	[tilespmem:s31+$0xFFFFFFD0] =	vst v2;
	v2 =	vadd.f32 v1, v4;
	v1 =	vld [tilespmem:s2+$0x10];
	(pc) =	sbr.rel @p0 .LBB2_48-.Ltmp23, $4  }
0x4e2: {  	v3 =	vld [tilespmem:s30+$0x10]  }
0x4e3: {  	[tilespmem:s31+$0xFFFFFFE0] =	vst v2;
	v7 =	vadd.f32 v8, v7;
	v2 =	vld [tilespmem:s2+$0x20]  }
0x4e4: {  	v5 =	vld [tilespmem:s30+$0x20]  }
0x4e5: {  	v4 =	vld [tilespmem:s2+$0xFFFFFFC0];
	[tilespmem:s31+$0xFFFFFFF0] =	vst v7;
	v6 =	vadd.f32 v9, v6;
	s2 =	sadd.s32 $0x80, s2  }
0x4e6: {  	_ =	sdelay $0x1  }
0x4e7: {  	v1 =	vadd.f32 v3, v1  }
0x4e8: {  	[tilespmem:s31+$0x0] =	vst v6;
	v2 =	vadd.f32 v5, v2  }
0x4e9: {  	[tilespmem:s31+$0x10] =	vst v1;
	v0 =	vadd.f32 v0, v4  }
0x4ea: {  	[tilespmem:s31+$0x20] =	vst v2  }
0x4eb: {  	[tilespmem:s31+$0xFFFFFFC0] =	vst v0  }
0x4ec: {  	s0 =	sld [smem:$0x7F3];
	_ =	sdelay $0x1  }
0x4ed: {  	s2 =	sld [smem:$0x7FB]  }
0x4ee: {  	[hbm4b:s0+s1] =	stream.linear.scatter [tilespmem:s23], [sflag:$0x5], $0x4000, $0x38;
	[tilespmem:$0x1C000] =	vst v63  }
0x4ef: {  	_ = 	snop  }
0x4f0: {  	[tilespmem:s16], [sflag:$0x3] =	stream.linear.gather [hbm4b:s2+s1], $0x4000, $0x38;
	[tilespmem:$0x1C000] =	vst v63  }
0x4f1: {  	_ =	swait.ge [sflag:s19], $0x4000  }
0x4f2: {  	[sflag:s19] =	ssyncset.done $0x0  }
0x4f3: {  	[sflag:s19] =	ssyncadd.s32 $0xFFFFC000  }
0x4f4: {  	_ =	swait.ge [sflag:s20], $0x4000  }
0x4f5: {  	[sflag:s20] =	ssyncset.done $0x0  }
0x4f6: {  	[sflag:s20] =	ssyncadd.s32 $0xFFFFC000  }
0x4f7: {  	_ =	swait.ge [sflag:s25], $0x4000  }
0x4f8: {  	[sflag:s25] =	ssyncset.done $0x0  }
0x4f9: {  	s2 =	simm.s32 $0x40;
	[sflag:s25] =	ssyncadd.s32 $0xFFFFC000  }
0x4fa: {  	s30 =	simm.s32 $0x14040;
	v1 =	vld [tilespmem:s2+$0x30]  }
0x4fb: {  	v2 =	vld [tilespmem:s30+$0x30]  }
0x4fc: {  	v0 =	vld [tilespmem:s30+$0xFFFFFFC0]  }
0x4fd: {  	v3 =	vld [tilespmem:s2+$0xFFFFFFD0]  }
0x4fe: {  	v4 =	vld [tilespmem:s30+$0xFFFFFFD0]  }
0x4ff: {  	v5 =	vld [tilespmem:s2+$0xFFFFFFE0]  }
0x500: {  	v6 =	vld [tilespmem:s30+$0xFFFFFFE0]  }
0x501: {  	v7 =	vld [tilespmem:s2+$0xFFFFFFF0]  }
0x502: {  	v8 =	vld [tilespmem:s30+$0xFFFFFFF0]  }
0x503: {  	v9 =	vld [tilespmem:s2+$0x0]  }
0x504: {  	v10 =	vld [tilespmem:s30+$0x0];
	v2 =	vadd.f32 v2, v1  }
0x505: {  	s31 =	simm.s32 $0xC040;
	v4 =	vadd.f32 v4, v3;
	v1 =	vld [tilespmem:s2+$0x10]  }
0x506: {  	v5 =	vadd.f32 v6, v5;
	v3 =	vld [tilespmem:s30+$0x10];
	[tilespmem:s31+$0x30] =	vst v2  }
0x507: {  	v6 =	vadd.f32 v8, v7;
	[tilespmem:s31+$0xFFFFFFD0] =	vst v4;
	v2 =	vld [tilespmem:s2+$0x20]  }
0x508: {  	[tilespmem:s31+$0xFFFFFFE0] =	vst v5;
	v5 =	vld [tilespmem:s30+$0x20]  }
0x509: {  	s0 =	simm.s32 $0x0;
	v4 =	vld [tilespmem:s2+$0xFFFFFFC0];
	[tilespmem:s31+$0xFFFFFFF0] =	vst v6;
	v6 =	vadd.f32 v10, v9;
	s2 =	simm.s32 $0xC0  }
.LBB2_50:
0x50a: {  	v7 =	vld [tilespmem:s2+$0x30];
	s30 =	sadd.s32 $0x80, s30  }
0x50b: {  	s0 =	sadd.s32 $0x8, s0;
	v8 =	vld [tilespmem:s30+$0x30];
	[tilespmem:s31+$0x0] =	vst v6;
	v1 =	vadd.f32 v3, v1  }
0x50c: {  	p0 =	slt.u32 s0, $0x3F8;
	v3 =	vld [tilespmem:s30+$0xFFFFFFC0]  }
0x50d: {  	v6 =	vld [tilespmem:s2+$0xFFFFFFD0];
	[tilespmem:s31+$0x10] =	vst v1;
	v1 =	vadd.f32 v5, v2  }
0x50e: {  	v2 =	vld [tilespmem:s30+$0xFFFFFFD0];
	v9 =	vadd.f32 v0, v4  }
0x50f: {  	v4 =	vld [tilespmem:s2+$0xFFFFFFE0];
	[tilespmem:s31+$0x20] =	vst v1  }
0x510: {  	v1 =	vld [tilespmem:s30+$0xFFFFFFE0];
	v5 =	vadd.f32 v8, v7;
	[tilespmem:s31+$0xFFFFFFC0] =	vst v9  }
0x511: {  	s31 =	sadd.s32 $0x80, s31;
	v7 =	vld [tilespmem:s2+$0xFFFFFFF0];
	v0 =	vmov v3  }
0x512: {  	v8 =	vld [tilespmem:s30+$0xFFFFFFF0];
	[tilespmem:s31+$0x30] =	vst v5  }
0x513: {  	v2 =	vadd.f32 v2, v6;
	v6 =	vld [tilespmem:s2+$0x0]  }
0x514: {  	v9 =	vld [tilespmem:s30+$0x0]  }
.Ltmp24:
0x515: {  	[tilespmem:s31+$0xFFFFFFD0] =	vst v2;
	v2 =	vadd.f32 v1, v4;
	v1 =	vld [tilespmem:s2+$0x10];
	(pc) =	sbr.rel @p0 .LBB2_50-.Ltmp24, $4  }
0x516: {  	v3 =	vld [tilespmem:s30+$0x10]  }
0x517: {  	[tilespmem:s31+$0xFFFFFFE0] =	vst v2;
	v7 =	vadd.f32 v8, v7;
	v2 =	vld [tilespmem:s2+$0x20]  }
0x518: {  	v5 =	vld [tilespmem:s30+$0x20]  }
0x519: {  	v4 =	vld [tilespmem:s2+$0xFFFFFFC0];
	[tilespmem:s31+$0xFFFFFFF0] =	vst v7;
	v6 =	vadd.f32 v9, v6;
	s2 =	sadd.s32 $0x80, s2  }
0x51a: {  	_ =	sdelay $0x1  }
0x51b: {  	v1 =	vadd.f32 v3, v1  }
0x51c: {  	[tilespmem:s31+$0x0] =	vst v6;
	v2 =	vadd.f32 v5, v2  }
0x51d: {  	[tilespmem:s31+$0x10] =	vst v1;
	v0 =	vadd.f32 v0, v4  }
0x51e: {  	[tilespmem:s31+$0x20] =	vst v2  }
0x51f: {  	[tilespmem:s31+$0xFFFFFFC0] =	vst v0  }
0x520: {  	s0 =	sld [smem:$0x7F6];
	_ =	sdelay $0x1  }
0x521: {  	s2 =	sld [smem:$0x7FD]  }
0x522: {  	[hbm4b:s0+s1] =	stream.linear.scatter [tilespmem:s21], [sflag:$0x4], $0x4000, $0x38;
	[tilespmem:$0x1C000] =	vst v63  }
0x523: {  	_ = 	snop  }
0x524: {  	[tilespmem:s1], [sflag:$0x1] =	stream.linear.gather [hbm4b:s2+s1], $0x4000, $0x38;
	[tilespmem:$0x1C000] =	vst v63  }
0x525: {  	_ =	swait.ge [sflag:s22], $0x4000  }
0x526: {  	[sflag:s22] =	ssyncset.done $0x0  }
0x527: {  	[sflag:s22] =	ssyncadd.s32 $0xFFFFC000  }
0x528: {  	_ =	swait.ge [sflag:s26], $0x4000  }
0x529: {  	[sflag:s26] =	ssyncset.done $0x0  }
0x52a: {  	s2 =	simm.s32 $0x4040;
	[sflag:s26] =	ssyncadd.s32 $0xFFFFC000  }
0x52b: {  	s30 =	simm.s32 $0x14040;
	v1 =	vld [tilespmem:s2+$0x30]  }
0x52c: {  	v2 =	vld [tilespmem:s30+$0x30]  }
0x52d: {  	v0 =	vld [tilespmem:s30+$0xFFFFFFC0]  }
0x52e: {  	v3 =	vld [tilespmem:s2+$0xFFFFFFD0]  }
0x52f: {  	v4 =	vld [tilespmem:s30+$0xFFFFFFD0]  }
0x530: {  	v5 =	vld [tilespmem:s2+$0xFFFFFFE0]  }
0x531: {  	v6 =	vld [tilespmem:s30+$0xFFFFFFE0]  }
0x532: {  	v7 =	vld [tilespmem:s2+$0xFFFFFFF0]  }
0x533: {  	v8 =	vld [tilespmem:s30+$0xFFFFFFF0]  }
0x534: {  	v9 =	vld [tilespmem:s2+$0x0]  }
0x535: {  	v10 =	vld [tilespmem:s30+$0x0];
	v2 =	vadd.f32 v2, v1  }
0x536: {  	s31 =	simm.s32 $0x10040;
	v4 =	vadd.f32 v4, v3;
	v1 =	vld [tilespmem:s2+$0x10]  }
0x537: {  	v5 =	vadd.f32 v6, v5;
	v3 =	vld [tilespmem:s30+$0x10];
	[tilespmem:s31+$0x30] =	vst v2  }
0x538: {  	v6 =	vadd.f32 v8, v7;
	[tilespmem:s31+$0xFFFFFFD0] =	vst v4;
	v2 =	vld [tilespmem:s2+$0x20]  }
0x539: {  	[tilespmem:s31+$0xFFFFFFE0] =	vst v5;
	v5 =	vld [tilespmem:s30+$0x20]  }
0x53a: {  	s0 =	simm.s32 $0x0;
	v4 =	vld [tilespmem:s2+$0xFFFFFFC0];
	[tilespmem:s31+$0xFFFFFFF0] =	vst v6;
	v6 =	vadd.f32 v10, v9;
	s2 =	simm.s32 $0x40C0  }
.LBB2_52:
0x53b: {  	v7 =	vld [tilespmem:s2+$0x30];
	s30 =	sadd.s32 $0x80, s30  }
0x53c: {  	s0 =	sadd.s32 $0x8, s0;
	v8 =	vld [tilespmem:s30+$0x30];
	[tilespmem:s31+$0x0] =	vst v6;
	v1 =	vadd.f32 v3, v1  }
0x53d: {  	p0 =	slt.u32 s0, $0x3F8;
	v3 =	vld [tilespmem:s30+$0xFFFFFFC0]  }
0x53e: {  	v6 =	vld [tilespmem:s2+$0xFFFFFFD0];
	[tilespmem:s31+$0x10] =	vst v1;
	v1 =	vadd.f32 v5, v2  }
0x53f: {  	v2 =	vld [tilespmem:s30+$0xFFFFFFD0];
	v9 =	vadd.f32 v0, v4  }
0x540: {  	v4 =	vld [tilespmem:s2+$0xFFFFFFE0];
	[tilespmem:s31+$0x20] =	vst v1  }
0x541: {  	v1 =	vld [tilespmem:s30+$0xFFFFFFE0];
	v5 =	vadd.f32 v8, v7;
	[tilespmem:s31+$0xFFFFFFC0] =	vst v9  }
0x542: {  	s31 =	sadd.s32 $0x80, s31;
	v7 =	vld [tilespmem:s2+$0xFFFFFFF0];
	v0 =	vmov v3  }
0x543: {  	v8 =	vld [tilespmem:s30+$0xFFFFFFF0];
	[tilespmem:s31+$0x30] =	vst v5  }
0x544: {  	v2 =	vadd.f32 v2, v6;
	v6 =	vld [tilespmem:s2+$0x0]  }
0x545: {  	v9 =	vld [tilespmem:s30+$0x0]  }
.Ltmp25:
0x546: {  	[tilespmem:s31+$0xFFFFFFD0] =	vst v2;
	v2 =	vadd.f32 v1, v4;
	v1 =	vld [tilespmem:s2+$0x10];
	(pc) =	sbr.rel @p0 .LBB2_52-.Ltmp25, $4  }
0x547: {  	v3 =	vld [tilespmem:s30+$0x10]  }
0x548: {  	[tilespmem:s31+$0xFFFFFFE0] =	vst v2;
	v7 =	vadd.f32 v8, v7;
	v2 =	vld [tilespmem:s2+$0x20]  }
0x549: {  	v5 =	vld [tilespmem:s30+$0x20]  }
0x54a: {  	v4 =	vld [tilespmem:s2+$0xFFFFFFC0];
	[tilespmem:s31+$0xFFFFFFF0] =	vst v7;
	v6 =	vadd.f32 v9, v6;
	s2 =	sadd.s32 $0x80, s2  }
0x54b: {  	_ =	sdelay $0x1  }
0x54c: {  	v1 =	vadd.f32 v3, v1  }
0x54d: {  	[tilespmem:s31+$0x0] =	vst v6;
	v2 =	vadd.f32 v5, v2  }
0x54e: {  	[tilespmem:s31+$0x10] =	vst v1;
	v0 =	vadd.f32 v0, v4  }
0x54f: {  	[tilespmem:s31+$0x20] =	vst v2  }
0x550: {  	[tilespmem:s31+$0xFFFFFFC0] =	vst v0  }
0x551: {  	s0 =	sld [smem:$0x7F8];
	_ =	sdelay $0x2  }
0x552: {  	[hbm4b:s0+s1] =	stream.linear.scatter [tilespmem:s23], [sflag:$0x5], $0x4000, $0x38;
	[tilespmem:$0x1C000] =	vst v63  }
0x553: {  	s2 =	sld [smem:$0x7FA]  }
0x554: {  	[tilespmem:s15], [sflag:$0x2] =	stream.linear.gather [hbm4b:s4+s1], $0x4000, $0x38;
	[tilespmem:$0x1C000] =	vst v63  }
0x555: {  	_ = 	snop  }
0x556: {  	[tilespmem:s18], [sflag:$0x7] =	stream.linear.gather [hbm4b:s2+s1], $0x4000, $0x38;
	[tilespmem:$0x1C000] =	vst v63  }
0x557: {  	_ =	swait.ge [sflag:s24], $0x4000  }
0x558: {  	[sflag:s24] =	ssyncset.done $0x0  }
0x559: {  	[sflag:s24] =	ssyncadd.s32 $0xFFFFC000  }
0x55a: {  	_ =	swait.ge [sflag:s25], $0x4000  }
0x55b: {  	[sflag:s25] =	ssyncset.done $0x0  }
0x55c: {  	s2 =	simm.s32 $0x8040;
	[sflag:s25] =	ssyncadd.s32 $0xFFFFC000  }
0x55d: {  	s30 =	simm.s32 $0x14040;
	v1 =	vld [tilespmem:s2+$0x30]  }
0x55e: {  	v2 =	vld [tilespmem:s30+$0x30]  }
0x55f: {  	v0 =	vld [tilespmem:s30+$0xFFFFFFC0]  }
0x560: {  	v3 =	vld [tilespmem:s2+$0xFFFFFFD0]  }
0x561: {  	v4 =	vld [tilespmem:s30+$0xFFFFFFD0]  }
0x562: {  	v5 =	vld [tilespmem:s2+$0xFFFFFFE0]  }
0x563: {  	v6 =	vld [tilespmem:s30+$0xFFFFFFE0]  }
0x564: {  	v7 =	vld [tilespmem:s2+$0xFFFFFFF0]  }
0x565: {  	v8 =	vld [tilespmem:s30+$0xFFFFFFF0]  }
0x566: {  	v9 =	vld [tilespmem:s2+$0x0]  }
0x567: {  	v10 =	vld [tilespmem:s30+$0x0];
	v2 =	vadd.f32 v2, v1  }
0x568: {  	s31 =	simm.s32 $0xC040;
	v4 =	vadd.f32 v4, v3;
	v1 =	vld [tilespmem:s2+$0x10]  }
0x569: {  	v5 =	vadd.f32 v6, v5;
	v3 =	vld [tilespmem:s30+$0x10];
	[tilespmem:s31+$0x30] =	vst v2  }
0x56a: {  	v6 =	vadd.f32 v8, v7;
	[tilespmem:s31+$0xFFFFFFD0] =	vst v4;
	v2 =	vld [tilespmem:s2+$0x20]  }
0x56b: {  	[tilespmem:s31+$0xFFFFFFE0] =	vst v5;
	v5 =	vld [tilespmem:s30+$0x20]  }
0x56c: {  	s0 =	simm.s32 $0x0;
	v4 =	vld [tilespmem:s2+$0xFFFFFFC0];
	[tilespmem:s31+$0xFFFFFFF0] =	vst v6;
	v6 =	vadd.f32 v10, v9;
	s2 =	simm.s32 $0x80C0  }
.LBB2_54:
0x56d: {  	v7 =	vld [tilespmem:s2+$0x30];
	s30 =	sadd.s32 $0x80, s30  }
0x56e: {  	s0 =	sadd.s32 $0x8, s0;
	v8 =	vld [tilespmem:s30+$0x30];
	[tilespmem:s31+$0x0] =	vst v6;
	v1 =	vadd.f32 v3, v1  }
0x56f: {  	p0 =	slt.u32 s0, $0x3F8;
	v3 =	vld [tilespmem:s30+$0xFFFFFFC0]  }
0x570: {  	v6 =	vld [tilespmem:s2+$0xFFFFFFD0];
	[tilespmem:s31+$0x10] =	vst v1;
	v1 =	vadd.f32 v5, v2  }
0x571: {  	v2 =	vld [tilespmem:s30+$0xFFFFFFD0];
	v9 =	vadd.f32 v0, v4  }
0x572: {  	v4 =	vld [tilespmem:s2+$0xFFFFFFE0];
	[tilespmem:s31+$0x20] =	vst v1  }
0x573: {  	v1 =	vld [tilespmem:s30+$0xFFFFFFE0];
	v5 =	vadd.f32 v8, v7;
	[tilespmem:s31+$0xFFFFFFC0] =	vst v9  }
0x574: {  	s31 =	sadd.s32 $0x80, s31;
	v7 =	vld [tilespmem:s2+$0xFFFFFFF0];
	v0 =	vmov v3  }
0x575: {  	v8 =	vld [tilespmem:s30+$0xFFFFFFF0];
	[tilespmem:s31+$0x30] =	vst v5  }
0x576: {  	v2 =	vadd.f32 v2, v6;
	v6 =	vld [tilespmem:s2+$0x0]  }
0x577: {  	v9 =	vld [tilespmem:s30+$0x0]  }
.Ltmp26:
0x578: {  	[tilespmem:s31+$0xFFFFFFD0] =	vst v2;
	v2 =	vadd.f32 v1, v4;
	v1 =	vld [tilespmem:s2+$0x10];
	(pc) =	sbr.rel @p0 .LBB2_54-.Ltmp26, $4  }
0x579: {  	v3 =	vld [tilespmem:s30+$0x10]  }
0x57a: {  	[tilespmem:s31+$0xFFFFFFE0] =	vst v2;
	v7 =	vadd.f32 v8, v7;
	v2 =	vld [tilespmem:s2+$0x20]  }
0x57b: {  	v5 =	vld [tilespmem:s30+$0x20]  }
0x57c: {  	v4 =	vld [tilespmem:s2+$0xFFFFFFC0];
	[tilespmem:s31+$0xFFFFFFF0] =	vst v7;
	v6 =	vadd.f32 v9, v6;
	s2 =	sadd.s32 $0x80, s2  }
0x57d: {  	_ =	sdelay $0x1  }
0x57e: {  	v1 =	vadd.f32 v3, v1  }
0x57f: {  	[tilespmem:s31+$0x0] =	vst v6;
	v2 =	vadd.f32 v5, v2  }
0x580: {  	[tilespmem:s31+$0x10] =	vst v1;
	v0 =	vadd.f32 v0, v4  }
0x581: {  	[tilespmem:s31+$0x20] =	vst v2  }
0x582: {  	[tilespmem:s31+$0xFFFFFFC0] =	vst v0  }
0x583: {  	s0 =	sld [smem:$0x7FC];
	_ =	sdelay $0x2  }
0x584: {  	[hbm4b:s0+s1] =	stream.linear.scatter [tilespmem:s21], [sflag:$0x4], $0x4000, $0x38;
	[tilespmem:$0x1C000] =	vst v63  }
0x585: {  	_ = 	snop  }
0x586: {  	[tilespmem:s16], [sflag:$0x3] =	stream.linear.gather [hbm4b:s8+s1], $0x4000, $0x38;
	[tilespmem:$0x1C000] =	vst v63  }
0x587: {  	_ =	swait.ge [sflag:s19], $0x4000  }
0x588: {  	[sflag:s19] =	ssyncset.done $0x0  }
0x589: {  	[sflag:s19] =	ssyncadd.s32 $0xFFFFC000  }
0x58a: {  	_ =	swait.ge [sflag:s26], $0x4000  }
0x58b: {  	[sflag:s26] =	ssyncset.done $0x0  }
0x58c: {  	s2 =	simm.s32 $0x40;
	[sflag:s26] =	ssyncadd.s32 $0xFFFFC000  }
0x58d: {  	s30 =	simm.s32 $0x14040;
	v1 =	vld [tilespmem:s2+$0x30]  }
0x58e: {  	v2 =	vld [tilespmem:s30+$0x30]  }
0x58f: {  	v0 =	vld [tilespmem:s30+$0xFFFFFFC0]  }
0x590: {  	v3 =	vld [tilespmem:s2+$0xFFFFFFD0]  }
0x591: {  	v4 =	vld [tilespmem:s30+$0xFFFFFFD0]  }
0x592: {  	v5 =	vld [tilespmem:s2+$0xFFFFFFE0]  }
0x593: {  	v6 =	vld [tilespmem:s30+$0xFFFFFFE0]  }
0x594: {  	v7 =	vld [tilespmem:s2+$0xFFFFFFF0]  }
0x595: {  	v8 =	vld [tilespmem:s30+$0xFFFFFFF0]  }
0x596: {  	v9 =	vld [tilespmem:s2+$0x0]  }
0x597: {  	v10 =	vld [tilespmem:s30+$0x0];
	v2 =	vadd.f32 v2, v1  }
0x598: {  	s31 =	simm.s32 $0x10040;
	v4 =	vadd.f32 v4, v3;
	v1 =	vld [tilespmem:s2+$0x10]  }
0x599: {  	v5 =	vadd.f32 v6, v5;
	v3 =	vld [tilespmem:s30+$0x10];
	[tilespmem:s31+$0x30] =	vst v2  }
0x59a: {  	v6 =	vadd.f32 v8, v7;
	[tilespmem:s31+$0xFFFFFFD0] =	vst v4;
	v2 =	vld [tilespmem:s2+$0x20]  }
0x59b: {  	[tilespmem:s31+$0xFFFFFFE0] =	vst v5;
	v5 =	vld [tilespmem:s30+$0x20]  }
0x59c: {  	s0 =	simm.s32 $0x0;
	v4 =	vld [tilespmem:s2+$0xFFFFFFC0];
	[tilespmem:s31+$0xFFFFFFF0] =	vst v6;
	v6 =	vadd.f32 v10, v9;
	s2 =	simm.s32 $0xC0  }
.LBB2_56:
0x59d: {  	v7 =	vld [tilespmem:s2+$0x30];
	s30 =	sadd.s32 $0x80, s30  }
0x59e: {  	s0 =	sadd.s32 $0x8, s0;
	v8 =	vld [tilespmem:s30+$0x30];
	[tilespmem:s31+$0x0] =	vst v6;
	v1 =	vadd.f32 v3, v1  }
0x59f: {  	p0 =	slt.u32 s0, $0x3F8;
	v3 =	vld [tilespmem:s30+$0xFFFFFFC0]  }
0x5a0: {  	v6 =	vld [tilespmem:s2+$0xFFFFFFD0];
	[tilespmem:s31+$0x10] =	vst v1;
	v1 =	vadd.f32 v5, v2  }
0x5a1: {  	v2 =	vld [tilespmem:s30+$0xFFFFFFD0];
	v9 =	vadd.f32 v0, v4  }
0x5a2: {  	v4 =	vld [tilespmem:s2+$0xFFFFFFE0];
	[tilespmem:s31+$0x20] =	vst v1  }
0x5a3: {  	v1 =	vld [tilespmem:s30+$0xFFFFFFE0];
	v5 =	vadd.f32 v8, v7;
	[tilespmem:s31+$0xFFFFFFC0] =	vst v9  }
0x5a4: {  	s31 =	sadd.s32 $0x80, s31;
	v7 =	vld [tilespmem:s2+$0xFFFFFFF0];
	v0 =	vmov v3  }
0x5a5: {  	v8 =	vld [tilespmem:s30+$0xFFFFFFF0];
	[tilespmem:s31+$0x30] =	vst v5  }
0x5a6: {  	v2 =	vadd.f32 v2, v6;
	v6 =	vld [tilespmem:s2+$0x0]  }
0x5a7: {  	v9 =	vld [tilespmem:s30+$0x0]  }
.Ltmp27:
0x5a8: {  	[tilespmem:s31+$0xFFFFFFD0] =	vst v2;
	v2 =	vadd.f32 v1, v4;
	v1 =	vld [tilespmem:s2+$0x10];
	(pc) =	sbr.rel @p0 .LBB2_56-.Ltmp27, $4  }
0x5a9: {  	v3 =	vld [tilespmem:s30+$0x10]  }
0x5aa: {  	[tilespmem:s31+$0xFFFFFFE0] =	vst v2;
	v7 =	vadd.f32 v8, v7;
	v2 =	vld [tilespmem:s2+$0x20]  }
0x5ab: {  	v5 =	vld [tilespmem:s30+$0x20]  }
0x5ac: {  	v4 =	vld [tilespmem:s2+$0xFFFFFFC0];
	[tilespmem:s31+$0xFFFFFFF0] =	vst v7;
	v6 =	vadd.f32 v9, v6;
	s2 =	sadd.s32 $0x80, s2  }
0x5ad: {  	_ =	sdelay $0x1  }
0x5ae: {  	v1 =	vadd.f32 v3, v1  }
0x5af: {  	[tilespmem:s31+$0x0] =	vst v6;
	v2 =	vadd.f32 v5, v2  }
0x5b0: {  	[tilespmem:s31+$0x10] =	vst v1;
	v0 =	vadd.f32 v0, v4  }
0x5b1: {  	[tilespmem:s31+$0x20] =	vst v2  }
0x5b2: {  	[tilespmem:s31+$0xFFFFFFC0] =	vst v0  }
0x5b3: {  	[hbm4b:s3+s1] =	stream.linear.scatter [tilespmem:s23], [sflag:$0x5], $0x4000, $0x38;
	[tilespmem:$0x1C000] =	vst v63  }
0x5b4: {  	_ = 	snop  }
0x5b5: {  	[tilespmem:s1], [sflag:$0x1] =	stream.linear.gather [hbm4b:s9+s1], $0x4000, $0x38;
	[tilespmem:$0x1C000] =	vst v63  }
0x5b6: {  	_ =	swait.ge [sflag:s22], $0x4000  }
0x5b7: {  	[sflag:s22] =	ssyncset.done $0x0  }
0x5b8: {  	[sflag:s22] =	ssyncadd.s32 $0xFFFFC000  }
0x5b9: {  	_ =	swait.ge [sflag:s28], $0x4000  }
0x5ba: {  	[sflag:s28] =	ssyncset.done $0x0  }
0x5bb: {  	[sflag:s28] =	ssyncadd.s32 $0xFFFFC000  }
0x5bc: {  	_ =	swait.ge [sflag:s25], $0x4000  }
0x5bd: {  	[sflag:s25] =	ssyncset.done $0x0  }
0x5be: {  	s2 =	simm.s32 $0x4040;
	[sflag:s25] =	ssyncadd.s32 $0xFFFFC000  }
0x5bf: {  	s30 =	simm.s32 $0x18040;
	v1 =	vld [tilespmem:s2+$0x30]  }
0x5c0: {  	v2 =	vld [tilespmem:s30+$0x30]  }
0x5c1: {  	v0 =	vld [tilespmem:s30+$0xFFFFFFC0]  }
0x5c2: {  	v3 =	vld [tilespmem:s2+$0xFFFFFFD0]  }
0x5c3: {  	v4 =	vld [tilespmem:s30+$0xFFFFFFD0]  }
0x5c4: {  	v5 =	vld [tilespmem:s2+$0xFFFFFFE0]  }
0x5c5: {  	v6 =	vld [tilespmem:s30+$0xFFFFFFE0]  }
0x5c6: {  	v7 =	vld [tilespmem:s2+$0xFFFFFFF0]  }
0x5c7: {  	v8 =	vld [tilespmem:s30+$0xFFFFFFF0]  }
0x5c8: {  	v9 =	vld [tilespmem:s2+$0x0]  }
0x5c9: {  	v10 =	vld [tilespmem:s30+$0x0];
	v2 =	vadd.f32 v2, v1  }
0x5ca: {  	s31 =	simm.s32 $0xC040;
	v4 =	vadd.f32 v4, v3;
	v1 =	vld [tilespmem:s2+$0x10]  }
0x5cb: {  	v5 =	vadd.f32 v6, v5;
	v3 =	vld [tilespmem:s30+$0x10];
	[tilespmem:s31+$0x30] =	vst v2  }
0x5cc: {  	v6 =	vadd.f32 v8, v7;
	[tilespmem:s31+$0xFFFFFFD0] =	vst v4;
	v2 =	vld [tilespmem:s2+$0x20]  }
0x5cd: {  	[tilespmem:s31+$0xFFFFFFE0] =	vst v5;
	v5 =	vld [tilespmem:s30+$0x20]  }
0x5ce: {  	s0 =	simm.s32 $0x0;
	v4 =	vld [tilespmem:s2+$0xFFFFFFC0];
	[tilespmem:s31+$0xFFFFFFF0] =	vst v6;
	v6 =	vadd.f32 v10, v9;
	s2 =	simm.s32 $0x40C0  }
.LBB2_58:
0x5cf: {  	v7 =	vld [tilespmem:s2+$0x30];
	s30 =	sadd.s32 $0x80, s30  }
0x5d0: {  	s0 =	sadd.s32 $0x8, s0;
	v8 =	vld [tilespmem:s30+$0x30];
	[tilespmem:s31+$0x0] =	vst v6;
	v1 =	vadd.f32 v3, v1  }
0x5d1: {  	p0 =	slt.u32 s0, $0x3F8;
	v3 =	vld [tilespmem:s30+$0xFFFFFFC0]  }
0x5d2: {  	v6 =	vld [tilespmem:s2+$0xFFFFFFD0];
	[tilespmem:s31+$0x10] =	vst v1;
	v1 =	vadd.f32 v5, v2  }
0x5d3: {  	v2 =	vld [tilespmem:s30+$0xFFFFFFD0];
	v9 =	vadd.f32 v0, v4  }
0x5d4: {  	v4 =	vld [tilespmem:s2+$0xFFFFFFE0];
	[tilespmem:s31+$0x20] =	vst v1  }
0x5d5: {  	v1 =	vld [tilespmem:s30+$0xFFFFFFE0];
	v5 =	vadd.f32 v8, v7;
	[tilespmem:s31+$0xFFFFFFC0] =	vst v9  }
0x5d6: {  	s31 =	sadd.s32 $0x80, s31;
	v7 =	vld [tilespmem:s2+$0xFFFFFFF0];
	v0 =	vmov v3  }
0x5d7: {  	v8 =	vld [tilespmem:s30+$0xFFFFFFF0];
	[tilespmem:s31+$0x30] =	vst v5  }
0x5d8: {  	v2 =	vadd.f32 v2, v6;
	v6 =	vld [tilespmem:s2+$0x0]  }
0x5d9: {  	v9 =	vld [tilespmem:s30+$0x0]  }
.Ltmp28:
0x5da: {  	[tilespmem:s31+$0xFFFFFFD0] =	vst v2;
	v2 =	vadd.f32 v1, v4;
	v1 =	vld [tilespmem:s2+$0x10];
	(pc) =	sbr.rel @p0 .LBB2_58-.Ltmp28, $4  }
0x5db: {  	v3 =	vld [tilespmem:s30+$0x10]  }
0x5dc: {  	[tilespmem:s31+$0xFFFFFFE0] =	vst v2;
	v7 =	vadd.f32 v8, v7;
	v2 =	vld [tilespmem:s2+$0x20]  }
0x5dd: {  	v5 =	vld [tilespmem:s30+$0x20]  }
0x5de: {  	v4 =	vld [tilespmem:s2+$0xFFFFFFC0];
	[tilespmem:s31+$0xFFFFFFF0] =	vst v7;
	v6 =	vadd.f32 v9, v6;
	s2 =	sadd.s32 $0x80, s2  }
0x5df: {  	_ =	sdelay $0x1  }
0x5e0: {  	v1 =	vadd.f32 v3, v1  }
0x5e1: {  	[tilespmem:s31+$0x0] =	vst v6;
	v2 =	vadd.f32 v5, v2  }
0x5e2: {  	[tilespmem:s31+$0x10] =	vst v1;
	v0 =	vadd.f32 v0, v4  }
0x5e3: {  	[tilespmem:s31+$0x20] =	vst v2  }
0x5e4: {  	[tilespmem:s31+$0xFFFFFFC0] =	vst v0  }
0x5e5: {  	[hbm4b:s5+s1] =	stream.linear.scatter [tilespmem:s21], [sflag:$0x4], $0x4000, $0x38;
	[tilespmem:$0x1C000] =	vst v63  }
0x5e6: {  	_ = 	snop  }
0x5e7: {  	[tilespmem:s15], [sflag:$0x2] =	stream.linear.gather [hbm4b:s10+s1], $0x4000, $0x38;
	[tilespmem:$0x1C000] =	vst v63  }
0x5e8: {  	_ =	swait.ge [sflag:s24], $0x4000  }
0x5e9: {  	[sflag:s24] =	ssyncset.done $0x0  }
0x5ea: {  	[sflag:s24] =	ssyncadd.s32 $0xFFFFC000  }
0x5eb: {  	_ =	swait.ge [sflag:s26], $0x4000  }
0x5ec: {  	[sflag:s26] =	ssyncset.done $0x0  }
0x5ed: {  	s2 =	simm.s32 $0x8040;
	[sflag:s26] =	ssyncadd.s32 $0xFFFFC000  }
0x5ee: {  	s30 =	simm.s32 $0x18040;
	v1 =	vld [tilespmem:s2+$0x30]  }
0x5ef: {  	v2 =	vld [tilespmem:s30+$0x30]  }
0x5f0: {  	v0 =	vld [tilespmem:s30+$0xFFFFFFC0]  }
0x5f1: {  	v3 =	vld [tilespmem:s2+$0xFFFFFFD0]  }
0x5f2: {  	v4 =	vld [tilespmem:s30+$0xFFFFFFD0]  }
0x5f3: {  	v5 =	vld [tilespmem:s2+$0xFFFFFFE0]  }
0x5f4: {  	v6 =	vld [tilespmem:s30+$0xFFFFFFE0]  }
0x5f5: {  	v7 =	vld [tilespmem:s2+$0xFFFFFFF0]  }
0x5f6: {  	v8 =	vld [tilespmem:s30+$0xFFFFFFF0]  }
0x5f7: {  	v9 =	vld [tilespmem:s2+$0x0]  }
0x5f8: {  	v10 =	vld [tilespmem:s30+$0x0];
	v2 =	vadd.f32 v2, v1  }
0x5f9: {  	s31 =	simm.s32 $0x10040;
	v4 =	vadd.f32 v4, v3;
	v1 =	vld [tilespmem:s2+$0x10]  }
0x5fa: {  	v5 =	vadd.f32 v6, v5;
	v3 =	vld [tilespmem:s30+$0x10];
	[tilespmem:s31+$0x30] =	vst v2  }
0x5fb: {  	v6 =	vadd.f32 v8, v7;
	[tilespmem:s31+$0xFFFFFFD0] =	vst v4;
	v2 =	vld [tilespmem:s2+$0x20]  }
0x5fc: {  	[tilespmem:s31+$0xFFFFFFE0] =	vst v5;
	v5 =	vld [tilespmem:s30+$0x20]  }
0x5fd: {  	s0 =	simm.s32 $0x0;
	v4 =	vld [tilespmem:s2+$0xFFFFFFC0];
	[tilespmem:s31+$0xFFFFFFF0] =	vst v6;
	v6 =	vadd.f32 v10, v9;
	s2 =	simm.s32 $0x80C0  }
.LBB2_60:
0x5fe: {  	v7 =	vld [tilespmem:s2+$0x30];
	s30 =	sadd.s32 $0x80, s30  }
0x5ff: {  	s0 =	sadd.s32 $0x8, s0;
	v8 =	vld [tilespmem:s30+$0x30];
	[tilespmem:s31+$0x0] =	vst v6;
	v1 =	vadd.f32 v3, v1  }
0x600: {  	p0 =	slt.u32 s0, $0x3F8;
	v3 =	vld [tilespmem:s30+$0xFFFFFFC0]  }
0x601: {  	v6 =	vld [tilespmem:s2+$0xFFFFFFD0];
	[tilespmem:s31+$0x10] =	vst v1;
	v1 =	vadd.f32 v5, v2  }
0x602: {  	v2 =	vld [tilespmem:s30+$0xFFFFFFD0];
	v9 =	vadd.f32 v0, v4  }
0x603: {  	v4 =	vld [tilespmem:s2+$0xFFFFFFE0];
	[tilespmem:s31+$0x20] =	vst v1  }
0x604: {  	v1 =	vld [tilespmem:s30+$0xFFFFFFE0];
	v5 =	vadd.f32 v8, v7;
	[tilespmem:s31+$0xFFFFFFC0] =	vst v9  }
0x605: {  	s31 =	sadd.s32 $0x80, s31;
	v7 =	vld [tilespmem:s2+$0xFFFFFFF0];
	v0 =	vmov v3  }
0x606: {  	v8 =	vld [tilespmem:s30+$0xFFFFFFF0];
	[tilespmem:s31+$0x30] =	vst v5  }
0x607: {  	v2 =	vadd.f32 v2, v6;
	v6 =	vld [tilespmem:s2+$0x0]  }
0x608: {  	v9 =	vld [tilespmem:s30+$0x0]  }
.Ltmp29:
0x609: {  	[tilespmem:s31+$0xFFFFFFD0] =	vst v2;
	v2 =	vadd.f32 v1, v4;
	v1 =	vld [tilespmem:s2+$0x10];
	(pc) =	sbr.rel @p0 .LBB2_60-.Ltmp29, $4  }
0x60a: {  	v3 =	vld [tilespmem:s30+$0x10]  }
0x60b: {  	[tilespmem:s31+$0xFFFFFFE0] =	vst v2;
	v7 =	vadd.f32 v8, v7;
	v2 =	vld [tilespmem:s2+$0x20]  }
0x60c: {  	v5 =	vld [tilespmem:s30+$0x20]  }
0x60d: {  	v4 =	vld [tilespmem:s2+$0xFFFFFFC0];
	[tilespmem:s31+$0xFFFFFFF0] =	vst v7;
	v6 =	vadd.f32 v9, v6;
	s2 =	sadd.s32 $0x80, s2  }
0x60e: {  	_ =	sdelay $0x1  }
0x60f: {  	v1 =	vadd.f32 v3, v1  }
0x610: {  	[tilespmem:s31+$0x0] =	vst v6;
	v2 =	vadd.f32 v5, v2  }
0x611: {  	[tilespmem:s31+$0x10] =	vst v1;
	v0 =	vadd.f32 v0, v4  }
0x612: {  	[tilespmem:s31+$0x20] =	vst v2  }
0x613: {  	[tilespmem:s31+$0xFFFFFFC0] =	vst v0  }
0x614: {  	[hbm4b:s11+s1] =	stream.linear.scatter [tilespmem:s23], [sflag:$0x5], $0x4000, $0x38;
	[tilespmem:$0x1C000] =	vst v63  }
0x615: {  	_ =	swait.ge [sflag:s19], $0x4000  }
0x616: {  	[sflag:s19] =	ssyncset.done $0x0  }
0x617: {  	[sflag:s19] =	ssyncadd.s32 $0xFFFFC000  }
0x618: {  	_ =	swait.ge [sflag:s25], $0x4000  }
0x619: {  	[sflag:s25] =	ssyncset.done $0x0  }
0x61a: {  	s2 =	simm.s32 $0x40;
	[sflag:s25] =	ssyncadd.s32 $0xFFFFC000  }
0x61b: {  	s30 =	simm.s32 $0x18040;
	v1 =	vld [tilespmem:s2+$0x30]  }
0x61c: {  	v2 =	vld [tilespmem:s30+$0x30]  }
0x61d: {  	v0 =	vld [tilespmem:s30+$0xFFFFFFC0]  }
0x61e: {  	v3 =	vld [tilespmem:s2+$0xFFFFFFD0]  }
0x61f: {  	v4 =	vld [tilespmem:s30+$0xFFFFFFD0]  }
0x620: {  	v5 =	vld [tilespmem:s2+$0xFFFFFFE0]  }
0x621: {  	v6 =	vld [tilespmem:s30+$0xFFFFFFE0]  }
0x622: {  	v7 =	vld [tilespmem:s2+$0xFFFFFFF0]  }
0x623: {  	v8 =	vld [tilespmem:s30+$0xFFFFFFF0]  }
0x624: {  	v9 =	vld [tilespmem:s2+$0x0]  }
0x625: {  	v10 =	vld [tilespmem:s30+$0x0];
	v2 =	vadd.f32 v2, v1  }
0x626: {  	s31 =	simm.s32 $0xC040;
	v4 =	vadd.f32 v4, v3;
	v1 =	vld [tilespmem:s2+$0x10]  }
0x627: {  	v5 =	vadd.f32 v6, v5;
	v3 =	vld [tilespmem:s30+$0x10];
	[tilespmem:s31+$0x30] =	vst v2  }
0x628: {  	v6 =	vadd.f32 v8, v7;
	[tilespmem:s31+$0xFFFFFFD0] =	vst v4;
	v2 =	vld [tilespmem:s2+$0x20]  }
0x629: {  	[tilespmem:s31+$0xFFFFFFE0] =	vst v5;
	v5 =	vld [tilespmem:s30+$0x20]  }
0x62a: {  	s0 =	simm.s32 $0x0;
	v4 =	vld [tilespmem:s2+$0xFFFFFFC0];
	[tilespmem:s31+$0xFFFFFFF0] =	vst v6;
	v6 =	vadd.f32 v10, v9;
	s2 =	simm.s32 $0xC0  }
.LBB2_62:
0x62b: {  	v7 =	vld [tilespmem:s2+$0x30];
	s30 =	sadd.s32 $0x80, s30  }
0x62c: {  	s0 =	sadd.s32 $0x8, s0;
	v8 =	vld [tilespmem:s30+$0x30];
	[tilespmem:s31+$0x0] =	vst v6;
	v1 =	vadd.f32 v3, v1  }
0x62d: {  	p0 =	slt.u32 s0, $0x3F8;
	v3 =	vld [tilespmem:s30+$0xFFFFFFC0]  }
0x62e: {  	v6 =	vld [tilespmem:s2+$0xFFFFFFD0];
	[tilespmem:s31+$0x10] =	vst v1;
	v1 =	vadd.f32 v5, v2  }
0x62f: {  	v2 =	vld [tilespmem:s30+$0xFFFFFFD0];
	v9 =	vadd.f32 v0, v4  }
0x630: {  	v4 =	vld [tilespmem:s2+$0xFFFFFFE0];
	[tilespmem:s31+$0x20] =	vst v1  }
0x631: {  	v1 =	vld [tilespmem:s30+$0xFFFFFFE0];
	v5 =	vadd.f32 v8, v7;
	[tilespmem:s31+$0xFFFFFFC0] =	vst v9  }
0x632: {  	s31 =	sadd.s32 $0x80, s31;
	v7 =	vld [tilespmem:s2+$0xFFFFFFF0];
	v0 =	vmov v3  }
0x633: {  	v8 =	vld [tilespmem:s30+$0xFFFFFFF0];
	[tilespmem:s31+$0x30] =	vst v5  }
0x634: {  	v2 =	vadd.f32 v2, v6;
	v6 =	vld [tilespmem:s2+$0x0]  }
0x635: {  	v9 =	vld [tilespmem:s30+$0x0]  }
.Ltmp30:
0x636: {  	[tilespmem:s31+$0xFFFFFFD0] =	vst v2;
	v2 =	vadd.f32 v1, v4;
	v1 =	vld [tilespmem:s2+$0x10];
	(pc) =	sbr.rel @p0 .LBB2_62-.Ltmp30, $4  }
0x637: {  	v3 =	vld [tilespmem:s30+$0x10]  }
0x638: {  	[tilespmem:s31+$0xFFFFFFE0] =	vst v2;
	v7 =	vadd.f32 v8, v7;
	v2 =	vld [tilespmem:s2+$0x20]  }
0x639: {  	v5 =	vld [tilespmem:s30+$0x20]  }
0x63a: {  	v4 =	vld [tilespmem:s2+$0xFFFFFFC0];
	[tilespmem:s31+$0xFFFFFFF0] =	vst v7;
	v6 =	vadd.f32 v9, v6;
	s2 =	sadd.s32 $0x80, s2  }
0x63b: {  	_ =	sdelay $0x1  }
0x63c: {  	v1 =	vadd.f32 v3, v1  }
0x63d: {  	[tilespmem:s31+$0x0] =	vst v6;
	v2 =	vadd.f32 v5, v2  }
0x63e: {  	[tilespmem:s31+$0x10] =	vst v1;
	v0 =	vadd.f32 v0, v4  }
0x63f: {  	[tilespmem:s31+$0x20] =	vst v2  }
0x640: {  	[tilespmem:s31+$0xFFFFFFC0] =	vst v0  }
0x641: {  	[hbm4b:s12+s1] =	stream.linear.scatter [tilespmem:s21], [sflag:$0x4], $0x4000, $0x38;
	[tilespmem:$0x1C000] =	vst v63  }
0x642: {  	_ =	swait.ge [sflag:s22], $0x4000  }
0x643: {  	[sflag:s22] =	ssyncset.done $0x0  }
0x644: {  	[sflag:s22] =	ssyncadd.s32 $0xFFFFC000  }
0x645: {  	_ =	swait.ge [sflag:s26], $0x4000  }
0x646: {  	[sflag:s26] =	ssyncset.done $0x0  }
0x647: {  	s2 =	simm.s32 $0x4040;
	[sflag:s26] =	ssyncadd.s32 $0xFFFFC000  }
0x648: {  	s30 =	simm.s32 $0x18040;
	v1 =	vld [tilespmem:s2+$0x30]  }
0x649: {  	v2 =	vld [tilespmem:s30+$0x30]  }
0x64a: {  	v0 =	vld [tilespmem:s30+$0xFFFFFFC0]  }
0x64b: {  	v3 =	vld [tilespmem:s2+$0xFFFFFFD0]  }
0x64c: {  	v4 =	vld [tilespmem:s30+$0xFFFFFFD0]  }
0x64d: {  	v5 =	vld [tilespmem:s2+$0xFFFFFFE0]  }
0x64e: {  	v6 =	vld [tilespmem:s30+$0xFFFFFFE0]  }
0x64f: {  	v7 =	vld [tilespmem:s2+$0xFFFFFFF0]  }
0x650: {  	v8 =	vld [tilespmem:s30+$0xFFFFFFF0]  }
0x651: {  	v9 =	vld [tilespmem:s2+$0x0]  }
0x652: {  	v10 =	vld [tilespmem:s30+$0x0];
	v2 =	vadd.f32 v2, v1  }
0x653: {  	s31 =	simm.s32 $0x10040;
	v4 =	vadd.f32 v4, v3;
	v1 =	vld [tilespmem:s2+$0x10]  }
0x654: {  	v5 =	vadd.f32 v6, v5;
	v3 =	vld [tilespmem:s30+$0x10];
	[tilespmem:s31+$0x30] =	vst v2  }
0x655: {  	v6 =	vadd.f32 v8, v7;
	[tilespmem:s31+$0xFFFFFFD0] =	vst v4;
	v2 =	vld [tilespmem:s2+$0x20]  }
0x656: {  	[tilespmem:s31+$0xFFFFFFE0] =	vst v5;
	v5 =	vld [tilespmem:s30+$0x20]  }
0x657: {  	s0 =	simm.s32 $0x0;
	v4 =	vld [tilespmem:s2+$0xFFFFFFC0];
	[tilespmem:s31+$0xFFFFFFF0] =	vst v6;
	v6 =	vadd.f32 v10, v9;
	s2 =	simm.s32 $0x40C0  }
.LBB2_64:
0x658: {  	v7 =	vld [tilespmem:s2+$0x30];
	s30 =	sadd.s32 $0x80, s30  }
0x659: {  	s0 =	sadd.s32 $0x8, s0;
	v8 =	vld [tilespmem:s30+$0x30];
	[tilespmem:s31+$0x0] =	vst v6;
	v1 =	vadd.f32 v3, v1  }
0x65a: {  	p0 =	slt.u32 s0, $0x3F8;
	v3 =	vld [tilespmem:s30+$0xFFFFFFC0]  }
0x65b: {  	v6 =	vld [tilespmem:s2+$0xFFFFFFD0];
	[tilespmem:s31+$0x10] =	vst v1;
	v1 =	vadd.f32 v5, v2  }
0x65c: {  	v2 =	vld [tilespmem:s30+$0xFFFFFFD0];
	v9 =	vadd.f32 v0, v4  }
0x65d: {  	v4 =	vld [tilespmem:s2+$0xFFFFFFE0];
	[tilespmem:s31+$0x20] =	vst v1  }
0x65e: {  	v1 =	vld [tilespmem:s30+$0xFFFFFFE0];
	v5 =	vadd.f32 v8, v7;
	[tilespmem:s31+$0xFFFFFFC0] =	vst v9  }
0x65f: {  	s31 =	sadd.s32 $0x80, s31;
	v7 =	vld [tilespmem:s2+$0xFFFFFFF0];
	v0 =	vmov v3  }
0x660: {  	v8 =	vld [tilespmem:s30+$0xFFFFFFF0];
	[tilespmem:s31+$0x30] =	vst v5  }
0x661: {  	v2 =	vadd.f32 v2, v6;
	v6 =	vld [tilespmem:s2+$0x0]  }
0x662: {  	v9 =	vld [tilespmem:s30+$0x0]  }
.Ltmp31:
0x663: {  	[tilespmem:s31+$0xFFFFFFD0] =	vst v2;
	v2 =	vadd.f32 v1, v4;
	v1 =	vld [tilespmem:s2+$0x10];
	(pc) =	sbr.rel @p0 .LBB2_64-.Ltmp31, $4  }
0x664: {  	v3 =	vld [tilespmem:s30+$0x10]  }
0x665: {  	[tilespmem:s31+$0xFFFFFFE0] =	vst v2;
	v7 =	vadd.f32 v8, v7;
	v2 =	vld [tilespmem:s2+$0x20]  }
0x666: {  	v5 =	vld [tilespmem:s30+$0x20]  }
0x667: {  	v4 =	vld [tilespmem:s2+$0xFFFFFFC0];
	[tilespmem:s31+$0xFFFFFFF0] =	vst v7;
	v6 =	vadd.f32 v9, v6;
	s2 =	sadd.s32 $0x80, s2  }
0x668: {  	_ =	sdelay $0x1  }
0x669: {  	v1 =	vadd.f32 v3, v1  }
0x66a: {  	[tilespmem:s31+$0x0] =	vst v6;
	v2 =	vadd.f32 v5, v2  }
0x66b: {  	[tilespmem:s31+$0x10] =	vst v1;
	v0 =	vadd.f32 v0, v4  }
0x66c: {  	[tilespmem:s31+$0x20] =	vst v2  }
0x66d: {  	s29 =	sadd.s32 $0x1, s29;
	[tilespmem:s31+$0xFFFFFFC0] =	vst v0  }
0x66e: {  	[hbm4b:s13+s1] =	stream.linear.scatter [tilespmem:s23], [sflag:$0x5], $0x4000, $0x38;
	[tilespmem:$0x1C000] =	vst v63  }
0x66f: {  	p0 =	sne.s32 s29, s14;
	_ =	swait.ge [sflag:s25], $0x4000  }
.Ltmp32:
0x670: {  	[sflag:s25] =	ssyncset.done $0x0;
	(pc) =	sbr.rel @p0 .LBB2_1-.Ltmp32, $4  }
0x671: {  	[sflag:s25] =	ssyncadd.s32 $0xFFFFC000  }
0x672: {  	_ =	swait.ge [sflag:s26], $0x4000  }
0x673: {  	[sflag:s26] =	ssyncset.done $0x0  }
0x674: {  	[sflag:s26] =	ssyncadd.s32 $0xFFFFC000  }
0x675: {  	_ =	sfence.sel $0x180000  }
0x676: {  	[bflag:$0x0] =	sbarrier.arrive $0xFFFF  }
0x677: {  	_ =	strace $0x9000004A  }
0x678: {  	s0 =	stileid.u32;
	[bflag:$0x2] =	sbarrier.arrive $0xFFFF  }
0x679: {  	p0 =	sne.s32 s0, $0x0;
	s0 =	rddreg [dreg:$0x2]  }
0x67a: {  	s0 =	sadd.s32 @!p0 $0x100000, s0  }
0x67b: {  	[sflag:s0] =	ssyncadd.tile.s32 @!p0 $0x1;
	_ =	shalt  }
.Lfunc_end2:
_tile_overlayer_lowered:
.L_overlay_start_2:
0x67c: {  	(tag) =	ssettag $0x2  }
0x67d: {  	s0 =	rddreg [dreg:$0x0];
	s2 =	stileid.u32  }
0x67e: {  	s1 =	rddreg [dreg:$0x1];
	p0 =	sne.s32 s2, $0x0  }
0x67f: {  	s3 =	rddreg [dreg:$0x2];
	[bflag:$0x3] =	sbarrier.arrive $0xFFFF;
	s2 =	simm.s32 @!p0 $0x1C08  }
0x680: {  	[timem:s3], [sflag:s2] =	dma.local @!p0 [hbm:s0], s1  }
0x681: {  	s0 =	simm.s32 @!p0 $0x8  }
0x682: {  	_ =	swait.ge @!p0 [sflag:s0], s1  }
0x683: {  	s1 =	ssub.s32 @!p0 $0x0, s1;
	[sflag:s0] =	ssyncset.done @!p0 $0x0  }
0x684: {  	[sflag:s0] =	ssyncadd.s32 @!p0 s1  }
0x685: {  	[bflag:$0x3] =	sbarrier.arrive $0xFFFF  }
0x686: {  	_ =	shalt  }

// kernel: sparse-core-data-format-call.cloned.1.call-start
scs
called_computation_lowered:
.L_overlay_start_0:
0x0: {  	s2 =	sld [smem:$0x3FD9]  }
0x1: {  	s3 =	sld [smem:$0x3FFE];
	_ =	sdelay $0x1  }
0x2: {  	s1 =	srdreg.scid  }
0x3: {  	s0 =	sand.u32 $0x1, s1  }
0x4: {  	s19 =	sshll.u32 s0, $0xA;
	s2 =	sadd.s32 s3, s2  }
0x5: {  	s2 =	sadd.s32 s2, s19  }
0x6: {  	[smem:$0x3FC6] =	sst s2  }
0x7: {  	_ = 	snop  }
0x8: {  	s2 =	sld [smem:$0x3FC9]  }
0x9: {  	s20 =	sld [smem:$0x3FD0];
	(tm) =	ssettm $0x1  }
0xa: {  	s4 =	sld [smem:$0x3FFB];
	_ =	sdelay $0x3  }
0xb: {  	_ =	strace s4  }
0xc: {  	s4 =	sld [smem:$0x3FFC];
	_ =	sdelay $0x3  }
0xd: {  	_ =	strace s4  }
0xe: {  	s4 =	sld [smem:$0x3FFD];
	_ =	sdelay $0x3  }
0xf: {  	_ =	strace s4  }
0x10: {  	_ =	strace $0x8FFFFFFF  }
0x11: {  	s21 =	sld [smem:$0x3FDB];
	_ =	sdelay $0x1  }
0x12: {  	s5 =	simm.s32 $_scs_section_size  }
0x13: {  	s6 =	simm.s32 $_size__tile_overlayer_lowered;
	s7 =	simm.s32 $_tile_overlayer_lowered  }
0x14: {  	s24 =	simm.s32 $0x1BFF;
	s23 =	sshll.u32 s7, $0x1;
	s4 =	sadd.s32 s5, s21  }
0x15: {  	s8 =	simm.s32 $0x0;
	s22 =	sshll.u32 s6, $0x1;
	s6 =	sadd.s32 s23, s4  }
0x16: {  	[timem:s8], [sflag:s24] =	dma.local [hbm:s6], s22  }
0x17: {  	_ =	swait.ge [sflag:s24], s22  }
0x18: {  	s5 =	ssub.s32 $0x0, s22;
	[sflag:s24] =	ssyncset.done $0x0  }
0x19: {  	[sflag:s24] =	ssyncadd.s32 s5;
	_ =	sdelay $0x1  }
0x1a: {  	s25 =	simm.s32 $0x1B8B  }
0x1b: {  	_ =	swait.ge [sflag:s25], $0x1  }
0x1c: {  	[sflag:s25] =	ssyncset.done $0x0  }
0x1d: {  	s26 =	simm.s32 $0x1B8E;
	[sflag:s25] =	ssyncadd.s32 $0xFFFFFFFF  }
0x1e: {  	s27 =	simm.s32 $execute0_lowered;
	[smem:$0x3FD2] =	sst s26  }
0x1f: {  	s5 =	sshll.u32 s27, $0x1;
	_ =	strace $0x80000046;
	[dreg:$0x1] =	wrdreg $0xFFFFFFFF  }
0x20: {  	s28 =	simm.s32 $_size_execute0_lowered;
	s4 =	sadd.s32 s4, s5;
	[dreg:$0x0] =	wrdreg $0x0  }
0x21: {  	s5 =	sshll.u32 s28, $0x1;
	[dreg:$0x2] =	wrdreg s4  }
0x22: {  	[dreg:$0x3] =	wrdreg s5  }
0x23: {  	[dreg:$0x4] =	wrdreg $0xC0  }
0x24: {  	_ =	task [dreg:s8], $0x5FFFF  }
0x25: {  	[dreg:$0x1] =	wrdreg $0xFFFFFFFF  }
0x26: {  	[dreg:$0x0] =	wrdreg $0x60  }
0x27: {  	[dreg:$0x2] =	wrdreg s2  }
0x28: {  	[dreg:$0x3] =	wrdreg s20  }
0x29: {  	[dreg:$0x4] =	wrdreg $0x9  }
0x2a: {  	_ =	task.clear_ibuf [dreg:s8], $0x5FFFF;
	_ =	strace $0x90000046  }
0x2b: {  	s29 =	simm.s32 $0x9;
	_ =	strace $0x80000048  }
0x2c: {  	_ =	swait.ge [sflag:s29], $0x1  }
0x2d: {  	[sflag:s29] =	ssyncadd.s32 $0xFFFFFFFF  }
0x2e: {  	_ =	strace $0x90000048  }
0x2f: {  	_ =	sfence  }
0x30: {  	s30 =	sld [smem:$0x0];
	_ =	sdelay $0x2  }
0x31: {  	s31 =	sshll.u32 s1, $0xD;
	s1 =	sshrl.u32 s1, $0x2  }
0x32: {  	s3 =	sand.u32 $0x4000, s31;
	s1 =	sadd.s32 s1, s30  }
0x33: {  	s0 =	sor.u32 s3, s0;
	s1 =	sshll.u32 s1, $0x11  }
0x34: {  	s0 =	sor.u32 s1, s0  }
0x35: {  	s0 =	sadd.s32 $0x8F2B, s0  }
0x36: {  	[sflag:s0] =	ssyncadd.remote.s32 $0x1  }
0x37: {  	_ =	sfence.sel $0xFFFF  }
0x38: {  	[dreg:$0x0] =	wrdreg $0xFFFFFFFF;
	(pc) =	sbr.abs _section_cstart, $3  }
0x39: {  	[dreg:$0x1] =	wrdreg $0xFFFFFFFF  }
0x3a: {  	_ =	task.clear_ibuf [dreg:s8], $0x2FFFF;
	_ =	strace $0x9FFFFFFF  }
0x3b: {  	(tm) =	ssettm $0x7FFFFFFF  }
tec
execute0_lowered:
.L_overlay_start_1:
0x0: {  	(tag) =	ssettag $0x1  }
0x1: {  	s0 =	srdreg.scid  }
0x2: {  	s1 =	sshll.u32 s0, $0x4  }
0x3: {  	s2 =	rddreg [dreg:$0x0];
	s0 =	stileid.u32;
	s1 =	sand.u32 $0x10, s1  }
0x4: {  	s4 =	rddreg [dreg:$0x1];
	s1 =	sor.u32 s0, s1  }
0x5: {  	s7 =	simm.s32 $0x1;
	s8 =	simm.s32 $0x2;
	s3 =	sshll.u32 s1, $0x1  }
0x6: {  	s9 =	simm.s32 $0x0;
	s12 =	simm.s32 $0x0;
	s6 =	ssub.s32 $0x800, s3  }
.Ltmp0:
0x7: {  	s11 =	simm.s32 $0x0;
	s5 =	sand.u32 $0x3E, s6;
	(pc) =	sbr.rel .LBB1_1-.Ltmp0, $4  }
0x8: {  	s1 =	rddreg [dreg:$0x2];
	_ =	strace $0x80000047;
	p0 =	sne.s32 s5, $0x0  }
0x9: {  	s6 =	sshrl.u32 s6, $0x6;
	s5 =	simm.s32 $0x1;
	s7 =	simm.s32 @!p0 $0x0  }
0xa: {  	s10 =	smov.u32 s3;
	[sflag:s5] =	ssyncpa.u1 $0x0;
	s6 =	sadd.s32 s7, s6  }
0xb: {  	[sflag:s8] =	ssyncpa.u1 $0x0;
	s8 =	simm.s32 $0x0;
	s7 =	sadd.s32 $0x1, s6  }
.LBB1_9:
0xc: {  	s14 =	sadd.s32 $0x40, s10  }
0xd: {  	p1 =	sgt.s32 s14, $0x7FF  }
0xe: {  	s14 =	smov.u32 @p1 s3;
	p1 =	sne.s32 s11, s7  }
.Ltmp1:
0xf: {  	p0 =	slt.u32 s11, $0x2;
	(pc) =	sbr.rel @!p1 .LBB1_10-.Ltmp1, $4  }
0x10: {  	s13 =	simm.s32 @!p0 $0x2  }
0x11: {  	s15 =	sadd.s32 $0x1, s11;
	_ =	swait.ge @!p0 [sflag:s13], $0x4000  }
0x12: {  	s12 =	smov.u32 s10;
	s9 =	sadd.s32 $0x4000, s9;
	[sflag:s13] =	ssyncset.done @!p0 $0x0  }
0x13: {  	s11 =	smov.u32 s15;
	s10 =	smov.u32 s14;
	[sflag:s13] =	ssyncadd.s32 @!p0 $0xFFFFC000  }
.LBB1_1:
0x14: {  	p0 =	sge.u32 s11, s6  }
0x15: {  	s13 =	sxor.u32 @!p0 $0xFFFFFFFF, s11  }
0x16: {  	s31 =	sadd.s32 $0xFFFFFFFF, s11;
	s14 =	sshll.u32 @!p0 s10, $0xA;
	s13 =	sshll.u32 @!p0 s13, $0xE  }
0x17: {  	s15 =	simm.s32 @!p0 $0x0;
	s14 =	sadd.s32 @!p0 s2, s14;
	s13 =	sand.u32 @!p0 $0x4000, s13  }
0x18: {  	[tilespmem:s13], [sflag:$0x1] =	stream.linear.gather @!p0 [hbm4b:s14+s15], $0x4000, $0x38;
	[tilespmem:$0x10000] =	vst v63  }
0x19: {  	p0 =	sge.u32 s31, s6  }
.Ltmp2:
0x1a: {  	_ = 	snop;
	(pc) =	sbr.rel @p0 .LBB1_9-.Ltmp2, $1  }
0x1b: {  	_ =	sdelay $0x3  }
0x1c: {  	s13 =	sshll.u32 s9, $0x2  }
0x1d: {  	_ =	swait.ge [sflag:s5], $0x4000;
	s14 =	sshll.u32 s11, $0xE;
	s16 =	simm.s32 $0x0  }
0x1e: {  	p1 =	por $0x1, $0x1;
	s13 =	sand.u32 $0x10000, s13;
	[sflag:s5] =	ssyncset.done $0x0  }
0x1f: {  	s14 =	sand.u32 $0x4000, s14;
	s15 =	sshrl.u32 s13, $0x2;
	[sflag:s5] =	ssyncadd.s32 $0xFFFFC000  }
0x20: {  	s13 =	sor.u32 $0x8000, s14;
	s14 =	sadd.s32 $0x8040, s15;
	s15 =	sadd.s32 $0x40, s15  }
.LBB1_3:
0x21: {  	s16 =	sshll.u32 s16, $0x2  }
0x22: {  	p0 =	por p1, p1;
	s17 =	sshra.s32 s16, $0x2  }
0x23: {  	s18 =	simm.s32 $0x0;
	s16 =	sadd.s32 s17, s14;
	s17 =	sadd.s32 s17, s15  }
.LBB1_4:
0x24: {  	v0 =	vmov s17;
	_ =	sdelay $0x3  }
0x25: {  	s20 =	simm.s32 $0x0  }
0x26: {  	v6 =	vld.idx.msk [tilespmem:v0+s20+$0x30 ss:$0x1], $0xffff  }
0x27: {  	v7 =	vld.idx.msk [tilespmem:v0+s20+$0xFFFFFFC0 ss:$0x1], $0xffff  }
0x28: {  	v5 =	vld.idx.msk [tilespmem:v0+s20+$0xFFFFFFD0 ss:$0x1], $0xffff  }
0x29: {  	v4 =	vld.idx.msk [tilespmem:v0+s20+$0xFFFFFFE0 ss:$0x1], $0xffff  }
0x2a: {  	v3 =	vld.idx.msk [tilespmem:v0+s20+$0xFFFFFFF0 ss:$0x1], $0xffff  }
0x2b: {  	v1 =	vld.idx.msk [tilespmem:v0+s20+$0x0 ss:$0x1], $0xffff  }
0x2c: {  	v2 =	vld.idx.msk [tilespmem:v0+s20+$0x10 ss:$0x1], $0xffff;
	[tilespmem:s16+$0x30] =	vst v6  }
0x2d: {  	s19 =	simm.s32 $0x80;
	s21 =	simm.s32 $0x400;
	[tilespmem:s16+$0xFFFFFFC0] =	vst v7;
	v6 =	vld.idx.msk [tilespmem:v0+s20+$0x20 ss:$0x1], $0xffff;
	s20 =	smov.u32 s16  }
.LBB1_5:
0x2e: {  	p1 =	sne.s32 s21, $0xE00;
	v7 =	vld.idx.msk [tilespmem:v0+s19+$0x30 ss:$0x1], $0xffff;
	[tilespmem:s20+$0xFFFFFFD0] =	vst v5  }
0x2f: {  	v8 =	vld.idx.msk [tilespmem:v0+s19+$0xFFFFFFC0 ss:$0x1], $0xffff;
	[tilespmem:s20+$0xFFFFFFE0] =	vst v4  }
0x30: {  	v5 =	vld.idx.msk [tilespmem:v0+s19+$0xFFFFFFD0 ss:$0x1], $0xffff;
	[tilespmem:s20+$0xFFFFFFF0] =	vst v3  }
.Ltmp3:
0x31: {  	v4 =	vld.idx.msk [tilespmem:v0+s19+$0xFFFFFFE0 ss:$0x1], $0xffff;
	[tilespmem:s20+$0x0] =	vst v1;
	(pc) =	sbr.rel @p1 .LBB1_5-.Ltmp3, $4  }
0x32: {  	v3 =	vld.idx.msk [tilespmem:v0+s19+$0xFFFFFFF0 ss:$0x1], $0xffff;
	[tilespmem:s20+$0x10] =	vst v2  }
0x33: {  	v1 =	vld.idx.msk [tilespmem:v0+s19+$0x0 ss:$0x1], $0xffff;
	[tilespmem:s20+$0x20] =	vst v6;
	s20 =	sadd.s32 $0x400, s20  }
0x34: {  	v2 =	vld.idx.msk [tilespmem:v0+s19+$0x10 ss:$0x1], $0xffff;
	[tilespmem:s20+$0x30] =	vst v7  }
0x35: {  	[tilespmem:s20+$0xFFFFFFC0] =	vst v8;
	v6 =	vld.idx.msk [tilespmem:v0+s19+$0x20 ss:$0x1], $0xffff;
	s19 =	sshra.s32 s21, $0x2;
	s21 =	sadd.s32 $0x200, s21  }
0x36: {  	_ =	sdelay $0x2  }
0x37: {  	[tilespmem:s20+$0xFFFFFFD0] =	vst v5  }
0x38: {  	v56 =	vld.idx.msk [tilespmem:v0+s19+$0x30 ss:$0x1], $0xffff;
	[tilespmem:s20+$0xFFFFFFE0] =	vst v4  }
0x39: {  	v57 =	vld.idx.msk [tilespmem:v0+s19+$0xFFFFFFC0 ss:$0x1], $0xffff;
	[tilespmem:s20+$0xFFFFFFF0] =	vst v3  }
0x3a: {  	v58 =	vld.idx.msk [tilespmem:v0+s19+$0xFFFFFFD0 ss:$0x1], $0xffff;
	[tilespmem:s20+$0x0] =	vst v1  }
0x3b: {  	v59 =	vld.idx.msk [tilespmem:v0+s19+$0xFFFFFFE0 ss:$0x1], $0xffff;
	[tilespmem:s20+$0x10] =	vst v2  }
0x3c: {  	v60 =	vld.idx.msk [tilespmem:v0+s19+$0xFFFFFFF0 ss:$0x1], $0xffff;
	s31 =	sadd.s32 $0x400, s20;
	[tilespmem:s20+$0x20] =	vst v6  }
0x3d: {  	v61 =	vld.idx.msk [tilespmem:v0+s19+$0x0 ss:$0x1], $0xffff;
	[tilespmem:s31+$0x30] =	vst v56  }
0x3e: {  	v62 =	vld.idx.msk [tilespmem:v0+s19+$0x10 ss:$0x1], $0xffff;
	s18 =	sadd.s32 $0x1, s18;
	[tilespmem:s31+$0xFFFFFFC0] =	vst v57  }
0x3f: {  	v63 =	vld.idx.msk [tilespmem:v0+s19+$0x20 ss:$0x1], $0xffff;
	p1 =	sne.s32 s18, $0x8;
	[tilespmem:s31+$0xFFFFFFD0] =	vst v58  }
.Ltmp4:
0x40: {  	[tilespmem:s31+$0xFFFFFFE0] =	vst v59;
	(pc) =	sbr.rel @p1 .LBB1_4-.Ltmp4, $4  }
0x41: {  	[tilespmem:s31+$0xFFFFFFF0] =	vst v60  }
0x42: {  	[tilespmem:s31+$0x0] =	vst v61  }
0x43: {  	[tilespmem:s31+$0x10] =	vst v62  }
0x44: {  	s16 =	sadd.s32 $0x80, s16;
	s17 =	sadd.s32 $0x400, s17;
	[tilespmem:s31+$0x20] =	vst v63  }
.Ltmp5:
0x45: {  	(pc) =	sbr.rel @p0 .LBB1_3-.Ltmp5, $2  }
0x46: {  	_ =	sdelay $0x2  }
0x47: {  	s16 =	simm.s32 $0x2000;
	p1 =	por $0x0, $0x0  }
.Ltmp6:
0x48: {  	(pc) =	sbr.rel .LBB1_9-.Ltmp6, $4  }
0x49: {  	_ = 	snop  }
0x4a: {  	s12 =	sshll.u32 s12, $0xA  }
0x4b: {  	s12 =	sadd.s32 s4, s12  }
0x4c: {  	[hbm4b:s12+s8] =	stream.linear.scatter [tilespmem:s13], [sflag:$0x2], $0x4000, $0x38;
	[tilespmem:$0x10000] =	vst v63  }
.LBB1_10:
0x4d: {  	_ =	sfence.sel $0x180000  }
0x4e: {  	s2 =	simm.s32 $0x1;
	[bflag:$0x0] =	sbarrier.arrive $0xFFFF  }
0x4f: {  	s31 =	simm.s32 $0x2;
	[sflag:s2] =	ssyncpa.u1 $0x1  }
0x50: {  	[sflag:s31] =	ssyncpa.u1 $0x1  }
0x51: {  	p0 =	sne.s32 s0, $0x0;
	_ =	strace $0x90000047  }
0x52: {  	s0 =	sadd.s32 @!p0 $0x100000, s1;
	[bflag:$0x2] =	sbarrier.arrive $0xFFFF  }
0x53: {  	[sflag:s0] =	ssyncadd.tile.s32 @!p0 $0x1;
	_ =	shalt  }
.Lfunc_end1:
_tile_overlayer_lowered:
.L_overlay_start_2:
0x54: {  	(tag) =	ssettag $0x2  }
0x55: {  	s0 =	rddreg [dreg:$0x0];
	s2 =	stileid.u32  }
0x56: {  	s1 =	rddreg [dreg:$0x1];
	p0 =	sne.s32 s2, $0x0  }
0x57: {  	s3 =	rddreg [dreg:$0x2];
	[bflag:$0x3] =	sbarrier.arrive $0xFFFF;
	s2 =	simm.s32 @!p0 $0x1C01  }
0x58: {  	[timem:s3], [sflag:s2] =	dma.local @!p0 [hbm:s0], s1  }
0x59: {  	s0 =	simm.s32 @!p0 $0x1  }
0x5a: {  	_ =	swait.ge @!p0 [sflag:s0], s1  }
0x5b: {  	s1 =	ssub.s32 @!p0 $0x0, s1;
	[sflag:s0] =	ssyncset.done @!p0 $0x0  }
0x5c: {  	[sflag:s0] =	ssyncadd.s32 @!p0 s1  }
0x5d: {  	[bflag:$0x3] =	sbarrier.arrive $0xFFFF  }
0x5e: {  	_ =	shalt  }

</sc_bundles>
